<compile_context>
chip_gen: v7x
topology: tpu7x:2x2x1
jax: 0.10.2.dev20260603
libtpu: 0.0.44.dev20260713+nightly
codegen_flags: <defaults>
</compile_context>

<pallas_src>
import jax
import jax.numpy as jnp
from jax import lax
from jax.experimental import pallas as pl
from jax.experimental.pallas import tpu as pltpu
from jax.experimental.pallas import tpu_sc as plsc

B = 16384
L = 200
EMB = 64
HID = 32
HALF_L = L // 2
V = 1000000
PBLK = 8192
NPBLK = (V + PBLK - 1) // PBLK

_info = plsc.get_sparse_core_info()
NC, NS = _info.num_cores, _info.num_subcores
NW = NC * NS
ROWS_W = B // NW
CHUNK = 64
NCHUNK = ROWS_W // CHUNK


def _fold_body(a_ref, w_ref, o_ref):
    o_ref[...] = lax.dot_general(
        a_ref[...], w_ref[...], (((0,), (0,)), ((), ())),
        preferred_element_type=jnp.float32)


def _fold_table(table, W1):
    tT = table.T
    return pl.pallas_call(
        _fold_body,
        grid=(NPBLK,),
        in_specs=[
            pl.BlockSpec((EMB, PBLK), lambda i: (0, i)),
            pl.BlockSpec((EMB, HID), lambda i: (0, 0)),
        ],
        out_specs=pl.BlockSpec((PBLK, HID), lambda i: (i, 0)),
        out_shape=jax.ShapeDtypeStruct((V, HID), jnp.float32),
    )(tT, W1)


def _sc_pool_body(xr_hbm, t1_hbm, psum_hbm, idx_v, rows0, rows1, out_v,
                  sem_a, sem_b, sem_i):
    cc = lax.axis_index("c")
    ss = lax.axis_index("s")
    wid = ss * NC + cc
    rbase = wid * ROWS_W

    def idx_copy(ch, ib):
        return pltpu.make_async_copy(
            xr_hbm.at[pl.ds((rbase + ch * CHUNK) * 2, CHUNK * 2)],
            idx_v.at[ib], sem_i)

    def row_copies(cb, r2, rowbuf, sem):
        c0 = pltpu.make_async_copy(
            t1_hbm.at[idx_v.at[cb, 2 * r2]],
            rowbuf.at[pl.ds(0, HALF_L)], sem)
        c1 = pltpu.make_async_copy(
            t1_hbm.at[idx_v.at[cb, 2 * r2 + 1]],
            rowbuf.at[pl.ds(HALF_L, HALF_L)], sem)
        return c0, c1

    def start_row(cb, r2, rowbuf, sem):
        c0, c1 = row_copies(cb, r2, rowbuf, sem)
        c0.start()
        c1.start()

    def wait_row(cb, r2, rowbuf, sem):
        c0, c1 = row_copies(cb, r2, rowbuf, sem)
        c0.wait()
        c1.wait()

    def reduce_row(rowbuf, r2):
        def red(i, accs):
            res = list(accs)
            for u in range(8):
                r = i * 8 + u
                for c in range(2):
                    res[c] = res[c] + rowbuf[r, pl.ds(c * 16, 16)]
            return tuple(res)

        accs = lax.fori_loop(
            0, L // 8, red,
            tuple(jnp.zeros((16,), jnp.float32) for _ in range(2)))
        for c in range(2):
            out_v[r2, pl.ds(c * 16, 16)] = accs[c]

    idx_copy(0, 0).start()
    idx_copy(0, 0).wait()
    idx_copy(1, 1).start()
    start_row(0, 0, rows0, sem_a)

    for ch in range(NCHUNK):
        cb = ch & 1
        cbase = rbase + ch * CHUNK

        def jbody(j, _):
            start_row(cb, 2 * j + 1, rows1, sem_b)
            wait_row(cb, 2 * j, rows0, sem_a)
            reduce_row(rows0, 2 * j)

            @pl.when(j < CHUNK // 2 - 1)
            def _():
                start_row(cb, 2 * j + 2, rows0, sem_a)

            wait_row(cb, 2 * j + 1, rows1, sem_b)
            reduce_row(rows1, 2 * j + 1)
            return 0

        lax.fori_loop(0, CHUNK // 2, jbody, 0)
        pltpu.sync_copy(out_v, psum_hbm.at[pl.ds(cbase, CHUNK)])
        if ch < NCHUNK - 1:
            idx_copy(ch + 1, 1 - cb).wait()
            if ch < NCHUNK - 2:
                idx_copy(ch + 2, cb).start()
            start_row(1 - cb, 0, rows0, sem_a)


def _sc_pool(xr, t1):
    kern = pl.kernel(
        _sc_pool_body,
        mesh=plsc.VectorSubcoreMesh(core_axis_name="c", subcore_axis_name="s"),
        out_type=jax.ShapeDtypeStruct((B, HID), jnp.float32),
        scratch_types=[
            pltpu.VMEM((2, 2 * CHUNK, HALF_L), jnp.int32),
            pltpu.VMEM((L, HID), jnp.float32),
            pltpu.VMEM((L, HID), jnp.float32),
            pltpu.VMEM((CHUNK, HID), jnp.float32),
            pltpu.SemaphoreType.DMA,
            pltpu.SemaphoreType.DMA,
            pltpu.SemaphoreType.DMA,
        ],
        compiler_params=pltpu.CompilerParams(use_tc_tiling_on_sc=False),
    )
    return kern(xr, t1)


def _tc_mlp_body(p_ref, b1_ref, w2_ref, b2_ref, o_ref):
    h = jnp.maximum(p_ref[...] * (1.0 / L) + b1_ref[...], 0.0)
    o_ref[...] = (
        jnp.dot(h, w2_ref[...], preferred_element_type=jnp.float32)
        + b2_ref[...])


def _tc_mlp(psum, b1, W2, b2):
    blk = 1024
    return pl.pallas_call(
        _tc_mlp_body,
        grid=(B // blk,),
        in_specs=[
            pl.BlockSpec((blk, HID), lambda i: (i, 0)),
            pl.BlockSpec((1, HID), lambda i: (0, 0)),
            pl.BlockSpec((HID, 1), lambda i: (0, 0)),
            pl.BlockSpec((1, 1), lambda i: (0, 0)),
        ],
        out_specs=pl.BlockSpec((blk, 1), lambda i: (i, 0)),
        out_shape=jax.ShapeDtypeStruct((B, 1), jnp.float32),
    )(psum, b1.reshape(1, HID), W2, b2.reshape(1, 1))


def kernel(x, table, W1, b1, W2, b2):
    xr = x.astype(jnp.int32).reshape(B * 2, HALF_L)
    t1 = _fold_table(table, W1)
    psum = _sc_pool(xr, t1)
    return _tc_mlp(psum, b1, W2, b2)

# --- scband reference (transcript-rebuilt; emitter-appended) ---
"""Pipeline reference for scband-simple-mlpwith-embedding-35373350650202 (READ-ONLY COPY).

The authoritative reference and input builder live on the scoring server;
editing this copy changes nothing except your own understanding.
"""

import jax, jax.numpy as jnp
import numpy as np

VOCAB = 1000000
EMB = 64
HID = 32
OUT = 1
B = 16384
L = 200

def setup_inputs(seed: int = 0) -> dict:
    key = jax.random.key(seed)
    k_x, k_emb, k_w1, k_b1, k_w2, k_b2 = jax.random.split(key, 6)
    x = jax.random.randint(k_x, (B, L), 0, VOCAB, dtype=jnp.int64 if jax.config.jax_enable_x64 else jnp.int32)
    table = jax.random.normal(k_emb, (VOCAB, EMB), dtype=jnp.float32)
    # torch Linear default init: U(-1/sqrt(fan_in), 1/sqrt(fan_in))
    lim1 = 1.0 / np.sqrt(EMB)
    W1 = jax.random.uniform(k_w1, (EMB, HID), minval=-lim1, maxval=lim1, dtype=jnp.float32)
    b1 = jax.random.uniform(k_b1, (HID,), minval=-lim1, maxval=lim1, dtype=jnp.float32)
    lim2 = 1.0 / np.sqrt(HID)
    W2 = jax.random.uniform(k_w2, (HID, OUT), minval=-lim2, maxval=lim2, dtype=jnp.float32)
    b2 = jax.random.uniform(k_b2, (OUT,), minval=-lim2, maxval=lim2, dtype=jnp.float32)
    return {"x": x, "table": table, "W1": W1, "b1": b1, "W2": W2, "b2": b2}

def reference(x, table, W1, b1, W2, b2):
    # embedding lookup (gather)
    emb = jnp.take(table, x, axis=0)          # [B, L, EMB]
    pooled = emb.mean(axis=1)                  # [B, EMB]
    h = jnp.maximum(pooled @ W1 + b1, 0.0)     # fc1 + relu
    out = h @ W2 + b2                          # fc2
    return out

if __name__ == "__main__":
    import jax
    _d = setup_inputs()
    print(jax.jit(kernel)(*tuple(_d.values())))

</pallas_src>

<mosaic_0001>
#map = affine_map<(d0, d1) -> (0, 0)>
module attributes {stable_mosaic.version = 14 : i64} {
  func.func @_sc_pool_body(%arg0: i32, %arg1: i32, %arg2: memref<32768x100xi32, #tpu.memory_space<hbm>>, %arg3: memref<1000000x32xf32, #tpu.memory_space<hbm>>, %arg4: memref<16384x32xf32, #tpu.memory_space<hbm>>, %arg5: memref<2x128x100xi32, #tpu.memory_space<vmem>>, %arg6: memref<200x32xf32, #tpu.memory_space<vmem>>, %arg7: memref<200x32xf32, #tpu.memory_space<vmem>>, %arg8: memref<64x32xf32, #tpu.memory_space<vmem>>, %arg9: memref<!tpu.dma_semaphore, #tpu.memory_space<semaphore_mem>>, %arg10: memref<!tpu.dma_semaphore, #tpu.memory_space<semaphore_mem>>, %arg11: memref<!tpu.dma_semaphore, #tpu.memory_space<semaphore_mem>>) attributes {dimension_semantics = [#tpu.dimension_semantics<core_parallel>, #tpu.dimension_semantics<subcore_parallel>], iteration_bounds = array<i64: 2, 16>, scalar_prefetch = 0 : i64, scratch_operands = 7 : i64, tpu.core_type = #tpu.core_type<sc_vector_subcore>, window_params = [{transform_indices = #map}, {transform_indices = #map}, {transform_indices = #map}]} {
    %mul3A = arith.constant 2 : i32
    %mul3A_0 = arith.muli %arg1, %mul3A : i32
    %add3A = arith.addi %mul3A_0, %arg0 : i32
    %mul3A_1 = arith.constant 512 : i32
    %mul3A_2 = arith.muli %add3A, %mul3A_1 : i32
    %add3A_3 = arith.constant 0 : i32
    %add3A_4 = arith.addi %mul3A_2, %add3A_3 : i32
    %mul3A_5 = arith.constant 2 : i32
    %mul3A_6 = arith.muli %add3A_4, %mul3A_5 : i32
    %dma_start3A = arith.constant 0 : i32
    %dma_start3A_7 = arith.constant 0 : i32
    %dma_start3A_8 = arith.constant 0 : i32
    %dma_start3A_9 = tpu.memref_slice %arg5[%dma_start3A, %dma_start3A_7, %dma_start3A_8] : memref<2x128x100xi32, #tpu.memory_space<vmem>> -> memref<1x128x100xi32, #tpu.memory_space<vmem>>
    %dma_start3A_10 = tpu.memref_squeeze %dma_start3A_9 : memref<1x128x100xi32, #tpu.memory_space<vmem>> -> memref<128x100xi32, #tpu.memory_space<vmem>>
    %dma_start3A_11 = arith.constant 0 : i32
    %dma_start3A_12 = tpu.memref_slice %arg2[%mul3A_6, %dma_start3A_11] : memref<32768x100xi32, #tpu.memory_space<hbm>> -> memref<128x100xi32, #tpu.memory_space<hbm>>
    %dma_start3A_13 = arith.constant 0 : i32
    %dma_start3A_14 = arith.constant 0 : i32
    %dma_start3A_15 = tpu.memref_slice %arg5[%dma_start3A, %dma_start3A_13, %dma_start3A_14] : memref<2x128x100xi32, #tpu.memory_space<vmem>> -> memref<1x128x100xi32, #tpu.memory_space<vmem>>
    %dma_start3A_16 = tpu.memref_squeeze %dma_start3A_15 : memref<1x128x100xi32, #tpu.memory_space<vmem>> -> memref<128x100xi32, #tpu.memory_space<vmem>>
    %dma_start3A_17 = arith.constant 0 : i32
    %dma_start3A_18 = tpu.memref_slice %arg2[%mul3A_6, %dma_start3A_17] : memref<32768x100xi32, #tpu.memory_space<hbm>> -> memref<128x100xi32, #tpu.memory_space<hbm>>
    tpu.enqueue_dma source(%dma_start3A_18 : memref<128x100xi32, #tpu.memory_space<hbm>>) target(%dma_start3A_16 : memref<128x100xi32, #tpu.memory_space<vmem>>) target_semaphore(%arg11 : memref<!tpu.dma_semaphore, #tpu.memory_space<semaphore_mem>>)
    %add3A_19 = arith.constant 0 : i32
    %add3A_20 = arith.addi %mul3A_2, %add3A_19 : i32
    %mul3A_21 = arith.constant 2 : i32
    %mul3A_22 = arith.muli %add3A_20, %mul3A_21 : i32
    %dma_wait3A = arith.constant 0 : i32
    %dma_wait3A_23 = arith.constant 0 : i32
    %dma_wait3A_24 = arith.constant 0 : i32
    %dma_wait3A_25 = tpu.memref_slice %arg5[%dma_wait3A, %dma_wait3A_23, %dma_wait3A_24] : memref<2x128x100xi32, #tpu.memory_space<vmem>> -> memref<1x128x100xi32, #tpu.memory_space<vmem>>
    %dma_wait3A_26 = tpu.memref_squeeze %dma_wait3A_25 : memref<1x128x100xi32, #tpu.memory_space<vmem>> -> memref<128x100xi32, #tpu.memory_space<vmem>>
    %dma_wait3A_27 = arith.constant 0 : i32
    %dma_wait3A_28 = tpu.memref_slice %arg2[%mul3A_22, %dma_wait3A_27] : memref<32768x100xi32, #tpu.memory_space<hbm>> -> memref<128x100xi32, #tpu.memory_space<hbm>>
    %dma_wait3A_29 = arith.constant 0 : i32
    %dma_wait3A_30 = arith.constant 0 : i32
    %dma_wait3A_31 = tpu.memref_slice %arg5[%dma_wait3A, %dma_wait3A_29, %dma_wait3A_30] : memref<2x128x100xi32, #tpu.memory_space<vmem>> -> memref<1x128x100xi32, #tpu.memory_space<vmem>>
    %dma_wait3A_32 = tpu.memref_squeeze %dma_wait3A_31 : memref<1x128x100xi32, #tpu.memory_space<vmem>> -> memref<128x100xi32, #tpu.memory_space<vmem>>
    %dma_wait3A_33 = arith.constant 0 : i32
    %dma_wait3A_34 = tpu.memref_slice %arg2[%mul3A_22, %dma_wait3A_33] : memref<32768x100xi32, #tpu.memory_space<hbm>> -> memref<128x100xi32, #tpu.memory_space<hbm>>
    tpu.wait_dma2 semaphore(%arg11 : memref<!tpu.dma_semaphore, #tpu.memory_space<semaphore_mem>>) src(%dma_wait3A_34 : memref<128x100xi32, #tpu.memory_space<hbm>>) dst(%dma_wait3A_32 : memref<128x100xi32, #tpu.memory_space<vmem>>)
    %add3A_35 = arith.constant 64 : i32
    %add3A_36 = arith.addi %mul3A_2, %add3A_35 : i32
    %mul3A_37 = arith.constant 2 : i32
    %mul3A_38 = arith.muli %add3A_36, %mul3A_37 : i32
    %dma_start3A_39 = arith.constant 1 : i32
    %dma_start3A_40 = arith.constant 0 : i32
    %dma_start3A_41 = arith.constant 0 : i32
    %dma_start3A_42 = tpu.memref_slice %arg5[%dma_start3A_39, %dma_start3A_40, %dma_start3A_41] : memref<2x128x100xi32, #tpu.memory_space<vmem>> -> memref<1x128x100xi32, #tpu.memory_space<vmem>>
    %dma_start3A_43 = tpu.memref_squeeze %dma_start3A_42 : memref<1x128x100xi32, #tpu.memory_space<vmem>> -> memref<128x100xi32, #tpu.memory_space<vmem>>
    %dma_start3A_44 = arith.constant 0 : i32
    %dma_start3A_45 = tpu.memref_slice %arg2[%mul3A_38, %dma_start3A_44] : memref<32768x100xi32, #tpu.memory_space<hbm>> -> memref<128x100xi32, #tpu.memory_space<hbm>>
    %dma_start3A_46 = arith.constant 0 : i32
    %dma_start3A_47 = arith.constant 0 : i32
    %dma_start3A_48 = tpu.memref_slice %arg5[%dma_start3A_39, %dma_start3A_46, %dma_start3A_47] : memref<2x128x100xi32, #tpu.memory_space<vmem>> -> memref<1x128x100xi32, #tpu.memory_space<vmem>>
    %dma_start3A_49 = tpu.memref_squeeze %dma_start3A_48 : memref<1x128x100xi32, #tpu.memory_space<vmem>> -> memref<128x100xi32, #tpu.memory_space<vmem>>
    %dma_start3A_50 = arith.constant 0 : i32
    %dma_start3A_51 = tpu.memref_slice %arg2[%mul3A_38, %dma_start3A_50] : memref<32768x100xi32, #tpu.memory_space<hbm>> -> memref<128x100xi32, #tpu.memory_space<hbm>>
    tpu.enqueue_dma source(%dma_start3A_51 : memref<128x100xi32, #tpu.memory_space<hbm>>) target(%dma_start3A_49 : memref<128x100xi32, #tpu.memory_space<vmem>>) target_semaphore(%arg11 : memref<!tpu.dma_semaphore, #tpu.memory_space<semaphore_mem>>)
    %dma_start3A_52 = arith.constant 0 : i32
    %dma_start3A_53 = arith.constant 0 : i32
    %dma_start3A_54 = arith.constant 0 : i32
    %dma_start3A_55 = arith.constant 0 : i32
    %dma_start3A_56 = tpu.memref_slice %arg6[%dma_start3A_54, %dma_start3A_55] : memref<200x32xf32, #tpu.memory_space<vmem>> -> memref<100x32xf32, #tpu.memory_space<vmem>>
    %dma_start3A_57 = arith.constant 0 : i32
    %dma_start3A_58 = tpu.memref_slice %arg5[%dma_start3A_52, %dma_start3A_53, %dma_start3A_57] : memref<2x128x100xi32, #tpu.memory_space<vmem>> -> memref<1x1x100xi32, #tpu.memory_space<vmem>>
    %dma_start3A_59 = tpu.memref_squeeze %dma_start3A_58 : memref<1x1x100xi32, #tpu.memory_space<vmem>> -> memref<100xi32, #tpu.memory_space<vmem>>
    %dma_start3A_60 = arith.constant 0 : i32
    %dma_start3A_61 = arith.constant 0 : i32
    %dma_start3A_62 = tpu.memref_slice %arg3[%dma_start3A_60, %dma_start3A_61] : memref<1000000x32xf32, #tpu.memory_space<hbm>> -> memref<1000000x32xf32, #tpu.memory_space<hbm>>
    tpu.enqueue_indirect_dma source(%dma_start3A_62 : memref<1000000x32xf32, #tpu.memory_space<hbm>>) target(%dma_start3A_56 : memref<100x32xf32, #tpu.memory_space<vmem>>) offsets(%dma_start3A_59 : memref<100xi32, #tpu.memory_space<vmem>>) semaphore(%arg9 : memref<!tpu.dma_semaphore, #tpu.memory_space<semaphore_mem>>)
    %dma_start3A_63 = arith.constant 0 : i32
    %dma_start3A_64 = arith.constant 1 : i32
    %dma_start3A_65 = arith.constant 100 : i32
    %dma_start3A_66 = arith.constant 0 : i32
    %dma_start3A_67 = tpu.memref_slice %arg6[%dma_start3A_65, %dma_start3A_66] : memref<200x32xf32, #tpu.memory_space<vmem>> -> memref<100x32xf32, #tpu.memory_space<vmem>>
    %dma_start3A_68 = arith.constant 0 : i32
    %dma_start3A_69 = tpu.memref_slice %arg5[%dma_start3A_63, %dma_start3A_64, %dma_start3A_68] : memref<2x128x100xi32, #tpu.memory_space<vmem>> -> memref<1x1x100xi32, #tpu.memory_space<vmem>>
    %dma_start3A_70 = tpu.memref_squeeze %dma_start3A_69 : memref<1x1x100xi32, #tpu.memory_space<vmem>> -> memref<100xi32, #tpu.memory_space<vmem>>
    %dma_start3A_71 = arith.constant 0 : i32
    %dma_start3A_72 = arith.constant 0 : i32
    %dma_start3A_73 = tpu.memref_slice %arg3[%dma_start3A_71, %dma_start3A_72] : memref<1000000x32xf32, #tpu.memory_space<hbm>> -> memref<1000000x32xf32, #tpu.memory_space<hbm>>
    tpu.enqueue_indirect_dma source(%dma_start3A_73 : memref<1000000x32xf32, #tpu.memory_space<hbm>>) target(%dma_start3A_67 : memref<100x32xf32, #tpu.memory_space<vmem>>) offsets(%dma_start3A_70 : memref<100xi32, #tpu.memory_space<vmem>>) semaphore(%arg9 : memref<!tpu.dma_semaphore, #tpu.memory_space<semaphore_mem>>)
    %add3A_74 = arith.constant 0 : i32
    %add3A_75 = arith.addi %mul3A_2, %add3A_74 : i32
    %scan3A = arith.constant 0 : i32
    %scan3A_76 = arith.constant 0 : i32
    %scan3A_77 = arith.constant 32 : i32
    %scan3A_78 = arith.addi %scan3A_76, %scan3A_77 : i32
    %scan3A_79 = arith.constant 1 : i32
    %scan3A_80 = scf.for %scan3A_520 = %scan3A_76 to %scan3A_78 step %scan3A_79 iter_args(%scan3A_521 = %scan3A) -> (i32)  : i32 {
      %mul3A_522 = arith.constant 2 : i32
      %mul3A_523 = arith.muli %mul3A_522, %scan3A_520 : i32
      %add3A_524 = arith.constant 1 : i32
      %add3A_525 = arith.addi %mul3A_523, %add3A_524 : i32
      %mul3A_526 = arith.constant 2 : i32
      %mul3A_527 = arith.muli %mul3A_526, %add3A_525 : i32
      %mul3A_528 = arith.constant 2 : i32
      %mul3A_529 = arith.muli %mul3A_528, %add3A_525 : i32
      %add3A_530 = arith.constant 1 : i32
      %add3A_531 = arith.addi %mul3A_529, %add3A_530 : i32
      %dma_start3A_532 = arith.constant 0 : i32
      %dma_start3A_533 = arith.constant 0 : i32
      %dma_start3A_534 = arith.constant 0 : i32
      %dma_start3A_535 = tpu.memref_slice %arg7[%dma_start3A_533, %dma_start3A_534] : memref<200x32xf32, #tpu.memory_space<vmem>> -> memref<100x32xf32, #tpu.memory_space<vmem>>
      %dma_start3A_536 = arith.constant 0 : i32
      %dma_start3A_537 = tpu.memref_slice %arg5[%dma_start3A_532, %mul3A_527, %dma_start3A_536] : memref<2x128x100xi32, #tpu.memory_space<vmem>> -> memref<1x1x100xi32, #tpu.memory_space<vmem>>
      %dma_start3A_538 = tpu.memref_squeeze %dma_start3A_537 : memref<1x1x100xi32, #tpu.memory_space<vmem>> -> memref<100xi32, #tpu.memory_space<vmem>>
      %dma_start3A_539 = arith.constant 0 : i32
      %dma_start3A_540 = arith.constant 0 : i32
      %dma_start3A_541 = tpu.memref_slice %arg3[%dma_start3A_539, %dma_start3A_540] : memref<1000000x32xf32, #tpu.memory_space<hbm>> -> memref<1000000x32xf32, #tpu.memory_space<hbm>>
      tpu.enqueue_indirect_dma source(%dma_start3A_541 : memref<1000000x32xf32, #tpu.memory_space<hbm>>) target(%dma_start3A_535 : memref<100x32xf32, #tpu.memory_space<vmem>>) offsets(%dma_start3A_538 : memref<100xi32, #tpu.memory_space<vmem>>) semaphore(%arg10 : memref<!tpu.dma_semaphore, #tpu.memory_space<semaphore_mem>>)
      %dma_start3A_542 = arith.constant 0 : i32
      %dma_start3A_543 = arith.constant 100 : i32
      %dma_start3A_544 = arith.constant 0 : i32
      %dma_start3A_545 = tpu.memref_slice %arg7[%dma_start3A_543, %dma_start3A_544] : memref<200x32xf32, #tpu.memory_space<vmem>> -> memref<100x32xf32, #tpu.memory_space<vmem>>
      %dma_start3A_546 = arith.constant 0 : i32
      %dma_start3A_547 = tpu.memref_slice %arg5[%dma_start3A_542, %add3A_531, %dma_start3A_546] : memref<2x128x100xi32, #tpu.memory_space<vmem>> -> memref<1x1x100xi32, #tpu.memory_space<vmem>>
      %dma_start3A_548 = tpu.memref_squeeze %dma_start3A_547 : memref<1x1x100xi32, #tpu.memory_space<vmem>> -> memref<100xi32, #tpu.memory_space<vmem>>
      %dma_start3A_549 = arith.constant 0 : i32
      %dma_start3A_550 = arith.constant 0 : i32
      %dma_start3A_551 = tpu.memref_slice %arg3[%dma_start3A_549, %dma_start3A_550] : memref<1000000x32xf32, #tpu.memory_space<hbm>> -> memref<1000000x32xf32, #tpu.memory_space<hbm>>
      tpu.enqueue_indirect_dma source(%dma_start3A_551 : memref<1000000x32xf32, #tpu.memory_space<hbm>>) target(%dma_start3A_545 : memref<100x32xf32, #tpu.memory_space<vmem>>) offsets(%dma_start3A_548 : memref<100xi32, #tpu.memory_space<vmem>>) semaphore(%arg10 : memref<!tpu.dma_semaphore, #tpu.memory_space<semaphore_mem>>)
      %mul3A_552 = arith.constant 2 : i32
      %mul3A_553 = arith.muli %mul3A_552, %scan3A_520 : i32
      %mul3A_554 = arith.constant 2 : i32
      %mul3A_555 = arith.muli %mul3A_554, %mul3A_553 : i32
      %mul3A_556 = arith.constant 2 : i32
      %mul3A_557 = arith.muli %mul3A_556, %mul3A_553 : i32
      %add3A_558 = arith.constant 1 : i32
      %add3A_559 = arith.addi %mul3A_557, %add3A_558 : i32
      %dma_wait3A_560 = arith.constant 0 : i32
      %dma_wait3A_561 = arith.constant 0 : i32
      %dma_wait3A_562 = arith.constant 0 : i32
      %dma_wait3A_563 = tpu.memref_slice %arg6[%dma_wait3A_561, %dma_wait3A_562] : memref<200x32xf32, #tpu.memory_space<vmem>> -> memref<100x32xf32, #tpu.memory_space<vmem>>
      %dma_wait3A_564 = arith.constant 0 : i32
      %dma_wait3A_565 = tpu.memref_slice %arg5[%dma_wait3A_560, %mul3A_555, %dma_wait3A_564] : memref<2x128x100xi32, #tpu.memory_space<vmem>> -> memref<1x1x100xi32, #tpu.memory_space<vmem>>
      %dma_wait3A_566 = tpu.memref_squeeze %dma_wait3A_565 : memref<1x1x100xi32, #tpu.memory_space<vmem>> -> memref<100xi32, #tpu.memory_space<vmem>>
      %dma_wait3A_567 = arith.constant 0 : i32
      %dma_wait3A_568 = arith.constant 0 : i32
      %dma_wait3A_569 = tpu.memref_slice %arg3[%dma_wait3A_567, %dma_wait3A_568] : memref<1000000x32xf32, #tpu.memory_space<hbm>> -> memref<1000000x32xf32, #tpu.memory_space<hbm>>
      tpu.wait_indirect_dma semaphore(%arg9 : memref<!tpu.dma_semaphore, #tpu.memory_space<semaphore_mem>>) src(%dma_wait3A_569 : memref<1000000x32xf32, #tpu.memory_space<hbm>>) dst(%dma_wait3A_563 : memref<100x32xf32, #tpu.memory_space<vmem>>)
      %dma_wait3A_570 = arith.constant 0 : i32
      %dma_wait3A_571 = arith.constant 100 : i32
      %dma_wait3A_572 = arith.constant 0 : i32
      %dma_wait3A_573 = tpu.memref_slice %arg6[%dma_wait3A_571, %dma_wait3A_572] : memref<200x32xf32, #tpu.memory_space<vmem>> -> memref<100x32xf32, #tpu.memory_space<vmem>>
      %dma_wait3A_574 = arith.constant 0 : i32
      %dma_wait3A_575 = tpu.memref_slice %arg5[%dma_wait3A_570, %add3A_559, %dma_wait3A_574] : memref<2x128x100xi32, #tpu.memory_space<vmem>> -> memref<1x1x100xi32, #tpu.memory_space<vmem>>
      %dma_wait3A_576 = tpu.memref_squeeze %dma_wait3A_575 : memref<1x1x100xi32, #tpu.memory_space<vmem>> -> memref<100xi32, #tpu.memory_space<vmem>>
      %dma_wait3A_577 = arith.constant 0 : i32
      %dma_wait3A_578 = arith.constant 0 : i32
      %dma_wait3A_579 = tpu.memref_slice %arg3[%dma_wait3A_577, %dma_wait3A_578] : memref<1000000x32xf32, #tpu.memory_space<hbm>> -> memref<1000000x32xf32, #tpu.memory_space<hbm>>
      tpu.wait_indirect_dma semaphore(%arg9 : memref<!tpu.dma_semaphore, #tpu.memory_space<semaphore_mem>>) src(%dma_wait3A_579 : memref<1000000x32xf32, #tpu.memory_space<hbm>>) dst(%dma_wait3A_573 : memref<100x32xf32, #tpu.memory_space<vmem>>)
      %mul3A_580 = arith.constant 2 : i32
      %mul3A_581 = arith.muli %mul3A_580, %scan3A_520 : i32
      %broadcast_in_dim3A = arith.constant 0.000000e+00 : f32
      %broadcast_in_dim3A_582 = vector.broadcast %broadcast_in_dim3A : f32 to vector<16xf32>
      %broadcast_in_dim3A_583 = arith.constant 0.000000e+00 : f32
      %broadcast_in_dim3A_584 = vector.broadcast %broadcast_in_dim3A_583 : f32 to vector<16xf32>
      %scan3A_585 = arith.constant 0 : i32
      %scan3A_586 = arith.constant 25 : i32
      %scan3A_587 = arith.addi %scan3A_585, %scan3A_586 : i32
      %scan3A_588 = arith.constant 1 : i32
      %scan3A_589:2 = scf.for %scan3A_657 = %scan3A_585 to %scan3A_587 step %scan3A_588 iter_args(%scan3A_658 = %broadcast_in_dim3A_582, %scan3A_659 = %broadcast_in_dim3A_584) -> (vector<16xf32>, vector<16xf32>)  : i32 {
        %mul3A_660 = arith.constant 8 : i32
        %mul3A_661 = arith.muli %scan3A_657, %mul3A_660 : i32
        %add3A_662 = arith.constant 0 : i32
        %add3A_663 = arith.addi %mul3A_661, %add3A_662 : i32
        %get3A = arith.index_cast %add3A_663 : i32 to index
        %get3A_664 = arith.constant 0 : index
        %get3A_665 = tpu.vector_load %arg6[%get3A, %get3A_664] {strides = array<i32>} : memref<200x32xf32, #tpu.memory_space<vmem>>, vector<1x16xf32>,
        %get3A_666 = vector.shape_cast %get3A_665 : vector<1x16xf32> to vector<16xf32>
        %add3A_667 = arith.addf %scan3A_658, %get3A_666 : vector<16xf32>
        %get3A_668 = arith.index_cast %add3A_663 : i32 to index
        %get3A_669 = arith.constant 16 : index
        %get3A_670 = tpu.vector_load %arg6[%get3A_668, %get3A_669] {strides = array<i32>} : memref<200x32xf32, #tpu.memory_space<vmem>>, vector<1x16xf32>,
        %get3A_671 = vector.shape_cast %get3A_670 : vector<1x16xf32> to vector<16xf32>
        %add3A_672 = arith.addf %scan3A_659, %get3A_671 : vector<16xf32>
        %mul3A_673 = arith.constant 8 : i32
        %mul3A_674 = arith.muli %scan3A_657, %mul3A_673 : i32
        %add3A_675 = arith.constant 1 : i32
        %add3A_676 = arith.addi %mul3A_674, %add3A_675 : i32
        %get3A_677 = arith.index_cast %add3A_676 : i32 to index
        %get3A_678 = arith.constant 0 : index
        %get3A_679 = tpu.vector_load %arg6[%get3A_677, %get3A_678] {strides = array<i32>} : memref<200x32xf32, #tpu.memory_space<vmem>>, vector<1x16xf32>,
        %get3A_680 = vector.shape_cast %get3A_679 : vector<1x16xf32> to vector<16xf32>
        %add3A_681 = arith.addf %add3A_667, %get3A_680 : vector<16xf32>
        %get3A_682 = arith.index_cast %add3A_676 : i32 to index
        %get3A_683 = arith.constant 16 : index
        %get3A_684 = tpu.vector_load %arg6[%get3A_682, %get3A_683] {strides = array<i32>} : memref<200x32xf32, #tpu.memory_space<vmem>>, vector<1x16xf32>,
        %get3A_685 = vector.shape_cast %get3A_684 : vector<1x16xf32> to vector<16xf32>
        %add3A_686 = arith.addf %add3A_672, %get3A_685 : vector<16xf32>
        %mul3A_687 = arith.constant 8 : i32
        %mul3A_688 = arith.muli %scan3A_657, %mul3A_687 : i32
        %add3A_689 = arith.constant 2 : i32
        %add3A_690 = arith.addi %mul3A_688, %add3A_689 : i32
        %get3A_691 = arith.index_cast %add3A_690 : i32 to index
        %get3A_692 = arith.constant 0 : index
        %get3A_693 = tpu.vector_load %arg6[%get3A_691, %get3A_692] {strides = array<i32>} : memref<200x32xf32, #tpu.memory_space<vmem>>, vector<1x16xf32>,
        %get3A_694 = vector.shape_cast %get3A_693 : vector<1x16xf32> to vector<16xf32>
        %add3A_695 = arith.addf %add3A_681, %get3A_694 : vector<16xf32>
        %get3A_696 = arith.index_cast %add3A_690 : i32 to index
        %get3A_697 = arith.constant 16 : index
        %get3A_698 = tpu.vector_load %arg6[%get3A_696, %get3A_697] {strides = array<i32>} : memref<200x32xf32, #tpu.memory_space<vmem>>, vector<1x16xf32>,
        %get3A_699 = vector.shape_cast %get3A_698 : vector<1x16xf32> to vector<16xf32>
        %add3A_700 = arith.addf %add3A_686, %get3A_699 : vector<16xf32>
        %mul3A_701 = arith.constant 8 : i32
        %mul3A_702 = arith.muli %scan3A_657, %mul3A_701 : i32
        %add3A_703 = arith.constant 3 : i32
        %add3A_704 = arith.addi %mul3A_702, %add3A_703 : i32
        %get3A_705 = arith.index_cast %add3A_704 : i32 to index
        %get3A_706 = arith.constant 0 : index
        %get3A_707 = tpu.vector_load %arg6[%get3A_705, %get3A_706] {strides = array<i32>} : memref<200x32xf32, #tpu.memory_space<vmem>>, vector<1x16xf32>,
        %get3A_708 = vector.shape_cast %get3A_707 : vector<1x16xf32> to vector<16xf32>
        %add3A_709 = arith.addf %add3A_695, %get3A_708 : vector<16xf32>
        %get3A_710 = arith.index_cast %add3A_704 : i32 to index
        %get3A_711 = arith.constant 16 : index
        %get3A_712 = tpu.vector_load %arg6[%get3A_710, %get3A_711] {strides = array<i32>} : memref<200x32xf32, #tpu.memory_space<vmem>>, vector<1x16xf32>,
        %get3A_713 = vector.shape_cast %get3A_712 : vector<1x16xf32> to vector<16xf32>
        %add3A_714 = arith.addf %add3A_700, %get3A_713 : vector<16xf32>
        %mul3A_715 = arith.constant 8 : i32
        %mul3A_716 = arith.muli %scan3A_657, %mul3A_715 : i32
        %add3A_717 = arith.constant 4 : i32
        %add3A_718 = arith.addi %mul3A_716, %add3A_717 : i32
        %get3A_719 = arith.index_cast %add3A_718 : i32 to index
        %get3A_720 = arith.constant 0 : index
        %get3A_721 = tpu.vector_load %arg6[%get3A_719, %get3A_720] {strides = array<i32>} : memref<200x32xf32, #tpu.memory_space<vmem>>, vector<1x16xf32>,
        %get3A_722 = vector.shape_cast %get3A_721 : vector<1x16xf32> to vector<16xf32>
        %add3A_723 = arith.addf %add3A_709, %get3A_722 : vector<16xf32>
        %get3A_724 = arith.index_cast %add3A_718 : i32 to index
        %get3A_725 = arith.constant 16 : index
        %get3A_726 = tpu.vector_load %arg6[%get3A_724, %get3A_725] {strides = array<i32>} : memref<200x32xf32, #tpu.memory_space<vmem>>, vector<1x16xf32>,
        %get3A_727 = vector.shape_cast %get3A_726 : vector<1x16xf32> to vector<16xf32>
        %add3A_728 = arith.addf %add3A_714, %get3A_727 : vector<16xf32>
        %mul3A_729 = arith.constant 8 : i32
        %mul3A_730 = arith.muli %scan3A_657, %mul3A_729 : i32
        %add3A_731 = arith.constant 5 : i32
        %add3A_732 = arith.addi %mul3A_730, %add3A_731 : i32
        %get3A_733 = arith.index_cast %add3A_732 : i32 to index
        %get3A_734 = arith.constant 0 : index
        %get3A_735 = tpu.vector_load %arg6[%get3A_733, %get3A_734] {strides = array<i32>} : memref<200x32xf32, #tpu.memory_space<vmem>>, vector<1x16xf32>,
        %get3A_736 = vector.shape_cast %get3A_735 : vector<1x16xf32> to vector<16xf32>
        %add3A_737 = arith.addf %add3A_723, %get3A_736 : vector<16xf32>
        %get3A_738 = arith.index_cast %add3A_732 : i32 to index
        %get3A_739 = arith.constant 16 : index
        %get3A_740 = tpu.vector_load %arg6[%get3A_738, %get3A_739] {strides = array<i32>} : memref<200x32xf32, #tpu.memory_space<vmem>>, vector<1x16xf32>,
        %get3A_741 = vector.shape_cast %get3A_740 : vector<1x16xf32> to vector<16xf32>
        %add3A_742 = arith.addf %add3A_728, %get3A_741 : vector<16xf32>
        %mul3A_743 = arith.constant 8 : i32
        %mul3A_744 = arith.muli %scan3A_657, %mul3A_743 : i32
        %add3A_745 = arith.constant 6 : i32
        %add3A_746 = arith.addi %mul3A_744, %add3A_745 : i32
        %get3A_747 = arith.index_cast %add3A_746 : i32 to index
        %get3A_748 = arith.constant 0 : index
        %get3A_749 = tpu.vector_load %arg6[%get3A_747, %get3A_748] {strides = array<i32>} : memref<200x32xf32, #tpu.memory_space<vmem>>, vector<1x16xf32>,
        %get3A_750 = vector.shape_cast %get3A_749 : vector<1x16xf32> to vector<16xf32>
        %add3A_751 = arith.addf %add3A_737, %get3A_750 : vector<16xf32>
        %get3A_752 = arith.index_cast %add3A_746 : i32 to index
        %get3A_753 = arith.constant 16 : index
        %get3A_754 = tpu.vector_load %arg6[%get3A_752, %get3A_753] {strides = array<i32>} : memref<200x32xf32, #tpu.memory_space<vmem>>, vector<1x16xf32>,
        %get3A_755 = vector.shape_cast %get3A_754 : vector<1x16xf32> to vector<16xf32>
        %add3A_756 = arith.addf %add3A_742, %get3A_755 : vector<16xf32>
        %mul3A_757 = arith.constant 8 : i32
        %mul3A_758 = arith.muli %scan3A_657, %mul3A_757 : i32
        %add3A_759 = arith.constant 7 : i32
        %add3A_760 = arith.addi %mul3A_758, %add3A_759 : i32
        %get3A_761 = arith.index_cast %add3A_760 : i32 to index
        %get3A_762 = arith.constant 0 : index
        %get3A_763 = tpu.vector_load %arg6[%get3A_761, %get3A_762] {strides = array<i32>} : memref<200x32xf32, #tpu.memory_space<vmem>>, vector<1x16xf32>,
        %get3A_764 = vector.shape_cast %get3A_763 : vector<1x16xf32> to vector<16xf32>
        %add3A_765 = arith.addf %add3A_751, %get3A_764 : vector<16xf32>
        %get3A_766 = arith.index_cast %add3A_760 : i32 to index
        %get3A_767 = arith.constant 16 : index
        %get3A_768 = tpu.vector_load %arg6[%get3A_766, %get3A_767] {strides = array<i32>} : memref<200x32xf32, #tpu.memory_space<vmem>>, vector<1x16xf32>,
        %get3A_769 = vector.shape_cast %get3A_768 : vector<1x16xf32> to vector<16xf32>
        %add3A_770 = arith.addf %add3A_756, %get3A_769 : vector<16xf32>
        scf.yield %add3A_765, %add3A_770 : vector<16xf32>, vector<16xf32>
      }
      %scan3A_590 = arith.constant 25 : i32
      %swap3A = arith.index_cast %mul3A_581 : i32 to index
      %swap3A_591 = arith.constant 0 : index
      %swap3A_592 = tpu.vector_load %arg8[%swap3A, %swap3A_591] {strides = array<i32>} : memref<64x32xf32, #tpu.memory_space<vmem>>, vector<1x16xf32>,
      %swap3A_593 = vector.shape_cast %swap3A_592 : vector<1x16xf32> to vector<16xf32>
      %swap3A_594 = vector.shape_cast %scan3A_589#0 : vector<16xf32> to vector<1x16xf32>
      tpu.vector_store %arg8[%swap3A, %swap3A_591], %swap3A_594 {strides = array<i32>} : memref<64x32xf32, #tpu.memory_space<vmem>>, vector<1x16xf32>,
      %swap3A_595 = arith.index_cast %mul3A_581 : i32 to index
      %swap3A_596 = arith.constant 16 : index
      %swap3A_597 = tpu.vector_load %arg8[%swap3A_595, %swap3A_596] {strides = array<i32>} : memref<64x32xf32, #tpu.memory_space<vmem>>, vector<1x16xf32>,
      %swap3A_598 = vector.shape_cast %swap3A_597 : vector<1x16xf32> to vector<16xf32>
      %swap3A_599 = vector.shape_cast %scan3A_589#1 : vector<16xf32> to vector<1x16xf32>
      tpu.vector_store %arg8[%swap3A_595, %swap3A_596], %swap3A_599 {strides = array<i32>} : memref<64x32xf32, #tpu.memory_space<vmem>>, vector<1x16xf32>,
      %lt3A = arith.constant 31 : i32
      %lt3A_600 = arith.cmpi slt, %scan3A_520, %lt3A : i32
      %convert_element_type3A = arith.extui %lt3A_600 : i1 to i32
      %cond3A = arith.constant 0 : i32
      %cond3A_601 = arith.cmpi ne, %convert_element_type3A, %cond3A : i32
      scf.if %cond3A_601 {
        %mul3A_657 = arith.constant 2 : i32
        %mul3A_658 = arith.muli %mul3A_657, %scan3A_520 : i32
        %add3A_659 = arith.constant 2 : i32
        %add3A_660 = arith.addi %mul3A_658, %add3A_659 : i32
        %mul3A_661 = arith.constant 2 : i32
        %mul3A_662 = arith.muli %mul3A_661, %add3A_660 : i32
        %mul3A_663 = arith.constant 2 : i32
        %mul3A_664 = arith.muli %mul3A_663, %add3A_660 : i32
        %add3A_665 = arith.constant 1 : i32
        %add3A_666 = arith.addi %mul3A_664, %add3A_665 : i32
        %dma_start3A_667 = arith.constant 0 : i32
        %dma_start3A_668 = arith.constant 0 : i32
        %dma_start3A_669 = arith.constant 0 : i32
        %dma_start3A_670 = tpu.memref_slice %arg6[%dma_start3A_668, %dma_start3A_669] : memref<200x32xf32, #tpu.memory_space<vmem>> -> memref<100x32xf32, #tpu.memory_space<vmem>>
        %dma_start3A_671 = arith.constant 0 : i32
        %dma_start3A_672 = tpu.memref_slice %arg5[%dma_start3A_667, %mul3A_662, %dma_start3A_671] : memref<2x128x100xi32, #tpu.memory_space<vmem>> -> memref<1x1x100xi32, #tpu.memory_space<vmem>>
        %dma_start3A_673 = tpu.memref_squeeze %dma_start3A_672 : memref<1x1x100xi32, #tpu.memory_space<vmem>> -> memref<100xi32, #tpu.memory_space<vmem>>
        %dma_start3A_674 = arith.constant 0 : i32
        %dma_start3A_675 = arith.constant 0 : i32
        %dma_start3A_676 = tpu.memref_slice %arg3[%dma_start3A_674, %dma_start3A_675] : memref<1000000x32xf32, #tpu.memory_space<hbm>> -> memref<1000000x32xf32, #tpu.memory_space<hbm>>
        tpu.enqueue_indirect_dma source(%dma_start3A_676 : memref<1000000x32xf32, #tpu.memory_space<hbm>>) target(%dma_start3A_670 : memref<100x32xf32, #tpu.memory_space<vmem>>) offsets(%dma_start3A_673 : memref<100xi32, #tpu.memory_space<vmem>>) semaphore(%arg9 : memref<!tpu.dma_semaphore, #tpu.memory_space<semaphore_mem>>)
        %dma_start3A_677 = arith.constant 0 : i32
        %dma_start3A_678 = arith.constant 100 : i32
        %dma_start3A_679 = arith.constant 0 : i32
        %dma_start3A_680 = tpu.memref_slice %arg6[%dma_start3A_678, %dma_start3A_679] : memref<200x32xf32, #tpu.memory_space<vmem>> -> memref<100x32xf32, #tpu.memory_space<vmem>>
        %dma_start3A_681 = arith.constant 0 : i32
        %dma_start3A_682 = tpu.memref_slice %arg5[%dma_start3A_677, %add3A_666, %dma_start3A_681] : memref<2x128x100xi32, #tpu.memory_space<vmem>> -> memref<1x1x100xi32, #tpu.memory_space<vmem>>
        %dma_start3A_683 = tpu.memref_squeeze %dma_start3A_682 : memref<1x1x100xi32, #tpu.memory_space<vmem>> -> memref<100xi32, #tpu.memory_space<vmem>>
        %dma_start3A_684 = arith.constant 0 : i32
        %dma_start3A_685 = arith.constant 0 : i32
        %dma_start3A_686 = tpu.memref_slice %arg3[%dma_start3A_684, %dma_start3A_685] : memref<1000000x32xf32, #tpu.memory_space<hbm>> -> memref<1000000x32xf32, #tpu.memory_space<hbm>>
        tpu.enqueue_indirect_dma source(%dma_start3A_686 : memref<1000000x32xf32, #tpu.memory_space<hbm>>) target(%dma_start3A_680 : memref<100x32xf32, #tpu.memory_space<vmem>>) offsets(%dma_start3A_683 : memref<100xi32, #tpu.memory_space<vmem>>) semaphore(%arg9 : memref<!tpu.dma_semaphore, #tpu.memory_space<semaphore_mem>>)
      } else {
      }
      %mul3A_602 = arith.constant 2 : i32
      %mul3A_603 = arith.muli %mul3A_602, %scan3A_520 : i32
      %add3A_604 = arith.constant 1 : i32
      %add3A_605 = arith.addi %mul3A_603, %add3A_604 : i32
      %mul3A_606 = arith.constant 2 : i32
      %mul3A_607 = arith.muli %mul3A_606, %add3A_605 : i32
      %mul3A_608 = arith.constant 2 : i32
      %mul3A_609 = arith.muli %mul3A_608, %add3A_605 : i32
      %add3A_610 = arith.constant 1 : i32
      %add3A_611 = arith.addi %mul3A_609, %add3A_610 : i32
      %dma_wait3A_612 = arith.constant 0 : i32
      %dma_wait3A_613 = arith.constant 0 : i32
      %dma_wait3A_614 = arith.constant 0 : i32
      %dma_wait3A_615 = tpu.memref_slice %arg7[%dma_wait3A_613, %dma_wait3A_614] : memref<200x32xf32, #tpu.memory_space<vmem>> -> memref<100x32xf32, #tpu.memory_space<vmem>>
      %dma_wait3A_616 = arith.constant 0 : i32
      %dma_wait3A_617 = tpu.memref_slice %arg5[%dma_wait3A_612, %mul3A_607, %dma_wait3A_616] : memref<2x128x100xi32, #tpu.memory_space<vmem>> -> memref<1x1x100xi32, #tpu.memory_space<vmem>>
      %dma_wait3A_618 = tpu.memref_squeeze %dma_wait3A_617 : memref<1x1x100xi32, #tpu.memory_space<vmem>> -> memref<100xi32, #tpu.memory_space<vmem>>
      %dma_wait3A_619 = arith.constant 0 : i32
      %dma_wait3A_620 = arith.constant 0 : i32
      %dma_wait3A_621 = tpu.memref_slice %arg3[%dma_wait3A_619, %dma_wait3A_620] : memref<1000000x32xf32, #tpu.memory_space<hbm>> -> memref<1000000x32xf32, #tpu.memory_space<hbm>>
      tpu.wait_indirect_dma semaphore(%arg10 : memref<!tpu.dma_semaphore, #tpu.memory_space<semaphore_mem>>) src(%dma_wait3A_621 : memref<1000000x32xf32, #tpu.memory_space<hbm>>) dst(%dma_wait3A_615 : memref<100x32xf32, #tpu.memory_space<vmem>>)
      %dma_wait3A_622 = arith.constant 0 : i32
      %dma_wait3A_623 = arith.constant 100 : i32
      %dma_wait3A_624 = arith.constant 0 : i32
      %dma_wait3A_625 = tpu.memref_slice %arg7[%dma_wait3A_623, %dma_wait3A_624] : memref<200x32xf32, #tpu.memory_space<vmem>> -> memref<100x32xf32, #tpu.memory_space<vmem>>
      %dma_wait3A_626 = arith.constant 0 : i32
      %dma_wait3A_627 = tpu.memref_slice %arg5[%dma_wait3A_622, %add3A_611, %dma_wait3A_626] : memref<2x128x100xi32, #tpu.memory_space<vmem>> -> memref<1x1x100xi32, #tpu.memory_space<vmem>>
      %dma_wait3A_628 = tpu.memref_squeeze %dma_wait3A_627 : memref<1x1x100xi32, #tpu.memory_space<vmem>> -> memref<100xi32, #tpu.memory_space<vmem>>
      %dma_wait3A_629 = arith.constant 0 : i32
      %dma_wait3A_630 = arith.constant 0 : i32
      %dma_wait3A_631 = tpu.memref_slice %arg3[%dma_wait3A_629, %dma_wait3A_630] : memref<1000000x32xf32, #tpu.memory_space<hbm>> -> memref<1000000x32xf32, #tpu.memory_space<hbm>>
      tpu.wait_indirect_dma semaphore(%arg10 : memref<!tpu.dma_semaphore, #tpu.memory_space<semaphore_mem>>) src(%dma_wait3A_631 : memref<1000000x32xf32, #tpu.memory_space<hbm>>) dst(%dma_wait3A_625 : memref<100x32xf32, #tpu.memory_space<vmem>>)
      %mul3A_632 = arith.constant 2 : i32
      %mul3A_633 = arith.muli %mul3A_632, %scan3A_520 : i32
      %add3A_634 = arith.constant 1 : i32
      %add3A_635 = arith.addi %mul3A_633, %add3A_634 : i32
      %broadcast_in_dim3A_636 = arith.constant 0.000000e+00 : f32
      %broadcast_in_dim3A_637 = vector.broadcast %broadcast_in_dim3A_636 : f32 to vector<16xf32>
      %broadcast_in_dim3A_638 = arith.constant 0.000000e+00 : f32
      %broadcast_in_dim3A_639 = vector.broadcast %broadcast_in_dim3A_638 : f32 to vector<16xf32>
      %scan3A_640 = arith.constant 0 : i32
      %scan3A_641 = arith.constant 25 : i32
      %scan3A_642 = arith.addi %scan3A_640, %scan3A_641 : i32
      %scan3A_643 = arith.constant 1 : i32
      %scan3A_644:2 = scf.for %scan3A_657 = %scan3A_640 to %scan3A_642 step %scan3A_643 iter_args(%scan3A_658 = %broadcast_in_dim3A_637, %scan3A_659 = %broadcast_in_dim3A_639) -> (vector<16xf32>, vector<16xf32>)  : i32 {
        %mul3A_660 = arith.constant 8 : i32
        %mul3A_661 = arith.muli %scan3A_657, %mul3A_660 : i32
        %add3A_662 = arith.constant 0 : i32
        %add3A_663 = arith.addi %mul3A_661, %add3A_662 : i32
        %get3A = arith.index_cast %add3A_663 : i32 to index
        %get3A_664 = arith.constant 0 : index
        %get3A_665 = tpu.vector_load %arg7[%get3A, %get3A_664] {strides = array<i32>} : memref<200x32xf32, #tpu.memory_space<vmem>>, vector<1x16xf32>,
        %get3A_666 = vector.shape_cast %get3A_665 : vector<1x16xf32> to vector<16xf32>
        %add3A_667 = arith.addf %scan3A_658, %get3A_666 : vector<16xf32>
        %get3A_668 = arith.index_cast %add3A_663 : i32 to index
        %get3A_669 = arith.constant 16 : index
        %get3A_670 = tpu.vector_load %arg7[%get3A_668, %get3A_669] {strides = array<i32>} : memref<200x32xf32, #tpu.memory_space<vmem>>, vector<1x16xf32>,
        %get3A_671 = vector.shape_cast %get3A_670 : vector<1x16xf32> to vector<16xf32>
        %add3A_672 = arith.addf %scan3A_659, %get3A_671 : vector<16xf32>
        %mul3A_673 = arith.constant 8 : i32
        %mul3A_674 = arith.muli %scan3A_657, %mul3A_673 : i32
        %add3A_675 = arith.constant 1 : i32
        %add3A_676 = arith.addi %mul3A_674, %add3A_675 : i32
        %get3A_677 = arith.index_cast %add3A_676 : i32 to index
        %get3A_678 = arith.constant 0 : index
        %get3A_679 = tpu.vector_load %arg7[%get3A_677, %get3A_678] {strides = array<i32>} : memref<200x32xf32, #tpu.memory_space<vmem>>, vector<1x16xf32>,
        %get3A_680 = vector.shape_cast %get3A_679 : vector<1x16xf32> to vector<16xf32>
        %add3A_681 = arith.addf %add3A_667, %get3A_680 : vector<16xf32>
        %get3A_682 = arith.index_cast %add3A_676 : i32 to index
        %get3A_683 = arith.constant 16 : index
        %get3A_684 = tpu.vector_load %arg7[%get3A_682, %get3A_683] {strides = array<i32>} : memref<200x32xf32, #tpu.memory_space<vmem>>, vector<1x16xf32>,
        %get3A_685 = vector.shape_cast %get3A_684 : vector<1x16xf32> to vector<16xf32>
        %add3A_686 = arith.addf %add3A_672, %get3A_685 : vector<16xf32>
        %mul3A_687 = arith.constant 8 : i32
        %mul3A_688 = arith.muli %scan3A_657, %mul3A_687 : i32
        %add3A_689 = arith.constant 2 : i32
        %add3A_690 = arith.addi %mul3A_688, %add3A_689 : i32
        %get3A_691 = arith.index_cast %add3A_690 : i32 to index
        %get3A_692 = arith.constant 0 : index
        %get3A_693 = tpu.vector_load %arg7[%get3A_691, %get3A_692] {strides = array<i32>} : memref<200x32xf32, #tpu.memory_space<vmem>>, vector<1x16xf32>,
        %get3A_694 = vector.shape_cast %get3A_693 : vector<1x16xf32> to vector<16xf32>
        %add3A_695 = arith.addf %add3A_681, %get3A_694 : vector<16xf32>
        %get3A_696 = arith.index_cast %add3A_690 : i32 to index
        %get3A_697 = arith.constant 16 : index
        %get3A_698 = tpu.vector_load %arg7[%get3A_696, %get3A_697] {strides = array<i32>} : memref<200x32xf32, #tpu.memory_space<vmem>>, vector<1x16xf32>,
        %get3A_699 = vector.shape_cast %get3A_698 : vector<1x16xf32> to vector<16xf32>
        %add3A_700 = arith.addf %add3A_686, %get3A_699 : vector<16xf32>
        %mul3A_701 = arith.constant 8 : i32
        %mul3A_702 = arith.muli %scan3A_657, %mul3A_701 : i32
        %add3A_703 = arith.constant 3 : i32
        %add3A_704 = arith.addi %mul3A_702, %add3A_703 : i32
        %get3A_705 = arith.index_cast %add3A_704 : i32 to index
        %get3A_706 = arith.constant 0 : index
        %get3A_707 = tpu.vector_load %arg7[%get3A_705, %get3A_706] {strides = array<i32>} : memref<200x32xf32, #tpu.memory_space<vmem>>, vector<1x16xf32>,
        %get3A_708 = vector.shape_cast %get3A_707 : vector<1x16xf32> to vector<16xf32>
        %add3A_709 = arith.addf %add3A_695, %get3A_708 : vector<16xf32>
        %get3A_710 = arith.index_cast %add3A_704 : i32 to index
        %get3A_711 = arith.constant 16 : index
        %get3A_712 = tpu.vector_load %arg7[%get3A_710, %get3A_711] {strides = array<i32>} : memref<200x32xf32, #tpu.memory_space<vmem>>, vector<1x16xf32>,
        %get3A_713 = vector.shape_cast %get3A_712 : vector<1x16xf32> to vector<16xf32>
        %add3A_714 = arith.addf %add3A_700, %get3A_713 : vector<16xf32>
        %mul3A_715 = arith.constant 8 : i32
        %mul3A_716 = arith.muli %scan3A_657, %mul3A_715 : i32
        %add3A_717 = arith.constant 4 : i32
        %add3A_718 = arith.addi %mul3A_716, %add3A_717 : i32
        %get3A_719 = arith.index_cast %add3A_718 : i32 to index
        %get3A_720 = arith.constant 0 : index
        %get3A_721 = tpu.vector_load %arg7[%get3A_719, %get3A_720] {strides = array<i32>} : memref<200x32xf32, #tpu.memory_space<vmem>>, vector<1x16xf32>,
        %get3A_722 = vector.shape_cast %get3A_721 : vector<1x16xf32> to vector<16xf32>
        %add3A_723 = arith.addf %add3A_709, %get3A_722 : vector<16xf32>
        %get3A_724 = arith.index_cast %add3A_718 : i32 to index
        %get3A_725 = arith.constant 16 : index
        %get3A_726 = tpu.vector_load %arg7[%get3A_724, %get3A_725] {strides = array<i32>} : memref<200x32xf32, #tpu.memory_space<vmem>>, vector<1x16xf32>,
        %get3A_727 = vector.shape_cast %get3A_726 : vector<1x16xf32> to vector<16xf32>
        %add3A_728 = arith.addf %add3A_714, %get3A_727 : vector<16xf32>
        %mul3A_729 = arith.constant 8 : i32
        %mul3A_730 = arith.muli %scan3A_657, %mul3A_729 : i32
        %add3A_731 = arith.constant 5 : i32
        %add3A_732 = arith.addi %mul3A_730, %add3A_731 : i32
        %get3A_733 = arith.index_cast %add3A_732 : i32 to index
        %get3A_734 = arith.constant 0 : index
        %get3A_735 = tpu.vector_load %arg7[%get3A_733, %get3A_734] {strides = array<i32>} : memref<200x32xf32, #tpu.memory_space<vmem>>, vector<1x16xf32>,
        %get3A_736 = vector.shape_cast %get3A_735 : vector<1x16xf32> to vector<16xf32>
        %add3A_737 = arith.addf %add3A_723, %get3A_736 : vector<16xf32>
        %get3A_738 = arith.index_cast %add3A_732 : i32 to index
        %get3A_739 = arith.constant 16 : index
        %get3A_740 = tpu.vector_load %arg7[%get3A_738, %get3A_739] {strides = array<i32>} : memref<200x32xf32, #tpu.memory_space<vmem>>, vector<1x16xf32>,
        %get3A_741 = vector.shape_cast %get3A_740 : vector<1x16xf32> to vector<16xf32>
        %add3A_742 = arith.addf %add3A_728, %get3A_741 : vector<16xf32>
        %mul3A_743 = arith.constant 8 : i32
        %mul3A_744 = arith.muli %scan3A_657, %mul3A_743 : i32
        %add3A_745 = arith.constant 6 : i32
        %add3A_746 = arith.addi %mul3A_744, %add3A_745 : i32
        %get3A_747 = arith.index_cast %add3A_746 : i32 to index
        %get3A_748 = arith.constant 0 : index
        %get3A_749 = tpu.vector_load %arg7[%get3A_747, %get3A_748] {strides = array<i32>} : memref<200x32xf32, #tpu.memory_space<vmem>>, vector<1x16xf32>,
        %get3A_750 = vector.shape_cast %get3A_749 : vector<1x16xf32> to vector<16xf32>
        %add3A_751 = arith.addf %add3A_737, %get3A_750 : vector<16xf32>
        %get3A_752 = arith.index_cast %add3A_746 : i32 to index
        %get3A_753 = arith.constant 16 : index
        %get3A_754 = tpu.vector_load %arg7[%get3A_752, %get3A_753] {strides = array<i32>} : memref<200x32xf32, #tpu.memory_space<vmem>>, vector<1x16xf32>,
        %get3A_755 = vector.shape_cast %get3A_754 : vector<1x16xf32> to vector<16xf32>
        %add3A_756 = arith.addf %add3A_742, %get3A_755 : vector<16xf32>
        %mul3A_757 = arith.constant 8 : i32
        %mul3A_758 = arith.muli %scan3A_657, %mul3A_757 : i32
        %add3A_759 = arith.constant 7 : i32
        %add3A_760 = arith.addi %mul3A_758, %add3A_759 : i32
        %get3A_761 = arith.index_cast %add3A_760 : i32 to index
        %get3A_762 = arith.constant 0 : index
        %get3A_763 = tpu.vector_load %arg7[%get3A_761, %get3A_762] {strides = array<i32>} : memref<200x32xf32, #tpu.memory_space<vmem>>, vector<1x16xf32>,
        %get3A_764 = vector.shape_cast %get3A_763 : vector<1x16xf32> to vector<16xf32>
        %add3A_765 = arith.addf %add3A_751, %get3A_764 : vector<16xf32>
        %get3A_766 = arith.index_cast %add3A_760 : i32 to index
        %get3A_767 = arith.constant 16 : index
        %get3A_768 = tpu.vector_load %arg7[%get3A_766, %get3A_767] {strides = array<i32>} : memref<200x32xf32, #tpu.memory_space<vmem>>, vector<1x16xf32>,
        %get3A_769 = vector.shape_cast %get3A_768 : vector<1x16xf32> to vector<16xf32>
        %add3A_770 = arith.addf %add3A_756, %get3A_769 : vector<16xf32>
        scf.yield %add3A_765, %add3A_770 : vector<16xf32>, vector<16xf32>
      }
      %scan3A_645 = arith.constant 25 : i32
      %swap3A_646 = arith.index_cast %add3A_635 : i32 to index
      %swap3A_647 = arith.constant 0 : index
      %swap3A_648 = tpu.vector_load %arg8[%swap3A_646, %swap3A_647] {strides = array<i32>} : memref<64x32xf32, #tpu.memory_space<vmem>>, vector<1x16xf32>,
      %swap3A_649 = vector.shape_cast %swap3A_648 : vector<1x16xf32> to vector<16xf32>
      %swap3A_650 = vector.shape_cast %scan3A_644#0 : vector<16xf32> to vector<1x16xf32>
      tpu.vector_store %arg8[%swap3A_646, %swap3A_647], %swap3A_650 {strides = array<i32>} : memref<64x32xf32, #tpu.memory_space<vmem>>, vector<1x16xf32>,
      %swap3A_651 = arith.index_cast %add3A_635 : i32 to index
      %swap3A_652 = arith.constant 16 : index
      %swap3A_653 = tpu.vector_load %arg8[%swap3A_651, %swap3A_652] {strides = array<i32>} : memref<64x32xf32, #tpu.memory_space<vmem>>, vector<1x16xf32>,
      %swap3A_654 = vector.shape_cast %swap3A_653 : vector<1x16xf32> to vector<16xf32>
      %swap3A_655 = vector.shape_cast %scan3A_644#1 : vector<16xf32> to vector<1x16xf32>
      tpu.vector_store %arg8[%swap3A_651, %swap3A_652], %swap3A_655 {strides = array<i32>} : memref<64x32xf32, #tpu.memory_space<vmem>>, vector<1x16xf32>,
      %scan3A_656 = arith.constant 0 : i32
      scf.yield %scan3A_656 : i32
    }
    %scan3A_81 = arith.constant 32 : i32
    "tpu.region"() ({
      %run_scoped3A = tpu.sem_alloc : memref<!tpu.dma_semaphore, #tpu.memory_space<semaphore_mem>>
      %dma_start3A_520 = arith.constant 0 : i32
      %dma_start3A_521 = tpu.memref_slice %arg4[%add3A_75, %dma_start3A_520] : memref<16384x32xf32, #tpu.memory_space<hbm>> -> memref<64x32xf32, #tpu.memory_space<hbm>>
      %dma_start3A_522 = arith.constant 0 : i32
      %dma_start3A_523 = tpu.memref_slice %arg4[%add3A_75, %dma_start3A_522] : memref<16384x32xf32, #tpu.memory_space<hbm>> -> memref<64x32xf32, #tpu.memory_space<hbm>>
      tpu.enqueue_dma source(%arg8 : memref<64x32xf32, #tpu.memory_space<vmem>>) target(%dma_start3A_523 : memref<64x32xf32, #tpu.memory_space<hbm>>) target_semaphore(%run_scoped3A : memref<!tpu.dma_semaphore, #tpu.memory_space<semaphore_mem>>)
      %dma_wait3A_524 = arith.constant 0 : i32
      %dma_wait3A_525 = tpu.memref_slice %arg4[%add3A_75, %dma_wait3A_524] : memref<16384x32xf32, #tpu.memory_space<hbm>> -> memref<64x32xf32, #tpu.memory_space<hbm>>
      %dma_wait3A_526 = arith.constant 0 : i32
      %dma_wait3A_527 = tpu.memref_slice %arg4[%add3A_75, %dma_wait3A_526] : memref<16384x32xf32, #tpu.memory_space<hbm>> -> memref<64x32xf32, #tpu.memory_space<hbm>>
      tpu.wait_dma2 semaphore(%run_scoped3A : memref<!tpu.dma_semaphore, #tpu.memory_space<semaphore_mem>>) src(%arg8 : memref<64x32xf32, #tpu.memory_space<vmem>>) dst(%dma_wait3A_527 : memref<64x32xf32, #tpu.memory_space<hbm>>)
      tpu.yield
    }) : () -> ()
    %add3A_82 = arith.constant 64 : i32
    %add3A_83 = arith.addi %mul3A_2, %add3A_82 : i32
    %mul3A_84 = arith.constant 2 : i32
    %mul3A_85 = arith.muli %add3A_83, %mul3A_84 : i32
    %dma_wait3A_86 = arith.constant 1 : i32
    %dma_wait3A_87 = arith.constant 0 : i32
    %dma_wait3A_88 = arith.constant 0 : i32
    %dma_wait3A_89 = tpu.memref_slice %arg5[%dma_wait3A_86, %dma_wait3A_87, %dma_wait3A_88] : memref<2x128x100xi32, #tpu.memory_space<vmem>> -> memref<1x128x100xi32, #tpu.memory_space<vmem>>
    %dma_wait3A_90 = tpu.memref_squeeze %dma_wait3A_89 : memref<1x128x100xi32, #tpu.memory_space<vmem>> -> memref<128x100xi32, #tpu.memory_space<vmem>>
    %dma_wait3A_91 = arith.constant 0 : i32
    %dma_wait3A_92 = tpu.memref_slice %arg2[%mul3A_85, %dma_wait3A_91] : memref<32768x100xi32, #tpu.memory_space<hbm>> -> memref<128x100xi32, #tpu.memory_space<hbm>>
    %dma_wait3A_93 = arith.constant 0 : i32
    %dma_wait3A_94 = arith.constant 0 : i32
    %dma_wait3A_95 = tpu.memref_slice %arg5[%dma_wait3A_86, %dma_wait3A_93, %dma_wait3A_94] : memref<2x128x100xi32, #tpu.memory_space<vmem>> -> memref<1x128x100xi32, #tpu.memory_space<vmem>>
    %dma_wait3A_96 = tpu.memref_squeeze %dma_wait3A_95 : memref<1x128x100xi32, #tpu.memory_space<vmem>> -> memref<128x100xi32, #tpu.memory_space<vmem>>
    %dma_wait3A_97 = arith.constant 0 : i32
    %dma_wait3A_98 = tpu.memref_slice %arg2[%mul3A_85, %dma_wait3A_97] : memref<32768x100xi32, #tpu.memory_space<hbm>> -> memref<128x100xi32, #tpu.memory_space<hbm>>
    tpu.wait_dma2 semaphore(%arg11 : memref<!tpu.dma_semaphore, #tpu.memory_space<semaphore_mem>>) src(%dma_wait3A_98 : memref<128x100xi32, #tpu.memory_space<hbm>>) dst(%dma_wait3A_96 : memref<128x100xi32, #tpu.memory_space<vmem>>)
    %add3A_99 = arith.constant 128 : i32
    %add3A_100 = arith.addi %mul3A_2, %add3A_99 : i32
    %mul3A_101 = arith.constant 2 : i32
    %mul3A_102 = arith.muli %add3A_100, %mul3A_101 : i32
    %dma_start3A_103 = arith.constant 0 : i32
    %dma_start3A_104 = arith.constant 0 : i32
    %dma_start3A_105 = arith.constant 0 : i32
    %dma_start3A_106 = tpu.memref_slice %arg5[%dma_start3A_103, %dma_start3A_104, %dma_start3A_105] : memref<2x128x100xi32, #tpu.memory_space<vmem>> -> memref<1x128x100xi32, #tpu.memory_space<vmem>>
    %dma_start3A_107 = tpu.memref_squeeze %dma_start3A_106 : memref<1x128x100xi32, #tpu.memory_space<vmem>> -> memref<128x100xi32, #tpu.memory_space<vmem>>
    %dma_start3A_108 = arith.constant 0 : i32
    %dma_start3A_109 = tpu.memref_slice %arg2[%mul3A_102, %dma_start3A_108] : memref<32768x100xi32, #tpu.memory_space<hbm>> -> memref<128x100xi32, #tpu.memory_space<hbm>>
    %dma_start3A_110 = arith.constant 0 : i32
    %dma_start3A_111 = arith.constant 0 : i32
    %dma_start3A_112 = tpu.memref_slice %arg5[%dma_start3A_103, %dma_start3A_110, %dma_start3A_111] : memref<2x128x100xi32, #tpu.memory_space<vmem>> -> memref<1x128x100xi32, #tpu.memory_space<vmem>>
    %dma_start3A_113 = tpu.memref_squeeze %dma_start3A_112 : memref<1x128x100xi32, #tpu.memory_space<vmem>> -> memref<128x100xi32, #tpu.memory_space<vmem>>
    %dma_start3A_114 = arith.constant 0 : i32
    %dma_start3A_115 = tpu.memref_slice %arg2[%mul3A_102, %dma_start3A_114] : memref<32768x100xi32, #tpu.memory_space<hbm>> -> memref<128x100xi32, #tpu.memory_space<hbm>>
    tpu.enqueue_dma source(%dma_start3A_115 : memref<128x100xi32, #tpu.memory_space<hbm>>) target(%dma_start3A_113 : memref<128x100xi32, #tpu.memory_space<vmem>>) target_semaphore(%arg11 : memref<!tpu.dma_semaphore, #tpu.memory_space<semaphore_mem>>)
    %dma_start3A_116 = arith.constant 1 : i32
    %dma_start3A_117 = arith.constant 0 : i32
    %dma_start3A_118 = arith.constant 0 : i32
    %dma_start3A_119 = arith.constant 0 : i32
    %dma_start3A_120 = tpu.memref_slice %arg6[%dma_start3A_118, %dma_start3A_119] : memref<200x32xf32, #tpu.memory_space<vmem>> -> memref<100x32xf32, #tpu.memory_space<vmem>>
    %dma_start3A_121 = arith.constant 0 : i32
    %dma_start3A_122 = tpu.memref_slice %arg5[%dma_start3A_116, %dma_start3A_117, %dma_start3A_121] : memref<2x128x100xi32, #tpu.memory_space<vmem>> -> memref<1x1x100xi32, #tpu.memory_space<vmem>>
    %dma_start3A_123 = tpu.memref_squeeze %dma_start3A_122 : memref<1x1x100xi32, #tpu.memory_space<vmem>> -> memref<100xi32, #tpu.memory_space<vmem>>
    %dma_start3A_124 = arith.constant 0 : i32
    %dma_start3A_125 = arith.constant 0 : i32
    %dma_start3A_126 = tpu.memref_slice %arg3[%dma_start3A_124, %dma_start3A_125] : memref<1000000x32xf32, #tpu.memory_space<hbm>> -> memref<1000000x32xf32, #tpu.memory_space<hbm>>
    tpu.enqueue_indirect_dma source(%dma_start3A_126 : memref<1000000x32xf32, #tpu.memory_space<hbm>>) target(%dma_start3A_120 : memref<100x32xf32, #tpu.memory_space<vmem>>) offsets(%dma_start3A_123 : memref<100xi32, #tpu.memory_space<vmem>>) semaphore(%arg9 : memref<!tpu.dma_semaphore, #tpu.memory_space<semaphore_mem>>)
    %dma_start3A_127 = arith.constant 1 : i32
    %dma_start3A_128 = arith.constant 1 : i32
    %dma_start3A_129 = arith.constant 100 : i32
    %dma_start3A_130 = arith.constant 0 : i32
    %dma_start3A_131 = tpu.memref_slice %arg6[%dma_start3A_129, %dma_start3A_130] : memref<200x32xf32, #tpu.memory_space<vmem>> -> memref<100x32xf32, #tpu.memory_space<vmem>>
    %dma_start3A_132 = arith.constant 0 : i32
    %dma_start3A_133 = tpu.memref_slice %arg5[%dma_start3A_127, %dma_start3A_128, %dma_start3A_132] : memref<2x128x100xi32, #tpu.memory_space<vmem>> -> memref<1x1x100xi32, #tpu.memory_space<vmem>>
    %dma_start3A_134 = tpu.memref_squeeze %dma_start3A_133 : memref<1x1x100xi32, #tpu.memory_space<vmem>> -> memref<100xi32, #tpu.memory_space<vmem>>
    %dma_start3A_135 = arith.constant 0 : i32
    %dma_start3A_136 = arith.constant 0 : i32
    %dma_start3A_137 = tpu.memref_slice %arg3[%dma_start3A_135, %dma_start3A_136] : memref<1000000x32xf32, #tpu.memory_space<hbm>> -> memref<1000000x32xf32, #tpu.memory_space<hbm>>
    tpu.enqueue_indirect_dma source(%dma_start3A_137 : memref<1000000x32xf32, #tpu.memory_space<hbm>>) target(%dma_start3A_131 : memref<100x32xf32, #tpu.memory_space<vmem>>) offsets(%dma_start3A_134 : memref<100xi32, #tpu.memory_space<vmem>>) semaphore(%arg9 : memref<!tpu.dma_semaphore, #tpu.memory_space<semaphore_mem>>)
    %add3A_138 = arith.constant 64 : i32
    %add3A_139 = arith.addi %mul3A_2, %add3A_138 : i32
    %scan3A_140 = arith.constant 0 : i32
    %scan3A_141 = arith.constant 0 : i32
    %scan3A_142 = arith.constant 32 : i32
    %scan3A_143 = arith.addi %scan3A_141, %scan3A_142 : i32
    %scan3A_144 = arith.constant 1 : i32
    %scan3A_145 = scf.for %scan3A_520 = %scan3A_141 to %scan3A_143 step %scan3A_144 iter_args(%scan3A_521 = %scan3A_140) -> (i32)  : i32 {
      %mul3A_522 = arith.constant 2 : i32
      %mul3A_523 = arith.muli %mul3A_522, %scan3A_520 : i32
      %add3A_524 = arith.constant 1 : i32
      %add3A_525 = arith.addi %mul3A_523, %add3A_524 : i32
      %mul3A_526 = arith.constant 2 : i32
      %mul3A_527 = arith.muli %mul3A_526, %add3A_525 : i32
      %mul3A_528 = arith.constant 2 : i32
      %mul3A_529 = arith.muli %mul3A_528, %add3A_525 : i32
      %add3A_530 = arith.constant 1 : i32
      %add3A_531 = arith.addi %mul3A_529, %add3A_530 : i32
      %dma_start3A_532 = arith.constant 1 : i32
      %dma_start3A_533 = arith.constant 0 : i32
      %dma_start3A_534 = arith.constant 0 : i32
      %dma_start3A_535 = tpu.memref_slice %arg7[%dma_start3A_533, %dma_start3A_534] : memref<200x32xf32, #tpu.memory_space<vmem>> -> memref<100x32xf32, #tpu.memory_space<vmem>>
      %dma_start3A_536 = arith.constant 0 : i32
      %dma_start3A_537 = tpu.memref_slice %arg5[%dma_start3A_532, %mul3A_527, %dma_start3A_536] : memref<2x128x100xi32, #tpu.memory_space<vmem>> -> memref<1x1x100xi32, #tpu.memory_space<vmem>>
      %dma_start3A_538 = tpu.memref_squeeze %dma_start3A_537 : memref<1x1x100xi32, #tpu.memory_space<vmem>> -> memref<100xi32, #tpu.memory_space<vmem>>
      %dma_start3A_539 = arith.constant 0 : i32
      %dma_start3A_540 = arith.constant 0 : i32
      %dma_start3A_541 = tpu.memref_slice %arg3[%dma_start3A_539, %dma_start3A_540] : memref<1000000x32xf32, #tpu.memory_space<hbm>> -> memref<1000000x32xf32, #tpu.memory_space<hbm>>
      tpu.enqueue_indirect_dma source(%dma_start3A_541 : memref<1000000x32xf32, #tpu.memory_space<hbm>>) target(%dma_start3A_535 : memref<100x32xf32, #tpu.memory_space<vmem>>) offsets(%dma_start3A_538 : memref<100xi32, #tpu.memory_space<vmem>>) semaphore(%arg10 : memref<!tpu.dma_semaphore, #tpu.memory_space<semaphore_mem>>)
      %dma_start3A_542 = arith.constant 1 : i32
      %dma_start3A_543 = arith.constant 100 : i32
      %dma_start3A_544 = arith.constant 0 : i32
      %dma_start3A_545 = tpu.memref_slice %arg7[%dma_start3A_543, %dma_start3A_544] : memref<200x32xf32, #tpu.memory_space<vmem>> -> memref<100x32xf32, #tpu.memory_space<vmem>>
      %dma_start3A_546 = arith.constant 0 : i32
      %dma_start3A_547 = tpu.memref_slice %arg5[%dma_start3A_542, %add3A_531, %dma_start3A_546] : memref<2x128x100xi32, #tpu.memory_space<vmem>> -> memref<1x1x100xi32, #tpu.memory_space<vmem>>
      %dma_start3A_548 = tpu.memref_squeeze %dma_start3A_547 : memref<1x1x100xi32, #tpu.memory_space<vmem>> -> memref<100xi32, #tpu.memory_space<vmem>>
      %dma_start3A_549 = arith.constant 0 : i32
      %dma_start3A_550 = arith.constant 0 : i32
      %dma_start3A_551 = tpu.memref_slice %arg3[%dma_start3A_549, %dma_start3A_550] : memref<1000000x32xf32, #tpu.memory_space<hbm>> -> memref<1000000x32xf32, #tpu.memory_space<hbm>>
      tpu.enqueue_indirect_dma source(%dma_start3A_551 : memref<1000000x32xf32, #tpu.memory_space<hbm>>) target(%dma_start3A_545 : memref<100x32xf32, #tpu.memory_space<vmem>>) offsets(%dma_start3A_548 : memref<100xi32, #tpu.memory_space<vmem>>) semaphore(%arg10 : memref<!tpu.dma_semaphore, #tpu.memory_space<semaphore_mem>>)
      %mul3A_552 = arith.constant 2 : i32
      %mul3A_553 = arith.muli %mul3A_552, %scan3A_520 : i32
      %mul3A_554 = arith.constant 2 : i32
      %mul3A_555 = arith.muli %mul3A_554, %mul3A_553 : i32
      %mul3A_556 = arith.constant 2 : i32
      %mul3A_557 = arith.muli %mul3A_556, %mul3A_553 : i32
      %add3A_558 = arith.constant 1 : i32
      %add3A_559 = arith.addi %mul3A_557, %add3A_558 : i32
      %dma_wait3A_560 = arith.constant 1 : i32
      %dma_wait3A_561 = arith.constant 0 : i32
      %dma_wait3A_562 = arith.constant 0 : i32
      %dma_wait3A_563 = tpu.memref_slice %arg6[%dma_wait3A_561, %dma_wait3A_562] : memref<200x32xf32, #tpu.memory_space<vmem>> -> memref<100x32xf32, #tpu.memory_space<vmem>>
      %dma_wait3A_564 = arith.constant 0 : i32
      %dma_wait3A_565 = tpu.memref_slice %arg5[%dma_wait3A_560, %mul3A_555, %dma_wait3A_564] : memref<2x128x100xi32, #tpu.memory_space<vmem>> -> memref<1x1x100xi32, #tpu.memory_space<vmem>>
      %dma_wait3A_566 = tpu.memref_squeeze %dma_wait3A_565 : memref<1x1x100xi32, #tpu.memory_space<vmem>> -> memref<100xi32, #tpu.memory_space<vmem>>
      %dma_wait3A_567 = arith.constant 0 : i32
      %dma_wait3A_568 = arith.constant 0 : i32
      %dma_wait3A_569 = tpu.memref_slice %arg3[%dma_wait3A_567, %dma_wait3A_568] : memref<1000000x32xf32, #tpu.memory_space<hbm>> -> memref<1000000x32xf32, #tpu.memory_space<hbm>>
      tpu.wait_indirect_dma semaphore(%arg9 : memref<!tpu.dma_semaphore, #tpu.memory_space<semaphore_mem>>) src(%dma_wait3A_569 : memref<1000000x32xf32, #tpu.memory_space<hbm>>) dst(%dma_wait3A_563 : memref<100x32xf32, #tpu.memory_space<vmem>>)
      %dma_wait3A_570 = arith.constant 1 : i32
      %dma_wait3A_571 = arith.constant 100 : i32
      %dma_wait3A_572 = arith.constant 0 : i32
      %dma_wait3A_573 = tpu.memref_slice %arg6[%dma_wait3A_571, %dma_wait3A_572] : memref<200x32xf32, #tpu.memory_space<vmem>> -> memref<100x32xf32, #tpu.memory_space<vmem>>
      %dma_wait3A_574 = arith.constant 0 : i32
      %dma_wait3A_575 = tpu.memref_slice %arg5[%dma_wait3A_570, %add3A_559, %dma_wait3A_574] : memref<2x128x100xi32, #tpu.memory_space<vmem>> -> memref<1x1x100xi32, #tpu.memory_space<vmem>>
      %dma_wait3A_576 = tpu.memref_squeeze %dma_wait3A_575 : memref<1x1x100xi32, #tpu.memory_space<vmem>> -> memref<100xi32, #tpu.memory_space<vmem>>
      %dma_wait3A_577 = arith.constant 0 : i32
      %dma_wait3A_578 = arith.constant 0 : i32
      %dma_wait3A_579 = tpu.memref_slice %arg3[%dma_wait3A_577, %dma_wait3A_578] : memref<1000000x32xf32, #tpu.memory_space<hbm>> -> memref<1000000x32xf32, #tpu.memory_space<hbm>>
      tpu.wait_indirect_dma semaphore(%arg9 : memref<!tpu.dma_semaphore, #tpu.memory_space<semaphore_mem>>) src(%dma_wait3A_579 : memref<1000000x32xf32, #tpu.memory_space<hbm>>) dst(%dma_wait3A_573 : memref<100x32xf32, #tpu.memory_space<vmem>>)
      %mul3A_580 = arith.constant 2 : i32
      %mul3A_581 = arith.muli %mul3A_580, %scan3A_520 : i32
      %broadcast_in_dim3A = arith.constant 0.000000e+00 : f32
      %broadcast_in_dim3A_582 = vector.broadcast %broadcast_in_dim3A : f32 to vector<16xf32>
      %broadcast_in_dim3A_583 = arith.constant 0.000000e+00 : f32
      %broadcast_in_dim3A_584 = vector.broadcast %broadcast_in_dim3A_583 : f32 to vector<16xf32>
      %scan3A_585 = arith.constant 0 : i32
      %scan3A_586 = arith.constant 25 : i32
      %scan3A_587 = arith.addi %scan3A_585, %scan3A_586 : i32
      %scan3A_588 = arith.constant 1 : i32
      %scan3A_589:2 = scf.for %scan3A_657 = %scan3A_585 to %scan3A_587 step %scan3A_588 iter_args(%scan3A_658 = %broadcast_in_dim3A_582, %scan3A_659 = %broadcast_in_dim3A_584) -> (vector<16xf32>, vector<16xf32>)  : i32 {
        %mul3A_660 = arith.constant 8 : i32
        %mul3A_661 = arith.muli %scan3A_657, %mul3A_660 : i32
        %add3A_662 = arith.constant 0 : i32
        %add3A_663 = arith.addi %mul3A_661, %add3A_662 : i32
        %get3A = arith.index_cast %add3A_663 : i32 to index
        %get3A_664 = arith.constant 0 : index
        %get3A_665 = tpu.vector_load %arg6[%get3A, %get3A_664] {strides = array<i32>} : memref<200x32xf32, #tpu.memory_space<vmem>>, vector<1x16xf32>,
        %get3A_666 = vector.shape_cast %get3A_665 : vector<1x16xf32> to vector<16xf32>
        %add3A_667 = arith.addf %scan3A_658, %get3A_666 : vector<16xf32>
        %get3A_668 = arith.index_cast %add3A_663 : i32 to index
        %get3A_669 = arith.constant 16 : index
        %get3A_670 = tpu.vector_load %arg6[%get3A_668, %get3A_669] {strides = array<i32>} : memref<200x32xf32, #tpu.memory_space<vmem>>, vector<1x16xf32>,
        %get3A_671 = vector.shape_cast %get3A_670 : vector<1x16xf32> to vector<16xf32>
        %add3A_672 = arith.addf %scan3A_659, %get3A_671 : vector<16xf32>
        %mul3A_673 = arith.constant 8 : i32
        %mul3A_674 = arith.muli %scan3A_657, %mul3A_673 : i32
        %add3A_675 = arith.constant 1 : i32
        %add3A_676 = arith.addi %mul3A_674, %add3A_675 : i32
        %get3A_677 = arith.index_cast %add3A_676 : i32 to index
        %get3A_678 = arith.constant 0 : index
        %get3A_679 = tpu.vector_load %arg6[%get3A_677, %get3A_678] {strides = array<i32>} : memref<200x32xf32, #tpu.memory_space<vmem>>, vector<1x16xf32>,
        %get3A_680 = vector.shape_cast %get3A_679 : vector<1x16xf32> to vector<16xf32>
        %add3A_681 = arith.addf %add3A_667, %get3A_680 : vector<16xf32>
        %get3A_682 = arith.index_cast %add3A_676 : i32 to index
        %get3A_683 = arith.constant 16 : index
        %get3A_684 = tpu.vector_load %arg6[%get3A_682, %get3A_683] {strides = array<i32>} : memref<200x32xf32, #tpu.memory_space<vmem>>, vector<1x16xf32>,
        %get3A_685 = vector.shape_cast %get3A_684 : vector<1x16xf32> to vector<16xf32>
        %add3A_686 = arith.addf %add3A_672, %get3A_685 : vector<16xf32>
        %mul3A_687 = arith.constant 8 : i32
        %mul3A_688 = arith.muli %scan3A_657, %mul3A_687 : i32
        %add3A_689 = arith.constant 2 : i32
        %add3A_690 = arith.addi %mul3A_688, %add3A_689 : i32
        %get3A_691 = arith.index_cast %add3A_690 : i32 to index
        %get3A_692 = arith.constant 0 : index
        %get3A_693 = tpu.vector_load %arg6[%get3A_691, %get3A_692] {strides = array<i32>} : memref<200x32xf32, #tpu.memory_space<vmem>>, vector<1x16xf32>,
        %get3A_694 = vector.shape_cast %get3A_693 : vector<1x16xf32> to vector<16xf32>
        %add3A_695 = arith.addf %add3A_681, %get3A_694 : vector<16xf32>
        %get3A_696 = arith.index_cast %add3A_690 : i32 to index
        %get3A_697 = arith.constant 16 : index
        %get3A_698 = tpu.vector_load %arg6[%get3A_696, %get3A_697] {strides = array<i32>} : memref<200x32xf32, #tpu.memory_space<vmem>>, vector<1x16xf32>,
        %get3A_699 = vector.shape_cast %get3A_698 : vector<1x16xf32> to vector<16xf32>
        %add3A_700 = arith.addf %add3A_686, %get3A_699 : vector<16xf32>
        %mul3A_701 = arith.constant 8 : i32
        %mul3A_702 = arith.muli %scan3A_657, %mul3A_701 : i32
        %add3A_703 = arith.constant 3 : i32
        %add3A_704 = arith.addi %mul3A_702, %add3A_703 : i32
        %get3A_705 = arith.index_cast %add3A_704 : i32 to index
        %get3A_706 = arith.constant 0 : index
        %get3A_707 = tpu.vector_load %arg6[%get3A_705, %get3A_706] {strides = array<i32>} : memref<200x32xf32, #tpu.memory_space<vmem>>, vector<1x16xf32>,
        %get3A_708 = vector.shape_cast %get3A_707 : vector<1x16xf32> to vector<16xf32>
        %add3A_709 = arith.addf %add3A_695, %get3A_708 : vector<16xf32>
        %get3A_710 = arith.index_cast %add3A_704 : i32 to index
        %get3A_711 = arith.constant 16 : index
        %get3A_712 = tpu.vector_load %arg6[%get3A_710, %get3A_711] {strides = array<i32>} : memref<200x32xf32, #tpu.memory_space<vmem>>, vector<1x16xf32>,
        %get3A_713 = vector.shape_cast %get3A_712 : vector<1x16xf32> to vector<16xf32>
        %add3A_714 = arith.addf %add3A_700, %get3A_713 : vector<16xf32>
        %mul3A_715 = arith.constant 8 : i32
        %mul3A_716 = arith.muli %scan3A_657, %mul3A_715 : i32
        %add3A_717 = arith.constant 4 : i32
        %add3A_718 = arith.addi %mul3A_716, %add3A_717 : i32
        %get3A_719 = arith.index_cast %add3A_718 : i32 to index
        %get3A_720 = arith.constant 0 : index
        %get3A_721 = tpu.vector_load %arg6[%get3A_719, %get3A_720] {strides = array<i32>} : memref<200x32xf32, #tpu.memory_space<vmem>>, vector<1x16xf32>,
        %get3A_722 = vector.shape_cast %get3A_721 : vector<1x16xf32> to vector<16xf32>
        %add3A_723 = arith.addf %add3A_709, %get3A_722 : vector<16xf32>
        %get3A_724 = arith.index_cast %add3A_718 : i32 to index
        %get3A_725 = arith.constant 16 : index
        %get3A_726 = tpu.vector_load %arg6[%get3A_724, %get3A_725] {strides = array<i32>} : memref<200x32xf32, #tpu.memory_space<vmem>>, vector<1x16xf32>,
        %get3A_727 = vector.shape_cast %get3A_726 : vector<1x16xf32> to vector<16xf32>
        %add3A_728 = arith.addf %add3A_714, %get3A_727 : vector<16xf32>
        %mul3A_729 = arith.constant 8 : i32
        %mul3A_730 = arith.muli %scan3A_657, %mul3A_729 : i32
        %add3A_731 = arith.constant 5 : i32
        %add3A_732 = arith.addi %mul3A_730, %add3A_731 : i32
        %get3A_733 = arith.index_cast %add3A_732 : i32 to index
        %get3A_734 = arith.constant 0 : index
        %get3A_735 = tpu.vector_load %arg6[%get3A_733, %get3A_734] {strides = array<i32>} : memref<200x32xf32, #tpu.memory_space<vmem>>, vector<1x16xf32>,
        %get3A_736 = vector.shape_cast %get3A_735 : vector<1x16xf32> to vector<16xf32>
        %add3A_737 = arith.addf %add3A_723, %get3A_736 : vector<16xf32>
        %get3A_738 = arith.index_cast %add3A_732 : i32 to index
        %get3A_739 = arith.constant 16 : index
        %get3A_740 = tpu.vector_load %arg6[%get3A_738, %get3A_739] {strides = array<i32>} : memref<200x32xf32, #tpu.memory_space<vmem>>, vector<1x16xf32>,
        %get3A_741 = vector.shape_cast %get3A_740 : vector<1x16xf32> to vector<16xf32>
        %add3A_742 = arith.addf %add3A_728, %get3A_741 : vector<16xf32>
        %mul3A_743 = arith.constant 8 : i32
        %mul3A_744 = arith.muli %scan3A_657, %mul3A_743 : i32
        %add3A_745 = arith.constant 6 : i32
        %add3A_746 = arith.addi %mul3A_744, %add3A_745 : i32
        %get3A_747 = arith.index_cast %add3A_746 : i32 to index
        %get3A_748 = arith.constant 0 : index
        %get3A_749 = tpu.vector_load %arg6[%get3A_747, %get3A_748] {strides = array<i32>} : memref<200x32xf32, #tpu.memory_space<vmem>>, vector<1x16xf32>,
        %get3A_750 = vector.shape_cast %get3A_749 : vector<1x16xf32> to vector<16xf32>
        %add3A_751 = arith.addf %add3A_737, %get3A_750 : vector<16xf32>
        %get3A_752 = arith.index_cast %add3A_746 : i32 to index
        %get3A_753 = arith.constant 16 : index
        %get3A_754 = tpu.vector_load %arg6[%get3A_752, %get3A_753] {strides = array<i32>} : memref<200x32xf32, #tpu.memory_space<vmem>>, vector<1x16xf32>,
        %get3A_755 = vector.shape_cast %get3A_754 : vector<1x16xf32> to vector<16xf32>
        %add3A_756 = arith.addf %add3A_742, %get3A_755 : vector<16xf32>
        %mul3A_757 = arith.constant 8 : i32
        %mul3A_758 = arith.muli %scan3A_657, %mul3A_757 : i32
        %add3A_759 = arith.constant 7 : i32
        %add3A_760 = arith.addi %mul3A_758, %add3A_759 : i32
        %get3A_761 = arith.index_cast %add3A_760 : i32 to index
        %get3A_762 = arith.constant 0 : index
        %get3A_763 = tpu.vector_load %arg6[%get3A_761, %get3A_762] {strides = array<i32>} : memref<200x32xf32, #tpu.memory_space<vmem>>, vector<1x16xf32>,
        %get3A_764 = vector.shape_cast %get3A_763 : vector<1x16xf32> to vector<16xf32>
        %add3A_765 = arith.addf %add3A_751, %get3A_764 : vector<16xf32>
        %get3A_766 = arith.index_cast %add3A_760 : i32 to index
        %get3A_767 = arith.constant 16 : index
        %get3A_768 = tpu.vector_load %arg6[%get3A_766, %get3A_767] {strides = array<i32>} : memref<200x32xf32, #tpu.memory_space<vmem>>, vector<1x16xf32>,
        %get3A_769 = vector.shape_cast %get3A_768 : vector<1x16xf32> to vector<16xf32>
        %add3A_770 = arith.addf %add3A_756, %get3A_769 : vector<16xf32>
        scf.yield %add3A_765, %add3A_770 : vector<16xf32>, vector<16xf32>
      }
      %scan3A_590 = arith.constant 25 : i32
      %swap3A = arith.index_cast %mul3A_581 : i32 to index
      %swap3A_591 = arith.constant 0 : index
      %swap3A_592 = tpu.vector_load %arg8[%swap3A, %swap3A_591] {strides = array<i32>} : memref<64x32xf32, #tpu.memory_space<vmem>>, vector<1x16xf32>,
      %swap3A_593 = vector.shape_cast %swap3A_592 : vector<1x16xf32> to vector<16xf32>
      %swap3A_594 = vector.shape_cast %scan3A_589#0 : vector<16xf32> to vector<1x16xf32>
      tpu.vector_store %arg8[%swap3A, %swap3A_591], %swap3A_594 {strides = array<i32>} : memref<64x32xf32, #tpu.memory_space<vmem>>, vector<1x16xf32>,
      %swap3A_595 = arith.index_cast %mul3A_581 : i32 to index
      %swap3A_596 = arith.constant 16 : index
      %swap3A_597 = tpu.vector_load %arg8[%swap3A_595, %swap3A_596] {strides = array<i32>} : memref<64x32xf32, #tpu.memory_space<vmem>>, vector<1x16xf32>,
      %swap3A_598 = vector.shape_cast %swap3A_597 : vector<1x16xf32> to vector<16xf32>
      %swap3A_599 = vector.shape_cast %scan3A_589#1 : vector<16xf32> to vector<1x16xf32>
      tpu.vector_store %arg8[%swap3A_595, %swap3A_596], %swap3A_599 {strides = array<i32>} : memref<64x32xf32, #tpu.memory_space<vmem>>, vector<1x16xf32>,
      %lt3A = arith.constant 31 : i32
      %lt3A_600 = arith.cmpi slt, %scan3A_520, %lt3A : i32
      %convert_element_type3A = arith.extui %lt3A_600 : i1 to i32
      %cond3A = arith.constant 0 : i32
      %cond3A_601 = arith.cmpi ne, %convert_element_type3A, %cond3A : i32
      scf.if %cond3A_601 {
        %mul3A_657 = arith.constant 2 : i32
        %mul3A_658 = arith.muli %mul3A_657, %scan3A_520 : i32
        %add3A_659 = arith.constant 2 : i32
        %add3A_660 = arith.addi %mul3A_658, %add3A_659 : i32
        %mul3A_661 = arith.constant 2 : i32
        %mul3A_662 = arith.muli %mul3A_661, %add3A_660 : i32
        %mul3A_663 = arith.constant 2 : i32
        %mul3A_664 = arith.muli %mul3A_663, %add3A_660 : i32
        %add3A_665 = arith.constant 1 : i32
        %add3A_666 = arith.addi %mul3A_664, %add3A_665 : i32
        %dma_start3A_667 = arith.constant 1 : i32
        %dma_start3A_668 = arith.constant 0 : i32
        %dma_start3A_669 = arith.constant 0 : i32
        %dma_start3A_670 = tpu.memref_slice %arg6[%dma_start3A_668, %dma_start3A_669] : memref<200x32xf32, #tpu.memory_space<vmem>> -> memref<100x32xf32, #tpu.memory_space<vmem>>
        %dma_start3A_671 = arith.constant 0 : i32
        %dma_start3A_672 = tpu.memref_slice %arg5[%dma_start3A_667, %mul3A_662, %dma_start3A_671] : memref<2x128x100xi32, #tpu.memory_space<vmem>> -> memref<1x1x100xi32, #tpu.memory_space<vmem>>
        %dma_start3A_673 = tpu.memref_squeeze %dma_start3A_672 : memref<1x1x100xi32, #tpu.memory_space<vmem>> -> memref<100xi32, #tpu.memory_space<vmem>>
        %dma_start3A_674 = arith.constant 0 : i32
        %dma_start3A_675 = arith.constant 0 : i32
        %dma_start3A_676 = tpu.memref_slice %arg3[%dma_start3A_674, %dma_start3A_675] : memref<1000000x32xf32, #tpu.memory_space<hbm>> -> memref<1000000x32xf32, #tpu.memory_space<hbm>>
        tpu.enqueue_indirect_dma source(%dma_start3A_676 : memref<1000000x32xf32, #tpu.memory_space<hbm>>) target(%dma_start3A_670 : memref<100x32xf32, #tpu.memory_space<vmem>>) offsets(%dma_start3A_673 : memref<100xi32, #tpu.memory_space<vmem>>) semaphore(%arg9 : memref<!tpu.dma_semaphore, #tpu.memory_space<semaphore_mem>>)
        %dma_start3A_677 = arith.constant 1 : i32
        %dma_start3A_678 = arith.constant 100 : i32
        %dma_start3A_679 = arith.constant 0 : i32
        %dma_start3A_680 = tpu.memref_slice %arg6[%dma_start3A_678, %dma_start3A_679] : memref<200x32xf32, #tpu.memory_space<vmem>> -> memref<100x32xf32, #tpu.memory_space<vmem>>
        %dma_start3A_681 = arith.constant 0 : i32
        %dma_start3A_682 = tpu.memref_slice %arg5[%dma_start3A_677, %add3A_666, %dma_start3A_681] : memref<2x128x100xi32, #tpu.memory_space<vmem>> -> memref<1x1x100xi32, #tpu.memory_space<vmem>>
        %dma_start3A_683 = tpu.memref_squeeze %dma_start3A_682 : memref<1x1x100xi32, #tpu.memory_space<vmem>> -> memref<100xi32, #tpu.memory_space<vmem>>
        %dma_start3A_684 = arith.constant 0 : i32
        %dma_start3A_685 = arith.constant 0 : i32
        %dma_start3A_686 = tpu.memref_slice %arg3[%dma_start3A_684, %dma_start3A_685] : memref<1000000x32xf32, #tpu.memory_space<hbm>> -> memref<1000000x32xf32, #tpu.memory_space<hbm>>
        tpu.enqueue_indirect_dma source(%dma_start3A_686 : memref<1000000x32xf32, #tpu.memory_space<hbm>>) target(%dma_start3A_680 : memref<100x32xf32, #tpu.memory_space<vmem>>) offsets(%dma_start3A_683 : memref<100xi32, #tpu.memory_space<vmem>>) semaphore(%arg9 : memref<!tpu.dma_semaphore, #tpu.memory_space<semaphore_mem>>)
      } else {
      }
      %mul3A_602 = arith.constant 2 : i32
      %mul3A_603 = arith.muli %mul3A_602, %scan3A_520 : i32
      %add3A_604 = arith.constant 1 : i32
      %add3A_605 = arith.addi %mul3A_603, %add3A_604 : i32
      %mul3A_606 = arith.constant 2 : i32
      %mul3A_607 = arith.muli %mul3A_606, %add3A_605 : i32
      %mul3A_608 = arith.constant 2 : i32
      %mul3A_609 = arith.muli %mul3A_608, %add3A_605 : i32
      %add3A_610 = arith.constant 1 : i32
      %add3A_611 = arith.addi %mul3A_609, %add3A_610 : i32
      %dma_wait3A_612 = arith.constant 1 : i32
      %dma_wait3A_613 = arith.constant 0 : i32
      %dma_wait3A_614 = arith.constant 0 : i32
      %dma_wait3A_615 = tpu.memref_slice %arg7[%dma_wait3A_613, %dma_wait3A_614] : memref<200x32xf32, #tpu.memory_space<vmem>> -> memref<100x32xf32, #tpu.memory_space<vmem>>
      %dma_wait3A_616 = arith.constant 0 : i32
      %dma_wait3A_617 = tpu.memref_slice %arg5[%dma_wait3A_612, %mul3A_607, %dma_wait3A_616] : memref<2x128x100xi32, #tpu.memory_space<vmem>> -> memref<1x1x100xi32, #tpu.memory_space<vmem>>
      %dma_wait3A_618 = tpu.memref_squeeze %dma_wait3A_617 : memref<1x1x100xi32, #tpu.memory_space<vmem>> -> memref<100xi32, #tpu.memory_space<vmem>>
      %dma_wait3A_619 = arith.constant 0 : i32
      %dma_wait3A_620 = arith.constant 0 : i32
      %dma_wait3A_621 = tpu.memref_slice %arg3[%dma_wait3A_619, %dma_wait3A_620] : memref<1000000x32xf32, #tpu.memory_space<hbm>> -> memref<1000000x32xf32, #tpu.memory_space<hbm>>
      tpu.wait_indirect_dma semaphore(%arg10 : memref<!tpu.dma_semaphore, #tpu.memory_space<semaphore_mem>>) src(%dma_wait3A_621 : memref<1000000x32xf32, #tpu.memory_space<hbm>>) dst(%dma_wait3A_615 : memref<100x32xf32, #tpu.memory_space<vmem>>)
      %dma_wait3A_622 = arith.constant 1 : i32
      %dma_wait3A_623 = arith.constant 100 : i32
      %dma_wait3A_624 = arith.constant 0 : i32
      %dma_wait3A_625 = tpu.memref_slice %arg7[%dma_wait3A_623, %dma_wait3A_624] : memref<200x32xf32, #tpu.memory_space<vmem>> -> memref<100x32xf32, #tpu.memory_space<vmem>>
      %dma_wait3A_626 = arith.constant 0 : i32
      %dma_wait3A_627 = tpu.memref_slice %arg5[%dma_wait3A_622, %add3A_611, %dma_wait3A_626] : memref<2x128x100xi32, #tpu.memory_space<vmem>> -> memref<1x1x100xi32, #tpu.memory_space<vmem>>
      %dma_wait3A_628 = tpu.memref_squeeze %dma_wait3A_627 : memref<1x1x100xi32, #tpu.memory_space<vmem>> -> memref<100xi32, #tpu.memory_space<vmem>>
      %dma_wait3A_629 = arith.constant 0 : i32
      %dma_wait3A_630 = arith.constant 0 : i32
      %dma_wait3A_631 = tpu.memref_slice %arg3[%dma_wait3A_629, %dma_wait3A_630] : memref<1000000x32xf32, #tpu.memory_space<hbm>> -> memref<1000000x32xf32, #tpu.memory_space<hbm>>
      tpu.wait_indirect_dma semaphore(%arg10 : memref<!tpu.dma_semaphore, #tpu.memory_space<semaphore_mem>>) src(%dma_wait3A_631 : memref<1000000x32xf32, #tpu.memory_space<hbm>>) dst(%dma_wait3A_625 : memref<100x32xf32, #tpu.memory_space<vmem>>)
      %mul3A_632 = arith.constant 2 : i32
      %mul3A_633 = arith.muli %mul3A_632, %scan3A_520 : i32
      %add3A_634 = arith.constant 1 : i32
      %add3A_635 = arith.addi %mul3A_633, %add3A_634 : i32
      %broadcast_in_dim3A_636 = arith.constant 0.000000e+00 : f32
      %broadcast_in_dim3A_637 = vector.broadcast %broadcast_in_dim3A_636 : f32 to vector<16xf32>
      %broadcast_in_dim3A_638 = arith.constant 0.000000e+00 : f32
      %broadcast_in_dim3A_639 = vector.broadcast %broadcast_in_dim3A_638 : f32 to vector<16xf32>
      %scan3A_640 = arith.constant 0 : i32
      %scan3A_641 = arith.constant 25 : i32
      %scan3A_642 = arith.addi %scan3A_640, %scan3A_641 : i32
      %scan3A_643 = arith.constant 1 : i32
      %scan3A_644:2 = scf.for %scan3A_657 = %scan3A_640 to %scan3A_642 step %scan3A_643 iter_args(%scan3A_658 = %broadcast_in_dim3A_637, %scan3A_659 = %broadcast_in_dim3A_639) -> (vector<16xf32>, vector<16xf32>)  : i32 {
        %mul3A_660 = arith.constant 8 : i32
        %mul3A_661 = arith.muli %scan3A_657, %mul3A_660 : i32
        %add3A_662 = arith.constant 0 : i32
        %add3A_663 = arith.addi %mul3A_661, %add3A_662 : i32
        %get3A = arith.index_cast %add3A_663 : i32 to index
        %get3A_664 = arith.constant 0 : index
        %get3A_665 = tpu.vector_load %arg7[%get3A, %get3A_664] {strides = array<i32>} : memref<200x32xf32, #tpu.memory_space<vmem>>, vector<1x16xf32>,
        %get3A_666 = vector.shape_cast %get3A_665 : vector<1x16xf32> to vector<16xf32>
        %add3A_667 = arith.addf %scan3A_658, %get3A_666 : vector<16xf32>
        %get3A_668 = arith.index_cast %add3A_663 : i32 to index
        %get3A_669 = arith.constant 16 : index
        %get3A_670 = tpu.vector_load %arg7[%get3A_668, %get3A_669] {strides = array<i32>} : memref<200x32xf32, #tpu.memory_space<vmem>>, vector<1x16xf32>,
        %get3A_671 = vector.shape_cast %get3A_670 : vector<1x16xf32> to vector<16xf32>
        %add3A_672 = arith.addf %scan3A_659, %get3A_671 : vector<16xf32>
        %mul3A_673 = arith.constant 8 : i32
        %mul3A_674 = arith.muli %scan3A_657, %mul3A_673 : i32
        %add3A_675 = arith.constant 1 : i32
        %add3A_676 = arith.addi %mul3A_674, %add3A_675 : i32
        %get3A_677 = arith.index_cast %add3A_676 : i32 to index
        %get3A_678 = arith.constant 0 : index
        %get3A_679 = tpu.vector_load %arg7[%get3A_677, %get3A_678] {strides = array<i32>} : memref<200x32xf32, #tpu.memory_space<vmem>>, vector<1x16xf32>,
        %get3A_680 = vector.shape_cast %get3A_679 : vector<1x16xf32> to vector<16xf32>
        %add3A_681 = arith.addf %add3A_667, %get3A_680 : vector<16xf32>
        %get3A_682 = arith.index_cast %add3A_676 : i32 to index
        %get3A_683 = arith.constant 16 : index
        %get3A_684 = tpu.vector_load %arg7[%get3A_682, %get3A_683] {strides = array<i32>} : memref<200x32xf32, #tpu.memory_space<vmem>>, vector<1x16xf32>,
        %get3A_685 = vector.shape_cast %get3A_684 : vector<1x16xf32> to vector<16xf32>
        %add3A_686 = arith.addf %add3A_672, %get3A_685 : vector<16xf32>
        %mul3A_687 = arith.constant 8 : i32
        %mul3A_688 = arith.muli %scan3A_657, %mul3A_687 : i32
        %add3A_689 = arith.constant 2 : i32
        %add3A_690 = arith.addi %mul3A_688, %add3A_689 : i32
        %get3A_691 = arith.index_cast %add3A_690 : i32 to index
        %get3A_692 = arith.constant 0 : index
        %get3A_693 = tpu.vector_load %arg7[%get3A_691, %get3A_692] {strides = array<i32>} : memref<200x32xf32, #tpu.memory_space<vmem>>, vector<1x16xf32>,
        %get3A_694 = vector.shape_cast %get3A_693 : vector<1x16xf32> to vector<16xf32>
        %add3A_695 = arith.addf %add3A_681, %get3A_694 : vector<16xf32>
        %get3A_696 = arith.index_cast %add3A_690 : i32 to index
        %get3A_697 = arith.constant 16 : index
        %get3A_698 = tpu.vector_load %arg7[%get3A_696, %get3A_697] {strides = array<i32>} : memref<200x32xf32, #tpu.memory_space<vmem>>, vector<1x16xf32>,
        %get3A_699 = vector.shape_cast %get3A_698 : vector<1x16xf32> to vector<16xf32>
        %add3A_700 = arith.addf %add3A_686, %get3A_699 : vector<16xf32>
        %mul3A_701 = arith.constant 8 : i32
        %mul3A_702 = arith.muli %scan3A_657, %mul3A_701 : i32
        %add3A_703 = arith.constant 3 : i32
        %add3A_704 = arith.addi %mul3A_702, %add3A_703 : i32
        %get3A_705 = arith.index_cast %add3A_704 : i32 to index
        %get3A_706 = arith.constant 0 : index
        %get3A_707 = tpu.vector_load %arg7[%get3A_705, %get3A_706] {strides = array<i32>} : memref<200x32xf32, #tpu.memory_space<vmem>>, vector<1x16xf32>,
        %get3A_708 = vector.shape_cast %get3A_707 : vector<1x16xf32> to vector<16xf32>
        %add3A_709 = arith.addf %add3A_695, %get3A_708 : vector<16xf32>
        %get3A_710 = arith.index_cast %add3A_704 : i32 to index
        %get3A_711 = arith.constant 16 : index
        %get3A_712 = tpu.vector_load %arg7[%get3A_710, %get3A_711] {strides = array<i32>} : memref<200x32xf32, #tpu.memory_space<vmem>>, vector<1x16xf32>,
        %get3A_713 = vector.shape_cast %get3A_712 : vector<1x16xf32> to vector<16xf32>
        %add3A_714 = arith.addf %add3A_700, %get3A_713 : vector<16xf32>
        %mul3A_715 = arith.constant 8 : i32
        %mul3A_716 = arith.muli %scan3A_657, %mul3A_715 : i32
        %add3A_717 = arith.constant 4 : i32
        %add3A_718 = arith.addi %mul3A_716, %add3A_717 : i32
        %get3A_719 = arith.index_cast %add3A_718 : i32 to index
        %get3A_720 = arith.constant 0 : index
        %get3A_721 = tpu.vector_load %arg7[%get3A_719, %get3A_720] {strides = array<i32>} : memref<200x32xf32, #tpu.memory_space<vmem>>, vector<1x16xf32>,
        %get3A_722 = vector.shape_cast %get3A_721 : vector<1x16xf32> to vector<16xf32>
        %add3A_723 = arith.addf %add3A_709, %get3A_722 : vector<16xf32>
        %get3A_724 = arith.index_cast %add3A_718 : i32 to index
        %get3A_725 = arith.constant 16 : index
        %get3A_726 = tpu.vector_load %arg7[%get3A_724, %get3A_725] {strides = array<i32>} : memref<200x32xf32, #tpu.memory_space<vmem>>, vector<1x16xf32>,
        %get3A_727 = vector.shape_cast %get3A_726 : vector<1x16xf32> to vector<16xf32>
        %add3A_728 = arith.addf %add3A_714, %get3A_727 : vector<16xf32>
        %mul3A_729 = arith.constant 8 : i32
        %mul3A_730 = arith.muli %scan3A_657, %mul3A_729 : i32
        %add3A_731 = arith.constant 5 : i32
        %add3A_732 = arith.addi %mul3A_730, %add3A_731 : i32
        %get3A_733 = arith.index_cast %add3A_732 : i32 to index
        %get3A_734 = arith.constant 0 : index
        %get3A_735 = tpu.vector_load %arg7[%get3A_733, %get3A_734] {strides = array<i32>} : memref<200x32xf32, #tpu.memory_space<vmem>>, vector<1x16xf32>,
        %get3A_736 = vector.shape_cast %get3A_735 : vector<1x16xf32> to vector<16xf32>
        %add3A_737 = arith.addf %add3A_723, %get3A_736 : vector<16xf32>
        %get3A_738 = arith.index_cast %add3A_732 : i32 to index
        %get3A_739 = arith.constant 16 : index
        %get3A_740 = tpu.vector_load %arg7[%get3A_738, %get3A_739] {strides = array<i32>} : memref<200x32xf32, #tpu.memory_space<vmem>>, vector<1x16xf32>,
        %get3A_741 = vector.shape_cast %get3A_740 : vector<1x16xf32> to vector<16xf32>
        %add3A_742 = arith.addf %add3A_728, %get3A_741 : vector<16xf32>
        %mul3A_743 = arith.constant 8 : i32
        %mul3A_744 = arith.muli %scan3A_657, %mul3A_743 : i32
        %add3A_745 = arith.constant 6 : i32
        %add3A_746 = arith.addi %mul3A_744, %add3A_745 : i32
        %get3A_747 = arith.index_cast %add3A_746 : i32 to index
        %get3A_748 = arith.constant 0 : index
        %get3A_749 = tpu.vector_load %arg7[%get3A_747, %get3A_748] {strides = array<i32>} : memref<200x32xf32, #tpu.memory_space<vmem>>, vector<1x16xf32>,
        %get3A_750 = vector.shape_cast %get3A_749 : vector<1x16xf32> to vector<16xf32>
        %add3A_751 = arith.addf %add3A_737, %get3A_750 : vector<16xf32>
        %get3A_752 = arith.index_cast %add3A_746 : i32 to index
        %get3A_753 = arith.constant 16 : index
        %get3A_754 = tpu.vector_load %arg7[%get3A_752, %get3A_753] {strides = array<i32>} : memref<200x32xf32, #tpu.memory_space<vmem>>, vector<1x16xf32>,
        %get3A_755 = vector.shape_cast %get3A_754 : vector<1x16xf32> to vector<16xf32>
        %add3A_756 = arith.addf %add3A_742, %get3A_755 : vector<16xf32>
        %mul3A_757 = arith.constant 8 : i32
        %mul3A_758 = arith.muli %scan3A_657, %mul3A_757 : i32
        %add3A_759 = arith.constant 7 : i32
        %add3A_760 = arith.addi %mul3A_758, %add3A_759 : i32
        %get3A_761 = arith.index_cast %add3A_760 : i32 to index
        %get3A_762 = arith.constant 0 : index
        %get3A_763 = tpu.vector_load %arg7[%get3A_761, %get3A_762] {strides = array<i32>} : memref<200x32xf32, #tpu.memory_space<vmem>>, vector<1x16xf32>,
        %get3A_764 = vector.shape_cast %get3A_763 : vector<1x16xf32> to vector<16xf32>
        %add3A_765 = arith.addf %add3A_751, %get3A_764 : vector<16xf32>
        %get3A_766 = arith.index_cast %add3A_760 : i32 to index
        %get3A_767 = arith.constant 16 : index
        %get3A_768 = tpu.vector_load %arg7[%get3A_766, %get3A_767] {strides = array<i32>} : memref<200x32xf32, #tpu.memory_space<vmem>>, vector<1x16xf32>,
        %get3A_769 = vector.shape_cast %get3A_768 : vector<1x16xf32> to vector<16xf32>
        %add3A_770 = arith.addf %add3A_756, %get3A_769 : vector<16xf32>
        scf.yield %add3A_765, %add3A_770 : vector<16xf32>, vector<16xf32>
      }
      %scan3A_645 = arith.constant 25 : i32
      %swap3A_646 = arith.index_cast %add3A_635 : i32 to index
      %swap3A_647 = arith.constant 0 : index
      %swap3A_648 = tpu.vector_load %arg8[%swap3A_646, %swap3A_647] {strides = array<i32>} : memref<64x32xf32, #tpu.memory_space<vmem>>, vector<1x16xf32>,
      %swap3A_649 = vector.shape_cast %swap3A_648 : vector<1x16xf32> to vector<16xf32>
      %swap3A_650 = vector.shape_cast %scan3A_644#0 : vector<16xf32> to vector<1x16xf32>
      tpu.vector_store %arg8[%swap3A_646, %swap3A_647], %swap3A_650 {strides = array<i32>} : memref<64x32xf32, #tpu.memory_space<vmem>>, vector<1x16xf32>,
      %swap3A_651 = arith.index_cast %add3A_635 : i32 to index
      %swap3A_652 = arith.constant 16 : index
      %swap3A_653 = tpu.vector_load %arg8[%swap3A_651, %swap3A_652] {strides = array<i32>} : memref<64x32xf32, #tpu.memory_space<vmem>>, vector<1x16xf32>,
      %swap3A_654 = vector.shape_cast %swap3A_653 : vector<1x16xf32> to vector<16xf32>
      %swap3A_655 = vector.shape_cast %scan3A_644#1 : vector<16xf32> to vector<1x16xf32>
      tpu.vector_store %arg8[%swap3A_651, %swap3A_652], %swap3A_655 {strides = array<i32>} : memref<64x32xf32, #tpu.memory_space<vmem>>, vector<1x16xf32>,
      %scan3A_656 = arith.constant 0 : i32
      scf.yield %scan3A_656 : i32
    }
    %scan3A_146 = arith.constant 32 : i32
    "tpu.region"() ({
      %run_scoped3A = tpu.sem_alloc : memref<!tpu.dma_semaphore, #tpu.memory_space<semaphore_mem>>
      %dma_start3A_520 = arith.constant 0 : i32
      %dma_start3A_521 = tpu.memref_slice %arg4[%add3A_139, %dma_start3A_520] : memref<16384x32xf32, #tpu.memory_space<hbm>> -> memref<64x32xf32, #tpu.memory_space<hbm>>
      %dma_start3A_522 = arith.constant 0 : i32
      %dma_start3A_523 = tpu.memref_slice %arg4[%add3A_139, %dma_start3A_522] : memref<16384x32xf32, #tpu.memory_space<hbm>> -> memref<64x32xf32, #tpu.memory_space<hbm>>
      tpu.enqueue_dma source(%arg8 : memref<64x32xf32, #tpu.memory_space<vmem>>) target(%dma_start3A_523 : memref<64x32xf32, #tpu.memory_space<hbm>>) target_semaphore(%run_scoped3A : memref<!tpu.dma_semaphore, #tpu.memory_space<semaphore_mem>>)
      %dma_wait3A_524 = arith.constant 0 : i32
      %dma_wait3A_525 = tpu.memref_slice %arg4[%add3A_139, %dma_wait3A_524] : memref<16384x32xf32, #tpu.memory_space<hbm>> -> memref<64x32xf32, #tpu.memory_space<hbm>>
      %dma_wait3A_526 = arith.constant 0 : i32
      %dma_wait3A_527 = tpu.memref_slice %arg4[%add3A_139, %dma_wait3A_526] : memref<16384x32xf32, #tpu.memory_space<hbm>> -> memref<64x32xf32, #tpu.memory_space<hbm>>
      tpu.wait_dma2 semaphore(%run_scoped3A : memref<!tpu.dma_semaphore, #tpu.memory_space<semaphore_mem>>) src(%arg8 : memref<64x32xf32, #tpu.memory_space<vmem>>) dst(%dma_wait3A_527 : memref<64x32xf32, #tpu.memory_space<hbm>>)
      tpu.yield
    }) : () -> ()
    %add3A_147 = arith.constant 128 : i32
    %add3A_148 = arith.addi %mul3A_2, %add3A_147 : i32
    %mul3A_149 = arith.constant 2 : i32
    %mul3A_150 = arith.muli %add3A_148, %mul3A_149 : i32
    %dma_wait3A_151 = arith.constant 0 : i32
    %dma_wait3A_152 = arith.constant 0 : i32
    %dma_wait3A_153 = arith.constant 0 : i32
    %dma_wait3A_154 = tpu.memref_slice %arg5[%dma_wait3A_151, %dma_wait3A_152, %dma_wait3A_153] : memref<2x128x100xi32, #tpu.memory_space<vmem>> -> memref<1x128x100xi32, #tpu.memory_space<vmem>>
    %dma_wait3A_155 = tpu.memref_squeeze %dma_wait3A_154 : memref<1x128x100xi32, #tpu.memory_space<vmem>> -> memref<128x100xi32, #tpu.memory_space<vmem>>
    %dma_wait3A_156 = arith.constant 0 : i32
    %dma_wait3A_157 = tpu.memref_slice %arg2[%mul3A_150, %dma_wait3A_156] : memref<32768x100xi32, #tpu.memory_space<hbm>> -> memref<128x100xi32, #tpu.memory_space<hbm>>
    %dma_wait3A_158 = arith.constant 0 : i32
    %dma_wait3A_159 = arith.constant 0 : i32
    %dma_wait3A_160 = tpu.memref_slice %arg5[%dma_wait3A_151, %dma_wait3A_158, %dma_wait3A_159] : memref<2x128x100xi32, #tpu.memory_space<vmem>> -> memref<1x128x100xi32, #tpu.memory_space<vmem>>
    %dma_wait3A_161 = tpu.memref_squeeze %dma_wait3A_160 : memref<1x128x100xi32, #tpu.memory_space<vmem>> -> memref<128x100xi32, #tpu.memory_space<vmem>>
    %dma_wait3A_162 = arith.constant 0 : i32
    %dma_wait3A_163 = tpu.memref_slice %arg2[%mul3A_150, %dma_wait3A_162] : memref<32768x100xi32, #tpu.memory_space<hbm>> -> memref<128x100xi32, #tpu.memory_space<hbm>>
    tpu.wait_dma2 semaphore(%arg11 : memref<!tpu.dma_semaphore, #tpu.memory_space<semaphore_mem>>) src(%dma_wait3A_163 : memref<128x100xi32, #tpu.memory_space<hbm>>) dst(%dma_wait3A_161 : memref<128x100xi32, #tpu.memory_space<vmem>>)
    %add3A_164 = arith.constant 192 : i32
    %add3A_165 = arith.addi %mul3A_2, %add3A_164 : i32
    %mul3A_166 = arith.constant 2 : i32
    %mul3A_167 = arith.muli %add3A_165, %mul3A_166 : i32
    %dma_start3A_168 = arith.constant 1 : i32
    %dma_start3A_169 = arith.constant 0 : i32
    %dma_start3A_170 = arith.constant 0 : i32
    %dma_start3A_171 = tpu.memref_slice %arg5[%dma_start3A_168, %dma_start3A_169, %dma_start3A_170] : memref<2x128x100xi32, #tpu.memory_space<vmem>> -> memref<1x128x100xi32, #tpu.memory_space<vmem>>
    %dma_start3A_172 = tpu.memref_squeeze %dma_start3A_171 : memref<1x128x100xi32, #tpu.memory_space<vmem>> -> memref<128x100xi32, #tpu.memory_space<vmem>>
    %dma_start3A_173 = arith.constant 0 : i32
    %dma_start3A_174 = tpu.memref_slice %arg2[%mul3A_167, %dma_start3A_173] : memref<32768x100xi32, #tpu.memory_space<hbm>> -> memref<128x100xi32, #tpu.memory_space<hbm>>
    %dma_start3A_175 = arith.constant 0 : i32
    %dma_start3A_176 = arith.constant 0 : i32
    %dma_start3A_177 = tpu.memref_slice %arg5[%dma_start3A_168, %dma_start3A_175, %dma_start3A_176] : memref<2x128x100xi32, #tpu.memory_space<vmem>> -> memref<1x128x100xi32, #tpu.memory_space<vmem>>
    %dma_start3A_178 = tpu.memref_squeeze %dma_start3A_177 : memref<1x128x100xi32, #tpu.memory_space<vmem>> -> memref<128x100xi32, #tpu.memory_space<vmem>>
    %dma_start3A_179 = arith.constant 0 : i32
    %dma_start3A_180 = tpu.memref_slice %arg2[%mul3A_167, %dma_start3A_179] : memref<32768x100xi32, #tpu.memory_space<hbm>> -> memref<128x100xi32, #tpu.memory_space<hbm>>
    tpu.enqueue_dma source(%dma_start3A_180 : memref<128x100xi32, #tpu.memory_space<hbm>>) target(%dma_start3A_178 : memref<128x100xi32, #tpu.memory_space<vmem>>) target_semaphore(%arg11 : memref<!tpu.dma_semaphore, #tpu.memory_space<semaphore_mem>>)
    %dma_start3A_181 = arith.constant 0 : i32
    %dma_start3A_182 = arith.constant 0 : i32
    %dma_start3A_183 = arith.constant 0 : i32
    %dma_start3A_184 = arith.constant 0 : i32
    %dma_start3A_185 = tpu.memref_slice %arg6[%dma_start3A_183, %dma_start3A_184] : memref<200x32xf32, #tpu.memory_space<vmem>> -> memref<100x32xf32, #tpu.memory_space<vmem>>
    %dma_start3A_186 = arith.constant 0 : i32
    %dma_start3A_187 = tpu.memref_slice %arg5[%dma_start3A_181, %dma_start3A_182, %dma_start3A_186] : memref<2x128x100xi32, #tpu.memory_space<vmem>> -> memref<1x1x100xi32, #tpu.memory_space<vmem>>
    %dma_start3A_188 = tpu.memref_squeeze %dma_start3A_187 : memref<1x1x100xi32, #tpu.memory_space<vmem>> -> memref<100xi32, #tpu.memory_space<vmem>>
    %dma_start3A_189 = arith.constant 0 : i32
    %dma_start3A_190 = arith.constant 0 : i32
    %dma_start3A_191 = tpu.memref_slice %arg3[%dma_start3A_189, %dma_start3A_190] : memref<1000000x32xf32, #tpu.memory_space<hbm>> -> memref<1000000x32xf32, #tpu.memory_space<hbm>>
    tpu.enqueue_indirect_dma source(%dma_start3A_191 : memref<1000000x32xf32, #tpu.memory_space<hbm>>) target(%dma_start3A_185 : memref<100x32xf32, #tpu.memory_space<vmem>>) offsets(%dma_start3A_188 : memref<100xi32, #tpu.memory_space<vmem>>) semaphore(%arg9 : memref<!tpu.dma_semaphore, #tpu.memory_space<semaphore_mem>>)
    %dma_start3A_192 = arith.constant 0 : i32
    %dma_start3A_193 = arith.constant 1 : i32
    %dma_start3A_194 = arith.constant 100 : i32
    %dma_start3A_195 = arith.constant 0 : i32
    %dma_start3A_196 = tpu.memref_slice %arg6[%dma_start3A_194, %dma_start3A_195] : memref<200x32xf32, #tpu.memory_space<vmem>> -> memref<100x32xf32, #tpu.memory_space<vmem>>
    %dma_start3A_197 = arith.constant 0 : i32
    %dma_start3A_198 = tpu.memref_slice %arg5[%dma_start3A_192, %dma_start3A_193, %dma_start3A_197] : memref<2x128x100xi32, #tpu.memory_space<vmem>> -> memref<1x1x100xi32, #tpu.memory_space<vmem>>
    %dma_start3A_199 = tpu.memref_squeeze %dma_start3A_198 : memref<1x1x100xi32, #tpu.memory_space<vmem>> -> memref<100xi32, #tpu.memory_space<vmem>>
    %dma_start3A_200 = arith.constant 0 : i32
    %dma_start3A_201 = arith.constant 0 : i32
    %dma_start3A_202 = tpu.memref_slice %arg3[%dma_start3A_200, %dma_start3A_201] : memref<1000000x32xf32, #tpu.memory_space<hbm>> -> memref<1000000x32xf32, #tpu.memory_space<hbm>>
    tpu.enqueue_indirect_dma source(%dma_start3A_202 : memref<1000000x32xf32, #tpu.memory_space<hbm>>) target(%dma_start3A_196 : memref<100x32xf32, #tpu.memory_space<vmem>>) offsets(%dma_start3A_199 : memref<100xi32, #tpu.memory_space<vmem>>) semaphore(%arg9 : memref<!tpu.dma_semaphore, #tpu.memory_space<semaphore_mem>>)
    %add3A_203 = arith.constant 128 : i32
    %add3A_204 = arith.addi %mul3A_2, %add3A_203 : i32
    %scan3A_205 = arith.constant 0 : i32
    %scan3A_206 = arith.constant 0 : i32
    %scan3A_207 = arith.constant 32 : i32
    %scan3A_208 = arith.addi %scan3A_206, %scan3A_207 : i32
    %scan3A_209 = arith.constant 1 : i32
    %scan3A_210 = scf.for %scan3A_520 = %scan3A_206 to %scan3A_208 step %scan3A_209 iter_args(%scan3A_521 = %scan3A_205) -> (i32)  : i32 {
      %mul3A_522 = arith.constant 2 : i32
      %mul3A_523 = arith.muli %mul3A_522, %scan3A_520 : i32
      %add3A_524 = arith.constant 1 : i32
      %add3A_525 = arith.addi %mul3A_523, %add3A_524 : i32
      %mul3A_526 = arith.constant 2 : i32
      %mul3A_527 = arith.muli %mul3A_526, %add3A_525 : i32
      %mul3A_528 = arith.constant 2 : i32
      %mul3A_529 = arith.muli %mul3A_528, %add3A_525 : i32
      %add3A_530 = arith.constant 1 : i32
      %add3A_531 = arith.addi %mul3A_529, %add3A_530 : i32
      %dma_start3A_532 = arith.constant 0 : i32
      %dma_start3A_533 = arith.constant 0 : i32
      %dma_start3A_534 = arith.constant 0 : i32
      %dma_start3A_535 = tpu.memref_slice %arg7[%dma_start3A_533, %dma_start3A_534] : memref<200x32xf32, #tpu.memory_space<vmem>> -> memref<100x32xf32, #tpu.memory_space<vmem>>
      %dma_start3A_536 = arith.constant 0 : i32
      %dma_start3A_537 = tpu.memref_slice %arg5[%dma_start3A_532, %mul3A_527, %dma_start3A_536] : memref<2x128x100xi32, #tpu.memory_space<vmem>> -> memref<1x1x100xi32, #tpu.memory_space<vmem>>
      %dma_start3A_538 = tpu.memref_squeeze %dma_start3A_537 : memref<1x1x100xi32, #tpu.memory_space<vmem>> -> memref<100xi32, #tpu.memory_space<vmem>>
      %dma_start3A_539 = arith.constant 0 : i32
      %dma_start3A_540 = arith.constant 0 : i32
      %dma_start3A_541 = tpu.memref_slice %arg3[%dma_start3A_539, %dma_start3A_540] : memref<1000000x32xf32, #tpu.memory_space<hbm>> -> memref<1000000x32xf32, #tpu.memory_space<hbm>>
      tpu.enqueue_indirect_dma source(%dma_start3A_541 : memref<1000000x32xf32, #tpu.memory_space<hbm>>) target(%dma_start3A_535 : memref<100x32xf32, #tpu.memory_space<vmem>>) offsets(%dma_start3A_538 : memref<100xi32, #tpu.memory_space<vmem>>) semaphore(%arg10 : memref<!tpu.dma_semaphore, #tpu.memory_space<semaphore_mem>>)
      %dma_start3A_542 = arith.constant 0 : i32
      %dma_start3A_543 = arith.constant 100 : i32
      %dma_start3A_544 = arith.constant 0 : i32
      %dma_start3A_545 = tpu.memref_slice %arg7[%dma_start3A_543, %dma_start3A_544] : memref<200x32xf32, #tpu.memory_space<vmem>> -> memref<100x32xf32, #tpu.memory_space<vmem>>
      %dma_start3A_546 = arith.constant 0 : i32
      %dma_start3A_547 = tpu.memref_slice %arg5[%dma_start3A_542, %add3A_531, %dma_start3A_546] : memref<2x128x100xi32, #tpu.memory_space<vmem>> -> memref<1x1x100xi32, #tpu.memory_space<vmem>>
      %dma_start3A_548 = tpu.memref_squeeze %dma_start3A_547 : memref<1x1x100xi32, #tpu.memory_space<vmem>> -> memref<100xi32, #tpu.memory_space<vmem>>
      %dma_start3A_549 = arith.constant 0 : i32
      %dma_start3A_550 = arith.constant 0 : i32
      %dma_start3A_551 = tpu.memref_slice %arg3[%dma_start3A_549, %dma_start3A_550] : memref<1000000x32xf32, #tpu.memory_space<hbm>> -> memref<1000000x32xf32, #tpu.memory_space<hbm>>
      tpu.enqueue_indirect_dma source(%dma_start3A_551 : memref<1000000x32xf32, #tpu.memory_space<hbm>>) target(%dma_start3A_545 : memref<100x32xf32, #tpu.memory_space<vmem>>) offsets(%dma_start3A_548 : memref<100xi32, #tpu.memory_space<vmem>>) semaphore(%arg10 : memref<!tpu.dma_semaphore, #tpu.memory_space<semaphore_mem>>)
      %mul3A_552 = arith.constant 2 : i32
      %mul3A_553 = arith.muli %mul3A_552, %scan3A_520 : i32
      %mul3A_554 = arith.constant 2 : i32
      %mul3A_555 = arith.muli %mul3A_554, %mul3A_553 : i32
      %mul3A_556 = arith.constant 2 : i32
      %mul3A_557 = arith.muli %mul3A_556, %mul3A_553 : i32
      %add3A_558 = arith.constant 1 : i32
      %add3A_559 = arith.addi %mul3A_557, %add3A_558 : i32
      %dma_wait3A_560 = arith.constant 0 : i32
      %dma_wait3A_561 = arith.constant 0 : i32
      %dma_wait3A_562 = arith.constant 0 : i32
      %dma_wait3A_563 = tpu.memref_slice %arg6[%dma_wait3A_561, %dma_wait3A_562] : memref<200x32xf32, #tpu.memory_space<vmem>> -> memref<100x32xf32, #tpu.memory_space<vmem>>
      %dma_wait3A_564 = arith.constant 0 : i32
      %dma_wait3A_565 = tpu.memref_slice %arg5[%dma_wait3A_560, %mul3A_555, %dma_wait3A_564] : memref<2x128x100xi32, #tpu.memory_space<vmem>> -> memref<1x1x100xi32, #tpu.memory_space<vmem>>
      %dma_wait3A_566 = tpu.memref_squeeze %dma_wait3A_565 : memref<1x1x100xi32, #tpu.memory_space<vmem>> -> memref<100xi32, #tpu.memory_space<vmem>>
      %dma_wait3A_567 = arith.constant 0 : i32
      %dma_wait3A_568 = arith.constant 0 : i32
      %dma_wait3A_569 = tpu.memref_slice %arg3[%dma_wait3A_567, %dma_wait3A_568] : memref<1000000x32xf32, #tpu.memory_space<hbm>> -> memref<1000000x32xf32, #tpu.memory_space<hbm>>
      tpu.wait_indirect_dma semaphore(%arg9 : memref<!tpu.dma_semaphore, #tpu.memory_space<semaphore_mem>>) src(%dma_wait3A_569 : memref<1000000x32xf32, #tpu.memory_space<hbm>>) dst(%dma_wait3A_563 : memref<100x32xf32, #tpu.memory_space<vmem>>)
      %dma_wait3A_570 = arith.constant 0 : i32
      %dma_wait3A_571 = arith.constant 100 : i32
      %dma_wait3A_572 = arith.constant 0 : i32
      %dma_wait3A_573 = tpu.memref_slice %arg6[%dma_wait3A_571, %dma_wait3A_572] : memref<200x32xf32, #tpu.memory_space<vmem>> -> memref<100x32xf32, #tpu.memory_space<vmem>>
      %dma_wait3A_574 = arith.constant 0 : i32
      %dma_wait3A_575 = tpu.memref_slice %arg5[%dma_wait3A_570, %add3A_559, %dma_wait3A_574] : memref<2x128x100xi32, #tpu.memory_space<vmem>> -> memref<1x1x100xi32, #tpu.memory_space<vmem>>
      %dma_wait3A_576 = tpu.memref_squeeze %dma_wait3A_575 : memref<1x1x100xi32, #tpu.memory_space<vmem>> -> memref<100xi32, #tpu.memory_space<vmem>>
      %dma_wait3A_577 = arith.constant 0 : i32
      %dma_wait3A_578 = arith.constant 0 : i32
      %dma_wait3A_579 = tpu.memref_slice %arg3[%dma_wait3A_577, %dma_wait3A_578] : memref<1000000x32xf32, #tpu.memory_space<hbm>> -> memref<1000000x32xf32, #tpu.memory_space<hbm>>
      tpu.wait_indirect_dma semaphore(%arg9 : memref<!tpu.dma_semaphore, #tpu.memory_space<semaphore_mem>>) src(%dma_wait3A_579 : memref<1000000x32xf32, #tpu.memory_space<hbm>>) dst(%dma_wait3A_573 : memref<100x32xf32, #tpu.memory_space<vmem>>)
      %mul3A_580 = arith.constant 2 : i32
      %mul3A_581 = arith.muli %mul3A_580, %scan3A_520 : i32
      %broadcast_in_dim3A = arith.constant 0.000000e+00 : f32
      %broadcast_in_dim3A_582 = vector.broadcast %broadcast_in_dim3A : f32 to vector<16xf32>
      %broadcast_in_dim3A_583 = arith.constant 0.000000e+00 : f32
      %broadcast_in_dim3A_584 = vector.broadcast %broadcast_in_dim3A_583 : f32 to vector<16xf32>
      %scan3A_585 = arith.constant 0 : i32
      %scan3A_586 = arith.constant 25 : i32
      %scan3A_587 = arith.addi %scan3A_585, %scan3A_586 : i32
      %scan3A_588 = arith.constant 1 : i32
      %scan3A_589:2 = scf.for %scan3A_657 = %scan3A_585 to %scan3A_587 step %scan3A_588 iter_args(%scan3A_658 = %broadcast_in_dim3A_582, %scan3A_659 = %broadcast_in_dim3A_584) -> (vector<16xf32>, vector<16xf32>)  : i32 {
        %mul3A_660 = arith.constant 8 : i32
        %mul3A_661 = arith.muli %scan3A_657, %mul3A_660 : i32
        %add3A_662 = arith.constant 0 : i32
        %add3A_663 = arith.addi %mul3A_661, %add3A_662 : i32
        %get3A = arith.index_cast %add3A_663 : i32 to index
        %get3A_664 = arith.constant 0 : index
        %get3A_665 = tpu.vector_load %arg6[%get3A, %get3A_664] {strides = array<i32>} : memref<200x32xf32, #tpu.memory_space<vmem>>, vector<1x16xf32>,
        %get3A_666 = vector.shape_cast %get3A_665 : vector<1x16xf32> to vector<16xf32>
        %add3A_667 = arith.addf %scan3A_658, %get3A_666 : vector<16xf32>
        %get3A_668 = arith.index_cast %add3A_663 : i32 to index
        %get3A_669 = arith.constant 16 : index
        %get3A_670 = tpu.vector_load %arg6[%get3A_668, %get3A_669] {strides = array<i32>} : memref<200x32xf32, #tpu.memory_space<vmem>>, vector<1x16xf32>,
        %get3A_671 = vector.shape_cast %get3A_670 : vector<1x16xf32> to vector<16xf32>
        %add3A_672 = arith.addf %scan3A_659, %get3A_671 : vector<16xf32>
        %mul3A_673 = arith.constant 8 : i32
        %mul3A_674 = arith.muli %scan3A_657, %mul3A_673 : i32
        %add3A_675 = arith.constant 1 : i32
        %add3A_676 = arith.addi %mul3A_674, %add3A_675 : i32
        %get3A_677 = arith.index_cast %add3A_676 : i32 to index
        %get3A_678 = arith.constant 0 : index
        %get3A_679 = tpu.vector_load %arg6[%get3A_677, %get3A_678] {strides = array<i32>} : memref<200x32xf32, #tpu.memory_space<vmem>>, vector<1x16xf32>,
        %get3A_680 = vector.shape_cast %get3A_679 : vector<1x16xf32> to vector<16xf32>
        %add3A_681 = arith.addf %add3A_667, %get3A_680 : vector<16xf32>
        %get3A_682 = arith.index_cast %add3A_676 : i32 to index
        %get3A_683 = arith.constant 16 : index
        %get3A_684 = tpu.vector_load %arg6[%get3A_682, %get3A_683] {strides = array<i32>} : memref<200x32xf32, #tpu.memory_space<vmem>>, vector<1x16xf32>,
        %get3A_685 = vector.shape_cast %get3A_684 : vector<1x16xf32> to vector<16xf32>
        %add3A_686 = arith.addf %add3A_672, %get3A_685 : vector<16xf32>
        %mul3A_687 = arith.constant 8 : i32
        %mul3A_688 = arith.muli %scan3A_657, %mul3A_687 : i32
        %add3A_689 = arith.constant 2 : i32
        %add3A_690 = arith.addi %mul3A_688, %add3A_689 : i32
        %get3A_691 = arith.index_cast %add3A_690 : i32 to index
        %get3A_692 = arith.constant 0 : index
        %get3A_693 = tpu.vector_load %arg6[%get3A_691, %get3A_692] {strides = array<i32>} : memref<200x32xf32, #tpu.memory_space<vmem>>, vector<1x16xf32>,
        %get3A_694 = vector.shape_cast %get3A_693 : vector<1x16xf32> to vector<16xf32>
        %add3A_695 = arith.addf %add3A_681, %get3A_694 : vector<16xf32>
        %get3A_696 = arith.index_cast %add3A_690 : i32 to index
        %get3A_697 = arith.constant 16 : index
        %get3A_698 = tpu.vector_load %arg6[%get3A_696, %get3A_697] {strides = array<i32>} : memref<200x32xf32, #tpu.memory_space<vmem>>, vector<1x16xf32>,
        %get3A_699 = vector.shape_cast %get3A_698 : vector<1x16xf32> to vector<16xf32>
        %add3A_700 = arith.addf %add3A_686, %get3A_699 : vector<16xf32>
        %mul3A_701 = arith.constant 8 : i32
        %mul3A_702 = arith.muli %scan3A_657, %mul3A_701 : i32
        %add3A_703 = arith.constant 3 : i32
        %add3A_704 = arith.addi %mul3A_702, %add3A_703 : i32
        %get3A_705 = arith.index_cast %add3A_704 : i32 to index
        %get3A_706 = arith.constant 0 : index
        %get3A_707 = tpu.vector_load %arg6[%get3A_705, %get3A_706] {strides = array<i32>} : memref<200x32xf32, #tpu.memory_space<vmem>>, vector<1x16xf32>,
        %get3A_708 = vector.shape_cast %get3A_707 : vector<1x16xf32> to vector<16xf32>
        %add3A_709 = arith.addf %add3A_695, %get3A_708 : vector<16xf32>
        %get3A_710 = arith.index_cast %add3A_704 : i32 to index
        %get3A_711 = arith.constant 16 : index
        %get3A_712 = tpu.vector_load %arg6[%get3A_710, %get3A_711] {strides = array<i32>} : memref<200x32xf32, #tpu.memory_space<vmem>>, vector<1x16xf32>,
        %get3A_713 = vector.shape_cast %get3A_712 : vector<1x16xf32> to vector<16xf32>
        %add3A_714 = arith.addf %add3A_700, %get3A_713 : vector<16xf32>
        %mul3A_715 = arith.constant 8 : i32
        %mul3A_716 = arith.muli %scan3A_657, %mul3A_715 : i32
        %add3A_717 = arith.constant 4 : i32
        %add3A_718 = arith.addi %mul3A_716, %add3A_717 : i32
        %get3A_719 = arith.index_cast %add3A_718 : i32 to index
        %get3A_720 = arith.constant 0 : index
        %get3A_721 = tpu.vector_load %arg6[%get3A_719, %get3A_720] {strides = array<i32>} : memref<200x32xf32, #tpu.memory_space<vmem>>, vector<1x16xf32>,
        %get3A_722 = vector.shape_cast %get3A_721 : vector<1x16xf32> to vector<16xf32>
        %add3A_723 = arith.addf %add3A_709, %get3A_722 : vector<16xf32>
        %get3A_724 = arith.index_cast %add3A_718 : i32 to index
        %get3A_725 = arith.constant 16 : index
        %get3A_726 = tpu.vector_load %arg6[%get3A_724, %get3A_725] {strides = array<i32>} : memref<200x32xf32, #tpu.memory_space<vmem>>, vector<1x16xf32>,
        %get3A_727 = vector.shape_cast %get3A_726 : vector<1x16xf32> to vector<16xf32>
        %add3A_728 = arith.addf %add3A_714, %get3A_727 : vector<16xf32>
        %mul3A_729 = arith.constant 8 : i32
        %mul3A_730 = arith.muli %scan3A_657, %mul3A_729 : i32
        %add3A_731 = arith.constant 5 : i32
        %add3A_732 = arith.addi %mul3A_730, %add3A_731 : i32
        %get3A_733 = arith.index_cast %add3A_732 : i32 to index
        %get3A_734 = arith.constant 0 : index
        %get3A_735 = tpu.vector_load %arg6[%get3A_733, %get3A_734] {strides = array<i32>} : memref<200x32xf32, #tpu.memory_space<vmem>>, vector<1x16xf32>,
        %get3A_736 = vector.shape_cast %get3A_735 : vector<1x16xf32> to vector<16xf32>
        %add3A_737 = arith.addf %add3A_723, %get3A_736 : vector<16xf32>
        %get3A_738 = arith.index_cast %add3A_732 : i32 to index
        %get3A_739 = arith.constant 16 : index
        %get3A_740 = tpu.vector_load %arg6[%get3A_738, %get3A_739] {strides = array<i32>} : memref<200x32xf32, #tpu.memory_space<vmem>>, vector<1x16xf32>,
        %get3A_741 = vector.shape_cast %get3A_740 : vector<1x16xf32> to vector<16xf32>
        %add3A_742 = arith.addf %add3A_728, %get3A_741 : vector<16xf32>
        %mul3A_743 = arith.constant 8 : i32
        %mul3A_744 = arith.muli %scan3A_657, %mul3A_743 : i32
        %add3A_745 = arith.constant 6 : i32
        %add3A_746 = arith.addi %mul3A_744, %add3A_745 : i32
        %get3A_747 = arith.index_cast %add3A_746 : i32 to index
        %get3A_748 = arith.constant 0 : index
        %get3A_749 = tpu.vector_load %arg6[%get3A_747, %get3A_748] {strides = array<i32>} : memref<200x32xf32, #tpu.memory_space<vmem>>, vector<1x16xf32>,
        %get3A_750 = vector.shape_cast %get3A_749 : vector<1x16xf32> to vector<16xf32>
        %add3A_751 = arith.addf %add3A_737, %get3A_750 : vector<16xf32>
        %get3A_752 = arith.index_cast %add3A_746 : i32 to index
        %get3A_753 = arith.constant 16 : index
        %get3A_754 = tpu.vector_load %arg6[%get3A_752, %get3A_753] {strides = array<i32>} : memref<200x32xf32, #tpu.memory_space<vmem>>, vector<1x16xf32>,
        %get3A_755 = vector.shape_cast %get3A_754 : vector<1x16xf32> to vector<16xf32>
        %add3A_756 = arith.addf %add3A_742, %get3A_755 : vector<16xf32>
        %mul3A_757 = arith.constant 8 : i32
        %mul3A_758 = arith.muli %scan3A_657, %mul3A_757 : i32
        %add3A_759 = arith.constant 7 : i32
        %add3A_760 = arith.addi %mul3A_758, %add3A_759 : i32
        %get3A_761 = arith.index_cast %add3A_760 : i32 to index
        %get3A_762 = arith.constant 0 : index
        %get3A_763 = tpu.vector_load %arg6[%get3A_761, %get3A_762] {strides = array<i32>} : memref<200x32xf32, #tpu.memory_space<vmem>>, vector<1x16xf32>,
        %get3A_764 = vector.shape_cast %get3A_763 : vector<1x16xf32> to vector<16xf32>
        %add3A_765 = arith.addf %add3A_751, %get3A_764 : vector<16xf32>
        %get3A_766 = arith.index_cast %add3A_760 : i32 to index
        %get3A_767 = arith.constant 16 : index
        %get3A_768 = tpu.vector_load %arg6[%get3A_766, %get3A_767] {strides = array<i32>} : memref<200x32xf32, #tpu.memory_space<vmem>>, vector<1x16xf32>,
        %get3A_769 = vector.shape_cast %get3A_768 : vector<1x16xf32> to vector<16xf32>
        %add3A_770 = arith.addf %add3A_756, %get3A_769 : vector<16xf32>
        scf.yield %add3A_765, %add3A_770 : vector<16xf32>, vector<16xf32>
      }
      %scan3A_590 = arith.constant 25 : i32
      %swap3A = arith.index_cast %mul3A_581 : i32 to index
      %swap3A_591 = arith.constant 0 : index
      %swap3A_592 = tpu.vector_load %arg8[%swap3A, %swap3A_591] {strides = array<i32>} : memref<64x32xf32, #tpu.memory_space<vmem>>, vector<1x16xf32>,
      %swap3A_593 = vector.shape_cast %swap3A_592 : vector<1x16xf32> to vector<16xf32>
      %swap3A_594 = vector.shape_cast %scan3A_589#0 : vector<16xf32> to vector<1x16xf32>
      tpu.vector_store %arg8[%swap3A, %swap3A_591], %swap3A_594 {strides = array<i32>} : memref<64x32xf32, #tpu.memory_space<vmem>>, vector<1x16xf32>,
      %swap3A_595 = arith.index_cast %mul3A_581 : i32 to index
      %swap3A_596 = arith.constant 16 : index
      %swap3A_597 = tpu.vector_load %arg8[%swap3A_595, %swap3A_596] {strides = array<i32>} : memref<64x32xf32, #tpu.memory_space<vmem>>, vector<1x16xf32>,
      %swap3A_598 = vector.shape_cast %swap3A_597 : vector<1x16xf32> to vector<16xf32>
      %swap3A_599 = vector.shape_cast %scan3A_589#1 : vector<16xf32> to vector<1x16xf32>
      tpu.vector_store %arg8[%swap3A_595, %swap3A_596], %swap3A_599 {strides = array<i32>} : memref<64x32xf32, #tpu.memory_space<vmem>>, vector<1x16xf32>,
      %lt3A = arith.constant 31 : i32
      %lt3A_600 = arith.cmpi slt, %scan3A_520, %lt3A : i32
      %convert_element_type3A = arith.extui %lt3A_600 : i1 to i32
      %cond3A = arith.constant 0 : i32
      %cond3A_601 = arith.cmpi ne, %convert_element_type3A, %cond3A : i32
      scf.if %cond3A_601 {
        %mul3A_657 = arith.constant 2 : i32
        %mul3A_658 = arith.muli %mul3A_657, %scan3A_520 : i32
        %add3A_659 = arith.constant 2 : i32
        %add3A_660 = arith.addi %mul3A_658, %add3A_659 : i32
        %mul3A_661 = arith.constant 2 : i32
        %mul3A_662 = arith.muli %mul3A_661, %add3A_660 : i32
        %mul3A_663 = arith.constant 2 : i32
        %mul3A_664 = arith.muli %mul3A_663, %add3A_660 : i32
        %add3A_665 = arith.constant 1 : i32
        %add3A_666 = arith.addi %mul3A_664, %add3A_665 : i32
        %dma_start3A_667 = arith.constant 0 : i32
        %dma_start3A_668 = arith.constant 0 : i32
        %dma_start3A_669 = arith.constant 0 : i32
        %dma_start3A_670 = tpu.memref_slice %arg6[%dma_start3A_668, %dma_start3A_669] : memref<200x32xf32, #tpu.memory_space<vmem>> -> memref<100x32xf32, #tpu.memory_space<vmem>>
        %dma_start3A_671 = arith.constant 0 : i32
        %dma_start3A_672 = tpu.memref_slice %arg5[%dma_start3A_667, %mul3A_662, %dma_start3A_671] : memref<2x128x100xi32, #tpu.memory_space<vmem>> -> memref<1x1x100xi32, #tpu.memory_space<vmem>>
        %dma_start3A_673 = tpu.memref_squeeze %dma_start3A_672 : memref<1x1x100xi32, #tpu.memory_space<vmem>> -> memref<100xi32, #tpu.memory_space<vmem>>
        %dma_start3A_674 = arith.constant 0 : i32
        %dma_start3A_675 = arith.constant 0 : i32
        %dma_start3A_676 = tpu.memref_slice %arg3[%dma_start3A_674, %dma_start3A_675] : memref<1000000x32xf32, #tpu.memory_space<hbm>> -> memref<1000000x32xf32, #tpu.memory_space<hbm>>
        tpu.enqueue_indirect_dma source(%dma_start3A_676 : memref<1000000x32xf32, #tpu.memory_space<hbm>>) target(%dma_start3A_670 : memref<100x32xf32, #tpu.memory_space<vmem>>) offsets(%dma_start3A_673 : memref<100xi32, #tpu.memory_space<vmem>>) semaphore(%arg9 : memref<!tpu.dma_semaphore, #tpu.memory_space<semaphore_mem>>)
        %dma_start3A_677 = arith.constant 0 : i32
        %dma_start3A_678 = arith.constant 100 : i32
        %dma_start3A_679 = arith.constant 0 : i32
        %dma_start3A_680 = tpu.memref_slice %arg6[%dma_start3A_678, %dma_start3A_679] : memref<200x32xf32, #tpu.memory_space<vmem>> -> memref<100x32xf32, #tpu.memory_space<vmem>>
        %dma_start3A_681 = arith.constant 0 : i32
        %dma_start3A_682 = tpu.memref_slice %arg5[%dma_start3A_677, %add3A_666, %dma_start3A_681] : memref<2x128x100xi32, #tpu.memory_space<vmem>> -> memref<1x1x100xi32, #tpu.memory_space<vmem>>
        %dma_start3A_683 = tpu.memref_squeeze %dma_start3A_682 : memref<1x1x100xi32, #tpu.memory_space<vmem>> -> memref<100xi32, #tpu.memory_space<vmem>>
        %dma_start3A_684 = arith.constant 0 : i32
        %dma_start3A_685 = arith.constant 0 : i32
        %dma_start3A_686 = tpu.memref_slice %arg3[%dma_start3A_684, %dma_start3A_685] : memref<1000000x32xf32, #tpu.memory_space<hbm>> -> memref<1000000x32xf32, #tpu.memory_space<hbm>>
        tpu.enqueue_indirect_dma source(%dma_start3A_686 : memref<1000000x32xf32, #tpu.memory_space<hbm>>) target(%dma_start3A_680 : memref<100x32xf32, #tpu.memory_space<vmem>>) offsets(%dma_start3A_683 : memref<100xi32, #tpu.memory_space<vmem>>) semaphore(%arg9 : memref<!tpu.dma_semaphore, #tpu.memory_space<semaphore_mem>>)
      } else {
      }
      %mul3A_602 = arith.constant 2 : i32
      %mul3A_603 = arith.muli %mul3A_602, %scan3A_520 : i32
      %add3A_604 = arith.constant 1 : i32
      %add3A_605 = arith.addi %mul3A_603, %add3A_604 : i32
      %mul3A_606 = arith.constant 2 : i32
      %mul3A_607 = arith.muli %mul3A_606, %add3A_605 : i32
      %mul3A_608 = arith.constant 2 : i32
      %mul3A_609 = arith.muli %mul3A_608, %add3A_605 : i32
      %add3A_610 = arith.constant 1 : i32
      %add3A_611 = arith.addi %mul3A_609, %add3A_610 : i32
      %dma_wait3A_612 = arith.constant 0 : i32
      %dma_wait3A_613 = arith.constant 0 : i32
      %dma_wait3A_614 = arith.constant 0 : i32
      %dma_wait3A_615 = tpu.memref_slice %arg7[%dma_wait3A_613, %dma_wait3A_614] : memref<200x32xf32, #tpu.memory_space<vmem>> -> memref<100x32xf32, #tpu.memory_space<vmem>>
      %dma_wait3A_616 = arith.constant 0 : i32
      %dma_wait3A_617 = tpu.memref_slice %arg5[%dma_wait3A_612, %mul3A_607, %dma_wait3A_616] : memref<2x128x100xi32, #tpu.memory_space<vmem>> -> memref<1x1x100xi32, #tpu.memory_space<vmem>>
      %dma_wait3A_618 = tpu.memref_squeeze %dma_wait3A_617 : memref<1x1x100xi32, #tpu.memory_space<vmem>> -> memref<100xi32, #tpu.memory_space<vmem>>
      %dma_wait3A_619 = arith.constant 0 : i32
      %dma_wait3A_620 = arith.constant 0 : i32
      %dma_wait3A_621 = tpu.memref_slice %arg3[%dma_wait3A_619, %dma_wait3A_620] : memref<1000000x32xf32, #tpu.memory_space<hbm>> -> memref<1000000x32xf32, #tpu.memory_space<hbm>>
      tpu.wait_indirect_dma semaphore(%arg10 : memref<!tpu.dma_semaphore, #tpu.memory_space<semaphore_mem>>) src(%dma_wait3A_621 : memref<1000000x32xf32, #tpu.memory_space<hbm>>) dst(%dma_wait3A_615 : memref<100x32xf32, #tpu.memory_space<vmem>>)
      %dma_wait3A_622 = arith.constant 0 : i32
      %dma_wait3A_623 = arith.constant 100 : i32
      %dma_wait3A_624 = arith.constant 0 : i32
      %dma_wait3A_625 = tpu.memref_slice %arg7[%dma_wait3A_623, %dma_wait3A_624] : memref<200x32xf32, #tpu.memory_space<vmem>> -> memref<100x32xf32, #tpu.memory_space<vmem>>
      %dma_wait3A_626 = arith.constant 0 : i32
      %dma_wait3A_627 = tpu.memref_slice %arg5[%dma_wait3A_622, %add3A_611, %dma_wait3A_626] : memref<2x128x100xi32, #tpu.memory_space<vmem>> -> memref<1x1x100xi32, #tpu.memory_space<vmem>>
      %dma_wait3A_628 = tpu.memref_squeeze %dma_wait3A_627 : memref<1x1x100xi32, #tpu.memory_space<vmem>> -> memref<100xi32, #tpu.memory_space<vmem>>
      %dma_wait3A_629 = arith.constant 0 : i32
      %dma_wait3A_630 = arith.constant 0 : i32
      %dma_wait3A_631 = tpu.memref_slice %arg3[%dma_wait3A_629, %dma_wait3A_630] : memref<1000000x32xf32, #tpu.memory_space<hbm>> -> memref<1000000x32xf32, #tpu.memory_space<hbm>>
      tpu.wait_indirect_dma semaphore(%arg10 : memref<!tpu.dma_semaphore, #tpu.memory_space<semaphore_mem>>) src(%dma_wait3A_631 : memref<1000000x32xf32, #tpu.memory_space<hbm>>) dst(%dma_wait3A_625 : memref<100x32xf32, #tpu.memory_space<vmem>>)
      %mul3A_632 = arith.constant 2 : i32
      %mul3A_633 = arith.muli %mul3A_632, %scan3A_520 : i32
      %add3A_634 = arith.constant 1 : i32
      %add3A_635 = arith.addi %mul3A_633, %add3A_634 : i32
      %broadcast_in_dim3A_636 = arith.constant 0.000000e+00 : f32
      %broadcast_in_dim3A_637 = vector.broadcast %broadcast_in_dim3A_636 : f32 to vector<16xf32>
      %broadcast_in_dim3A_638 = arith.constant 0.000000e+00 : f32
      %broadcast_in_dim3A_639 = vector.broadcast %broadcast_in_dim3A_638 : f32 to vector<16xf32>
      %scan3A_640 = arith.constant 0 : i32
      %scan3A_641 = arith.constant 25 : i32
      %scan3A_642 = arith.addi %scan3A_640, %scan3A_641 : i32
      %scan3A_643 = arith.constant 1 : i32
      %scan3A_644:2 = scf.for %scan3A_657 = %scan3A_640 to %scan3A_642 step %scan3A_643 iter_args(%scan3A_658 = %broadcast_in_dim3A_637, %scan3A_659 = %broadcast_in_dim3A_639) -> (vector<16xf32>, vector<16xf32>)  : i32 {
        %mul3A_660 = arith.constant 8 : i32
        %mul3A_661 = arith.muli %scan3A_657, %mul3A_660 : i32
        %add3A_662 = arith.constant 0 : i32
        %add3A_663 = arith.addi %mul3A_661, %add3A_662 : i32
        %get3A = arith.index_cast %add3A_663 : i32 to index
        %get3A_664 = arith.constant 0 : index
        %get3A_665 = tpu.vector_load %arg7[%get3A, %get3A_664] {strides = array<i32>} : memref<200x32xf32, #tpu.memory_space<vmem>>, vector<1x16xf32>,
        %get3A_666 = vector.shape_cast %get3A_665 : vector<1x16xf32> to vector<16xf32>
        %add3A_667 = arith.addf %scan3A_658, %get3A_666 : vector<16xf32>
        %get3A_668 = arith.index_cast %add3A_663 : i32 to index
        %get3A_669 = arith.constant 16 : index
        %get3A_670 = tpu.vector_load %arg7[%get3A_668, %get3A_669] {strides = array<i32>} : memref<200x32xf32, #tpu.memory_space<vmem>>, vector<1x16xf32>,
        %get3A_671 = vector.shape_cast %get3A_670 : vector<1x16xf32> to vector<16xf32>
        %add3A_672 = arith.addf %scan3A_659, %get3A_671 : vector<16xf32>
        %mul3A_673 = arith.constant 8 : i32
        %mul3A_674 = arith.muli %scan3A_657, %mul3A_673 : i32
        %add3A_675 = arith.constant 1 : i32
        %add3A_676 = arith.addi %mul3A_674, %add3A_675 : i32
        %get3A_677 = arith.index_cast %add3A_676 : i32 to index
        %get3A_678 = arith.constant 0 : index
        %get3A_679 = tpu.vector_load %arg7[%get3A_677, %get3A_678] {strides = array<i32>} : memref<200x32xf32, #tpu.memory_space<vmem>>, vector<1x16xf32>,
        %get3A_680 = vector.shape_cast %get3A_679 : vector<1x16xf32> to vector<16xf32>
        %add3A_681 = arith.addf %add3A_667, %get3A_680 : vector<16xf32>
        %get3A_682 = arith.index_cast %add3A_676 : i32 to index
        %get3A_683 = arith.constant 16 : index
        %get3A_684 = tpu.vector_load %arg7[%get3A_682, %get3A_683] {strides = array<i32>} : memref<200x32xf32, #tpu.memory_space<vmem>>, vector<1x16xf32>,
        %get3A_685 = vector.shape_cast %get3A_684 : vector<1x16xf32> to vector<16xf32>
        %add3A_686 = arith.addf %add3A_672, %get3A_685 : vector<16xf32>
        %mul3A_687 = arith.constant 8 : i32
        %mul3A_688 = arith.muli %scan3A_657, %mul3A_687 : i32
        %add3A_689 = arith.constant 2 : i32
        %add3A_690 = arith.addi %mul3A_688, %add3A_689 : i32
        %get3A_691 = arith.index_cast %add3A_690 : i32 to index
        %get3A_692 = arith.constant 0 : index
        %get3A_693 = tpu.vector_load %arg7[%get3A_691, %get3A_692] {strides = array<i32>} : memref<200x32xf32, #tpu.memory_space<vmem>>, vector<1x16xf32>,
        %get3A_694 = vector.shape_cast %get3A_693 : vector<1x16xf32> to vector<16xf32>
        %add3A_695 = arith.addf %add3A_681, %get3A_694 : vector<16xf32>
        %get3A_696 = arith.index_cast %add3A_690 : i32 to index
        %get3A_697 = arith.constant 16 : index
        %get3A_698 = tpu.vector_load %arg7[%get3A_696, %get3A_697] {strides = array<i32>} : memref<200x32xf32, #tpu.memory_space<vmem>>, vector<1x16xf32>,
        %get3A_699 = vector.shape_cast %get3A_698 : vector<1x16xf32> to vector<16xf32>
        %add3A_700 = arith.addf %add3A_686, %get3A_699 : vector<16xf32>
        %mul3A_701 = arith.constant 8 : i32
        %mul3A_702 = arith.muli %scan3A_657, %mul3A_701 : i32
        %add3A_703 = arith.constant 3 : i32
        %add3A_704 = arith.addi %mul3A_702, %add3A_703 : i32
        %get3A_705 = arith.index_cast %add3A_704 : i32 to index
        %get3A_706 = arith.constant 0 : index
        %get3A_707 = tpu.vector_load %arg7[%get3A_705, %get3A_706] {strides = array<i32>} : memref<200x32xf32, #tpu.memory_space<vmem>>, vector<1x16xf32>,
        %get3A_708 = vector.shape_cast %get3A_707 : vector<1x16xf32> to vector<16xf32>
        %add3A_709 = arith.addf %add3A_695, %get3A_708 : vector<16xf32>
        %get3A_710 = arith.index_cast %add3A_704 : i32 to index
        %get3A_711 = arith.constant 16 : index
        %get3A_712 = tpu.vector_load %arg7[%get3A_710, %get3A_711] {strides = array<i32>} : memref<200x32xf32, #tpu.memory_space<vmem>>, vector<1x16xf32>,
        %get3A_713 = vector.shape_cast %get3A_712 : vector<1x16xf32> to vector<16xf32>
        %add3A_714 = arith.addf %add3A_700, %get3A_713 : vector<16xf32>
        %mul3A_715 = arith.constant 8 : i32
        %mul3A_716 = arith.muli %scan3A_657, %mul3A_715 : i32
        %add3A_717 = arith.constant 4 : i32
        %add3A_718 = arith.addi %mul3A_716, %add3A_717 : i32
        %get3A_719 = arith.index_cast %add3A_718 : i32 to index
        %get3A_720 = arith.constant 0 : index
        %get3A_721 = tpu.vector_load %arg7[%get3A_719, %get3A_720] {strides = array<i32>} : memref<200x32xf32, #tpu.memory_space<vmem>>, vector<1x16xf32>,
        %get3A_722 = vector.shape_cast %get3A_721 : vector<1x16xf32> to vector<16xf32>
        %add3A_723 = arith.addf %add3A_709, %get3A_722 : vector<16xf32>
        %get3A_724 = arith.index_cast %add3A_718 : i32 to index
        %get3A_725 = arith.constant 16 : index
        %get3A_726 = tpu.vector_load %arg7[%get3A_724, %get3A_725] {strides = array<i32>} : memref<200x32xf32, #tpu.memory_space<vmem>>, vector<1x16xf32>,
        %get3A_727 = vector.shape_cast %get3A_726 : vector<1x16xf32> to vector<16xf32>
        %add3A_728 = arith.addf %add3A_714, %get3A_727 : vector<16xf32>
        %mul3A_729 = arith.constant 8 : i32
        %mul3A_730 = arith.muli %scan3A_657, %mul3A_729 : i32
        %add3A_731 = arith.constant 5 : i32
        %add3A_732 = arith.addi %mul3A_730, %add3A_731 : i32
        %get3A_733 = arith.index_cast %add3A_732 : i32 to index
        %get3A_734 = arith.constant 0 : index
        %get3A_735 = tpu.vector_load %arg7[%get3A_733, %get3A_734] {strides = array<i32>} : memref<200x32xf32, #tpu.memory_space<vmem>>, vector<1x16xf32>,
        %get3A_736 = vector.shape_cast %get3A_735 : vector<1x16xf32> to vector<16xf32>
        %add3A_737 = arith.addf %add3A_723, %get3A_736 : vector<16xf32>
        %get3A_738 = arith.index_cast %add3A_732 : i32 to index
        %get3A_739 = arith.constant 16 : index
        %get3A_740 = tpu.vector_load %arg7[%get3A_738, %get3A_739] {strides = array<i32>} : memref<200x32xf32, #tpu.memory_space<vmem>>, vector<1x16xf32>,
        %get3A_741 = vector.shape_cast %get3A_740 : vector<1x16xf32> to vector<16xf32>
        %add3A_742 = arith.addf %add3A_728, %get3A_741 : vector<16xf32>
        %mul3A_743 = arith.constant 8 : i32
        %mul3A_744 = arith.muli %scan3A_657, %mul3A_743 : i32
        %add3A_745 = arith.constant 6 : i32
        %add3A_746 = arith.addi %mul3A_744, %add3A_745 : i32
        %get3A_747 = arith.index_cast %add3A_746 : i32 to index
        %get3A_748 = arith.constant 0 : index
        %get3A_749 = tpu.vector_load %arg7[%get3A_747, %get3A_748] {strides = array<i32>} : memref<200x32xf32, #tpu.memory_space<vmem>>, vector<1x16xf32>,
        %get3A_750 = vector.shape_cast %get3A_749 : vector<1x16xf32> to vector<16xf32>
        %add3A_751 = arith.addf %add3A_737, %get3A_750 : vector<16xf32>
        %get3A_752 = arith.index_cast %add3A_746 : i32 to index
        %get3A_753 = arith.constant 16 : index
        %get3A_754 = tpu.vector_load %arg7[%get3A_752, %get3A_753] {strides = array<i32>} : memref<200x32xf32, #tpu.memory_space<vmem>>, vector<1x16xf32>,
        %get3A_755 = vector.shape_cast %get3A_754 : vector<1x16xf32> to vector<16xf32>
        %add3A_756 = arith.addf %add3A_742, %get3A_755 : vector<16xf32>
        %mul3A_757 = arith.constant 8 : i32
        %mul3A_758 = arith.muli %scan3A_657, %mul3A_757 : i32
        %add3A_759 = arith.constant 7 : i32
        %add3A_760 = arith.addi %mul3A_758, %add3A_759 : i32
        %get3A_761 = arith.index_cast %add3A_760 : i32 to index
        %get3A_762 = arith.constant 0 : index
        %get3A_763 = tpu.vector_load %arg7[%get3A_761, %get3A_762] {strides = array<i32>} : memref<200x32xf32, #tpu.memory_space<vmem>>, vector<1x16xf32>,
        %get3A_764 = vector.shape_cast %get3A_763 : vector<1x16xf32> to vector<16xf32>
        %add3A_765 = arith.addf %add3A_751, %get3A_764 : vector<16xf32>
        %get3A_766 = arith.index_cast %add3A_760 : i32 to index
        %get3A_767 = arith.constant 16 : index
        %get3A_768 = tpu.vector_load %arg7[%get3A_766, %get3A_767] {strides = array<i32>} : memref<200x32xf32, #tpu.memory_space<vmem>>, vector<1x16xf32>,
        %get3A_769 = vector.shape_cast %get3A_768 : vector<1x16xf32> to vector<16xf32>
        %add3A_770 = arith.addf %add3A_756, %get3A_769 : vector<16xf32>
        scf.yield %add3A_765, %add3A_770 : vector<16xf32>, vector<16xf32>
      }
      %scan3A_645 = arith.constant 25 : i32
      %swap3A_646 = arith.index_cast %add3A_635 : i32 to index
      %swap3A_647 = arith.constant 0 : index
      %swap3A_648 = tpu.vector_load %arg8[%swap3A_646, %swap3A_647] {strides = array<i32>} : memref<64x32xf32, #tpu.memory_space<vmem>>, vector<1x16xf32>,
      %swap3A_649 = vector.shape_cast %swap3A_648 : vector<1x16xf32> to vector<16xf32>
      %swap3A_650 = vector.shape_cast %scan3A_644#0 : vector<16xf32> to vector<1x16xf32>
      tpu.vector_store %arg8[%swap3A_646, %swap3A_647], %swap3A_650 {strides = array<i32>} : memref<64x32xf32, #tpu.memory_space<vmem>>, vector<1x16xf32>,
      %swap3A_651 = arith.index_cast %add3A_635 : i32 to index
      %swap3A_652 = arith.constant 16 : index
      %swap3A_653 = tpu.vector_load %arg8[%swap3A_651, %swap3A_652] {strides = array<i32>} : memref<64x32xf32, #tpu.memory_space<vmem>>, vector<1x16xf32>,
      %swap3A_654 = vector.shape_cast %swap3A_653 : vector<1x16xf32> to vector<16xf32>
      %swap3A_655 = vector.shape_cast %scan3A_644#1 : vector<16xf32> to vector<1x16xf32>
      tpu.vector_store %arg8[%swap3A_651, %swap3A_652], %swap3A_655 {strides = array<i32>} : memref<64x32xf32, #tpu.memory_space<vmem>>, vector<1x16xf32>,
      %scan3A_656 = arith.constant 0 : i32
      scf.yield %scan3A_656 : i32
    }
    %scan3A_211 = arith.constant 32 : i32
    "tpu.region"() ({
      %run_scoped3A = tpu.sem_alloc : memref<!tpu.dma_semaphore, #tpu.memory_space<semaphore_mem>>
      %dma_start3A_520 = arith.constant 0 : i32
      %dma_start3A_521 = tpu.memref_slice %arg4[%add3A_204, %dma_start3A_520] : memref<16384x32xf32, #tpu.memory_space<hbm>> -> memref<64x32xf32, #tpu.memory_space<hbm>>
      %dma_start3A_522 = arith.constant 0 : i32
      %dma_start3A_523 = tpu.memref_slice %arg4[%add3A_204, %dma_start3A_522] : memref<16384x32xf32, #tpu.memory_space<hbm>> -> memref<64x32xf32, #tpu.memory_space<hbm>>
      tpu.enqueue_dma source(%arg8 : memref<64x32xf32, #tpu.memory_space<vmem>>) target(%dma_start3A_523 : memref<64x32xf32, #tpu.memory_space<hbm>>) target_semaphore(%run_scoped3A : memref<!tpu.dma_semaphore, #tpu.memory_space<semaphore_mem>>)
      %dma_wait3A_524 = arith.constant 0 : i32
      %dma_wait3A_525 = tpu.memref_slice %arg4[%add3A_204, %dma_wait3A_524] : memref<16384x32xf32, #tpu.memory_space<hbm>> -> memref<64x32xf32, #tpu.memory_space<hbm>>
      %dma_wait3A_526 = arith.constant 0 : i32
      %dma_wait3A_527 = tpu.memref_slice %arg4[%add3A_204, %dma_wait3A_526] : memref<16384x32xf32, #tpu.memory_space<hbm>> -> memref<64x32xf32, #tpu.memory_space<hbm>>
      tpu.wait_dma2 semaphore(%run_scoped3A : memref<!tpu.dma_semaphore, #tpu.memory_space<semaphore_mem>>) src(%arg8 : memref<64x32xf32, #tpu.memory_space<vmem>>) dst(%dma_wait3A_527 : memref<64x32xf32, #tpu.memory_space<hbm>>)
      tpu.yield
    }) : () -> ()
    %add3A_212 = arith.constant 192 : i32
    %add3A_213 = arith.addi %mul3A_2, %add3A_212 : i32
    %mul3A_214 = arith.constant 2 : i32
    %mul3A_215 = arith.muli %add3A_213, %mul3A_214 : i32
    %dma_wait3A_216 = arith.constant 1 : i32
    %dma_wait3A_217 = arith.constant 0 : i32
    %dma_wait3A_218 = arith.constant 0 : i32
    %dma_wait3A_219 = tpu.memref_slice %arg5[%dma_wait3A_216, %dma_wait3A_217, %dma_wait3A_218] : memref<2x128x100xi32, #tpu.memory_space<vmem>> -> memref<1x128x100xi32, #tpu.memory_space<vmem>>
    %dma_wait3A_220 = tpu.memref_squeeze %dma_wait3A_219 : memref<1x128x100xi32, #tpu.memory_space<vmem>> -> memref<128x100xi32, #tpu.memory_space<vmem>>
    %dma_wait3A_221 = arith.constant 0 : i32
    %dma_wait3A_222 = tpu.memref_slice %arg2[%mul3A_215, %dma_wait3A_221] : memref<32768x100xi32, #tpu.memory_space<hbm>> -> memref<128x100xi32, #tpu.memory_space<hbm>>
    %dma_wait3A_223 = arith.constant 0 : i32
    %dma_wait3A_224 = arith.constant 0 : i32
    %dma_wait3A_225 = tpu.memref_slice %arg5[%dma_wait3A_216, %dma_wait3A_223, %dma_wait3A_224] : memref<2x128x100xi32, #tpu.memory_space<vmem>> -> memref<1x128x100xi32, #tpu.memory_space<vmem>>
    %dma_wait3A_226 = tpu.memref_squeeze %dma_wait3A_225 : memref<1x128x100xi32, #tpu.memory_space<vmem>> -> memref<128x100xi32, #tpu.memory_space<vmem>>
    %dma_wait3A_227 = arith.constant 0 : i32
    %dma_wait3A_228 = tpu.memref_slice %arg2[%mul3A_215, %dma_wait3A_227] : memref<32768x100xi32, #tpu.memory_space<hbm>> -> memref<128x100xi32, #tpu.memory_space<hbm>>
    tpu.wait_dma2 semaphore(%arg11 : memref<!tpu.dma_semaphore, #tpu.memory_space<semaphore_mem>>) src(%dma_wait3A_228 : memref<128x100xi32, #tpu.memory_space<hbm>>) dst(%dma_wait3A_226 : memref<128x100xi32, #tpu.memory_space<vmem>>)
    %add3A_229 = arith.constant 256 : i32
    %add3A_230 = arith.addi %mul3A_2, %add3A_229 : i32
    %mul3A_231 = arith.constant 2 : i32
    %mul3A_232 = arith.muli %add3A_230, %mul3A_231 : i32
    %dma_start3A_233 = arith.constant 0 : i32
    %dma_start3A_234 = arith.constant 0 : i32
    %dma_start3A_235 = arith.constant 0 : i32
    %dma_start3A_236 = tpu.memref_slice %arg5[%dma_start3A_233, %dma_start3A_234, %dma_start3A_235] : memref<2x128x100xi32, #tpu.memory_space<vmem>> -> memref<1x128x100xi32, #tpu.memory_space<vmem>>
    %dma_start3A_237 = tpu.memref_squeeze %dma_start3A_236 : memref<1x128x100xi32, #tpu.memory_space<vmem>> -> memref<128x100xi32, #tpu.memory_space<vmem>>
    %dma_start3A_238 = arith.constant 0 : i32
    %dma_start3A_239 = tpu.memref_slice %arg2[%mul3A_232, %dma_start3A_238] : memref<32768x100xi32, #tpu.memory_space<hbm>> -> memref<128x100xi32, #tpu.memory_space<hbm>>
    %dma_start3A_240 = arith.constant 0 : i32
    %dma_start3A_241 = arith.constant 0 : i32
    %dma_start3A_242 = tpu.memref_slice %arg5[%dma_start3A_233, %dma_start3A_240, %dma_start3A_241] : memref<2x128x100xi32, #tpu.memory_space<vmem>> -> memref<1x128x100xi32, #tpu.memory_space<vmem>>
    %dma_start3A_243 = tpu.memref_squeeze %dma_start3A_242 : memref<1x128x100xi32, #tpu.memory_space<vmem>> -> memref<128x100xi32, #tpu.memory_space<vmem>>
    %dma_start3A_244 = arith.constant 0 : i32
    %dma_start3A_245 = tpu.memref_slice %arg2[%mul3A_232, %dma_start3A_244] : memref<32768x100xi32, #tpu.memory_space<hbm>> -> memref<128x100xi32, #tpu.memory_space<hbm>>
    tpu.enqueue_dma source(%dma_start3A_245 : memref<128x100xi32, #tpu.memory_space<hbm>>) target(%dma_start3A_243 : memref<128x100xi32, #tpu.memory_space<vmem>>) target_semaphore(%arg11 : memref<!tpu.dma_semaphore, #tpu.memory_space<semaphore_mem>>)
    %dma_start3A_246 = arith.constant 1 : i32
    %dma_start3A_247 = arith.constant 0 : i32
    %dma_start3A_248 = arith.constant 0 : i32
    %dma_start3A_249 = arith.constant 0 : i32
    %dma_start3A_250 = tpu.memref_slice %arg6[%dma_start3A_248, %dma_start3A_249] : memref<200x32xf32, #tpu.memory_space<vmem>> -> memref<100x32xf32, #tpu.memory_space<vmem>>
    %dma_start3A_251 = arith.constant 0 : i32
    %dma_start3A_252 = tpu.memref_slice %arg5[%dma_start3A_246, %dma_start3A_247, %dma_start3A_251] : memref<2x128x100xi32, #tpu.memory_space<vmem>> -> memref<1x1x100xi32, #tpu.memory_space<vmem>>
    %dma_start3A_253 = tpu.memref_squeeze %dma_start3A_252 : memref<1x1x100xi32, #tpu.memory_space<vmem>> -> memref<100xi32, #tpu.memory_space<vmem>>
    %dma_start3A_254 = arith.constant 0 : i32
    %dma_start3A_255 = arith.constant 0 : i32
    %dma_start3A_256 = tpu.memref_slice %arg3[%dma_start3A_254, %dma_start3A_255] : memref<1000000x32xf32, #tpu.memory_space<hbm>> -> memref<1000000x32xf32, #tpu.memory_space<hbm>>
    tpu.enqueue_indirect_dma source(%dma_start3A_256 : memref<1000000x32xf32, #tpu.memory_space<hbm>>) target(%dma_start3A_250 : memref<100x32xf32, #tpu.memory_space<vmem>>) offsets(%dma_start3A_253 : memref<100xi32, #tpu.memory_space<vmem>>) semaphore(%arg9 : memref<!tpu.dma_semaphore, #tpu.memory_space<semaphore_mem>>)
    %dma_start3A_257 = arith.constant 1 : i32
    %dma_start3A_258 = arith.constant 1 : i32
    %dma_start3A_259 = arith.constant 100 : i32
    %dma_start3A_260 = arith.constant 0 : i32
    %dma_start3A_261 = tpu.memref_slice %arg6[%dma_start3A_259, %dma_start3A_260] : memref<200x32xf32, #tpu.memory_space<vmem>> -> memref<100x32xf32, #tpu.memory_space<vmem>>
    %dma_start3A_262 = arith.constant 0 : i32
    %dma_start3A_263 = tpu.memref_slice %arg5[%dma_start3A_257, %dma_start3A_258, %dma_start3A_262] : memref<2x128x100xi32, #tpu.memory_space<vmem>> -> memref<1x1x100xi32, #tpu.memory_space<vmem>>
    %dma_start3A_264 = tpu.memref_squeeze %dma_start3A_263 : memref<1x1x100xi32, #tpu.memory_space<vmem>> -> memref<100xi32, #tpu.memory_space<vmem>>
    %dma_start3A_265 = arith.constant 0 : i32
    %dma_start3A_266 = arith.constant 0 : i32
    %dma_start3A_267 = tpu.memref_slice %arg3[%dma_start3A_265, %dma_start3A_266] : memref<1000000x32xf32, #tpu.memory_space<hbm>> -> memref<1000000x32xf32, #tpu.memory_space<hbm>>
    tpu.enqueue_indirect_dma source(%dma_start3A_267 : memref<1000000x32xf32, #tpu.memory_space<hbm>>) target(%dma_start3A_261 : memref<100x32xf32, #tpu.memory_space<vmem>>) offsets(%dma_start3A_264 : memref<100xi32, #tpu.memory_space<vmem>>) semaphore(%arg9 : memref<!tpu.dma_semaphore, #tpu.memory_space<semaphore_mem>>)
    %add3A_268 = arith.constant 192 : i32
    %add3A_269 = arith.addi %mul3A_2, %add3A_268 : i32
    %scan3A_270 = arith.constant 0 : i32
    %scan3A_271 = arith.constant 0 : i32
    %scan3A_272 = arith.constant 32 : i32
    %scan3A_273 = arith.addi %scan3A_271, %scan3A_272 : i32
    %scan3A_274 = arith.constant 1 : i32
    %scan3A_275 = scf.for %scan3A_520 = %scan3A_271 to %scan3A_273 step %scan3A_274 iter_args(%scan3A_521 = %scan3A_270) -> (i32)  : i32 {
      %mul3A_522 = arith.constant 2 : i32
      %mul3A_523 = arith.muli %mul3A_522, %scan3A_520 : i32
      %add3A_524 = arith.constant 1 : i32
      %add3A_525 = arith.addi %mul3A_523, %add3A_524 : i32
      %mul3A_526 = arith.constant 2 : i32
      %mul3A_527 = arith.muli %mul3A_526, %add3A_525 : i32
      %mul3A_528 = arith.constant 2 : i32
      %mul3A_529 = arith.muli %mul3A_528, %add3A_525 : i32
      %add3A_530 = arith.constant 1 : i32
      %add3A_531 = arith.addi %mul3A_529, %add3A_530 : i32
      %dma_start3A_532 = arith.constant 1 : i32
      %dma_start3A_533 = arith.constant 0 : i32
      %dma_start3A_534 = arith.constant 0 : i32
      %dma_start3A_535 = tpu.memref_slice %arg7[%dma_start3A_533, %dma_start3A_534] : memref<200x32xf32, #tpu.memory_space<vmem>> -> memref<100x32xf32, #tpu.memory_space<vmem>>
      %dma_start3A_536 = arith.constant 0 : i32
      %dma_start3A_537 = tpu.memref_slice %arg5[%dma_start3A_532, %mul3A_527, %dma_start3A_536] : memref<2x128x100xi32, #tpu.memory_space<vmem>> -> memref<1x1x100xi32, #tpu.memory_space<vmem>>
      %dma_start3A_538 = tpu.memref_squeeze %dma_start3A_537 : memref<1x1x100xi32, #tpu.memory_space<vmem>> -> memref<100xi32, #tpu.memory_space<vmem>>
      %dma_start3A_539 = arith.constant 0 : i32
      %dma_start3A_540 = arith.constant 0 : i32
      %dma_start3A_541 = tpu.memref_slice %arg3[%dma_start3A_539, %dma_start3A_540] : memref<1000000x32xf32, #tpu.memory_space<hbm>> -> memref<1000000x32xf32, #tpu.memory_space<hbm>>
      tpu.enqueue_indirect_dma source(%dma_start3A_541 : memref<1000000x32xf32, #tpu.memory_space<hbm>>) target(%dma_start3A_535 : memref<100x32xf32, #tpu.memory_space<vmem>>) offsets(%dma_start3A_538 : memref<100xi32, #tpu.memory_space<vmem>>) semaphore(%arg10 : memref<!tpu.dma_semaphore, #tpu.memory_space<semaphore_mem>>)
      %dma_start3A_542 = arith.constant 1 : i32
      %dma_start3A_543 = arith.constant 100 : i32
      %dma_start3A_544 = arith.constant 0 : i32
      %dma_start3A_545 = tpu.memref_slice %arg7[%dma_start3A_543, %dma_start3A_544] : memref<200x32xf32, #tpu.memory_space<vmem>> -> memref<100x32xf32, #tpu.memory_space<vmem>>
      %dma_start3A_546 = arith.constant 0 : i32
      %dma_start3A_547 = tpu.memref_slice %arg5[%dma_start3A_542, %add3A_531, %dma_start3A_546] : memref<2x128x100xi32, #tpu.memory_space<vmem>> -> memref<1x1x100xi32, #tpu.memory_space<vmem>>
      %dma_start3A_548 = tpu.memref_squeeze %dma_start3A_547 : memref<1x1x100xi32, #tpu.memory_space<vmem>> -> memref<100xi32, #tpu.memory_space<vmem>>
      %dma_start3A_549 = arith.constant 0 : i32
      %dma_start3A_550 = arith.constant 0 : i32
      %dma_start3A_551 = tpu.memref_slice %arg3[%dma_start3A_549, %dma_start3A_550] : memref<1000000x32xf32, #tpu.memory_space<hbm>> -> memref<1000000x32xf32, #tpu.memory_space<hbm>>
      tpu.enqueue_indirect_dma source(%dma_start3A_551 : memref<1000000x32xf32, #tpu.memory_space<hbm>>) target(%dma_start3A_545 : memref<100x32xf32, #tpu.memory_space<vmem>>) offsets(%dma_start3A_548 : memref<100xi32, #tpu.memory_space<vmem>>) semaphore(%arg10 : memref<!tpu.dma_semaphore, #tpu.memory_space<semaphore_mem>>)
      %mul3A_552 = arith.constant 2 : i32
      %mul3A_553 = arith.muli %mul3A_552, %scan3A_520 : i32
      %mul3A_554 = arith.constant 2 : i32
      %mul3A_555 = arith.muli %mul3A_554, %mul3A_553 : i32
      %mul3A_556 = arith.constant 2 : i32
      %mul3A_557 = arith.muli %mul3A_556, %mul3A_553 : i32
      %add3A_558 = arith.constant 1 : i32
      %add3A_559 = arith.addi %mul3A_557, %add3A_558 : i32
      %dma_wait3A_560 = arith.constant 1 : i32
      %dma_wait3A_561 = arith.constant 0 : i32
      %dma_wait3A_562 = arith.constant 0 : i32
      %dma_wait3A_563 = tpu.memref_slice %arg6[%dma_wait3A_561, %dma_wait3A_562] : memref<200x32xf32, #tpu.memory_space<vmem>> -> memref<100x32xf32, #tpu.memory_space<vmem>>
      %dma_wait3A_564 = arith.constant 0 : i32
      %dma_wait3A_565 = tpu.memref_slice %arg5[%dma_wait3A_560, %mul3A_555, %dma_wait3A_564] : memref<2x128x100xi32, #tpu.memory_space<vmem>> -> memref<1x1x100xi32, #tpu.memory_space<vmem>>
      %dma_wait3A_566 = tpu.memref_squeeze %dma_wait3A_565 : memref<1x1x100xi32, #tpu.memory_space<vmem>> -> memref<100xi32, #tpu.memory_space<vmem>>
      %dma_wait3A_567 = arith.constant 0 : i32
      %dma_wait3A_568 = arith.constant 0 : i32
      %dma_wait3A_569 = tpu.memref_slice %arg3[%dma_wait3A_567, %dma_wait3A_568] : memref<1000000x32xf32, #tpu.memory_space<hbm>> -> memref<1000000x32xf32, #tpu.memory_space<hbm>>
      tpu.wait_indirect_dma semaphore(%arg9 : memref<!tpu.dma_semaphore, #tpu.memory_space<semaphore_mem>>) src(%dma_wait3A_569 : memref<1000000x32xf32, #tpu.memory_space<hbm>>) dst(%dma_wait3A_563 : memref<100x32xf32, #tpu.memory_space<vmem>>)
      %dma_wait3A_570 = arith.constant 1 : i32
      %dma_wait3A_571 = arith.constant 100 : i32
      %dma_wait3A_572 = arith.constant 0 : i32
      %dma_wait3A_573 = tpu.memref_slice %arg6[%dma_wait3A_571, %dma_wait3A_572] : memref<200x32xf32, #tpu.memory_space<vmem>> -> memref<100x32xf32, #tpu.memory_space<vmem>>
      %dma_wait3A_574 = arith.constant 0 : i32
      %dma_wait3A_575 = tpu.memref_slice %arg5[%dma_wait3A_570, %add3A_559, %dma_wait3A_574] : memref<2x128x100xi32, #tpu.memory_space<vmem>> -> memref<1x1x100xi32, #tpu.memory_space<vmem>>
      %dma_wait3A_576 = tpu.memref_squeeze %dma_wait3A_575 : memref<1x1x100xi32, #tpu.memory_space<vmem>> -> memref<100xi32, #tpu.memory_space<vmem>>
      %dma_wait3A_577 = arith.constant 0 : i32
      %dma_wait3A_578 = arith.constant 0 : i32
      %dma_wait3A_579 = tpu.memref_slice %arg3[%dma_wait3A_577, %dma_wait3A_578] : memref<1000000x32xf32, #tpu.memory_space<hbm>> -> memref<1000000x32xf32, #tpu.memory_space<hbm>>
      tpu.wait_indirect_dma semaphore(%arg9 : memref<!tpu.dma_semaphore, #tpu.memory_space<semaphore_mem>>) src(%dma_wait3A_579 : memref<1000000x32xf32, #tpu.memory_space<hbm>>) dst(%dma_wait3A_573 : memref<100x32xf32, #tpu.memory_space<vmem>>)
      %mul3A_580 = arith.constant 2 : i32
      %mul3A_581 = arith.muli %mul3A_580, %scan3A_520 : i32
      %broadcast_in_dim3A = arith.constant 0.000000e+00 : f32
      %broadcast_in_dim3A_582 = vector.broadcast %broadcast_in_dim3A : f32 to vector<16xf32>
      %broadcast_in_dim3A_583 = arith.constant 0.000000e+00 : f32
      %broadcast_in_dim3A_584 = vector.broadcast %broadcast_in_dim3A_583 : f32 to vector<16xf32>
      %scan3A_585 = arith.constant 0 : i32
      %scan3A_586 = arith.constant 25 : i32
      %scan3A_587 = arith.addi %scan3A_585, %scan3A_586 : i32
      %scan3A_588 = arith.constant 1 : i32
      %scan3A_589:2 = scf.for %scan3A_657 = %scan3A_585 to %scan3A_587 step %scan3A_588 iter_args(%scan3A_658 = %broadcast_in_dim3A_582, %scan3A_659 = %broadcast_in_dim3A_584) -> (vector<16xf32>, vector<16xf32>)  : i32 {
        %mul3A_660 = arith.constant 8 : i32
        %mul3A_661 = arith.muli %scan3A_657, %mul3A_660 : i32
        %add3A_662 = arith.constant 0 : i32
        %add3A_663 = arith.addi %mul3A_661, %add3A_662 : i32
        %get3A = arith.index_cast %add3A_663 : i32 to index
        %get3A_664 = arith.constant 0 : index
        %get3A_665 = tpu.vector_load %arg6[%get3A, %get3A_664] {strides = array<i32>} : memref<200x32xf32, #tpu.memory_space<vmem>>, vector<1x16xf32>,
        %get3A_666 = vector.shape_cast %get3A_665 : vector<1x16xf32> to vector<16xf32>
        %add3A_667 = arith.addf %scan3A_658, %get3A_666 : vector<16xf32>
        %get3A_668 = arith.index_cast %add3A_663 : i32 to index
        %get3A_669 = arith.constant 16 : index
        %get3A_670 = tpu.vector_load %arg6[%get3A_668, %get3A_669] {strides = array<i32>} : memref<200x32xf32, #tpu.memory_space<vmem>>, vector<1x16xf32>,
        %get3A_671 = vector.shape_cast %get3A_670 : vector<1x16xf32> to vector<16xf32>
        %add3A_672 = arith.addf %scan3A_659, %get3A_671 : vector<16xf32>
        %mul3A_673 = arith.constant 8 : i32
        %mul3A_674 = arith.muli %scan3A_657, %mul3A_673 : i32
        %add3A_675 = arith.constant 1 : i32
        %add3A_676 = arith.addi %mul3A_674, %add3A_675 : i32
        %get3A_677 = arith.index_cast %add3A_676 : i32 to index
        %get3A_678 = arith.constant 0 : index
        %get3A_679 = tpu.vector_load %arg6[%get3A_677, %get3A_678] {strides = array<i32>} : memref<200x32xf32, #tpu.memory_space<vmem>>, vector<1x16xf32>,
        %get3A_680 = vector.shape_cast %get3A_679 : vector<1x16xf32> to vector<16xf32>
        %add3A_681 = arith.addf %add3A_667, %get3A_680 : vector<16xf32>
        %get3A_682 = arith.index_cast %add3A_676 : i32 to index
        %get3A_683 = arith.constant 16 : index
        %get3A_684 = tpu.vector_load %arg6[%get3A_682, %get3A_683] {strides = array<i32>} : memref<200x32xf32, #tpu.memory_space<vmem>>, vector<1x16xf32>,
        %get3A_685 = vector.shape_cast %get3A_684 : vector<1x16xf32> to vector<16xf32>
        %add3A_686 = arith.addf %add3A_672, %get3A_685 : vector<16xf32>
        %mul3A_687 = arith.constant 8 : i32
        %mul3A_688 = arith.muli %scan3A_657, %mul3A_687 : i32
        %add3A_689 = arith.constant 2 : i32
        %add3A_690 = arith.addi %mul3A_688, %add3A_689 : i32
        %get3A_691 = arith.index_cast %add3A_690 : i32 to index
        %get3A_692 = arith.constant 0 : index
        %get3A_693 = tpu.vector_load %arg6[%get3A_691, %get3A_692] {strides = array<i32>} : memref<200x32xf32, #tpu.memory_space<vmem>>, vector<1x16xf32>,
        %get3A_694 = vector.shape_cast %get3A_693 : vector<1x16xf32> to vector<16xf32>
        %add3A_695 = arith.addf %add3A_681, %get3A_694 : vector<16xf32>
        %get3A_696 = arith.index_cast %add3A_690 : i32 to index
        %get3A_697 = arith.constant 16 : index
        %get3A_698 = tpu.vector_load %arg6[%get3A_696, %get3A_697] {strides = array<i32>} : memref<200x32xf32, #tpu.memory_space<vmem>>, vector<1x16xf32>,
        %get3A_699 = vector.shape_cast %get3A_698 : vector<1x16xf32> to vector<16xf32>
        %add3A_700 = arith.addf %add3A_686, %get3A_699 : vector<16xf32>
        %mul3A_701 = arith.constant 8 : i32
        %mul3A_702 = arith.muli %scan3A_657, %mul3A_701 : i32
        %add3A_703 = arith.constant 3 : i32
        %add3A_704 = arith.addi %mul3A_702, %add3A_703 : i32
        %get3A_705 = arith.index_cast %add3A_704 : i32 to index
        %get3A_706 = arith.constant 0 : index
        %get3A_707 = tpu.vector_load %arg6[%get3A_705, %get3A_706] {strides = array<i32>} : memref<200x32xf32, #tpu.memory_space<vmem>>, vector<1x16xf32>,
        %get3A_708 = vector.shape_cast %get3A_707 : vector<1x16xf32> to vector<16xf32>
        %add3A_709 = arith.addf %add3A_695, %get3A_708 : vector<16xf32>
        %get3A_710 = arith.index_cast %add3A_704 : i32 to index
        %get3A_711 = arith.constant 16 : index
        %get3A_712 = tpu.vector_load %arg6[%get3A_710, %get3A_711] {strides = array<i32>} : memref<200x32xf32, #tpu.memory_space<vmem>>, vector<1x16xf32>,
        %get3A_713 = vector.shape_cast %get3A_712 : vector<1x16xf32> to vector<16xf32>
        %add3A_714 = arith.addf %add3A_700, %get3A_713 : vector<16xf32>
        %mul3A_715 = arith.constant 8 : i32
        %mul3A_716 = arith.muli %scan3A_657, %mul3A_715 : i32
        %add3A_717 = arith.constant 4 : i32
        %add3A_718 = arith.addi %mul3A_716, %add3A_717 : i32
        %get3A_719 = arith.index_cast %add3A_718 : i32 to index
        %get3A_720 = arith.constant 0 : index
        %get3A_721 = tpu.vector_load %arg6[%get3A_719, %get3A_720] {strides = array<i32>} : memref<200x32xf32, #tpu.memory_space<vmem>>, vector<1x16xf32>,
        %get3A_722 = vector.shape_cast %get3A_721 : vector<1x16xf32> to vector<16xf32>
        %add3A_723 = arith.addf %add3A_709, %get3A_722 : vector<16xf32>
        %get3A_724 = arith.index_cast %add3A_718 : i32 to index
        %get3A_725 = arith.constant 16 : index
        %get3A_726 = tpu.vector_load %arg6[%get3A_724, %get3A_725] {strides = array<i32>} : memref<200x32xf32, #tpu.memory_space<vmem>>, vector<1x16xf32>,
        %get3A_727 = vector.shape_cast %get3A_726 : vector<1x16xf32> to vector<16xf32>
        %add3A_728 = arith.addf %add3A_714, %get3A_727 : vector<16xf32>
        %mul3A_729 = arith.constant 8 : i32
        %mul3A_730 = arith.muli %scan3A_657, %mul3A_729 : i32
        %add3A_731 = arith.constant 5 : i32
        %add3A_732 = arith.addi %mul3A_730, %add3A_731 : i32
        %get3A_733 = arith.index_cast %add3A_732 : i32 to index
        %get3A_734 = arith.constant 0 : index
        %get3A_735 = tpu.vector_load %arg6[%get3A_733, %get3A_734] {strides = array<i32>} : memref<200x32xf32, #tpu.memory_space<vmem>>, vector<1x16xf32>,
        %get3A_736 = vector.shape_cast %get3A_735 : vector<1x16xf32> to vector<16xf32>
        %add3A_737 = arith.addf %add3A_723, %get3A_736 : vector<16xf32>
        %get3A_738 = arith.index_cast %add3A_732 : i32 to index
        %get3A_739 = arith.constant 16 : index
        %get3A_740 = tpu.vector_load %arg6[%get3A_738, %get3A_739] {strides = array<i32>} : memref<200x32xf32, #tpu.memory_space<vmem>>, vector<1x16xf32>,
        %get3A_741 = vector.shape_cast %get3A_740 : vector<1x16xf32> to vector<16xf32>
        %add3A_742 = arith.addf %add3A_728, %get3A_741 : vector<16xf32>
        %mul3A_743 = arith.constant 8 : i32
        %mul3A_744 = arith.muli %scan3A_657, %mul3A_743 : i32
        %add3A_745 = arith.constant 6 : i32
        %add3A_746 = arith.addi %mul3A_744, %add3A_745 : i32
        %get3A_747 = arith.index_cast %add3A_746 : i32 to index
        %get3A_748 = arith.constant 0 : index
        %get3A_749 = tpu.vector_load %arg6[%get3A_747, %get3A_748] {strides = array<i32>} : memref<200x32xf32, #tpu.memory_space<vmem>>, vector<1x16xf32>,
        %get3A_750 = vector.shape_cast %get3A_749 : vector<1x16xf32> to vector<16xf32>
        %add3A_751 = arith.addf %add3A_737, %get3A_750 : vector<16xf32>
        %get3A_752 = arith.index_cast %add3A_746 : i32 to index
        %get3A_753 = arith.constant 16 : index
        %get3A_754 = tpu.vector_load %arg6[%get3A_752, %get3A_753] {strides = array<i32>} : memref<200x32xf32, #tpu.memory_space<vmem>>, vector<1x16xf32>,
        %get3A_755 = vector.shape_cast %get3A_754 : vector<1x16xf32> to vector<16xf32>
        %add3A_756 = arith.addf %add3A_742, %get3A_755 : vector<16xf32>
        %mul3A_757 = arith.constant 8 : i32
        %mul3A_758 = arith.muli %scan3A_657, %mul3A_757 : i32
        %add3A_759 = arith.constant 7 : i32
        %add3A_760 = arith.addi %mul3A_758, %add3A_759 : i32
        %get3A_761 = arith.index_cast %add3A_760 : i32 to index
        %get3A_762 = arith.constant 0 : index
        %get3A_763 = tpu.vector_load %arg6[%get3A_761, %get3A_762] {strides = array<i32>} : memref<200x32xf32, #tpu.memory_space<vmem>>, vector<1x16xf32>,
        %get3A_764 = vector.shape_cast %get3A_763 : vector<1x16xf32> to vector<16xf32>
        %add3A_765 = arith.addf %add3A_751, %get3A_764 : vector<16xf32>
        %get3A_766 = arith.index_cast %add3A_760 : i32 to index
        %get3A_767 = arith.constant 16 : index
        %get3A_768 = tpu.vector_load %arg6[%get3A_766, %get3A_767] {strides = array<i32>} : memref<200x32xf32, #tpu.memory_space<vmem>>, vector<1x16xf32>,
        %get3A_769 = vector.shape_cast %get3A_768 : vector<1x16xf32> to vector<16xf32>
        %add3A_770 = arith.addf %add3A_756, %get3A_769 : vector<16xf32>
        scf.yield %add3A_765, %add3A_770 : vector<16xf32>, vector<16xf32>
      }
      %scan3A_590 = arith.constant 25 : i32
      %swap3A = arith.index_cast %mul3A_581 : i32 to index
      %swap3A_591 = arith.constant 0 : index
      %swap3A_592 = tpu.vector_load %arg8[%swap3A, %swap3A_591] {strides = array<i32>} : memref<64x32xf32, #tpu.memory_space<vmem>>, vector<1x16xf32>,
      %swap3A_593 = vector.shape_cast %swap3A_592 : vector<1x16xf32> to vector<16xf32>
      %swap3A_594 = vector.shape_cast %scan3A_589#0 : vector<16xf32> to vector<1x16xf32>
      tpu.vector_store %arg8[%swap3A, %swap3A_591], %swap3A_594 {strides = array<i32>} : memref<64x32xf32, #tpu.memory_space<vmem>>, vector<1x16xf32>,
      %swap3A_595 = arith.index_cast %mul3A_581 : i32 to index
      %swap3A_596 = arith.constant 16 : index
      %swap3A_597 = tpu.vector_load %arg8[%swap3A_595, %swap3A_596] {strides = array<i32>} : memref<64x32xf32, #tpu.memory_space<vmem>>, vector<1x16xf32>,
      %swap3A_598 = vector.shape_cast %swap3A_597 : vector<1x16xf32> to vector<16xf32>
      %swap3A_599 = vector.shape_cast %scan3A_589#1 : vector<16xf32> to vector<1x16xf32>
      tpu.vector_store %arg8[%swap3A_595, %swap3A_596], %swap3A_599 {strides = array<i32>} : memref<64x32xf32, #tpu.memory_space<vmem>>, vector<1x16xf32>,
      %lt3A = arith.constant 31 : i32
      %lt3A_600 = arith.cmpi slt, %scan3A_520, %lt3A : i32
      %convert_element_type3A = arith.extui %lt3A_600 : i1 to i32
      %cond3A = arith.constant 0 : i32
      %cond3A_601 = arith.cmpi ne, %convert_element_type3A, %cond3A : i32
      scf.if %cond3A_601 {
        %mul3A_657 = arith.constant 2 : i32
        %mul3A_658 = arith.muli %mul3A_657, %scan3A_520 : i32
        %add3A_659 = arith.constant 2 : i32
        %add3A_660 = arith.addi %mul3A_658, %add3A_659 : i32
        %mul3A_661 = arith.constant 2 : i32
        %mul3A_662 = arith.muli %mul3A_661, %add3A_660 : i32
        %mul3A_663 = arith.constant 2 : i32
        %mul3A_664 = arith.muli %mul3A_663, %add3A_660 : i32
        %add3A_665 = arith.constant 1 : i32
        %add3A_666 = arith.addi %mul3A_664, %add3A_665 : i32
        %dma_start3A_667 = arith.constant 1 : i32
        %dma_start3A_668 = arith.constant 0 : i32
        %dma_start3A_669 = arith.constant 0 : i32
        %dma_start3A_670 = tpu.memref_slice %arg6[%dma_start3A_668, %dma_start3A_669] : memref<200x32xf32, #tpu.memory_space<vmem>> -> memref<100x32xf32, #tpu.memory_space<vmem>>
        %dma_start3A_671 = arith.constant 0 : i32
        %dma_start3A_672 = tpu.memref_slice %arg5[%dma_start3A_667, %mul3A_662, %dma_start3A_671] : memref<2x128x100xi32, #tpu.memory_space<vmem>> -> memref<1x1x100xi32, #tpu.memory_space<vmem>>
        %dma_start3A_673 = tpu.memref_squeeze %dma_start3A_672 : memref<1x1x100xi32, #tpu.memory_space<vmem>> -> memref<100xi32, #tpu.memory_space<vmem>>
        %dma_start3A_674 = arith.constant 0 : i32
        %dma_start3A_675 = arith.constant 0 : i32
        %dma_start3A_676 = tpu.memref_slice %arg3[%dma_start3A_674, %dma_start3A_675] : memref<1000000x32xf32, #tpu.memory_space<hbm>> -> memref<1000000x32xf32, #tpu.memory_space<hbm>>
        tpu.enqueue_indirect_dma source(%dma_start3A_676 : memref<1000000x32xf32, #tpu.memory_space<hbm>>) target(%dma_start3A_670 : memref<100x32xf32, #tpu.memory_space<vmem>>) offsets(%dma_start3A_673 : memref<100xi32, #tpu.memory_space<vmem>>) semaphore(%arg9 : memref<!tpu.dma_semaphore, #tpu.memory_space<semaphore_mem>>)
        %dma_start3A_677 = arith.constant 1 : i32
        %dma_start3A_678 = arith.constant 100 : i32
        %dma_start3A_679 = arith.constant 0 : i32
        %dma_start3A_680 = tpu.memref_slice %arg6[%dma_start3A_678, %dma_start3A_679] : memref<200x32xf32, #tpu.memory_space<vmem>> -> memref<100x32xf32, #tpu.memory_space<vmem>>
        %dma_start3A_681 = arith.constant 0 : i32
        %dma_start3A_682 = tpu.memref_slice %arg5[%dma_start3A_677, %add3A_666, %dma_start3A_681] : memref<2x128x100xi32, #tpu.memory_space<vmem>> -> memref<1x1x100xi32, #tpu.memory_space<vmem>>
        %dma_start3A_683 = tpu.memref_squeeze %dma_start3A_682 : memref<1x1x100xi32, #tpu.memory_space<vmem>> -> memref<100xi32, #tpu.memory_space<vmem>>
        %dma_start3A_684 = arith.constant 0 : i32
        %dma_start3A_685 = arith.constant 0 : i32
        %dma_start3A_686 = tpu.memref_slice %arg3[%dma_start3A_684, %dma_start3A_685] : memref<1000000x32xf32, #tpu.memory_space<hbm>> -> memref<1000000x32xf32, #tpu.memory_space<hbm>>
        tpu.enqueue_indirect_dma source(%dma_start3A_686 : memref<1000000x32xf32, #tpu.memory_space<hbm>>) target(%dma_start3A_680 : memref<100x32xf32, #tpu.memory_space<vmem>>) offsets(%dma_start3A_683 : memref<100xi32, #tpu.memory_space<vmem>>) semaphore(%arg9 : memref<!tpu.dma_semaphore, #tpu.memory_space<semaphore_mem>>)
      } else {
      }
      %mul3A_602 = arith.constant 2 : i32
      %mul3A_603 = arith.muli %mul3A_602, %scan3A_520 : i32
      %add3A_604 = arith.constant 1 : i32
      %add3A_605 = arith.addi %mul3A_603, %add3A_604 : i32
      %mul3A_606 = arith.constant 2 : i32
      %mul3A_607 = arith.muli %mul3A_606, %add3A_605 : i32
      %mul3A_608 = arith.constant 2 : i32
      %mul3A_609 = arith.muli %mul3A_608, %add3A_605 : i32
      %add3A_610 = arith.constant 1 : i32
      %add3A_611 = arith.addi %mul3A_609, %add3A_610 : i32
      %dma_wait3A_612 = arith.constant 1 : i32
      %dma_wait3A_613 = arith.constant 0 : i32
      %dma_wait3A_614 = arith.constant 0 : i32
      %dma_wait3A_615 = tpu.memref_slice %arg7[%dma_wait3A_613, %dma_wait3A_614] : memref<200x32xf32, #tpu.memory_space<vmem>> -> memref<100x32xf32, #tpu.memory_space<vmem>>
      %dma_wait3A_616 = arith.constant 0 : i32
      %dma_wait3A_617 = tpu.memref_slice %arg5[%dma_wait3A_612, %mul3A_607, %dma_wait3A_616] : memref<2x128x100xi32, #tpu.memory_space<vmem>> -> memref<1x1x100xi32, #tpu.memory_space<vmem>>
      %dma_wait3A_618 = tpu.memref_squeeze %dma_wait3A_617 : memref<1x1x100xi32, #tpu.memory_space<vmem>> -> memref<100xi32, #tpu.memory_space<vmem>>
      %dma_wait3A_619 = arith.constant 0 : i32
      %dma_wait3A_620 = arith.constant 0 : i32
      %dma_wait3A_621 = tpu.memref_slice %arg3[%dma_wait3A_619, %dma_wait3A_620] : memref<1000000x32xf32, #tpu.memory_space<hbm>> -> memref<1000000x32xf32, #tpu.memory_space<hbm>>
      tpu.wait_indirect_dma semaphore(%arg10 : memref<!tpu.dma_semaphore, #tpu.memory_space<semaphore_mem>>) src(%dma_wait3A_621 : memref<1000000x32xf32, #tpu.memory_space<hbm>>) dst(%dma_wait3A_615 : memref<100x32xf32, #tpu.memory_space<vmem>>)
      %dma_wait3A_622 = arith.constant 1 : i32
      %dma_wait3A_623 = arith.constant 100 : i32
      %dma_wait3A_624 = arith.constant 0 : i32
      %dma_wait3A_625 = tpu.memref_slice %arg7[%dma_wait3A_623, %dma_wait3A_624] : memref<200x32xf32, #tpu.memory_space<vmem>> -> memref<100x32xf32, #tpu.memory_space<vmem>>
      %dma_wait3A_626 = arith.constant 0 : i32
      %dma_wait3A_627 = tpu.memref_slice %arg5[%dma_wait3A_622, %add3A_611, %dma_wait3A_626] : memref<2x128x100xi32, #tpu.memory_space<vmem>> -> memref<1x1x100xi32, #tpu.memory_space<vmem>>
      %dma_wait3A_628 = tpu.memref_squeeze %dma_wait3A_627 : memref<1x1x100xi32, #tpu.memory_space<vmem>> -> memref<100xi32, #tpu.memory_space<vmem>>
      %dma_wait3A_629 = arith.constant 0 : i32
      %dma_wait3A_630 = arith.constant 0 : i32
      %dma_wait3A_631 = tpu.memref_slice %arg3[%dma_wait3A_629, %dma_wait3A_630] : memref<1000000x32xf32, #tpu.memory_space<hbm>> -> memref<1000000x32xf32, #tpu.memory_space<hbm>>
      tpu.wait_indirect_dma semaphore(%arg10 : memref<!tpu.dma_semaphore, #tpu.memory_space<semaphore_mem>>) src(%dma_wait3A_631 : memref<1000000x32xf32, #tpu.memory_space<hbm>>) dst(%dma_wait3A_625 : memref<100x32xf32, #tpu.memory_space<vmem>>)
      %mul3A_632 = arith.constant 2 : i32
      %mul3A_633 = arith.muli %mul3A_632, %scan3A_520 : i32
      %add3A_634 = arith.constant 1 : i32
      %add3A_635 = arith.addi %mul3A_633, %add3A_634 : i32
      %broadcast_in_dim3A_636 = arith.constant 0.000000e+00 : f32
      %broadcast_in_dim3A_637 = vector.broadcast %broadcast_in_dim3A_636 : f32 to vector<16xf32>
      %broadcast_in_dim3A_638 = arith.constant 0.000000e+00 : f32
      %broadcast_in_dim3A_639 = vector.broadcast %broadcast_in_dim3A_638 : f32 to vector<16xf32>
      %scan3A_640 = arith.constant 0 : i32
      %scan3A_641 = arith.constant 25 : i32
      %scan3A_642 = arith.addi %scan3A_640, %scan3A_641 : i32
      %scan3A_643 = arith.constant 1 : i32
      %scan3A_644:2 = scf.for %scan3A_657 = %scan3A_640 to %scan3A_642 step %scan3A_643 iter_args(%scan3A_658 = %broadcast_in_dim3A_637, %scan3A_659 = %broadcast_in_dim3A_639) -> (vector<16xf32>, vector<16xf32>)  : i32 {
        %mul3A_660 = arith.constant 8 : i32
        %mul3A_661 = arith.muli %scan3A_657, %mul3A_660 : i32
        %add3A_662 = arith.constant 0 : i32
        %add3A_663 = arith.addi %mul3A_661, %add3A_662 : i32
        %get3A = arith.index_cast %add3A_663 : i32 to index
        %get3A_664 = arith.constant 0 : index
        %get3A_665 = tpu.vector_load %arg7[%get3A, %get3A_664] {strides = array<i32>} : memref<200x32xf32, #tpu.memory_space<vmem>>, vector<1x16xf32>,
        %get3A_666 = vector.shape_cast %get3A_665 : vector<1x16xf32> to vector<16xf32>
        %add3A_667 = arith.addf %scan3A_658, %get3A_666 : vector<16xf32>
        %get3A_668 = arith.index_cast %add3A_663 : i32 to index
        %get3A_669 = arith.constant 16 : index
        %get3A_670 = tpu.vector_load %arg7[%get3A_668, %get3A_669] {strides = array<i32>} : memref<200x32xf32, #tpu.memory_space<vmem>>, vector<1x16xf32>,
        %get3A_671 = vector.shape_cast %get3A_670 : vector<1x16xf32> to vector<16xf32>
        %add3A_672 = arith.addf %scan3A_659, %get3A_671 : vector<16xf32>
        %mul3A_673 = arith.constant 8 : i32
        %mul3A_674 = arith.muli %scan3A_657, %mul3A_673 : i32
        %add3A_675 = arith.constant 1 : i32
        %add3A_676 = arith.addi %mul3A_674, %add3A_675 : i32
        %get3A_677 = arith.index_cast %add3A_676 : i32 to index
        %get3A_678 = arith.constant 0 : index
        %get3A_679 = tpu.vector_load %arg7[%get3A_677, %get3A_678] {strides = array<i32>} : memref<200x32xf32, #tpu.memory_space<vmem>>, vector<1x16xf32>,
        %get3A_680 = vector.shape_cast %get3A_679 : vector<1x16xf32> to vector<16xf32>
        %add3A_681 = arith.addf %add3A_667, %get3A_680 : vector<16xf32>
        %get3A_682 = arith.index_cast %add3A_676 : i32 to index
        %get3A_683 = arith.constant 16 : index
        %get3A_684 = tpu.vector_load %arg7[%get3A_682, %get3A_683] {strides = array<i32>} : memref<200x32xf32, #tpu.memory_space<vmem>>, vector<1x16xf32>,
        %get3A_685 = vector.shape_cast %get3A_684 : vector<1x16xf32> to vector<16xf32>
        %add3A_686 = arith.addf %add3A_672, %get3A_685 : vector<16xf32>
        %mul3A_687 = arith.constant 8 : i32
        %mul3A_688 = arith.muli %scan3A_657, %mul3A_687 : i32
        %add3A_689 = arith.constant 2 : i32
        %add3A_690 = arith.addi %mul3A_688, %add3A_689 : i32
        %get3A_691 = arith.index_cast %add3A_690 : i32 to index
        %get3A_692 = arith.constant 0 : index
        %get3A_693 = tpu.vector_load %arg7[%get3A_691, %get3A_692] {strides = array<i32>} : memref<200x32xf32, #tpu.memory_space<vmem>>, vector<1x16xf32>,
        %get3A_694 = vector.shape_cast %get3A_693 : vector<1x16xf32> to vector<16xf32>
        %add3A_695 = arith.addf %add3A_681, %get3A_694 : vector<16xf32>
        %get3A_696 = arith.index_cast %add3A_690 : i32 to index
        %get3A_697 = arith.constant 16 : index
        %get3A_698 = tpu.vector_load %arg7[%get3A_696, %get3A_697] {strides = array<i32>} : memref<200x32xf32, #tpu.memory_space<vmem>>, vector<1x16xf32>,
        %get3A_699 = vector.shape_cast %get3A_698 : vector<1x16xf32> to vector<16xf32>
        %add3A_700 = arith.addf %add3A_686, %get3A_699 : vector<16xf32>
        %mul3A_701 = arith.constant 8 : i32
        %mul3A_702 = arith.muli %scan3A_657, %mul3A_701 : i32
        %add3A_703 = arith.constant 3 : i32
        %add3A_704 = arith.addi %mul3A_702, %add3A_703 : i32
        %get3A_705 = arith.index_cast %add3A_704 : i32 to index
        %get3A_706 = arith.constant 0 : index
        %get3A_707 = tpu.vector_load %arg7[%get3A_705, %get3A_706] {strides = array<i32>} : memref<200x32xf32, #tpu.memory_space<vmem>>, vector<1x16xf32>,
        %get3A_708 = vector.shape_cast %get3A_707 : vector<1x16xf32> to vector<16xf32>
        %add3A_709 = arith.addf %add3A_695, %get3A_708 : vector<16xf32>
        %get3A_710 = arith.index_cast %add3A_704 : i32 to index
        %get3A_711 = arith.constant 16 : index
        %get3A_712 = tpu.vector_load %arg7[%get3A_710, %get3A_711] {strides = array<i32>} : memref<200x32xf32, #tpu.memory_space<vmem>>, vector<1x16xf32>,
        %get3A_713 = vector.shape_cast %get3A_712 : vector<1x16xf32> to vector<16xf32>
        %add3A_714 = arith.addf %add3A_700, %get3A_713 : vector<16xf32>
        %mul3A_715 = arith.constant 8 : i32
        %mul3A_716 = arith.muli %scan3A_657, %mul3A_715 : i32
        %add3A_717 = arith.constant 4 : i32
        %add3A_718 = arith.addi %mul3A_716, %add3A_717 : i32
        %get3A_719 = arith.index_cast %add3A_718 : i32 to index
        %get3A_720 = arith.constant 0 : index
        %get3A_721 = tpu.vector_load %arg7[%get3A_719, %get3A_720] {strides = array<i32>} : memref<200x32xf32, #tpu.memory_space<vmem>>, vector<1x16xf32>,
        %get3A_722 = vector.shape_cast %get3A_721 : vector<1x16xf32> to vector<16xf32>
        %add3A_723 = arith.addf %add3A_709, %get3A_722 : vector<16xf32>
        %get3A_724 = arith.index_cast %add3A_718 : i32 to index
        %get3A_725 = arith.constant 16 : index
        %get3A_726 = tpu.vector_load %arg7[%get3A_724, %get3A_725] {strides = array<i32>} : memref<200x32xf32, #tpu.memory_space<vmem>>, vector<1x16xf32>,
        %get3A_727 = vector.shape_cast %get3A_726 : vector<1x16xf32> to vector<16xf32>
        %add3A_728 = arith.addf %add3A_714, %get3A_727 : vector<16xf32>
        %mul3A_729 = arith.constant 8 : i32
        %mul3A_730 = arith.muli %scan3A_657, %mul3A_729 : i32
        %add3A_731 = arith.constant 5 : i32
        %add3A_732 = arith.addi %mul3A_730, %add3A_731 : i32
        %get3A_733 = arith.index_cast %add3A_732 : i32 to index
        %get3A_734 = arith.constant 0 : index
        %get3A_735 = tpu.vector_load %arg7[%get3A_733, %get3A_734] {strides = array<i32>} : memref<200x32xf32, #tpu.memory_space<vmem>>, vector<1x16xf32>,
        %get3A_736 = vector.shape_cast %get3A_735 : vector<1x16xf32> to vector<16xf32>
        %add3A_737 = arith.addf %add3A_723, %get3A_736 : vector<16xf32>
        %get3A_738 = arith.index_cast %add3A_732 : i32 to index
        %get3A_739 = arith.constant 16 : index
        %get3A_740 = tpu.vector_load %arg7[%get3A_738, %get3A_739] {strides = array<i32>} : memref<200x32xf32, #tpu.memory_space<vmem>>, vector<1x16xf32>,
        %get3A_741 = vector.shape_cast %get3A_740 : vector<1x16xf32> to vector<16xf32>
        %add3A_742 = arith.addf %add3A_728, %get3A_741 : vector<16xf32>
        %mul3A_743 = arith.constant 8 : i32
        %mul3A_744 = arith.muli %scan3A_657, %mul3A_743 : i32
        %add3A_745 = arith.constant 6 : i32
        %add3A_746 = arith.addi %mul3A_744, %add3A_745 : i32
        %get3A_747 = arith.index_cast %add3A_746 : i32 to index
        %get3A_748 = arith.constant 0 : index
        %get3A_749 = tpu.vector_load %arg7[%get3A_747, %get3A_748] {strides = array<i32>} : memref<200x32xf32, #tpu.memory_space<vmem>>, vector<1x16xf32>,
        %get3A_750 = vector.shape_cast %get3A_749 : vector<1x16xf32> to vector<16xf32>
        %add3A_751 = arith.addf %add3A_737, %get3A_750 : vector<16xf32>
        %get3A_752 = arith.index_cast %add3A_746 : i32 to index
        %get3A_753 = arith.constant 16 : index
        %get3A_754 = tpu.vector_load %arg7[%get3A_752, %get3A_753] {strides = array<i32>} : memref<200x32xf32, #tpu.memory_space<vmem>>, vector<1x16xf32>,
        %get3A_755 = vector.shape_cast %get3A_754 : vector<1x16xf32> to vector<16xf32>
        %add3A_756 = arith.addf %add3A_742, %get3A_755 : vector<16xf32>
        %mul3A_757 = arith.constant 8 : i32
        %mul3A_758 = arith.muli %scan3A_657, %mul3A_757 : i32
        %add3A_759 = arith.constant 7 : i32
        %add3A_760 = arith.addi %mul3A_758, %add3A_759 : i32
        %get3A_761 = arith.index_cast %add3A_760 : i32 to index
        %get3A_762 = arith.constant 0 : index
        %get3A_763 = tpu.vector_load %arg7[%get3A_761, %get3A_762] {strides = array<i32>} : memref<200x32xf32, #tpu.memory_space<vmem>>, vector<1x16xf32>,
        %get3A_764 = vector.shape_cast %get3A_763 : vector<1x16xf32> to vector<16xf32>
        %add3A_765 = arith.addf %add3A_751, %get3A_764 : vector<16xf32>
        %get3A_766 = arith.index_cast %add3A_760 : i32 to index
        %get3A_767 = arith.constant 16 : index
        %get3A_768 = tpu.vector_load %arg7[%get3A_766, %get3A_767] {strides = array<i32>} : memref<200x32xf32, #tpu.memory_space<vmem>>, vector<1x16xf32>,
        %get3A_769 = vector.shape_cast %get3A_768 : vector<1x16xf32> to vector<16xf32>
        %add3A_770 = arith.addf %add3A_756, %get3A_769 : vector<16xf32>
        scf.yield %add3A_765, %add3A_770 : vector<16xf32>, vector<16xf32>
      }
      %scan3A_645 = arith.constant 25 : i32
      %swap3A_646 = arith.index_cast %add3A_635 : i32 to index
      %swap3A_647 = arith.constant 0 : index
      %swap3A_648 = tpu.vector_load %arg8[%swap3A_646, %swap3A_647] {strides = array<i32>} : memref<64x32xf32, #tpu.memory_space<vmem>>, vector<1x16xf32>,
      %swap3A_649 = vector.shape_cast %swap3A_648 : vector<1x16xf32> to vector<16xf32>
      %swap3A_650 = vector.shape_cast %scan3A_644#0 : vector<16xf32> to vector<1x16xf32>
      tpu.vector_store %arg8[%swap3A_646, %swap3A_647], %swap3A_650 {strides = array<i32>} : memref<64x32xf32, #tpu.memory_space<vmem>>, vector<1x16xf32>,
      %swap3A_651 = arith.index_cast %add3A_635 : i32 to index
      %swap3A_652 = arith.constant 16 : index
      %swap3A_653 = tpu.vector_load %arg8[%swap3A_651, %swap3A_652] {strides = array<i32>} : memref<64x32xf32, #tpu.memory_space<vmem>>, vector<1x16xf32>,
      %swap3A_654 = vector.shape_cast %swap3A_653 : vector<1x16xf32> to vector<16xf32>
      %swap3A_655 = vector.shape_cast %scan3A_644#1 : vector<16xf32> to vector<1x16xf32>
      tpu.vector_store %arg8[%swap3A_651, %swap3A_652], %swap3A_655 {strides = array<i32>} : memref<64x32xf32, #tpu.memory_space<vmem>>, vector<1x16xf32>,
      %scan3A_656 = arith.constant 0 : i32
      scf.yield %scan3A_656 : i32
    }
    %scan3A_276 = arith.constant 32 : i32
    "tpu.region"() ({
      %run_scoped3A = tpu.sem_alloc : memref<!tpu.dma_semaphore, #tpu.memory_space<semaphore_mem>>
      %dma_start3A_520 = arith.constant 0 : i32
      %dma_start3A_521 = tpu.memref_slice %arg4[%add3A_269, %dma_start3A_520] : memref<16384x32xf32, #tpu.memory_space<hbm>> -> memref<64x32xf32, #tpu.memory_space<hbm>>
      %dma_start3A_522 = arith.constant 0 : i32
      %dma_start3A_523 = tpu.memref_slice %arg4[%add3A_269, %dma_start3A_522] : memref<16384x32xf32, #tpu.memory_space<hbm>> -> memref<64x32xf32, #tpu.memory_space<hbm>>
      tpu.enqueue_dma source(%arg8 : memref<64x32xf32, #tpu.memory_space<vmem>>) target(%dma_start3A_523 : memref<64x32xf32, #tpu.memory_space<hbm>>) target_semaphore(%run_scoped3A : memref<!tpu.dma_semaphore, #tpu.memory_space<semaphore_mem>>)
      %dma_wait3A_524 = arith.constant 0 : i32
      %dma_wait3A_525 = tpu.memref_slice %arg4[%add3A_269, %dma_wait3A_524] : memref<16384x32xf32, #tpu.memory_space<hbm>> -> memref<64x32xf32, #tpu.memory_space<hbm>>
      %dma_wait3A_526 = arith.constant 0 : i32
      %dma_wait3A_527 = tpu.memref_slice %arg4[%add3A_269, %dma_wait3A_526] : memref<16384x32xf32, #tpu.memory_space<hbm>> -> memref<64x32xf32, #tpu.memory_space<hbm>>
      tpu.wait_dma2 semaphore(%run_scoped3A : memref<!tpu.dma_semaphore, #tpu.memory_space<semaphore_mem>>) src(%arg8 : memref<64x32xf32, #tpu.memory_space<vmem>>) dst(%dma_wait3A_527 : memref<64x32xf32, #tpu.memory_space<hbm>>)
      tpu.yield
    }) : () -> ()
    %add3A_277 = arith.constant 256 : i32
    %add3A_278 = arith.addi %mul3A_2, %add3A_277 : i32
    %mul3A_279 = arith.constant 2 : i32
    %mul3A_280 = arith.muli %add3A_278, %mul3A_279 : i32
    %dma_wait3A_281 = arith.constant 0 : i32
    %dma_wait3A_282 = arith.constant 0 : i32
    %dma_wait3A_283 = arith.constant 0 : i32
    %dma_wait3A_284 = tpu.memref_slice %arg5[%dma_wait3A_281, %dma_wait3A_282, %dma_wait3A_283] : memref<2x128x100xi32, #tpu.memory_space<vmem>> -> memref<1x128x100xi32, #tpu.memory_space<vmem>>
    %dma_wait3A_285 = tpu.memref_squeeze %dma_wait3A_284 : memref<1x128x100xi32, #tpu.memory_space<vmem>> -> memref<128x100xi32, #tpu.memory_space<vmem>>
    %dma_wait3A_286 = arith.constant 0 : i32
    %dma_wait3A_287 = tpu.memref_slice %arg2[%mul3A_280, %dma_wait3A_286] : memref<32768x100xi32, #tpu.memory_space<hbm>> -> memref<128x100xi32, #tpu.memory_space<hbm>>
    %dma_wait3A_288 = arith.constant 0 : i32
    %dma_wait3A_289 = arith.constant 0 : i32
    %dma_wait3A_290 = tpu.memref_slice %arg5[%dma_wait3A_281, %dma_wait3A_288, %dma_wait3A_289] : memref<2x128x100xi32, #tpu.memory_space<vmem>> -> memref<1x128x100xi32, #tpu.memory_space<vmem>>
    %dma_wait3A_291 = tpu.memref_squeeze %dma_wait3A_290 : memref<1x128x100xi32, #tpu.memory_space<vmem>> -> memref<128x100xi32, #tpu.memory_space<vmem>>
    %dma_wait3A_292 = arith.constant 0 : i32
    %dma_wait3A_293 = tpu.memref_slice %arg2[%mul3A_280, %dma_wait3A_292] : memref<32768x100xi32, #tpu.memory_space<hbm>> -> memref<128x100xi32, #tpu.memory_space<hbm>>
    tpu.wait_dma2 semaphore(%arg11 : memref<!tpu.dma_semaphore, #tpu.memory_space<semaphore_mem>>) src(%dma_wait3A_293 : memref<128x100xi32, #tpu.memory_space<hbm>>) dst(%dma_wait3A_291 : memref<128x100xi32, #tpu.memory_space<vmem>>)
    %add3A_294 = arith.constant 320 : i32
    %add3A_295 = arith.addi %mul3A_2, %add3A_294 : i32
    %mul3A_296 = arith.constant 2 : i32
    %mul3A_297 = arith.muli %add3A_295, %mul3A_296 : i32
    %dma_start3A_298 = arith.constant 1 : i32
    %dma_start3A_299 = arith.constant 0 : i32
    %dma_start3A_300 = arith.constant 0 : i32
    %dma_start3A_301 = tpu.memref_slice %arg5[%dma_start3A_298, %dma_start3A_299, %dma_start3A_300] : memref<2x128x100xi32, #tpu.memory_space<vmem>> -> memref<1x128x100xi32, #tpu.memory_space<vmem>>
    %dma_start3A_302 = tpu.memref_squeeze %dma_start3A_301 : memref<1x128x100xi32, #tpu.memory_space<vmem>> -> memref<128x100xi32, #tpu.memory_space<vmem>>
    %dma_start3A_303 = arith.constant 0 : i32
    %dma_start3A_304 = tpu.memref_slice %arg2[%mul3A_297, %dma_start3A_303] : memref<32768x100xi32, #tpu.memory_space<hbm>> -> memref<128x100xi32, #tpu.memory_space<hbm>>
    %dma_start3A_305 = arith.constant 0 : i32
    %dma_start3A_306 = arith.constant 0 : i32
    %dma_start3A_307 = tpu.memref_slice %arg5[%dma_start3A_298, %dma_start3A_305, %dma_start3A_306] : memref<2x128x100xi32, #tpu.memory_space<vmem>> -> memref<1x128x100xi32, #tpu.memory_space<vmem>>
    %dma_start3A_308 = tpu.memref_squeeze %dma_start3A_307 : memref<1x128x100xi32, #tpu.memory_space<vmem>> -> memref<128x100xi32, #tpu.memory_space<vmem>>
    %dma_start3A_309 = arith.constant 0 : i32
    %dma_start3A_310 = tpu.memref_slice %arg2[%mul3A_297, %dma_start3A_309] : memref<32768x100xi32, #tpu.memory_space<hbm>> -> memref<128x100xi32, #tpu.memory_space<hbm>>
    tpu.enqueue_dma source(%dma_start3A_310 : memref<128x100xi32, #tpu.memory_space<hbm>>) target(%dma_start3A_308 : memref<128x100xi32, #tpu.memory_space<vmem>>) target_semaphore(%arg11 : memref<!tpu.dma_semaphore, #tpu.memory_space<semaphore_mem>>)
    %dma_start3A_311 = arith.constant 0 : i32
    %dma_start3A_312 = arith.constant 0 : i32
    %dma_start3A_313 = arith.constant 0 : i32
    %dma_start3A_314 = arith.constant 0 : i32
    %dma_start3A_315 = tpu.memref_slice %arg6[%dma_start3A_313, %dma_start3A_314] : memref<200x32xf32, #tpu.memory_space<vmem>> -> memref<100x32xf32, #tpu.memory_space<vmem>>
    %dma_start3A_316 = arith.constant 0 : i32
    %dma_start3A_317 = tpu.memref_slice %arg5[%dma_start3A_311, %dma_start3A_312, %dma_start3A_316] : memref<2x128x100xi32, #tpu.memory_space<vmem>> -> memref<1x1x100xi32, #tpu.memory_space<vmem>>
    %dma_start3A_318 = tpu.memref_squeeze %dma_start3A_317 : memref<1x1x100xi32, #tpu.memory_space<vmem>> -> memref<100xi32, #tpu.memory_space<vmem>>
    %dma_start3A_319 = arith.constant 0 : i32
    %dma_start3A_320 = arith.constant 0 : i32
    %dma_start3A_321 = tpu.memref_slice %arg3[%dma_start3A_319, %dma_start3A_320] : memref<1000000x32xf32, #tpu.memory_space<hbm>> -> memref<1000000x32xf32, #tpu.memory_space<hbm>>
    tpu.enqueue_indirect_dma source(%dma_start3A_321 : memref<1000000x32xf32, #tpu.memory_space<hbm>>) target(%dma_start3A_315 : memref<100x32xf32, #tpu.memory_space<vmem>>) offsets(%dma_start3A_318 : memref<100xi32, #tpu.memory_space<vmem>>) semaphore(%arg9 : memref<!tpu.dma_semaphore, #tpu.memory_space<semaphore_mem>>)
    %dma_start3A_322 = arith.constant 0 : i32
    %dma_start3A_323 = arith.constant 1 : i32
    %dma_start3A_324 = arith.constant 100 : i32
    %dma_start3A_325 = arith.constant 0 : i32
    %dma_start3A_326 = tpu.memref_slice %arg6[%dma_start3A_324, %dma_start3A_325] : memref<200x32xf32, #tpu.memory_space<vmem>> -> memref<100x32xf32, #tpu.memory_space<vmem>>
    %dma_start3A_327 = arith.constant 0 : i32
    %dma_start3A_328 = tpu.memref_slice %arg5[%dma_start3A_322, %dma_start3A_323, %dma_start3A_327] : memref<2x128x100xi32, #tpu.memory_space<vmem>> -> memref<1x1x100xi32, #tpu.memory_space<vmem>>
    %dma_start3A_329 = tpu.memref_squeeze %dma_start3A_328 : memref<1x1x100xi32, #tpu.memory_space<vmem>> -> memref<100xi32, #tpu.memory_space<vmem>>
    %dma_start3A_330 = arith.constant 0 : i32
    %dma_start3A_331 = arith.constant 0 : i32
    %dma_start3A_332 = tpu.memref_slice %arg3[%dma_start3A_330, %dma_start3A_331] : memref<1000000x32xf32, #tpu.memory_space<hbm>> -> memref<1000000x32xf32, #tpu.memory_space<hbm>>
    tpu.enqueue_indirect_dma source(%dma_start3A_332 : memref<1000000x32xf32, #tpu.memory_space<hbm>>) target(%dma_start3A_326 : memref<100x32xf32, #tpu.memory_space<vmem>>) offsets(%dma_start3A_329 : memref<100xi32, #tpu.memory_space<vmem>>) semaphore(%arg9 : memref<!tpu.dma_semaphore, #tpu.memory_space<semaphore_mem>>)
    %add3A_333 = arith.constant 256 : i32
    %add3A_334 = arith.addi %mul3A_2, %add3A_333 : i32
    %scan3A_335 = arith.constant 0 : i32
    %scan3A_336 = arith.constant 0 : i32
    %scan3A_337 = arith.constant 32 : i32
    %scan3A_338 = arith.addi %scan3A_336, %scan3A_337 : i32
    %scan3A_339 = arith.constant 1 : i32
    %scan3A_340 = scf.for %scan3A_520 = %scan3A_336 to %scan3A_338 step %scan3A_339 iter_args(%scan3A_521 = %scan3A_335) -> (i32)  : i32 {
      %mul3A_522 = arith.constant 2 : i32
      %mul3A_523 = arith.muli %mul3A_522, %scan3A_520 : i32
      %add3A_524 = arith.constant 1 : i32
      %add3A_525 = arith.addi %mul3A_523, %add3A_524 : i32
      %mul3A_526 = arith.constant 2 : i32
      %mul3A_527 = arith.muli %mul3A_526, %add3A_525 : i32
      %mul3A_528 = arith.constant 2 : i32
      %mul3A_529 = arith.muli %mul3A_528, %add3A_525 : i32
      %add3A_530 = arith.constant 1 : i32
      %add3A_531 = arith.addi %mul3A_529, %add3A_530 : i32
      %dma_start3A_532 = arith.constant 0 : i32
      %dma_start3A_533 = arith.constant 0 : i32
      %dma_start3A_534 = arith.constant 0 : i32
      %dma_start3A_535 = tpu.memref_slice %arg7[%dma_start3A_533, %dma_start3A_534] : memref<200x32xf32, #tpu.memory_space<vmem>> -> memref<100x32xf32, #tpu.memory_space<vmem>>
      %dma_start3A_536 = arith.constant 0 : i32
      %dma_start3A_537 = tpu.memref_slice %arg5[%dma_start3A_532, %mul3A_527, %dma_start3A_536] : memref<2x128x100xi32, #tpu.memory_space<vmem>> -> memref<1x1x100xi32, #tpu.memory_space<vmem>>
      %dma_start3A_538 = tpu.memref_squeeze %dma_start3A_537 : memref<1x1x100xi32, #tpu.memory_space<vmem>> -> memref<100xi32, #tpu.memory_space<vmem>>
      %dma_start3A_539 = arith.constant 0 : i32
      %dma_start3A_540 = arith.constant 0 : i32
      %dma_start3A_541 = tpu.memref_slice %arg3[%dma_start3A_539, %dma_start3A_540] : memref<1000000x32xf32, #tpu.memory_space<hbm>> -> memref<1000000x32xf32, #tpu.memory_space<hbm>>
      tpu.enqueue_indirect_dma source(%dma_start3A_541 : memref<1000000x32xf32, #tpu.memory_space<hbm>>) target(%dma_start3A_535 : memref<100x32xf32, #tpu.memory_space<vmem>>) offsets(%dma_start3A_538 : memref<100xi32, #tpu.memory_space<vmem>>) semaphore(%arg10 : memref<!tpu.dma_semaphore, #tpu.memory_space<semaphore_mem>>)
      %dma_start3A_542 = arith.constant 0 : i32
      %dma_start3A_543 = arith.constant 100 : i32
      %dma_start3A_544 = arith.constant 0 : i32
      %dma_start3A_545 = tpu.memref_slice %arg7[%dma_start3A_543, %dma_start3A_544] : memref<200x32xf32, #tpu.memory_space<vmem>> -> memref<100x32xf32, #tpu.memory_space<vmem>>
      %dma_start3A_546 = arith.constant 0 : i32
      %dma_start3A_547 = tpu.memref_slice %arg5[%dma_start3A_542, %add3A_531, %dma_start3A_546] : memref<2x128x100xi32, #tpu.memory_space<vmem>> -> memref<1x1x100xi32, #tpu.memory_space<vmem>>
      %dma_start3A_548 = tpu.memref_squeeze %dma_start3A_547 : memref<1x1x100xi32, #tpu.memory_space<vmem>> -> memref<100xi32, #tpu.memory_space<vmem>>
      %dma_start3A_549 = arith.constant 0 : i32
      %dma_start3A_550 = arith.constant 0 : i32
      %dma_start3A_551 = tpu.memref_slice %arg3[%dma_start3A_549, %dma_start3A_550] : memref<1000000x32xf32, #tpu.memory_space<hbm>> -> memref<1000000x32xf32, #tpu.memory_space<hbm>>
      tpu.enqueue_indirect_dma source(%dma_start3A_551 : memref<1000000x32xf32, #tpu.memory_space<hbm>>) target(%dma_start3A_545 : memref<100x32xf32, #tpu.memory_space<vmem>>) offsets(%dma_start3A_548 : memref<100xi32, #tpu.memory_space<vmem>>) semaphore(%arg10 : memref<!tpu.dma_semaphore, #tpu.memory_space<semaphore_mem>>)
      %mul3A_552 = arith.constant 2 : i32
      %mul3A_553 = arith.muli %mul3A_552, %scan3A_520 : i32
      %mul3A_554 = arith.constant 2 : i32
      %mul3A_555 = arith.muli %mul3A_554, %mul3A_553 : i32
      %mul3A_556 = arith.constant 2 : i32
      %mul3A_557 = arith.muli %mul3A_556, %mul3A_553 : i32
      %add3A_558 = arith.constant 1 : i32
      %add3A_559 = arith.addi %mul3A_557, %add3A_558 : i32
      %dma_wait3A_560 = arith.constant 0 : i32
      %dma_wait3A_561 = arith.constant 0 : i32
      %dma_wait3A_562 = arith.constant 0 : i32
      %dma_wait3A_563 = tpu.memref_slice %arg6[%dma_wait3A_561, %dma_wait3A_562] : memref<200x32xf32, #tpu.memory_space<vmem>> -> memref<100x32xf32, #tpu.memory_space<vmem>>
      %dma_wait3A_564 = arith.constant 0 : i32
      %dma_wait3A_565 = tpu.memref_slice %arg5[%dma_wait3A_560, %mul3A_555, %dma_wait3A_564] : memref<2x128x100xi32, #tpu.memory_space<vmem>> -> memref<1x1x100xi32, #tpu.memory_space<vmem>>
      %dma_wait3A_566 = tpu.memref_squeeze %dma_wait3A_565 : memref<1x1x100xi32, #tpu.memory_space<vmem>> -> memref<100xi32, #tpu.memory_space<vmem>>
      %dma_wait3A_567 = arith.constant 0 : i32
      %dma_wait3A_568 = arith.constant 0 : i32
      %dma_wait3A_569 = tpu.memref_slice %arg3[%dma_wait3A_567, %dma_wait3A_568] : memref<1000000x32xf32, #tpu.memory_space<hbm>> -> memref<1000000x32xf32, #tpu.memory_space<hbm>>
      tpu.wait_indirect_dma semaphore(%arg9 : memref<!tpu.dma_semaphore, #tpu.memory_space<semaphore_mem>>) src(%dma_wait3A_569 : memref<1000000x32xf32, #tpu.memory_space<hbm>>) dst(%dma_wait3A_563 : memref<100x32xf32, #tpu.memory_space<vmem>>)
      %dma_wait3A_570 = arith.constant 0 : i32
      %dma_wait3A_571 = arith.constant 100 : i32
      %dma_wait3A_572 = arith.constant 0 : i32
      %dma_wait3A_573 = tpu.memref_slice %arg6[%dma_wait3A_571, %dma_wait3A_572] : memref<200x32xf32, #tpu.memory_space<vmem>> -> memref<100x32xf32, #tpu.memory_space<vmem>>
      %dma_wait3A_574 = arith.constant 0 : i32
      %dma_wait3A_575 = tpu.memref_slice %arg5[%dma_wait3A_570, %add3A_559, %dma_wait3A_574] : memref<2x128x100xi32, #tpu.memory_space<vmem>> -> memref<1x1x100xi32, #tpu.memory_space<vmem>>
      %dma_wait3A_576 = tpu.memref_squeeze %dma_wait3A_575 : memref<1x1x100xi32, #tpu.memory_space<vmem>> -> memref<100xi32, #tpu.memory_space<vmem>>
      %dma_wait3A_577 = arith.constant 0 : i32
      %dma_wait3A_578 = arith.constant 0 : i32
      %dma_wait3A_579 = tpu.memref_slice %arg3[%dma_wait3A_577, %dma_wait3A_578] : memref<1000000x32xf32, #tpu.memory_space<hbm>> -> memref<1000000x32xf32, #tpu.memory_space<hbm>>
      tpu.wait_indirect_dma semaphore(%arg9 : memref<!tpu.dma_semaphore, #tpu.memory_space<semaphore_mem>>) src(%dma_wait3A_579 : memref<1000000x32xf32, #tpu.memory_space<hbm>>) dst(%dma_wait3A_573 : memref<100x32xf32, #tpu.memory_space<vmem>>)
      %mul3A_580 = arith.constant 2 : i32
      %mul3A_581 = arith.muli %mul3A_580, %scan3A_520 : i32
      %broadcast_in_dim3A = arith.constant 0.000000e+00 : f32
      %broadcast_in_dim3A_582 = vector.broadcast %broadcast_in_dim3A : f32 to vector<16xf32>
      %broadcast_in_dim3A_583 = arith.constant 0.000000e+00 : f32
      %broadcast_in_dim3A_584 = vector.broadcast %broadcast_in_dim3A_583 : f32 to vector<16xf32>
      %scan3A_585 = arith.constant 0 : i32
      %scan3A_586 = arith.constant 25 : i32
      %scan3A_587 = arith.addi %scan3A_585, %scan3A_586 : i32
      %scan3A_588 = arith.constant 1 : i32
      %scan3A_589:2 = scf.for %scan3A_657 = %scan3A_585 to %scan3A_587 step %scan3A_588 iter_args(%scan3A_658 = %broadcast_in_dim3A_582, %scan3A_659 = %broadcast_in_dim3A_584) -> (vector<16xf32>, vector<16xf32>)  : i32 {
        %mul3A_660 = arith.constant 8 : i32
        %mul3A_661 = arith.muli %scan3A_657, %mul3A_660 : i32
        %add3A_662 = arith.constant 0 : i32
        %add3A_663 = arith.addi %mul3A_661, %add3A_662 : i32
        %get3A = arith.index_cast %add3A_663 : i32 to index
        %get3A_664 = arith.constant 0 : index
        %get3A_665 = tpu.vector_load %arg6[%get3A, %get3A_664] {strides = array<i32>} : memref<200x32xf32, #tpu.memory_space<vmem>>, vector<1x16xf32>,
        %get3A_666 = vector.shape_cast %get3A_665 : vector<1x16xf32> to vector<16xf32>
        %add3A_667 = arith.addf %scan3A_658, %get3A_666 : vector<16xf32>
        %get3A_668 = arith.index_cast %add3A_663 : i32 to index
        %get3A_669 = arith.constant 16 : index
        %get3A_670 = tpu.vector_load %arg6[%get3A_668, %get3A_669] {strides = array<i32>} : memref<200x32xf32, #tpu.memory_space<vmem>>, vector<1x16xf32>,
        %get3A_671 = vector.shape_cast %get3A_670 : vector<1x16xf32> to vector<16xf32>
        %add3A_672 = arith.addf %scan3A_659, %get3A_671 : vector<16xf32>
        %mul3A_673 = arith.constant 8 : i32
        %mul3A_674 = arith.muli %scan3A_657, %mul3A_673 : i32
        %add3A_675 = arith.constant 1 : i32
        %add3A_676 = arith.addi %mul3A_674, %add3A_675 : i32
        %get3A_677 = arith.index_cast %add3A_676 : i32 to index
        %get3A_678 = arith.constant 0 : index
        %get3A_679 = tpu.vector_load %arg6[%get3A_677, %get3A_678] {strides = array<i32>} : memref<200x32xf32, #tpu.memory_space<vmem>>, vector<1x16xf32>,
        %get3A_680 = vector.shape_cast %get3A_679 : vector<1x16xf32> to vector<16xf32>
        %add3A_681 = arith.addf %add3A_667, %get3A_680 : vector<16xf32>
        %get3A_682 = arith.index_cast %add3A_676 : i32 to index
        %get3A_683 = arith.constant 16 : index
        %get3A_684 = tpu.vector_load %arg6[%get3A_682, %get3A_683] {strides = array<i32>} : memref<200x32xf32, #tpu.memory_space<vmem>>, vector<1x16xf32>,
        %get3A_685 = vector.shape_cast %get3A_684 : vector<1x16xf32> to vector<16xf32>
        %add3A_686 = arith.addf %add3A_672, %get3A_685 : vector<16xf32>
        %mul3A_687 = arith.constant 8 : i32
        %mul3A_688 = arith.muli %scan3A_657, %mul3A_687 : i32
        %add3A_689 = arith.constant 2 : i32
        %add3A_690 = arith.addi %mul3A_688, %add3A_689 : i32
        %get3A_691 = arith.index_cast %add3A_690 : i32 to index
        %get3A_692 = arith.constant 0 : index
        %get3A_693 = tpu.vector_load %arg6[%get3A_691, %get3A_692] {strides = array<i32>} : memref<200x32xf32, #tpu.memory_space<vmem>>, vector<1x16xf32>,
        %get3A_694 = vector.shape_cast %get3A_693 : vector<1x16xf32> to vector<16xf32>
        %add3A_695 = arith.addf %add3A_681, %get3A_694 : vector<16xf32>
        %get3A_696 = arith.index_cast %add3A_690 : i32 to index
        %get3A_697 = arith.constant 16 : index
        %get3A_698 = tpu.vector_load %arg6[%get3A_696, %get3A_697] {strides = array<i32>} : memref<200x32xf32, #tpu.memory_space<vmem>>, vector<1x16xf32>,
        %get3A_699 = vector.shape_cast %get3A_698 : vector<1x16xf32> to vector<16xf32>
        %add3A_700 = arith.addf %add3A_686, %get3A_699 : vector<16xf32>
        %mul3A_701 = arith.constant 8 : i32
        %mul3A_702 = arith.muli %scan3A_657, %mul3A_701 : i32
        %add3A_703 = arith.constant 3 : i32
        %add3A_704 = arith.addi %mul3A_702, %add3A_703 : i32
        %get3A_705 = arith.index_cast %add3A_704 : i32 to index
        %get3A_706 = arith.constant 0 : index
        %get3A_707 = tpu.vector_load %arg6[%get3A_705, %get3A_706] {strides = array<i32>} : memref<200x32xf32, #tpu.memory_space<vmem>>, vector<1x16xf32>,
        %get3A_708 = vector.shape_cast %get3A_707 : vector<1x16xf32> to vector<16xf32>
        %add3A_709 = arith.addf %add3A_695, %get3A_708 : vector<16xf32>
        %get3A_710 = arith.index_cast %add3A_704 : i32 to index
        %get3A_711 = arith.constant 16 : index
        %get3A_712 = tpu.vector_load %arg6[%get3A_710, %get3A_711] {strides = array<i32>} : memref<200x32xf32, #tpu.memory_space<vmem>>, vector<1x16xf32>,
        %get3A_713 = vector.shape_cast %get3A_712 : vector<1x16xf32> to vector<16xf32>
        %add3A_714 = arith.addf %add3A_700, %get3A_713 : vector<16xf32>
        %mul3A_715 = arith.constant 8 : i32
        %mul3A_716 = arith.muli %scan3A_657, %mul3A_715 : i32
        %add3A_717 = arith.constant 4 : i32
        %add3A_718 = arith.addi %mul3A_716, %add3A_717 : i32
        %get3A_719 = arith.index_cast %add3A_718 : i32 to index
        %get3A_720 = arith.constant 0 : index
        %get3A_721 = tpu.vector_load %arg6[%get3A_719, %get3A_720] {strides = array<i32>} : memref<200x32xf32, #tpu.memory_space<vmem>>, vector<1x16xf32>,
        %get3A_722 = vector.shape_cast %get3A_721 : vector<1x16xf32> to vector<16xf32>
        %add3A_723 = arith.addf %add3A_709, %get3A_722 : vector<16xf32>
        %get3A_724 = arith.index_cast %add3A_718 : i32 to index
        %get3A_725 = arith.constant 16 : index
        %get3A_726 = tpu.vector_load %arg6[%get3A_724, %get3A_725] {strides = array<i32>} : memref<200x32xf32, #tpu.memory_space<vmem>>, vector<1x16xf32>,
        %get3A_727 = vector.shape_cast %get3A_726 : vector<1x16xf32> to vector<16xf32>
        %add3A_728 = arith.addf %add3A_714, %get3A_727 : vector<16xf32>
        %mul3A_729 = arith.constant 8 : i32
        %mul3A_730 = arith.muli %scan3A_657, %mul3A_729 : i32
        %add3A_731 = arith.constant 5 : i32
        %add3A_732 = arith.addi %mul3A_730, %add3A_731 : i32
        %get3A_733 = arith.index_cast %add3A_732 : i32 to index
        %get3A_734 = arith.constant 0 : index
        %get3A_735 = tpu.vector_load %arg6[%get3A_733, %get3A_734] {strides = array<i32>} : memref<200x32xf32, #tpu.memory_space<vmem>>, vector<1x16xf32>,
        %get3A_736 = vector.shape_cast %get3A_735 : vector<1x16xf32> to vector<16xf32>
        %add3A_737 = arith.addf %add3A_723, %get3A_736 : vector<16xf32>
        %get3A_738 = arith.index_cast %add3A_732 : i32 to index
        %get3A_739 = arith.constant 16 : index
        %get3A_740 = tpu.vector_load %arg6[%get3A_738, %get3A_739] {strides = array<i32>} : memref<200x32xf32, #tpu.memory_space<vmem>>, vector<1x16xf32>,
        %get3A_741 = vector.shape_cast %get3A_740 : vector<1x16xf32> to vector<16xf32>
        %add3A_742 = arith.addf %add3A_728, %get3A_741 : vector<16xf32>
        %mul3A_743 = arith.constant 8 : i32
        %mul3A_744 = arith.muli %scan3A_657, %mul3A_743 : i32
        %add3A_745 = arith.constant 6 : i32
        %add3A_746 = arith.addi %mul3A_744, %add3A_745 : i32
        %get3A_747 = arith.index_cast %add3A_746 : i32 to index
        %get3A_748 = arith.constant 0 : index
        %get3A_749 = tpu.vector_load %arg6[%get3A_747, %get3A_748] {strides = array<i32>} : memref<200x32xf32, #tpu.memory_space<vmem>>, vector<1x16xf32>,
        %get3A_750 = vector.shape_cast %get3A_749 : vector<1x16xf32> to vector<16xf32>
        %add3A_751 = arith.addf %add3A_737, %get3A_750 : vector<16xf32>
        %get3A_752 = arith.index_cast %add3A_746 : i32 to index
        %get3A_753 = arith.constant 16 : index
        %get3A_754 = tpu.vector_load %arg6[%get3A_752, %get3A_753] {strides = array<i32>} : memref<200x32xf32, #tpu.memory_space<vmem>>, vector<1x16xf32>,
        %get3A_755 = vector.shape_cast %get3A_754 : vector<1x16xf32> to vector<16xf32>
        %add3A_756 = arith.addf %add3A_742, %get3A_755 : vector<16xf32>
        %mul3A_757 = arith.constant 8 : i32
        %mul3A_758 = arith.muli %scan3A_657, %mul3A_757 : i32
        %add3A_759 = arith.constant 7 : i32
        %add3A_760 = arith.addi %mul3A_758, %add3A_759 : i32
        %get3A_761 = arith.index_cast %add3A_760 : i32 to index
        %get3A_762 = arith.constant 0 : index
        %get3A_763 = tpu.vector_load %arg6[%get3A_761, %get3A_762] {strides = array<i32>} : memref<200x32xf32, #tpu.memory_space<vmem>>, vector<1x16xf32>,
        %get3A_764 = vector.shape_cast %get3A_763 : vector<1x16xf32> to vector<16xf32>
        %add3A_765 = arith.addf %add3A_751, %get3A_764 : vector<16xf32>
        %get3A_766 = arith.index_cast %add3A_760 : i32 to index
        %get3A_767 = arith.constant 16 : index
        %get3A_768 = tpu.vector_load %arg6[%get3A_766, %get3A_767] {strides = array<i32>} : memref<200x32xf32, #tpu.memory_space<vmem>>, vector<1x16xf32>,
        %get3A_769 = vector.shape_cast %get3A_768 : vector<1x16xf32> to vector<16xf32>
        %add3A_770 = arith.addf %add3A_756, %get3A_769 : vector<16xf32>
        scf.yield %add3A_765, %add3A_770 : vector<16xf32>, vector<16xf32>
      }
      %scan3A_590 = arith.constant 25 : i32
      %swap3A = arith.index_cast %mul3A_581 : i32 to index
      %swap3A_591 = arith.constant 0 : index
      %swap3A_592 = tpu.vector_load %arg8[%swap3A, %swap3A_591] {strides = array<i32>} : memref<64x32xf32, #tpu.memory_space<vmem>>, vector<1x16xf32>,
      %swap3A_593 = vector.shape_cast %swap3A_592 : vector<1x16xf32> to vector<16xf32>
      %swap3A_594 = vector.shape_cast %scan3A_589#0 : vector<16xf32> to vector<1x16xf32>
      tpu.vector_store %arg8[%swap3A, %swap3A_591], %swap3A_594 {strides = array<i32>} : memref<64x32xf32, #tpu.memory_space<vmem>>, vector<1x16xf32>,
      %swap3A_595 = arith.index_cast %mul3A_581 : i32 to index
      %swap3A_596 = arith.constant 16 : index
      %swap3A_597 = tpu.vector_load %arg8[%swap3A_595, %swap3A_596] {strides = array<i32>} : memref<64x32xf32, #tpu.memory_space<vmem>>, vector<1x16xf32>,
      %swap3A_598 = vector.shape_cast %swap3A_597 : vector<1x16xf32> to vector<16xf32>
      %swap3A_599 = vector.shape_cast %scan3A_589#1 : vector<16xf32> to vector<1x16xf32>
      tpu.vector_store %arg8[%swap3A_595, %swap3A_596], %swap3A_599 {strides = array<i32>} : memref<64x32xf32, #tpu.memory_space<vmem>>, vector<1x16xf32>,
      %lt3A = arith.constant 31 : i32
      %lt3A_600 = arith.cmpi slt, %scan3A_520, %lt3A : i32
      %convert_element_type3A = arith.extui %lt3A_600 : i1 to i32
      %cond3A = arith.constant 0 : i32
      %cond3A_601 = arith.cmpi ne, %convert_element_type3A, %cond3A : i32
      scf.if %cond3A_601 {
        %mul3A_657 = arith.constant 2 : i32
        %mul3A_658 = arith.muli %mul3A_657, %scan3A_520 : i32
        %add3A_659 = arith.constant 2 : i32
        %add3A_660 = arith.addi %mul3A_658, %add3A_659 : i32
        %mul3A_661 = arith.constant 2 : i32
        %mul3A_662 = arith.muli %mul3A_661, %add3A_660 : i32
        %mul3A_663 = arith.constant 2 : i32
        %mul3A_664 = arith.muli %mul3A_663, %add3A_660 : i32
        %add3A_665 = arith.constant 1 : i32
        %add3A_666 = arith.addi %mul3A_664, %add3A_665 : i32
        %dma_start3A_667 = arith.constant 0 : i32
        %dma_start3A_668 = arith.constant 0 : i32
        %dma_start3A_669 = arith.constant 0 : i32
        %dma_start3A_670 = tpu.memref_slice %arg6[%dma_start3A_668, %dma_start3A_669] : memref<200x32xf32, #tpu.memory_space<vmem>> -> memref<100x32xf32, #tpu.memory_space<vmem>>
        %dma_start3A_671 = arith.constant 0 : i32
        %dma_start3A_672 = tpu.memref_slice %arg5[%dma_start3A_667, %mul3A_662, %dma_start3A_671] : memref<2x128x100xi32, #tpu.memory_space<vmem>> -> memref<1x1x100xi32, #tpu.memory_space<vmem>>
        %dma_start3A_673 = tpu.memref_squeeze %dma_start3A_672 : memref<1x1x100xi32, #tpu.memory_space<vmem>> -> memref<100xi32, #tpu.memory_space<vmem>>
        %dma_start3A_674 = arith.constant 0 : i32
        %dma_start3A_675 = arith.constant 0 : i32
        %dma_start3A_676 = tpu.memref_slice %arg3[%dma_start3A_674, %dma_start3A_675] : memref<1000000x32xf32, #tpu.memory_space<hbm>> -> memref<1000000x32xf32, #tpu.memory_space<hbm>>
        tpu.enqueue_indirect_dma source(%dma_start3A_676 : memref<1000000x32xf32, #tpu.memory_space<hbm>>) target(%dma_start3A_670 : memref<100x32xf32, #tpu.memory_space<vmem>>) offsets(%dma_start3A_673 : memref<100xi32, #tpu.memory_space<vmem>>) semaphore(%arg9 : memref<!tpu.dma_semaphore, #tpu.memory_space<semaphore_mem>>)
        %dma_start3A_677 = arith.constant 0 : i32
        %dma_start3A_678 = arith.constant 100 : i32
        %dma_start3A_679 = arith.constant 0 : i32
        %dma_start3A_680 = tpu.memref_slice %arg6[%dma_start3A_678, %dma_start3A_679] : memref<200x32xf32, #tpu.memory_space<vmem>> -> memref<100x32xf32, #tpu.memory_space<vmem>>
        %dma_start3A_681 = arith.constant 0 : i32
        %dma_start3A_682 = tpu.memref_slice %arg5[%dma_start3A_677, %add3A_666, %dma_start3A_681] : memref<2x128x100xi32, #tpu.memory_space<vmem>> -> memref<1x1x100xi32, #tpu.memory_space<vmem>>
        %dma_start3A_683 = tpu.memref_squeeze %dma_start3A_682 : memref<1x1x100xi32, #tpu.memory_space<vmem>> -> memref<100xi32, #tpu.memory_space<vmem>>
        %dma_start3A_684 = arith.constant 0 : i32
        %dma_start3A_685 = arith.constant 0 : i32
        %dma_start3A_686 = tpu.memref_slice %arg3[%dma_start3A_684, %dma_start3A_685] : memref<1000000x32xf32, #tpu.memory_space<hbm>> -> memref<1000000x32xf32, #tpu.memory_space<hbm>>
        tpu.enqueue_indirect_dma source(%dma_start3A_686 : memref<1000000x32xf32, #tpu.memory_space<hbm>>) target(%dma_start3A_680 : memref<100x32xf32, #tpu.memory_space<vmem>>) offsets(%dma_start3A_683 : memref<100xi32, #tpu.memory_space<vmem>>) semaphore(%arg9 : memref<!tpu.dma_semaphore, #tpu.memory_space<semaphore_mem>>)
      } else {
      }
      %mul3A_602 = arith.constant 2 : i32
      %mul3A_603 = arith.muli %mul3A_602, %scan3A_520 : i32
      %add3A_604 = arith.constant 1 : i32
      %add3A_605 = arith.addi %mul3A_603, %add3A_604 : i32
      %mul3A_606 = arith.constant 2 : i32
      %mul3A_607 = arith.muli %mul3A_606, %add3A_605 : i32
      %mul3A_608 = arith.constant 2 : i32
      %mul3A_609 = arith.muli %mul3A_608, %add3A_605 : i32
      %add3A_610 = arith.constant 1 : i32
      %add3A_611 = arith.addi %mul3A_609, %add3A_610 : i32
      %dma_wait3A_612 = arith.constant 0 : i32
      %dma_wait3A_613 = arith.constant 0 : i32
      %dma_wait3A_614 = arith.constant 0 : i32
      %dma_wait3A_615 = tpu.memref_slice %arg7[%dma_wait3A_613, %dma_wait3A_614] : memref<200x32xf32, #tpu.memory_space<vmem>> -> memref<100x32xf32, #tpu.memory_space<vmem>>
      %dma_wait3A_616 = arith.constant 0 : i32
      %dma_wait3A_617 = tpu.memref_slice %arg5[%dma_wait3A_612, %mul3A_607, %dma_wait3A_616] : memref<2x128x100xi32, #tpu.memory_space<vmem>> -> memref<1x1x100xi32, #tpu.memory_space<vmem>>
      %dma_wait3A_618 = tpu.memref_squeeze %dma_wait3A_617 : memref<1x1x100xi32, #tpu.memory_space<vmem>> -> memref<100xi32, #tpu.memory_space<vmem>>
      %dma_wait3A_619 = arith.constant 0 : i32
      %dma_wait3A_620 = arith.constant 0 : i32
      %dma_wait3A_621 = tpu.memref_slice %arg3[%dma_wait3A_619, %dma_wait3A_620] : memref<1000000x32xf32, #tpu.memory_space<hbm>> -> memref<1000000x32xf32, #tpu.memory_space<hbm>>
      tpu.wait_indirect_dma semaphore(%arg10 : memref<!tpu.dma_semaphore, #tpu.memory_space<semaphore_mem>>) src(%dma_wait3A_621 : memref<1000000x32xf32, #tpu.memory_space<hbm>>) dst(%dma_wait3A_615 : memref<100x32xf32, #tpu.memory_space<vmem>>)
      %dma_wait3A_622 = arith.constant 0 : i32
      %dma_wait3A_623 = arith.constant 100 : i32
      %dma_wait3A_624 = arith.constant 0 : i32
      %dma_wait3A_625 = tpu.memref_slice %arg7[%dma_wait3A_623, %dma_wait3A_624] : memref<200x32xf32, #tpu.memory_space<vmem>> -> memref<100x32xf32, #tpu.memory_space<vmem>>
      %dma_wait3A_626 = arith.constant 0 : i32
      %dma_wait3A_627 = tpu.memref_slice %arg5[%dma_wait3A_622, %add3A_611, %dma_wait3A_626] : memref<2x128x100xi32, #tpu.memory_space<vmem>> -> memref<1x1x100xi32, #tpu.memory_space<vmem>>
      %dma_wait3A_628 = tpu.memref_squeeze %dma_wait3A_627 : memref<1x1x100xi32, #tpu.memory_space<vmem>> -> memref<100xi32, #tpu.memory_space<vmem>>
      %dma_wait3A_629 = arith.constant 0 : i32
      %dma_wait3A_630 = arith.constant 0 : i32
      %dma_wait3A_631 = tpu.memref_slice %arg3[%dma_wait3A_629, %dma_wait3A_630] : memref<1000000x32xf32, #tpu.memory_space<hbm>> -> memref<1000000x32xf32, #tpu.memory_space<hbm>>
      tpu.wait_indirect_dma semaphore(%arg10 : memref<!tpu.dma_semaphore, #tpu.memory_space<semaphore_mem>>) src(%dma_wait3A_631 : memref<1000000x32xf32, #tpu.memory_space<hbm>>) dst(%dma_wait3A_625 : memref<100x32xf32, #tpu.memory_space<vmem>>)
      %mul3A_632 = arith.constant 2 : i32
      %mul3A_633 = arith.muli %mul3A_632, %scan3A_520 : i32
      %add3A_634 = arith.constant 1 : i32
      %add3A_635 = arith.addi %mul3A_633, %add3A_634 : i32
      %broadcast_in_dim3A_636 = arith.constant 0.000000e+00 : f32
      %broadcast_in_dim3A_637 = vector.broadcast %broadcast_in_dim3A_636 : f32 to vector<16xf32>
      %broadcast_in_dim3A_638 = arith.constant 0.000000e+00 : f32
      %broadcast_in_dim3A_639 = vector.broadcast %broadcast_in_dim3A_638 : f32 to vector<16xf32>
      %scan3A_640 = arith.constant 0 : i32
      %scan3A_641 = arith.constant 25 : i32
      %scan3A_642 = arith.addi %scan3A_640, %scan3A_641 : i32
      %scan3A_643 = arith.constant 1 : i32
      %scan3A_644:2 = scf.for %scan3A_657 = %scan3A_640 to %scan3A_642 step %scan3A_643 iter_args(%scan3A_658 = %broadcast_in_dim3A_637, %scan3A_659 = %broadcast_in_dim3A_639) -> (vector<16xf32>, vector<16xf32>)  : i32 {
        %mul3A_660 = arith.constant 8 : i32
        %mul3A_661 = arith.muli %scan3A_657, %mul3A_660 : i32
        %add3A_662 = arith.constant 0 : i32
        %add3A_663 = arith.addi %mul3A_661, %add3A_662 : i32
        %get3A = arith.index_cast %add3A_663 : i32 to index
        %get3A_664 = arith.constant 0 : index
        %get3A_665 = tpu.vector_load %arg7[%get3A, %get3A_664] {strides = array<i32>} : memref<200x32xf32, #tpu.memory_space<vmem>>, vector<1x16xf32>,
        %get3A_666 = vector.shape_cast %get3A_665 : vector<1x16xf32> to vector<16xf32>
        %add3A_667 = arith.addf %scan3A_658, %get3A_666 : vector<16xf32>
        %get3A_668 = arith.index_cast %add3A_663 : i32 to index
        %get3A_669 = arith.constant 16 : index
        %get3A_670 = tpu.vector_load %arg7[%get3A_668, %get3A_669] {strides = array<i32>} : memref<200x32xf32, #tpu.memory_space<vmem>>, vector<1x16xf32>,
        %get3A_671 = vector.shape_cast %get3A_670 : vector<1x16xf32> to vector<16xf32>
        %add3A_672 = arith.addf %scan3A_659, %get3A_671 : vector<16xf32>
        %mul3A_673 = arith.constant 8 : i32
        %mul3A_674 = arith.muli %scan3A_657, %mul3A_673 : i32
        %add3A_675 = arith.constant 1 : i32
        %add3A_676 = arith.addi %mul3A_674, %add3A_675 : i32
        %get3A_677 = arith.index_cast %add3A_676 : i32 to index
        %get3A_678 = arith.constant 0 : index
        %get3A_679 = tpu.vector_load %arg7[%get3A_677, %get3A_678] {strides = array<i32>} : memref<200x32xf32, #tpu.memory_space<vmem>>, vector<1x16xf32>,
        %get3A_680 = vector.shape_cast %get3A_679 : vector<1x16xf32> to vector<16xf32>
        %add3A_681 = arith.addf %add3A_667, %get3A_680 : vector<16xf32>
        %get3A_682 = arith.index_cast %add3A_676 : i32 to index
        %get3A_683 = arith.constant 16 : index
        %get3A_684 = tpu.vector_load %arg7[%get3A_682, %get3A_683] {strides = array<i32>} : memref<200x32xf32, #tpu.memory_space<vmem>>, vector<1x16xf32>,
        %get3A_685 = vector.shape_cast %get3A_684 : vector<1x16xf32> to vector<16xf32>
        %add3A_686 = arith.addf %add3A_672, %get3A_685 : vector<16xf32>
        %mul3A_687 = arith.constant 8 : i32
        %mul3A_688 = arith.muli %scan3A_657, %mul3A_687 : i32
        %add3A_689 = arith.constant 2 : i32
        %add3A_690 = arith.addi %mul3A_688, %add3A_689 : i32
        %get3A_691 = arith.index_cast %add3A_690 : i32 to index
        %get3A_692 = arith.constant 0 : index
        %get3A_693 = tpu.vector_load %arg7[%get3A_691, %get3A_692] {strides = array<i32>} : memref<200x32xf32, #tpu.memory_space<vmem>>, vector<1x16xf32>,
        %get3A_694 = vector.shape_cast %get3A_693 : vector<1x16xf32> to vector<16xf32>
        %add3A_695 = arith.addf %add3A_681, %get3A_694 : vector<16xf32>
        %get3A_696 = arith.index_cast %add3A_690 : i32 to index
        %get3A_697 = arith.constant 16 : index
        %get3A_698 = tpu.vector_load %arg7[%get3A_696, %get3A_697] {strides = array<i32>} : memref<200x32xf32, #tpu.memory_space<vmem>>, vector<1x16xf32>,
        %get3A_699 = vector.shape_cast %get3A_698 : vector<1x16xf32> to vector<16xf32>
        %add3A_700 = arith.addf %add3A_686, %get3A_699 : vector<16xf32>
        %mul3A_701 = arith.constant 8 : i32
        %mul3A_702 = arith.muli %scan3A_657, %mul3A_701 : i32
        %add3A_703 = arith.constant 3 : i32
        %add3A_704 = arith.addi %mul3A_702, %add3A_703 : i32
        %get3A_705 = arith.index_cast %add3A_704 : i32 to index
        %get3A_706 = arith.constant 0 : index
        %get3A_707 = tpu.vector_load %arg7[%get3A_705, %get3A_706] {strides = array<i32>} : memref<200x32xf32, #tpu.memory_space<vmem>>, vector<1x16xf32>,
        %get3A_708 = vector.shape_cast %get3A_707 : vector<1x16xf32> to vector<16xf32>
        %add3A_709 = arith.addf %add3A_695, %get3A_708 : vector<16xf32>
        %get3A_710 = arith.index_cast %add3A_704 : i32 to index
        %get3A_711 = arith.constant 16 : index
        %get3A_712 = tpu.vector_load %arg7[%get3A_710, %get3A_711] {strides = array<i32>} : memref<200x32xf32, #tpu.memory_space<vmem>>, vector<1x16xf32>,
        %get3A_713 = vector.shape_cast %get3A_712 : vector<1x16xf32> to vector<16xf32>
        %add3A_714 = arith.addf %add3A_700, %get3A_713 : vector<16xf32>
        %mul3A_715 = arith.constant 8 : i32
        %mul3A_716 = arith.muli %scan3A_657, %mul3A_715 : i32
        %add3A_717 = arith.constant 4 : i32
        %add3A_718 = arith.addi %mul3A_716, %add3A_717 : i32
        %get3A_719 = arith.index_cast %add3A_718 : i32 to index
        %get3A_720 = arith.constant 0 : index
        %get3A_721 = tpu.vector_load %arg7[%get3A_719, %get3A_720] {strides = array<i32>} : memref<200x32xf32, #tpu.memory_space<vmem>>, vector<1x16xf32>,
        %get3A_722 = vector.shape_cast %get3A_721 : vector<1x16xf32> to vector<16xf32>
        %add3A_723 = arith.addf %add3A_709, %get3A_722 : vector<16xf32>
        %get3A_724 = arith.index_cast %add3A_718 : i32 to index
        %get3A_725 = arith.constant 16 : index
        %get3A_726 = tpu.vector_load %arg7[%get3A_724, %get3A_725] {strides = array<i32>} : memref<200x32xf32, #tpu.memory_space<vmem>>, vector<1x16xf32>,
        %get3A_727 = vector.shape_cast %get3A_726 : vector<1x16xf32> to vector<16xf32>
        %add3A_728 = arith.addf %add3A_714, %get3A_727 : vector<16xf32>
        %mul3A_729 = arith.constant 8 : i32
        %mul3A_730 = arith.muli %scan3A_657, %mul3A_729 : i32
        %add3A_731 = arith.constant 5 : i32
        %add3A_732 = arith.addi %mul3A_730, %add3A_731 : i32
        %get3A_733 = arith.index_cast %add3A_732 : i32 to index
        %get3A_734 = arith.constant 0 : index
        %get3A_735 = tpu.vector_load %arg7[%get3A_733, %get3A_734] {strides = array<i32>} : memref<200x32xf32, #tpu.memory_space<vmem>>, vector<1x16xf32>,
        %get3A_736 = vector.shape_cast %get3A_735 : vector<1x16xf32> to vector<16xf32>
        %add3A_737 = arith.addf %add3A_723, %get3A_736 : vector<16xf32>
        %get3A_738 = arith.index_cast %add3A_732 : i32 to index
        %get3A_739 = arith.constant 16 : index
        %get3A_740 = tpu.vector_load %arg7[%get3A_738, %get3A_739] {strides = array<i32>} : memref<200x32xf32, #tpu.memory_space<vmem>>, vector<1x16xf32>,
        %get3A_741 = vector.shape_cast %get3A_740 : vector<1x16xf32> to vector<16xf32>
        %add3A_742 = arith.addf %add3A_728, %get3A_741 : vector<16xf32>
        %mul3A_743 = arith.constant 8 : i32
        %mul3A_744 = arith.muli %scan3A_657, %mul3A_743 : i32
        %add3A_745 = arith.constant 6 : i32
        %add3A_746 = arith.addi %mul3A_744, %add3A_745 : i32
        %get3A_747 = arith.index_cast %add3A_746 : i32 to index
        %get3A_748 = arith.constant 0 : index
        %get3A_749 = tpu.vector_load %arg7[%get3A_747, %get3A_748] {strides = array<i32>} : memref<200x32xf32, #tpu.memory_space<vmem>>, vector<1x16xf32>,
        %get3A_750 = vector.shape_cast %get3A_749 : vector<1x16xf32> to vector<16xf32>
        %add3A_751 = arith.addf %add3A_737, %get3A_750 : vector<16xf32>
        %get3A_752 = arith.index_cast %add3A_746 : i32 to index
        %get3A_753 = arith.constant 16 : index
        %get3A_754 = tpu.vector_load %arg7[%get3A_752, %get3A_753] {strides = array<i32>} : memref<200x32xf32, #tpu.memory_space<vmem>>, vector<1x16xf32>,
        %get3A_755 = vector.shape_cast %get3A_754 : vector<1x16xf32> to vector<16xf32>
        %add3A_756 = arith.addf %add3A_742, %get3A_755 : vector<16xf32>
        %mul3A_757 = arith.constant 8 : i32
        %mul3A_758 = arith.muli %scan3A_657, %mul3A_757 : i32
        %add3A_759 = arith.constant 7 : i32
        %add3A_760 = arith.addi %mul3A_758, %add3A_759 : i32
        %get3A_761 = arith.index_cast %add3A_760 : i32 to index
        %get3A_762 = arith.constant 0 : index
        %get3A_763 = tpu.vector_load %arg7[%get3A_761, %get3A_762] {strides = array<i32>} : memref<200x32xf32, #tpu.memory_space<vmem>>, vector<1x16xf32>,
        %get3A_764 = vector.shape_cast %get3A_763 : vector<1x16xf32> to vector<16xf32>
        %add3A_765 = arith.addf %add3A_751, %get3A_764 : vector<16xf32>
        %get3A_766 = arith.index_cast %add3A_760 : i32 to index
        %get3A_767 = arith.constant 16 : index
        %get3A_768 = tpu.vector_load %arg7[%get3A_766, %get3A_767] {strides = array<i32>} : memref<200x32xf32, #tpu.memory_space<vmem>>, vector<1x16xf32>,
        %get3A_769 = vector.shape_cast %get3A_768 : vector<1x16xf32> to vector<16xf32>
        %add3A_770 = arith.addf %add3A_756, %get3A_769 : vector<16xf32>
        scf.yield %add3A_765, %add3A_770 : vector<16xf32>, vector<16xf32>
      }
      %scan3A_645 = arith.constant 25 : i32
      %swap3A_646 = arith.index_cast %add3A_635 : i32 to index
      %swap3A_647 = arith.constant 0 : index
      %swap3A_648 = tpu.vector_load %arg8[%swap3A_646, %swap3A_647] {strides = array<i32>} : memref<64x32xf32, #tpu.memory_space<vmem>>, vector<1x16xf32>,
      %swap3A_649 = vector.shape_cast %swap3A_648 : vector<1x16xf32> to vector<16xf32>
      %swap3A_650 = vector.shape_cast %scan3A_644#0 : vector<16xf32> to vector<1x16xf32>
      tpu.vector_store %arg8[%swap3A_646, %swap3A_647], %swap3A_650 {strides = array<i32>} : memref<64x32xf32, #tpu.memory_space<vmem>>, vector<1x16xf32>,
      %swap3A_651 = arith.index_cast %add3A_635 : i32 to index
      %swap3A_652 = arith.constant 16 : index
      %swap3A_653 = tpu.vector_load %arg8[%swap3A_651, %swap3A_652] {strides = array<i32>} : memref<64x32xf32, #tpu.memory_space<vmem>>, vector<1x16xf32>,
      %swap3A_654 = vector.shape_cast %swap3A_653 : vector<1x16xf32> to vector<16xf32>
      %swap3A_655 = vector.shape_cast %scan3A_644#1 : vector<16xf32> to vector<1x16xf32>
      tpu.vector_store %arg8[%swap3A_651, %swap3A_652], %swap3A_655 {strides = array<i32>} : memref<64x32xf32, #tpu.memory_space<vmem>>, vector<1x16xf32>,
      %scan3A_656 = arith.constant 0 : i32
      scf.yield %scan3A_656 : i32
    }
    %scan3A_341 = arith.constant 32 : i32
    "tpu.region"() ({
      %run_scoped3A = tpu.sem_alloc : memref<!tpu.dma_semaphore, #tpu.memory_space<semaphore_mem>>
      %dma_start3A_520 = arith.constant 0 : i32
      %dma_start3A_521 = tpu.memref_slice %arg4[%add3A_334, %dma_start3A_520] : memref<16384x32xf32, #tpu.memory_space<hbm>> -> memref<64x32xf32, #tpu.memory_space<hbm>>
      %dma_start3A_522 = arith.constant 0 : i32
      %dma_start3A_523 = tpu.memref_slice %arg4[%add3A_334, %dma_start3A_522] : memref<16384x32xf32, #tpu.memory_space<hbm>> -> memref<64x32xf32, #tpu.memory_space<hbm>>
      tpu.enqueue_dma source(%arg8 : memref<64x32xf32, #tpu.memory_space<vmem>>) target(%dma_start3A_523 : memref<64x32xf32, #tpu.memory_space<hbm>>) target_semaphore(%run_scoped3A : memref<!tpu.dma_semaphore, #tpu.memory_space<semaphore_mem>>)
      %dma_wait3A_524 = arith.constant 0 : i32
      %dma_wait3A_525 = tpu.memref_slice %arg4[%add3A_334, %dma_wait3A_524] : memref<16384x32xf32, #tpu.memory_space<hbm>> -> memref<64x32xf32, #tpu.memory_space<hbm>>
      %dma_wait3A_526 = arith.constant 0 : i32
      %dma_wait3A_527 = tpu.memref_slice %arg4[%add3A_334, %dma_wait3A_526] : memref<16384x32xf32, #tpu.memory_space<hbm>> -> memref<64x32xf32, #tpu.memory_space<hbm>>
      tpu.wait_dma2 semaphore(%run_scoped3A : memref<!tpu.dma_semaphore, #tpu.memory_space<semaphore_mem>>) src(%arg8 : memref<64x32xf32, #tpu.memory_space<vmem>>) dst(%dma_wait3A_527 : memref<64x32xf32, #tpu.memory_space<hbm>>)
      tpu.yield
    }) : () -> ()
    %add3A_342 = arith.constant 320 : i32
    %add3A_343 = arith.addi %mul3A_2, %add3A_342 : i32
    %mul3A_344 = arith.constant 2 : i32
    %mul3A_345 = arith.muli %add3A_343, %mul3A_344 : i32
    %dma_wait3A_346 = arith.constant 1 : i32
    %dma_wait3A_347 = arith.constant 0 : i32
    %dma_wait3A_348 = arith.constant 0 : i32
    %dma_wait3A_349 = tpu.memref_slice %arg5[%dma_wait3A_346, %dma_wait3A_347, %dma_wait3A_348] : memref<2x128x100xi32, #tpu.memory_space<vmem>> -> memref<1x128x100xi32, #tpu.memory_space<vmem>>
    %dma_wait3A_350 = tpu.memref_squeeze %dma_wait3A_349 : memref<1x128x100xi32, #tpu.memory_space<vmem>> -> memref<128x100xi32, #tpu.memory_space<vmem>>
    %dma_wait3A_351 = arith.constant 0 : i32
    %dma_wait3A_352 = tpu.memref_slice %arg2[%mul3A_345, %dma_wait3A_351] : memref<32768x100xi32, #tpu.memory_space<hbm>> -> memref<128x100xi32, #tpu.memory_space<hbm>>
    %dma_wait3A_353 = arith.constant 0 : i32
    %dma_wait3A_354 = arith.constant 0 : i32
    %dma_wait3A_355 = tpu.memref_slice %arg5[%dma_wait3A_346, %dma_wait3A_353, %dma_wait3A_354] : memref<2x128x100xi32, #tpu.memory_space<vmem>> -> memref<1x128x100xi32, #tpu.memory_space<vmem>>
    %dma_wait3A_356 = tpu.memref_squeeze %dma_wait3A_355 : memref<1x128x100xi32, #tpu.memory_space<vmem>> -> memref<128x100xi32, #tpu.memory_space<vmem>>
    %dma_wait3A_357 = arith.constant 0 : i32
    %dma_wait3A_358 = tpu.memref_slice %arg2[%mul3A_345, %dma_wait3A_357] : memref<32768x100xi32, #tpu.memory_space<hbm>> -> memref<128x100xi32, #tpu.memory_space<hbm>>
    tpu.wait_dma2 semaphore(%arg11 : memref<!tpu.dma_semaphore, #tpu.memory_space<semaphore_mem>>) src(%dma_wait3A_358 : memref<128x100xi32, #tpu.memory_space<hbm>>) dst(%dma_wait3A_356 : memref<128x100xi32, #tpu.memory_space<vmem>>)
    %add3A_359 = arith.constant 384 : i32
    %add3A_360 = arith.addi %mul3A_2, %add3A_359 : i32
    %mul3A_361 = arith.constant 2 : i32
    %mul3A_362 = arith.muli %add3A_360, %mul3A_361 : i32
    %dma_start3A_363 = arith.constant 0 : i32
    %dma_start3A_364 = arith.constant 0 : i32
    %dma_start3A_365 = arith.constant 0 : i32
    %dma_start3A_366 = tpu.memref_slice %arg5[%dma_start3A_363, %dma_start3A_364, %dma_start3A_365] : memref<2x128x100xi32, #tpu.memory_space<vmem>> -> memref<1x128x100xi32, #tpu.memory_space<vmem>>
    %dma_start3A_367 = tpu.memref_squeeze %dma_start3A_366 : memref<1x128x100xi32, #tpu.memory_space<vmem>> -> memref<128x100xi32, #tpu.memory_space<vmem>>
    %dma_start3A_368 = arith.constant 0 : i32
    %dma_start3A_369 = tpu.memref_slice %arg2[%mul3A_362, %dma_start3A_368] : memref<32768x100xi32, #tpu.memory_space<hbm>> -> memref<128x100xi32, #tpu.memory_space<hbm>>
    %dma_start3A_370 = arith.constant 0 : i32
    %dma_start3A_371 = arith.constant 0 : i32
    %dma_start3A_372 = tpu.memref_slice %arg5[%dma_start3A_363, %dma_start3A_370, %dma_start3A_371] : memref<2x128x100xi32, #tpu.memory_space<vmem>> -> memref<1x128x100xi32, #tpu.memory_space<vmem>>
    %dma_start3A_373 = tpu.memref_squeeze %dma_start3A_372 : memref<1x128x100xi32, #tpu.memory_space<vmem>> -> memref<128x100xi32, #tpu.memory_space<vmem>>
    %dma_start3A_374 = arith.constant 0 : i32
    %dma_start3A_375 = tpu.memref_slice %arg2[%mul3A_362, %dma_start3A_374] : memref<32768x100xi32, #tpu.memory_space<hbm>> -> memref<128x100xi32, #tpu.memory_space<hbm>>
    tpu.enqueue_dma source(%dma_start3A_375 : memref<128x100xi32, #tpu.memory_space<hbm>>) target(%dma_start3A_373 : memref<128x100xi32, #tpu.memory_space<vmem>>) target_semaphore(%arg11 : memref<!tpu.dma_semaphore, #tpu.memory_space<semaphore_mem>>)
    %dma_start3A_376 = arith.constant 1 : i32
    %dma_start3A_377 = arith.constant 0 : i32
    %dma_start3A_378 = arith.constant 0 : i32
    %dma_start3A_379 = arith.constant 0 : i32
    %dma_start3A_380 = tpu.memref_slice %arg6[%dma_start3A_378, %dma_start3A_379] : memref<200x32xf32, #tpu.memory_space<vmem>> -> memref<100x32xf32, #tpu.memory_space<vmem>>
    %dma_start3A_381 = arith.constant 0 : i32
    %dma_start3A_382 = tpu.memref_slice %arg5[%dma_start3A_376, %dma_start3A_377, %dma_start3A_381] : memref<2x128x100xi32, #tpu.memory_space<vmem>> -> memref<1x1x100xi32, #tpu.memory_space<vmem>>
    %dma_start3A_383 = tpu.memref_squeeze %dma_start3A_382 : memref<1x1x100xi32, #tpu.memory_space<vmem>> -> memref<100xi32, #tpu.memory_space<vmem>>
    %dma_start3A_384 = arith.constant 0 : i32
    %dma_start3A_385 = arith.constant 0 : i32
    %dma_start3A_386 = tpu.memref_slice %arg3[%dma_start3A_384, %dma_start3A_385] : memref<1000000x32xf32, #tpu.memory_space<hbm>> -> memref<1000000x32xf32, #tpu.memory_space<hbm>>
    tpu.enqueue_indirect_dma source(%dma_start3A_386 : memref<1000000x32xf32, #tpu.memory_space<hbm>>) target(%dma_start3A_380 : memref<100x32xf32, #tpu.memory_space<vmem>>) offsets(%dma_start3A_383 : memref<100xi32, #tpu.memory_space<vmem>>) semaphore(%arg9 : memref<!tpu.dma_semaphore, #tpu.memory_space<semaphore_mem>>)
    %dma_start3A_387 = arith.constant 1 : i32
    %dma_start3A_388 = arith.constant 1 : i32
    %dma_start3A_389 = arith.constant 100 : i32
    %dma_start3A_390 = arith.constant 0 : i32
    %dma_start3A_391 = tpu.memref_slice %arg6[%dma_start3A_389, %dma_start3A_390] : memref<200x32xf32, #tpu.memory_space<vmem>> -> memref<100x32xf32, #tpu.memory_space<vmem>>
    %dma_start3A_392 = arith.constant 0 : i32
    %dma_start3A_393 = tpu.memref_slice %arg5[%dma_start3A_387, %dma_start3A_388, %dma_start3A_392] : memref<2x128x100xi32, #tpu.memory_space<vmem>> -> memref<1x1x100xi32, #tpu.memory_space<vmem>>
    %dma_start3A_394 = tpu.memref_squeeze %dma_start3A_393 : memref<1x1x100xi32, #tpu.memory_space<vmem>> -> memref<100xi32, #tpu.memory_space<vmem>>
    %dma_start3A_395 = arith.constant 0 : i32
    %dma_start3A_396 = arith.constant 0 : i32
    %dma_start3A_397 = tpu.memref_slice %arg3[%dma_start3A_395, %dma_start3A_396] : memref<1000000x32xf32, #tpu.memory_space<hbm>> -> memref<1000000x32xf32, #tpu.memory_space<hbm>>
    tpu.enqueue_indirect_dma source(%dma_start3A_397 : memref<1000000x32xf32, #tpu.memory_space<hbm>>) target(%dma_start3A_391 : memref<100x32xf32, #tpu.memory_space<vmem>>) offsets(%dma_start3A_394 : memref<100xi32, #tpu.memory_space<vmem>>) semaphore(%arg9 : memref<!tpu.dma_semaphore, #tpu.memory_space<semaphore_mem>>)
    %add3A_398 = arith.constant 320 : i32
    %add3A_399 = arith.addi %mul3A_2, %add3A_398 : i32
    %scan3A_400 = arith.constant 0 : i32
    %scan3A_401 = arith.constant 0 : i32
    %scan3A_402 = arith.constant 32 : i32
    %scan3A_403 = arith.addi %scan3A_401, %scan3A_402 : i32
    %scan3A_404 = arith.constant 1 : i32
    %scan3A_405 = scf.for %scan3A_520 = %scan3A_401 to %scan3A_403 step %scan3A_404 iter_args(%scan3A_521 = %scan3A_400) -> (i32)  : i32 {
      %mul3A_522 = arith.constant 2 : i32
      %mul3A_523 = arith.muli %mul3A_522, %scan3A_520 : i32
      %add3A_524 = arith.constant 1 : i32
      %add3A_525 = arith.addi %mul3A_523, %add3A_524 : i32
      %mul3A_526 = arith.constant 2 : i32
      %mul3A_527 = arith.muli %mul3A_526, %add3A_525 : i32
      %mul3A_528 = arith.constant 2 : i32
      %mul3A_529 = arith.muli %mul3A_528, %add3A_525 : i32
      %add3A_530 = arith.constant 1 : i32
      %add3A_531 = arith.addi %mul3A_529, %add3A_530 : i32
      %dma_start3A_532 = arith.constant 1 : i32
      %dma_start3A_533 = arith.constant 0 : i32
      %dma_start3A_534 = arith.constant 0 : i32
      %dma_start3A_535 = tpu.memref_slice %arg7[%dma_start3A_533, %dma_start3A_534] : memref<200x32xf32, #tpu.memory_space<vmem>> -> memref<100x32xf32, #tpu.memory_space<vmem>>
      %dma_start3A_536 = arith.constant 0 : i32
      %dma_start3A_537 = tpu.memref_slice %arg5[%dma_start3A_532, %mul3A_527, %dma_start3A_536] : memref<2x128x100xi32, #tpu.memory_space<vmem>> -> memref<1x1x100xi32, #tpu.memory_space<vmem>>
      %dma_start3A_538 = tpu.memref_squeeze %dma_start3A_537 : memref<1x1x100xi32, #tpu.memory_space<vmem>> -> memref<100xi32, #tpu.memory_space<vmem>>
      %dma_start3A_539 = arith.constant 0 : i32
      %dma_start3A_540 = arith.constant 0 : i32
      %dma_start3A_541 = tpu.memref_slice %arg3[%dma_start3A_539, %dma_start3A_540] : memref<1000000x32xf32, #tpu.memory_space<hbm>> -> memref<1000000x32xf32, #tpu.memory_space<hbm>>
      tpu.enqueue_indirect_dma source(%dma_start3A_541 : memref<1000000x32xf32, #tpu.memory_space<hbm>>) target(%dma_start3A_535 : memref<100x32xf32, #tpu.memory_space<vmem>>) offsets(%dma_start3A_538 : memref<100xi32, #tpu.memory_space<vmem>>) semaphore(%arg10 : memref<!tpu.dma_semaphore, #tpu.memory_space<semaphore_mem>>)
      %dma_start3A_542 = arith.constant 1 : i32
      %dma_start3A_543 = arith.constant 100 : i32
      %dma_start3A_544 = arith.constant 0 : i32
      %dma_start3A_545 = tpu.memref_slice %arg7[%dma_start3A_543, %dma_start3A_544] : memref<200x32xf32, #tpu.memory_space<vmem>> -> memref<100x32xf32, #tpu.memory_space<vmem>>
      %dma_start3A_546 = arith.constant 0 : i32
      %dma_start3A_547 = tpu.memref_slice %arg5[%dma_start3A_542, %add3A_531, %dma_start3A_546] : memref<2x128x100xi32, #tpu.memory_space<vmem>> -> memref<1x1x100xi32, #tpu.memory_space<vmem>>
      %dma_start3A_548 = tpu.memref_squeeze %dma_start3A_547 : memref<1x1x100xi32, #tpu.memory_space<vmem>> -> memref<100xi32, #tpu.memory_space<vmem>>
      %dma_start3A_549 = arith.constant 0 : i32
      %dma_start3A_550 = arith.constant 0 : i32
      %dma_start3A_551 = tpu.memref_slice %arg3[%dma_start3A_549, %dma_start3A_550] : memref<1000000x32xf32, #tpu.memory_space<hbm>> -> memref<1000000x32xf32, #tpu.memory_space<hbm>>
      tpu.enqueue_indirect_dma source(%dma_start3A_551 : memref<1000000x32xf32, #tpu.memory_space<hbm>>) target(%dma_start3A_545 : memref<100x32xf32, #tpu.memory_space<vmem>>) offsets(%dma_start3A_548 : memref<100xi32, #tpu.memory_space<vmem>>) semaphore(%arg10 : memref<!tpu.dma_semaphore, #tpu.memory_space<semaphore_mem>>)
      %mul3A_552 = arith.constant 2 : i32
      %mul3A_553 = arith.muli %mul3A_552, %scan3A_520 : i32
      %mul3A_554 = arith.constant 2 : i32
      %mul3A_555 = arith.muli %mul3A_554, %mul3A_553 : i32
      %mul3A_556 = arith.constant 2 : i32
      %mul3A_557 = arith.muli %mul3A_556, %mul3A_553 : i32
      %add3A_558 = arith.constant 1 : i32
      %add3A_559 = arith.addi %mul3A_557, %add3A_558 : i32
      %dma_wait3A_560 = arith.constant 1 : i32
      %dma_wait3A_561 = arith.constant 0 : i32
      %dma_wait3A_562 = arith.constant 0 : i32
      %dma_wait3A_563 = tpu.memref_slice %arg6[%dma_wait3A_561, %dma_wait3A_562] : memref<200x32xf32, #tpu.memory_space<vmem>> -> memref<100x32xf32, #tpu.memory_space<vmem>>
      %dma_wait3A_564 = arith.constant 0 : i32
      %dma_wait3A_565 = tpu.memref_slice %arg5[%dma_wait3A_560, %mul3A_555, %dma_wait3A_564] : memref<2x128x100xi32, #tpu.memory_space<vmem>> -> memref<1x1x100xi32, #tpu.memory_space<vmem>>
      %dma_wait3A_566 = tpu.memref_squeeze %dma_wait3A_565 : memref<1x1x100xi32, #tpu.memory_space<vmem>> -> memref<100xi32, #tpu.memory_space<vmem>>
      %dma_wait3A_567 = arith.constant 0 : i32
      %dma_wait3A_568 = arith.constant 0 : i32
      %dma_wait3A_569 = tpu.memref_slice %arg3[%dma_wait3A_567, %dma_wait3A_568] : memref<1000000x32xf32, #tpu.memory_space<hbm>> -> memref<1000000x32xf32, #tpu.memory_space<hbm>>
      tpu.wait_indirect_dma semaphore(%arg9 : memref<!tpu.dma_semaphore, #tpu.memory_space<semaphore_mem>>) src(%dma_wait3A_569 : memref<1000000x32xf32, #tpu.memory_space<hbm>>) dst(%dma_wait3A_563 : memref<100x32xf32, #tpu.memory_space<vmem>>)
      %dma_wait3A_570 = arith.constant 1 : i32
      %dma_wait3A_571 = arith.constant 100 : i32
      %dma_wait3A_572 = arith.constant 0 : i32
      %dma_wait3A_573 = tpu.memref_slice %arg6[%dma_wait3A_571, %dma_wait3A_572] : memref<200x32xf32, #tpu.memory_space<vmem>> -> memref<100x32xf32, #tpu.memory_space<vmem>>
      %dma_wait3A_574 = arith.constant 0 : i32
      %dma_wait3A_575 = tpu.memref_slice %arg5[%dma_wait3A_570, %add3A_559, %dma_wait3A_574] : memref<2x128x100xi32, #tpu.memory_space<vmem>> -> memref<1x1x100xi32, #tpu.memory_space<vmem>>
      %dma_wait3A_576 = tpu.memref_squeeze %dma_wait3A_575 : memref<1x1x100xi32, #tpu.memory_space<vmem>> -> memref<100xi32, #tpu.memory_space<vmem>>
      %dma_wait3A_577 = arith.constant 0 : i32
      %dma_wait3A_578 = arith.constant 0 : i32
      %dma_wait3A_579 = tpu.memref_slice %arg3[%dma_wait3A_577, %dma_wait3A_578] : memref<1000000x32xf32, #tpu.memory_space<hbm>> -> memref<1000000x32xf32, #tpu.memory_space<hbm>>
      tpu.wait_indirect_dma semaphore(%arg9 : memref<!tpu.dma_semaphore, #tpu.memory_space<semaphore_mem>>) src(%dma_wait3A_579 : memref<1000000x32xf32, #tpu.memory_space<hbm>>) dst(%dma_wait3A_573 : memref<100x32xf32, #tpu.memory_space<vmem>>)
      %mul3A_580 = arith.constant 2 : i32
      %mul3A_581 = arith.muli %mul3A_580, %scan3A_520 : i32
      %broadcast_in_dim3A = arith.constant 0.000000e+00 : f32
      %broadcast_in_dim3A_582 = vector.broadcast %broadcast_in_dim3A : f32 to vector<16xf32>
      %broadcast_in_dim3A_583 = arith.constant 0.000000e+00 : f32
      %broadcast_in_dim3A_584 = vector.broadcast %broadcast_in_dim3A_583 : f32 to vector<16xf32>
      %scan3A_585 = arith.constant 0 : i32
      %scan3A_586 = arith.constant 25 : i32
      %scan3A_587 = arith.addi %scan3A_585, %scan3A_586 : i32
      %scan3A_588 = arith.constant 1 : i32
      %scan3A_589:2 = scf.for %scan3A_657 = %scan3A_585 to %scan3A_587 step %scan3A_588 iter_args(%scan3A_658 = %broadcast_in_dim3A_582, %scan3A_659 = %broadcast_in_dim3A_584) -> (vector<16xf32>, vector<16xf32>)  : i32 {
        %mul3A_660 = arith.constant 8 : i32
        %mul3A_661 = arith.muli %scan3A_657, %mul3A_660 : i32
        %add3A_662 = arith.constant 0 : i32
        %add3A_663 = arith.addi %mul3A_661, %add3A_662 : i32
        %get3A = arith.index_cast %add3A_663 : i32 to index
        %get3A_664 = arith.constant 0 : index
        %get3A_665 = tpu.vector_load %arg6[%get3A, %get3A_664] {strides = array<i32>} : memref<200x32xf32, #tpu.memory_space<vmem>>, vector<1x16xf32>,
        %get3A_666 = vector.shape_cast %get3A_665 : vector<1x16xf32> to vector<16xf32>
        %add3A_667 = arith.addf %scan3A_658, %get3A_666 : vector<16xf32>
        %get3A_668 = arith.index_cast %add3A_663 : i32 to index
        %get3A_669 = arith.constant 16 : index
        %get3A_670 = tpu.vector_load %arg6[%get3A_668, %get3A_669] {strides = array<i32>} : memref<200x32xf32, #tpu.memory_space<vmem>>, vector<1x16xf32>,
        %get3A_671 = vector.shape_cast %get3A_670 : vector<1x16xf32> to vector<16xf32>
        %add3A_672 = arith.addf %scan3A_659, %get3A_671 : vector<16xf32>
        %mul3A_673 = arith.constant 8 : i32
        %mul3A_674 = arith.muli %scan3A_657, %mul3A_673 : i32
        %add3A_675 = arith.constant 1 : i32
        %add3A_676 = arith.addi %mul3A_674, %add3A_675 : i32
        %get3A_677 = arith.index_cast %add3A_676 : i32 to index
        %get3A_678 = arith.constant 0 : index
        %get3A_679 = tpu.vector_load %arg6[%get3A_677, %get3A_678] {strides = array<i32>} : memref<200x32xf32, #tpu.memory_space<vmem>>, vector<1x16xf32>,
        %get3A_680 = vector.shape_cast %get3A_679 : vector<1x16xf32> to vector<16xf32>
        %add3A_681 = arith.addf %add3A_667, %get3A_680 : vector<16xf32>
        %get3A_682 = arith.index_cast %add3A_676 : i32 to index
        %get3A_683 = arith.constant 16 : index
        %get3A_684 = tpu.vector_load %arg6[%get3A_682, %get3A_683] {strides = array<i32>} : memref<200x32xf32, #tpu.memory_space<vmem>>, vector<1x16xf32>,
        %get3A_685 = vector.shape_cast %get3A_684 : vector<1x16xf32> to vector<16xf32>
        %add3A_686 = arith.addf %add3A_672, %get3A_685 : vector<16xf32>
        %mul3A_687 = arith.constant 8 : i32
        %mul3A_688 = arith.muli %scan3A_657, %mul3A_687 : i32
        %add3A_689 = arith.constant 2 : i32
        %add3A_690 = arith.addi %mul3A_688, %add3A_689 : i32
        %get3A_691 = arith.index_cast %add3A_690 : i32 to index
        %get3A_692 = arith.constant 0 : index
        %get3A_693 = tpu.vector_load %arg6[%get3A_691, %get3A_692] {strides = array<i32>} : memref<200x32xf32, #tpu.memory_space<vmem>>, vector<1x16xf32>,
        %get3A_694 = vector.shape_cast %get3A_693 : vector<1x16xf32> to vector<16xf32>
        %add3A_695 = arith.addf %add3A_681, %get3A_694 : vector<16xf32>
        %get3A_696 = arith.index_cast %add3A_690 : i32 to index
        %get3A_697 = arith.constant 16 : index
        %get3A_698 = tpu.vector_load %arg6[%get3A_696, %get3A_697] {strides = array<i32>} : memref<200x32xf32, #tpu.memory_space<vmem>>, vector<1x16xf32>,
        %get3A_699 = vector.shape_cast %get3A_698 : vector<1x16xf32> to vector<16xf32>
        %add3A_700 = arith.addf %add3A_686, %get3A_699 : vector<16xf32>
        %mul3A_701 = arith.constant 8 : i32
        %mul3A_702 = arith.muli %scan3A_657, %mul3A_701 : i32
        %add3A_703 = arith.constant 3 : i32
        %add3A_704 = arith.addi %mul3A_702, %add3A_703 : i32
        %get3A_705 = arith.index_cast %add3A_704 : i32 to index
        %get3A_706 = arith.constant 0 : index
        %get3A_707 = tpu.vector_load %arg6[%get3A_705, %get3A_706] {strides = array<i32>} : memref<200x32xf32, #tpu.memory_space<vmem>>, vector<1x16xf32>,
        %get3A_708 = vector.shape_cast %get3A_707 : vector<1x16xf32> to vector<16xf32>
        %add3A_709 = arith.addf %add3A_695, %get3A_708 : vector<16xf32>
        %get3A_710 = arith.index_cast %add3A_704 : i32 to index
        %get3A_711 = arith.constant 16 : index
        %get3A_712 = tpu.vector_load %arg6[%get3A_710, %get3A_711] {strides = array<i32>} : memref<200x32xf32, #tpu.memory_space<vmem>>, vector<1x16xf32>,
        %get3A_713 = vector.shape_cast %get3A_712 : vector<1x16xf32> to vector<16xf32>
        %add3A_714 = arith.addf %add3A_700, %get3A_713 : vector<16xf32>
        %mul3A_715 = arith.constant 8 : i32
        %mul3A_716 = arith.muli %scan3A_657, %mul3A_715 : i32
        %add3A_717 = arith.constant 4 : i32
        %add3A_718 = arith.addi %mul3A_716, %add3A_717 : i32
        %get3A_719 = arith.index_cast %add3A_718 : i32 to index
        %get3A_720 = arith.constant 0 : index
        %get3A_721 = tpu.vector_load %arg6[%get3A_719, %get3A_720] {strides = array<i32>} : memref<200x32xf32, #tpu.memory_space<vmem>>, vector<1x16xf32>,
        %get3A_722 = vector.shape_cast %get3A_721 : vector<1x16xf32> to vector<16xf32>
        %add3A_723 = arith.addf %add3A_709, %get3A_722 : vector<16xf32>
        %get3A_724 = arith.index_cast %add3A_718 : i32 to index
        %get3A_725 = arith.constant 16 : index
        %get3A_726 = tpu.vector_load %arg6[%get3A_724, %get3A_725] {strides = array<i32>} : memref<200x32xf32, #tpu.memory_space<vmem>>, vector<1x16xf32>,
        %get3A_727 = vector.shape_cast %get3A_726 : vector<1x16xf32> to vector<16xf32>
        %add3A_728 = arith.addf %add3A_714, %get3A_727 : vector<16xf32>
        %mul3A_729 = arith.constant 8 : i32
        %mul3A_730 = arith.muli %scan3A_657, %mul3A_729 : i32
        %add3A_731 = arith.constant 5 : i32
        %add3A_732 = arith.addi %mul3A_730, %add3A_731 : i32
        %get3A_733 = arith.index_cast %add3A_732 : i32 to index
        %get3A_734 = arith.constant 0 : index
        %get3A_735 = tpu.vector_load %arg6[%get3A_733, %get3A_734] {strides = array<i32>} : memref<200x32xf32, #tpu.memory_space<vmem>>, vector<1x16xf32>,
        %get3A_736 = vector.shape_cast %get3A_735 : vector<1x16xf32> to vector<16xf32>
        %add3A_737 = arith.addf %add3A_723, %get3A_736 : vector<16xf32>
        %get3A_738 = arith.index_cast %add3A_732 : i32 to index
        %get3A_739 = arith.constant 16 : index
        %get3A_740 = tpu.vector_load %arg6[%get3A_738, %get3A_739] {strides = array<i32>} : memref<200x32xf32, #tpu.memory_space<vmem>>, vector<1x16xf32>,
        %get3A_741 = vector.shape_cast %get3A_740 : vector<1x16xf32> to vector<16xf32>
        %add3A_742 = arith.addf %add3A_728, %get3A_741 : vector<16xf32>
        %mul3A_743 = arith.constant 8 : i32
        %mul3A_744 = arith.muli %scan3A_657, %mul3A_743 : i32
        %add3A_745 = arith.constant 6 : i32
        %add3A_746 = arith.addi %mul3A_744, %add3A_745 : i32
        %get3A_747 = arith.index_cast %add3A_746 : i32 to index
        %get3A_748 = arith.constant 0 : index
        %get3A_749 = tpu.vector_load %arg6[%get3A_747, %get3A_748] {strides = array<i32>} : memref<200x32xf32, #tpu.memory_space<vmem>>, vector<1x16xf32>,
        %get3A_750 = vector.shape_cast %get3A_749 : vector<1x16xf32> to vector<16xf32>
        %add3A_751 = arith.addf %add3A_737, %get3A_750 : vector<16xf32>
        %get3A_752 = arith.index_cast %add3A_746 : i32 to index
        %get3A_753 = arith.constant 16 : index
        %get3A_754 = tpu.vector_load %arg6[%get3A_752, %get3A_753] {strides = array<i32>} : memref<200x32xf32, #tpu.memory_space<vmem>>, vector<1x16xf32>,
        %get3A_755 = vector.shape_cast %get3A_754 : vector<1x16xf32> to vector<16xf32>
        %add3A_756 = arith.addf %add3A_742, %get3A_755 : vector<16xf32>
        %mul3A_757 = arith.constant 8 : i32
        %mul3A_758 = arith.muli %scan3A_657, %mul3A_757 : i32
        %add3A_759 = arith.constant 7 : i32
        %add3A_760 = arith.addi %mul3A_758, %add3A_759 : i32
        %get3A_761 = arith.index_cast %add3A_760 : i32 to index
        %get3A_762 = arith.constant 0 : index
        %get3A_763 = tpu.vector_load %arg6[%get3A_761, %get3A_762] {strides = array<i32>} : memref<200x32xf32, #tpu.memory_space<vmem>>, vector<1x16xf32>,
        %get3A_764 = vector.shape_cast %get3A_763 : vector<1x16xf32> to vector<16xf32>
        %add3A_765 = arith.addf %add3A_751, %get3A_764 : vector<16xf32>
        %get3A_766 = arith.index_cast %add3A_760 : i32 to index
        %get3A_767 = arith.constant 16 : index
        %get3A_768 = tpu.vector_load %arg6[%get3A_766, %get3A_767] {strides = array<i32>} : memref<200x32xf32, #tpu.memory_space<vmem>>, vector<1x16xf32>,
        %get3A_769 = vector.shape_cast %get3A_768 : vector<1x16xf32> to vector<16xf32>
        %add3A_770 = arith.addf %add3A_756, %get3A_769 : vector<16xf32>
        scf.yield %add3A_765, %add3A_770 : vector<16xf32>, vector<16xf32>
      }
      %scan3A_590 = arith.constant 25 : i32
      %swap3A = arith.index_cast %mul3A_581 : i32 to index
      %swap3A_591 = arith.constant 0 : index
      %swap3A_592 = tpu.vector_load %arg8[%swap3A, %swap3A_591] {strides = array<i32>} : memref<64x32xf32, #tpu.memory_space<vmem>>, vector<1x16xf32>,
      %swap3A_593 = vector.shape_cast %swap3A_592 : vector<1x16xf32> to vector<16xf32>
      %swap3A_594 = vector.shape_cast %scan3A_589#0 : vector<16xf32> to vector<1x16xf32>
      tpu.vector_store %arg8[%swap3A, %swap3A_591], %swap3A_594 {strides = array<i32>} : memref<64x32xf32, #tpu.memory_space<vmem>>, vector<1x16xf32>,
      %swap3A_595 = arith.index_cast %mul3A_581 : i32 to index
      %swap3A_596 = arith.constant 16 : index
      %swap3A_597 = tpu.vector_load %arg8[%swap3A_595, %swap3A_596] {strides = array<i32>} : memref<64x32xf32, #tpu.memory_space<vmem>>, vector<1x16xf32>,
      %swap3A_598 = vector.shape_cast %swap3A_597 : vector<1x16xf32> to vector<16xf32>
      %swap3A_599 = vector.shape_cast %scan3A_589#1 : vector<16xf32> to vector<1x16xf32>
      tpu.vector_store %arg8[%swap3A_595, %swap3A_596], %swap3A_599 {strides = array<i32>} : memref<64x32xf32, #tpu.memory_space<vmem>>, vector<1x16xf32>,
      %lt3A = arith.constant 31 : i32
      %lt3A_600 = arith.cmpi slt, %scan3A_520, %lt3A : i32
      %convert_element_type3A = arith.extui %lt3A_600 : i1 to i32
      %cond3A = arith.constant 0 : i32
      %cond3A_601 = arith.cmpi ne, %convert_element_type3A, %cond3A : i32
      scf.if %cond3A_601 {
        %mul3A_657 = arith.constant 2 : i32
        %mul3A_658 = arith.muli %mul3A_657, %scan3A_520 : i32
        %add3A_659 = arith.constant 2 : i32
        %add3A_660 = arith.addi %mul3A_658, %add3A_659 : i32
        %mul3A_661 = arith.constant 2 : i32
        %mul3A_662 = arith.muli %mul3A_661, %add3A_660 : i32
        %mul3A_663 = arith.constant 2 : i32
        %mul3A_664 = arith.muli %mul3A_663, %add3A_660 : i32
        %add3A_665 = arith.constant 1 : i32
        %add3A_666 = arith.addi %mul3A_664, %add3A_665 : i32
        %dma_start3A_667 = arith.constant 1 : i32
        %dma_start3A_668 = arith.constant 0 : i32
        %dma_start3A_669 = arith.constant 0 : i32
        %dma_start3A_670 = tpu.memref_slice %arg6[%dma_start3A_668, %dma_start3A_669] : memref<200x32xf32, #tpu.memory_space<vmem>> -> memref<100x32xf32, #tpu.memory_space<vmem>>
        %dma_start3A_671 = arith.constant 0 : i32
        %dma_start3A_672 = tpu.memref_slice %arg5[%dma_start3A_667, %mul3A_662, %dma_start3A_671] : memref<2x128x100xi32, #tpu.memory_space<vmem>> -> memref<1x1x100xi32, #tpu.memory_space<vmem>>
        %dma_start3A_673 = tpu.memref_squeeze %dma_start3A_672 : memref<1x1x100xi32, #tpu.memory_space<vmem>> -> memref<100xi32, #tpu.memory_space<vmem>>
        %dma_start3A_674 = arith.constant 0 : i32
        %dma_start3A_675 = arith.constant 0 : i32
        %dma_start3A_676 = tpu.memref_slice %arg3[%dma_start3A_674, %dma_start3A_675] : memref<1000000x32xf32, #tpu.memory_space<hbm>> -> memref<1000000x32xf32, #tpu.memory_space<hbm>>
        tpu.enqueue_indirect_dma source(%dma_start3A_676 : memref<1000000x32xf32, #tpu.memory_space<hbm>>) target(%dma_start3A_670 : memref<100x32xf32, #tpu.memory_space<vmem>>) offsets(%dma_start3A_673 : memref<100xi32, #tpu.memory_space<vmem>>) semaphore(%arg9 : memref<!tpu.dma_semaphore, #tpu.memory_space<semaphore_mem>>)
        %dma_start3A_677 = arith.constant 1 : i32
        %dma_start3A_678 = arith.constant 100 : i32
        %dma_start3A_679 = arith.constant 0 : i32
        %dma_start3A_680 = tpu.memref_slice %arg6[%dma_start3A_678, %dma_start3A_679] : memref<200x32xf32, #tpu.memory_space<vmem>> -> memref<100x32xf32, #tpu.memory_space<vmem>>
        %dma_start3A_681 = arith.constant 0 : i32
        %dma_start3A_682 = tpu.memref_slice %arg5[%dma_start3A_677, %add3A_666, %dma_start3A_681] : memref<2x128x100xi32, #tpu.memory_space<vmem>> -> memref<1x1x100xi32, #tpu.memory_space<vmem>>
        %dma_start3A_683 = tpu.memref_squeeze %dma_start3A_682 : memref<1x1x100xi32, #tpu.memory_space<vmem>> -> memref<100xi32, #tpu.memory_space<vmem>>
        %dma_start3A_684 = arith.constant 0 : i32
        %dma_start3A_685 = arith.constant 0 : i32
        %dma_start3A_686 = tpu.memref_slice %arg3[%dma_start3A_684, %dma_start3A_685] : memref<1000000x32xf32, #tpu.memory_space<hbm>> -> memref<1000000x32xf32, #tpu.memory_space<hbm>>
        tpu.enqueue_indirect_dma source(%dma_start3A_686 : memref<1000000x32xf32, #tpu.memory_space<hbm>>) target(%dma_start3A_680 : memref<100x32xf32, #tpu.memory_space<vmem>>) offsets(%dma_start3A_683 : memref<100xi32, #tpu.memory_space<vmem>>) semaphore(%arg9 : memref<!tpu.dma_semaphore, #tpu.memory_space<semaphore_mem>>)
      } else {
      }
      %mul3A_602 = arith.constant 2 : i32
      %mul3A_603 = arith.muli %mul3A_602, %scan3A_520 : i32
      %add3A_604 = arith.constant 1 : i32
      %add3A_605 = arith.addi %mul3A_603, %add3A_604 : i32
      %mul3A_606 = arith.constant 2 : i32
      %mul3A_607 = arith.muli %mul3A_606, %add3A_605 : i32
      %mul3A_608 = arith.constant 2 : i32
      %mul3A_609 = arith.muli %mul3A_608, %add3A_605 : i32
      %add3A_610 = arith.constant 1 : i32
      %add3A_611 = arith.addi %mul3A_609, %add3A_610 : i32
      %dma_wait3A_612 = arith.constant 1 : i32
      %dma_wait3A_613 = arith.constant 0 : i32
      %dma_wait3A_614 = arith.constant 0 : i32
      %dma_wait3A_615 = tpu.memref_slice %arg7[%dma_wait3A_613, %dma_wait3A_614] : memref<200x32xf32, #tpu.memory_space<vmem>> -> memref<100x32xf32, #tpu.memory_space<vmem>>
      %dma_wait3A_616 = arith.constant 0 : i32
      %dma_wait3A_617 = tpu.memref_slice %arg5[%dma_wait3A_612, %mul3A_607, %dma_wait3A_616] : memref<2x128x100xi32, #tpu.memory_space<vmem>> -> memref<1x1x100xi32, #tpu.memory_space<vmem>>
      %dma_wait3A_618 = tpu.memref_squeeze %dma_wait3A_617 : memref<1x1x100xi32, #tpu.memory_space<vmem>> -> memref<100xi32, #tpu.memory_space<vmem>>
      %dma_wait3A_619 = arith.constant 0 : i32
      %dma_wait3A_620 = arith.constant 0 : i32
      %dma_wait3A_621 = tpu.memref_slice %arg3[%dma_wait3A_619, %dma_wait3A_620] : memref<1000000x32xf32, #tpu.memory_space<hbm>> -> memref<1000000x32xf32, #tpu.memory_space<hbm>>
      tpu.wait_indirect_dma semaphore(%arg10 : memref<!tpu.dma_semaphore, #tpu.memory_space<semaphore_mem>>) src(%dma_wait3A_621 : memref<1000000x32xf32, #tpu.memory_space<hbm>>) dst(%dma_wait3A_615 : memref<100x32xf32, #tpu.memory_space<vmem>>)
      %dma_wait3A_622 = arith.constant 1 : i32
      %dma_wait3A_623 = arith.constant 100 : i32
      %dma_wait3A_624 = arith.constant 0 : i32
      %dma_wait3A_625 = tpu.memref_slice %arg7[%dma_wait3A_623, %dma_wait3A_624] : memref<200x32xf32, #tpu.memory_space<vmem>> -> memref<100x32xf32, #tpu.memory_space<vmem>>
      %dma_wait3A_626 = arith.constant 0 : i32
      %dma_wait3A_627 = tpu.memref_slice %arg5[%dma_wait3A_622, %add3A_611, %dma_wait3A_626] : memref<2x128x100xi32, #tpu.memory_space<vmem>> -> memref<1x1x100xi32, #tpu.memory_space<vmem>>
      %dma_wait3A_628 = tpu.memref_squeeze %dma_wait3A_627 : memref<1x1x100xi32, #tpu.memory_space<vmem>> -> memref<100xi32, #tpu.memory_space<vmem>>
      %dma_wait3A_629 = arith.constant 0 : i32
      %dma_wait3A_630 = arith.constant 0 : i32
      %dma_wait3A_631 = tpu.memref_slice %arg3[%dma_wait3A_629, %dma_wait3A_630] : memref<1000000x32xf32, #tpu.memory_space<hbm>> -> memref<1000000x32xf32, #tpu.memory_space<hbm>>
      tpu.wait_indirect_dma semaphore(%arg10 : memref<!tpu.dma_semaphore, #tpu.memory_space<semaphore_mem>>) src(%dma_wait3A_631 : memref<1000000x32xf32, #tpu.memory_space<hbm>>) dst(%dma_wait3A_625 : memref<100x32xf32, #tpu.memory_space<vmem>>)
      %mul3A_632 = arith.constant 2 : i32
      %mul3A_633 = arith.muli %mul3A_632, %scan3A_520 : i32
      %add3A_634 = arith.constant 1 : i32
      %add3A_635 = arith.addi %mul3A_633, %add3A_634 : i32
      %broadcast_in_dim3A_636 = arith.constant 0.000000e+00 : f32
      %broadcast_in_dim3A_637 = vector.broadcast %broadcast_in_dim3A_636 : f32 to vector<16xf32>
      %broadcast_in_dim3A_638 = arith.constant 0.000000e+00 : f32
      %broadcast_in_dim3A_639 = vector.broadcast %broadcast_in_dim3A_638 : f32 to vector<16xf32>
      %scan3A_640 = arith.constant 0 : i32
      %scan3A_641 = arith.constant 25 : i32
      %scan3A_642 = arith.addi %scan3A_640, %scan3A_641 : i32
      %scan3A_643 = arith.constant 1 : i32
      %scan3A_644:2 = scf.for %scan3A_657 = %scan3A_640 to %scan3A_642 step %scan3A_643 iter_args(%scan3A_658 = %broadcast_in_dim3A_637, %scan3A_659 = %broadcast_in_dim3A_639) -> (vector<16xf32>, vector<16xf32>)  : i32 {
        %mul3A_660 = arith.constant 8 : i32
        %mul3A_661 = arith.muli %scan3A_657, %mul3A_660 : i32
        %add3A_662 = arith.constant 0 : i32
        %add3A_663 = arith.addi %mul3A_661, %add3A_662 : i32
        %get3A = arith.index_cast %add3A_663 : i32 to index
        %get3A_664 = arith.constant 0 : index
        %get3A_665 = tpu.vector_load %arg7[%get3A, %get3A_664] {strides = array<i32>} : memref<200x32xf32, #tpu.memory_space<vmem>>, vector<1x16xf32>,
        %get3A_666 = vector.shape_cast %get3A_665 : vector<1x16xf32> to vector<16xf32>
        %add3A_667 = arith.addf %scan3A_658, %get3A_666 : vector<16xf32>
        %get3A_668 = arith.index_cast %add3A_663 : i32 to index
        %get3A_669 = arith.constant 16 : index
        %get3A_670 = tpu.vector_load %arg7[%get3A_668, %get3A_669] {strides = array<i32>} : memref<200x32xf32, #tpu.memory_space<vmem>>, vector<1x16xf32>,
        %get3A_671 = vector.shape_cast %get3A_670 : vector<1x16xf32> to vector<16xf32>
        %add3A_672 = arith.addf %scan3A_659, %get3A_671 : vector<16xf32>
        %mul3A_673 = arith.constant 8 : i32
        %mul3A_674 = arith.muli %scan3A_657, %mul3A_673 : i32
        %add3A_675 = arith.constant 1 : i32
        %add3A_676 = arith.addi %mul3A_674, %add3A_675 : i32
        %get3A_677 = arith.index_cast %add3A_676 : i32 to index
        %get3A_678 = arith.constant 0 : index
        %get3A_679 = tpu.vector_load %arg7[%get3A_677, %get3A_678] {strides = array<i32>} : memref<200x32xf32, #tpu.memory_space<vmem>>, vector<1x16xf32>,
        %get3A_680 = vector.shape_cast %get3A_679 : vector<1x16xf32> to vector<16xf32>
        %add3A_681 = arith.addf %add3A_667, %get3A_680 : vector<16xf32>
        %get3A_682 = arith.index_cast %add3A_676 : i32 to index
        %get3A_683 = arith.constant 16 : index
        %get3A_684 = tpu.vector_load %arg7[%get3A_682, %get3A_683] {strides = array<i32>} : memref<200x32xf32, #tpu.memory_space<vmem>>, vector<1x16xf32>,
        %get3A_685 = vector.shape_cast %get3A_684 : vector<1x16xf32> to vector<16xf32>
        %add3A_686 = arith.addf %add3A_672, %get3A_685 : vector<16xf32>
        %mul3A_687 = arith.constant 8 : i32
        %mul3A_688 = arith.muli %scan3A_657, %mul3A_687 : i32
        %add3A_689 = arith.constant 2 : i32
        %add3A_690 = arith.addi %mul3A_688, %add3A_689 : i32
        %get3A_691 = arith.index_cast %add3A_690 : i32 to index
        %get3A_692 = arith.constant 0 : index
        %get3A_693 = tpu.vector_load %arg7[%get3A_691, %get3A_692] {strides = array<i32>} : memref<200x32xf32, #tpu.memory_space<vmem>>, vector<1x16xf32>,
        %get3A_694 = vector.shape_cast %get3A_693 : vector<1x16xf32> to vector<16xf32>
        %add3A_695 = arith.addf %add3A_681, %get3A_694 : vector<16xf32>
        %get3A_696 = arith.index_cast %add3A_690 : i32 to index
        %get3A_697 = arith.constant 16 : index
        %get3A_698 = tpu.vector_load %arg7[%get3A_696, %get3A_697] {strides = array<i32>} : memref<200x32xf32, #tpu.memory_space<vmem>>, vector<1x16xf32>,
        %get3A_699 = vector.shape_cast %get3A_698 : vector<1x16xf32> to vector<16xf32>
        %add3A_700 = arith.addf %add3A_686, %get3A_699 : vector<16xf32>
        %mul3A_701 = arith.constant 8 : i32
        %mul3A_702 = arith.muli %scan3A_657, %mul3A_701 : i32
        %add3A_703 = arith.constant 3 : i32
        %add3A_704 = arith.addi %mul3A_702, %add3A_703 : i32
        %get3A_705 = arith.index_cast %add3A_704 : i32 to index
        %get3A_706 = arith.constant 0 : index
        %get3A_707 = tpu.vector_load %arg7[%get3A_705, %get3A_706] {strides = array<i32>} : memref<200x32xf32, #tpu.memory_space<vmem>>, vector<1x16xf32>,
        %get3A_708 = vector.shape_cast %get3A_707 : vector<1x16xf32> to vector<16xf32>
        %add3A_709 = arith.addf %add3A_695, %get3A_708 : vector<16xf32>
        %get3A_710 = arith.index_cast %add3A_704 : i32 to index
        %get3A_711 = arith.constant 16 : index
        %get3A_712 = tpu.vector_load %arg7[%get3A_710, %get3A_711] {strides = array<i32>} : memref<200x32xf32, #tpu.memory_space<vmem>>, vector<1x16xf32>,
        %get3A_713 = vector.shape_cast %get3A_712 : vector<1x16xf32> to vector<16xf32>
        %add3A_714 = arith.addf %add3A_700, %get3A_713 : vector<16xf32>
        %mul3A_715 = arith.constant 8 : i32
        %mul3A_716 = arith.muli %scan3A_657, %mul3A_715 : i32
        %add3A_717 = arith.constant 4 : i32
        %add3A_718 = arith.addi %mul3A_716, %add3A_717 : i32
        %get3A_719 = arith.index_cast %add3A_718 : i32 to index
        %get3A_720 = arith.constant 0 : index
        %get3A_721 = tpu.vector_load %arg7[%get3A_719, %get3A_720] {strides = array<i32>} : memref<200x32xf32, #tpu.memory_space<vmem>>, vector<1x16xf32>,
        %get3A_722 = vector.shape_cast %get3A_721 : vector<1x16xf32> to vector<16xf32>
        %add3A_723 = arith.addf %add3A_709, %get3A_722 : vector<16xf32>
        %get3A_724 = arith.index_cast %add3A_718 : i32 to index
        %get3A_725 = arith.constant 16 : index
        %get3A_726 = tpu.vector_load %arg7[%get3A_724, %get3A_725] {strides = array<i32>} : memref<200x32xf32, #tpu.memory_space<vmem>>, vector<1x16xf32>,
        %get3A_727 = vector.shape_cast %get3A_726 : vector<1x16xf32> to vector<16xf32>
        %add3A_728 = arith.addf %add3A_714, %get3A_727 : vector<16xf32>
        %mul3A_729 = arith.constant 8 : i32
        %mul3A_730 = arith.muli %scan3A_657, %mul3A_729 : i32
        %add3A_731 = arith.constant 5 : i32
        %add3A_732 = arith.addi %mul3A_730, %add3A_731 : i32
        %get3A_733 = arith.index_cast %add3A_732 : i32 to index
        %get3A_734 = arith.constant 0 : index
        %get3A_735 = tpu.vector_load %arg7[%get3A_733, %get3A_734] {strides = array<i32>} : memref<200x32xf32, #tpu.memory_space<vmem>>, vector<1x16xf32>,
        %get3A_736 = vector.shape_cast %get3A_735 : vector<1x16xf32> to vector<16xf32>
        %add3A_737 = arith.addf %add3A_723, %get3A_736 : vector<16xf32>
        %get3A_738 = arith.index_cast %add3A_732 : i32 to index
        %get3A_739 = arith.constant 16 : index
        %get3A_740 = tpu.vector_load %arg7[%get3A_738, %get3A_739] {strides = array<i32>} : memref<200x32xf32, #tpu.memory_space<vmem>>, vector<1x16xf32>,
        %get3A_741 = vector.shape_cast %get3A_740 : vector<1x16xf32> to vector<16xf32>
        %add3A_742 = arith.addf %add3A_728, %get3A_741 : vector<16xf32>
        %mul3A_743 = arith.constant 8 : i32
        %mul3A_744 = arith.muli %scan3A_657, %mul3A_743 : i32
        %add3A_745 = arith.constant 6 : i32
        %add3A_746 = arith.addi %mul3A_744, %add3A_745 : i32
        %get3A_747 = arith.index_cast %add3A_746 : i32 to index
        %get3A_748 = arith.constant 0 : index
        %get3A_749 = tpu.vector_load %arg7[%get3A_747, %get3A_748] {strides = array<i32>} : memref<200x32xf32, #tpu.memory_space<vmem>>, vector<1x16xf32>,
        %get3A_750 = vector.shape_cast %get3A_749 : vector<1x16xf32> to vector<16xf32>
        %add3A_751 = arith.addf %add3A_737, %get3A_750 : vector<16xf32>
        %get3A_752 = arith.index_cast %add3A_746 : i32 to index
        %get3A_753 = arith.constant 16 : index
        %get3A_754 = tpu.vector_load %arg7[%get3A_752, %get3A_753] {strides = array<i32>} : memref<200x32xf32, #tpu.memory_space<vmem>>, vector<1x16xf32>,
        %get3A_755 = vector.shape_cast %get3A_754 : vector<1x16xf32> to vector<16xf32>
        %add3A_756 = arith.addf %add3A_742, %get3A_755 : vector<16xf32>
        %mul3A_757 = arith.constant 8 : i32
        %mul3A_758 = arith.muli %scan3A_657, %mul3A_757 : i32
        %add3A_759 = arith.constant 7 : i32
        %add3A_760 = arith.addi %mul3A_758, %add3A_759 : i32
        %get3A_761 = arith.index_cast %add3A_760 : i32 to index
        %get3A_762 = arith.constant 0 : index
        %get3A_763 = tpu.vector_load %arg7[%get3A_761, %get3A_762] {strides = array<i32>} : memref<200x32xf32, #tpu.memory_space<vmem>>, vector<1x16xf32>,
        %get3A_764 = vector.shape_cast %get3A_763 : vector<1x16xf32> to vector<16xf32>
        %add3A_765 = arith.addf %add3A_751, %get3A_764 : vector<16xf32>
        %get3A_766 = arith.index_cast %add3A_760 : i32 to index
        %get3A_767 = arith.constant 16 : index
        %get3A_768 = tpu.vector_load %arg7[%get3A_766, %get3A_767] {strides = array<i32>} : memref<200x32xf32, #tpu.memory_space<vmem>>, vector<1x16xf32>,
        %get3A_769 = vector.shape_cast %get3A_768 : vector<1x16xf32> to vector<16xf32>
        %add3A_770 = arith.addf %add3A_756, %get3A_769 : vector<16xf32>
        scf.yield %add3A_765, %add3A_770 : vector<16xf32>, vector<16xf32>
      }
      %scan3A_645 = arith.constant 25 : i32
      %swap3A_646 = arith.index_cast %add3A_635 : i32 to index
      %swap3A_647 = arith.constant 0 : index
      %swap3A_648 = tpu.vector_load %arg8[%swap3A_646, %swap3A_647] {strides = array<i32>} : memref<64x32xf32, #tpu.memory_space<vmem>>, vector<1x16xf32>,
      %swap3A_649 = vector.shape_cast %swap3A_648 : vector<1x16xf32> to vector<16xf32>
      %swap3A_650 = vector.shape_cast %scan3A_644#0 : vector<16xf32> to vector<1x16xf32>
      tpu.vector_store %arg8[%swap3A_646, %swap3A_647], %swap3A_650 {strides = array<i32>} : memref<64x32xf32, #tpu.memory_space<vmem>>, vector<1x16xf32>,
      %swap3A_651 = arith.index_cast %add3A_635 : i32 to index
      %swap3A_652 = arith.constant 16 : index
      %swap3A_653 = tpu.vector_load %arg8[%swap3A_651, %swap3A_652] {strides = array<i32>} : memref<64x32xf32, #tpu.memory_space<vmem>>, vector<1x16xf32>,
      %swap3A_654 = vector.shape_cast %swap3A_653 : vector<1x16xf32> to vector<16xf32>
      %swap3A_655 = vector.shape_cast %scan3A_644#1 : vector<16xf32> to vector<1x16xf32>
      tpu.vector_store %arg8[%swap3A_651, %swap3A_652], %swap3A_655 {strides = array<i32>} : memref<64x32xf32, #tpu.memory_space<vmem>>, vector<1x16xf32>,
      %scan3A_656 = arith.constant 0 : i32
      scf.yield %scan3A_656 : i32
    }
    %scan3A_406 = arith.constant 32 : i32
    "tpu.region"() ({
      %run_scoped3A = tpu.sem_alloc : memref<!tpu.dma_semaphore, #tpu.memory_space<semaphore_mem>>
      %dma_start3A_520 = arith.constant 0 : i32
      %dma_start3A_521 = tpu.memref_slice %arg4[%add3A_399, %dma_start3A_520] : memref<16384x32xf32, #tpu.memory_space<hbm>> -> memref<64x32xf32, #tpu.memory_space<hbm>>
      %dma_start3A_522 = arith.constant 0 : i32
      %dma_start3A_523 = tpu.memref_slice %arg4[%add3A_399, %dma_start3A_522] : memref<16384x32xf32, #tpu.memory_space<hbm>> -> memref<64x32xf32, #tpu.memory_space<hbm>>
      tpu.enqueue_dma source(%arg8 : memref<64x32xf32, #tpu.memory_space<vmem>>) target(%dma_start3A_523 : memref<64x32xf32, #tpu.memory_space<hbm>>) target_semaphore(%run_scoped3A : memref<!tpu.dma_semaphore, #tpu.memory_space<semaphore_mem>>)
      %dma_wait3A_524 = arith.constant 0 : i32
      %dma_wait3A_525 = tpu.memref_slice %arg4[%add3A_399, %dma_wait3A_524] : memref<16384x32xf32, #tpu.memory_space<hbm>> -> memref<64x32xf32, #tpu.memory_space<hbm>>
      %dma_wait3A_526 = arith.constant 0 : i32
      %dma_wait3A_527 = tpu.memref_slice %arg4[%add3A_399, %dma_wait3A_526] : memref<16384x32xf32, #tpu.memory_space<hbm>> -> memref<64x32xf32, #tpu.memory_space<hbm>>
      tpu.wait_dma2 semaphore(%run_scoped3A : memref<!tpu.dma_semaphore, #tpu.memory_space<semaphore_mem>>) src(%arg8 : memref<64x32xf32, #tpu.memory_space<vmem>>) dst(%dma_wait3A_527 : memref<64x32xf32, #tpu.memory_space<hbm>>)
      tpu.yield
    }) : () -> ()
    %add3A_407 = arith.constant 384 : i32
    %add3A_408 = arith.addi %mul3A_2, %add3A_407 : i32
    %mul3A_409 = arith.constant 2 : i32
    %mul3A_410 = arith.muli %add3A_408, %mul3A_409 : i32
    %dma_wait3A_411 = arith.constant 0 : i32
    %dma_wait3A_412 = arith.constant 0 : i32
    %dma_wait3A_413 = arith.constant 0 : i32
    %dma_wait3A_414 = tpu.memref_slice %arg5[%dma_wait3A_411, %dma_wait3A_412, %dma_wait3A_413] : memref<2x128x100xi32, #tpu.memory_space<vmem>> -> memref<1x128x100xi32, #tpu.memory_space<vmem>>
    %dma_wait3A_415 = tpu.memref_squeeze %dma_wait3A_414 : memref<1x128x100xi32, #tpu.memory_space<vmem>> -> memref<128x100xi32, #tpu.memory_space<vmem>>
    %dma_wait3A_416 = arith.constant 0 : i32
    %dma_wait3A_417 = tpu.memref_slice %arg2[%mul3A_410, %dma_wait3A_416] : memref<32768x100xi32, #tpu.memory_space<hbm>> -> memref<128x100xi32, #tpu.memory_space<hbm>>
    %dma_wait3A_418 = arith.constant 0 : i32
    %dma_wait3A_419 = arith.constant 0 : i32
    %dma_wait3A_420 = tpu.memref_slice %arg5[%dma_wait3A_411, %dma_wait3A_418, %dma_wait3A_419] : memref<2x128x100xi32, #tpu.memory_space<vmem>> -> memref<1x128x100xi32, #tpu.memory_space<vmem>>
    %dma_wait3A_421 = tpu.memref_squeeze %dma_wait3A_420 : memref<1x128x100xi32, #tpu.memory_space<vmem>> -> memref<128x100xi32, #tpu.memory_space<vmem>>
    %dma_wait3A_422 = arith.constant 0 : i32
    %dma_wait3A_423 = tpu.memref_slice %arg2[%mul3A_410, %dma_wait3A_422] : memref<32768x100xi32, #tpu.memory_space<hbm>> -> memref<128x100xi32, #tpu.memory_space<hbm>>
    tpu.wait_dma2 semaphore(%arg11 : memref<!tpu.dma_semaphore, #tpu.memory_space<semaphore_mem>>) src(%dma_wait3A_423 : memref<128x100xi32, #tpu.memory_space<hbm>>) dst(%dma_wait3A_421 : memref<128x100xi32, #tpu.memory_space<vmem>>)
    %add3A_424 = arith.constant 448 : i32
    %add3A_425 = arith.addi %mul3A_2, %add3A_424 : i32
    %mul3A_426 = arith.constant 2 : i32
    %mul3A_427 = arith.muli %add3A_425, %mul3A_426 : i32
    %dma_start3A_428 = arith.constant 1 : i32
    %dma_start3A_429 = arith.constant 0 : i32
    %dma_start3A_430 = arith.constant 0 : i32
    %dma_start3A_431 = tpu.memref_slice %arg5[%dma_start3A_428, %dma_start3A_429, %dma_start3A_430] : memref<2x128x100xi32, #tpu.memory_space<vmem>> -> memref<1x128x100xi32, #tpu.memory_space<vmem>>
    %dma_start3A_432 = tpu.memref_squeeze %dma_start3A_431 : memref<1x128x100xi32, #tpu.memory_space<vmem>> -> memref<128x100xi32, #tpu.memory_space<vmem>>
    %dma_start3A_433 = arith.constant 0 : i32
    %dma_start3A_434 = tpu.memref_slice %arg2[%mul3A_427, %dma_start3A_433] : memref<32768x100xi32, #tpu.memory_space<hbm>> -> memref<128x100xi32, #tpu.memory_space<hbm>>
    %dma_start3A_435 = arith.constant 0 : i32
    %dma_start3A_436 = arith.constant 0 : i32
    %dma_start3A_437 = tpu.memref_slice %arg5[%dma_start3A_428, %dma_start3A_435, %dma_start3A_436] : memref<2x128x100xi32, #tpu.memory_space<vmem>> -> memref<1x128x100xi32, #tpu.memory_space<vmem>>
    %dma_start3A_438 = tpu.memref_squeeze %dma_start3A_437 : memref<1x128x100xi32, #tpu.memory_space<vmem>> -> memref<128x100xi32, #tpu.memory_space<vmem>>
    %dma_start3A_439 = arith.constant 0 : i32
    %dma_start3A_440 = tpu.memref_slice %arg2[%mul3A_427, %dma_start3A_439] : memref<32768x100xi32, #tpu.memory_space<hbm>> -> memref<128x100xi32, #tpu.memory_space<hbm>>
    tpu.enqueue_dma source(%dma_start3A_440 : memref<128x100xi32, #tpu.memory_space<hbm>>) target(%dma_start3A_438 : memref<128x100xi32, #tpu.memory_space<vmem>>) target_semaphore(%arg11 : memref<!tpu.dma_semaphore, #tpu.memory_space<semaphore_mem>>)
    %dma_start3A_441 = arith.constant 0 : i32
    %dma_start3A_442 = arith.constant 0 : i32
    %dma_start3A_443 = arith.constant 0 : i32
    %dma_start3A_444 = arith.constant 0 : i32
    %dma_start3A_445 = tpu.memref_slice %arg6[%dma_start3A_443, %dma_start3A_444] : memref<200x32xf32, #tpu.memory_space<vmem>> -> memref<100x32xf32, #tpu.memory_space<vmem>>
    %dma_start3A_446 = arith.constant 0 : i32
    %dma_start3A_447 = tpu.memref_slice %arg5[%dma_start3A_441, %dma_start3A_442, %dma_start3A_446] : memref<2x128x100xi32, #tpu.memory_space<vmem>> -> memref<1x1x100xi32, #tpu.memory_space<vmem>>
    %dma_start3A_448 = tpu.memref_squeeze %dma_start3A_447 : memref<1x1x100xi32, #tpu.memory_space<vmem>> -> memref<100xi32, #tpu.memory_space<vmem>>
    %dma_start3A_449 = arith.constant 0 : i32
    %dma_start3A_450 = arith.constant 0 : i32
    %dma_start3A_451 = tpu.memref_slice %arg3[%dma_start3A_449, %dma_start3A_450] : memref<1000000x32xf32, #tpu.memory_space<hbm>> -> memref<1000000x32xf32, #tpu.memory_space<hbm>>
    tpu.enqueue_indirect_dma source(%dma_start3A_451 : memref<1000000x32xf32, #tpu.memory_space<hbm>>) target(%dma_start3A_445 : memref<100x32xf32, #tpu.memory_space<vmem>>) offsets(%dma_start3A_448 : memref<100xi32, #tpu.memory_space<vmem>>) semaphore(%arg9 : memref<!tpu.dma_semaphore, #tpu.memory_space<semaphore_mem>>)
    %dma_start3A_452 = arith.constant 0 : i32
    %dma_start3A_453 = arith.constant 1 : i32
    %dma_start3A_454 = arith.constant 100 : i32
    %dma_start3A_455 = arith.constant 0 : i32
    %dma_start3A_456 = tpu.memref_slice %arg6[%dma_start3A_454, %dma_start3A_455] : memref<200x32xf32, #tpu.memory_space<vmem>> -> memref<100x32xf32, #tpu.memory_space<vmem>>
    %dma_start3A_457 = arith.constant 0 : i32
    %dma_start3A_458 = tpu.memref_slice %arg5[%dma_start3A_452, %dma_start3A_453, %dma_start3A_457] : memref<2x128x100xi32, #tpu.memory_space<vmem>> -> memref<1x1x100xi32, #tpu.memory_space<vmem>>
    %dma_start3A_459 = tpu.memref_squeeze %dma_start3A_458 : memref<1x1x100xi32, #tpu.memory_space<vmem>> -> memref<100xi32, #tpu.memory_space<vmem>>
    %dma_start3A_460 = arith.constant 0 : i32
    %dma_start3A_461 = arith.constant 0 : i32
    %dma_start3A_462 = tpu.memref_slice %arg3[%dma_start3A_460, %dma_start3A_461] : memref<1000000x32xf32, #tpu.memory_space<hbm>> -> memref<1000000x32xf32, #tpu.memory_space<hbm>>
    tpu.enqueue_indirect_dma source(%dma_start3A_462 : memref<1000000x32xf32, #tpu.memory_space<hbm>>) target(%dma_start3A_456 : memref<100x32xf32, #tpu.memory_space<vmem>>) offsets(%dma_start3A_459 : memref<100xi32, #tpu.memory_space<vmem>>) semaphore(%arg9 : memref<!tpu.dma_semaphore, #tpu.memory_space<semaphore_mem>>)
    %add3A_463 = arith.constant 384 : i32
    %add3A_464 = arith.addi %mul3A_2, %add3A_463 : i32
    %scan3A_465 = arith.constant 0 : i32
    %scan3A_466 = arith.constant 0 : i32
    %scan3A_467 = arith.constant 32 : i32
    %scan3A_468 = arith.addi %scan3A_466, %scan3A_467 : i32
    %scan3A_469 = arith.constant 1 : i32
    %scan3A_470 = scf.for %scan3A_520 = %scan3A_466 to %scan3A_468 step %scan3A_469 iter_args(%scan3A_521 = %scan3A_465) -> (i32)  : i32 {
      %mul3A_522 = arith.constant 2 : i32
      %mul3A_523 = arith.muli %mul3A_522, %scan3A_520 : i32
      %add3A_524 = arith.constant 1 : i32
      %add3A_525 = arith.addi %mul3A_523, %add3A_524 : i32
      %mul3A_526 = arith.constant 2 : i32
      %mul3A_527 = arith.muli %mul3A_526, %add3A_525 : i32
      %mul3A_528 = arith.constant 2 : i32
      %mul3A_529 = arith.muli %mul3A_528, %add3A_525 : i32
      %add3A_530 = arith.constant 1 : i32
      %add3A_531 = arith.addi %mul3A_529, %add3A_530 : i32
      %dma_start3A_532 = arith.constant 0 : i32
      %dma_start3A_533 = arith.constant 0 : i32
      %dma_start3A_534 = arith.constant 0 : i32
      %dma_start3A_535 = tpu.memref_slice %arg7[%dma_start3A_533, %dma_start3A_534] : memref<200x32xf32, #tpu.memory_space<vmem>> -> memref<100x32xf32, #tpu.memory_space<vmem>>
      %dma_start3A_536 = arith.constant 0 : i32
      %dma_start3A_537 = tpu.memref_slice %arg5[%dma_start3A_532, %mul3A_527, %dma_start3A_536] : memref<2x128x100xi32, #tpu.memory_space<vmem>> -> memref<1x1x100xi32, #tpu.memory_space<vmem>>
      %dma_start3A_538 = tpu.memref_squeeze %dma_start3A_537 : memref<1x1x100xi32, #tpu.memory_space<vmem>> -> memref<100xi32, #tpu.memory_space<vmem>>
      %dma_start3A_539 = arith.constant 0 : i32
      %dma_start3A_540 = arith.constant 0 : i32
      %dma_start3A_541 = tpu.memref_slice %arg3[%dma_start3A_539, %dma_start3A_540] : memref<1000000x32xf32, #tpu.memory_space<hbm>> -> memref<1000000x32xf32, #tpu.memory_space<hbm>>
      tpu.enqueue_indirect_dma source(%dma_start3A_541 : memref<1000000x32xf32, #tpu.memory_space<hbm>>) target(%dma_start3A_535 : memref<100x32xf32, #tpu.memory_space<vmem>>) offsets(%dma_start3A_538 : memref<100xi32, #tpu.memory_space<vmem>>) semaphore(%arg10 : memref<!tpu.dma_semaphore, #tpu.memory_space<semaphore_mem>>)
      %dma_start3A_542 = arith.constant 0 : i32
      %dma_start3A_543 = arith.constant 100 : i32
      %dma_start3A_544 = arith.constant 0 : i32
      %dma_start3A_545 = tpu.memref_slice %arg7[%dma_start3A_543, %dma_start3A_544] : memref<200x32xf32, #tpu.memory_space<vmem>> -> memref<100x32xf32, #tpu.memory_space<vmem>>
      %dma_start3A_546 = arith.constant 0 : i32
      %dma_start3A_547 = tpu.memref_slice %arg5[%dma_start3A_542, %add3A_531, %dma_start3A_546] : memref<2x128x100xi32, #tpu.memory_space<vmem>> -> memref<1x1x100xi32, #tpu.memory_space<vmem>>
      %dma_start3A_548 = tpu.memref_squeeze %dma_start3A_547 : memref<1x1x100xi32, #tpu.memory_space<vmem>> -> memref<100xi32, #tpu.memory_space<vmem>>
      %dma_start3A_549 = arith.constant 0 : i32
      %dma_start3A_550 = arith.constant 0 : i32
      %dma_start3A_551 = tpu.memref_slice %arg3[%dma_start3A_549, %dma_start3A_550] : memref<1000000x32xf32, #tpu.memory_space<hbm>> -> memref<1000000x32xf32, #tpu.memory_space<hbm>>
      tpu.enqueue_indirect_dma source(%dma_start3A_551 : memref<1000000x32xf32, #tpu.memory_space<hbm>>) target(%dma_start3A_545 : memref<100x32xf32, #tpu.memory_space<vmem>>) offsets(%dma_start3A_548 : memref<100xi32, #tpu.memory_space<vmem>>) semaphore(%arg10 : memref<!tpu.dma_semaphore, #tpu.memory_space<semaphore_mem>>)
      %mul3A_552 = arith.constant 2 : i32
      %mul3A_553 = arith.muli %mul3A_552, %scan3A_520 : i32
      %mul3A_554 = arith.constant 2 : i32
      %mul3A_555 = arith.muli %mul3A_554, %mul3A_553 : i32
      %mul3A_556 = arith.constant 2 : i32
      %mul3A_557 = arith.muli %mul3A_556, %mul3A_553 : i32
      %add3A_558 = arith.constant 1 : i32
      %add3A_559 = arith.addi %mul3A_557, %add3A_558 : i32
      %dma_wait3A_560 = arith.constant 0 : i32
      %dma_wait3A_561 = arith.constant 0 : i32
      %dma_wait3A_562 = arith.constant 0 : i32
      %dma_wait3A_563 = tpu.memref_slice %arg6[%dma_wait3A_561, %dma_wait3A_562] : memref<200x32xf32, #tpu.memory_space<vmem>> -> memref<100x32xf32, #tpu.memory_space<vmem>>
      %dma_wait3A_564 = arith.constant 0 : i32
      %dma_wait3A_565 = tpu.memref_slice %arg5[%dma_wait3A_560, %mul3A_555, %dma_wait3A_564] : memref<2x128x100xi32, #tpu.memory_space<vmem>> -> memref<1x1x100xi32, #tpu.memory_space<vmem>>
      %dma_wait3A_566 = tpu.memref_squeeze %dma_wait3A_565 : memref<1x1x100xi32, #tpu.memory_space<vmem>> -> memref<100xi32, #tpu.memory_space<vmem>>
      %dma_wait3A_567 = arith.constant 0 : i32
      %dma_wait3A_568 = arith.constant 0 : i32
      %dma_wait3A_569 = tpu.memref_slice %arg3[%dma_wait3A_567, %dma_wait3A_568] : memref<1000000x32xf32, #tpu.memory_space<hbm>> -> memref<1000000x32xf32, #tpu.memory_space<hbm>>
      tpu.wait_indirect_dma semaphore(%arg9 : memref<!tpu.dma_semaphore, #tpu.memory_space<semaphore_mem>>) src(%dma_wait3A_569 : memref<1000000x32xf32, #tpu.memory_space<hbm>>) dst(%dma_wait3A_563 : memref<100x32xf32, #tpu.memory_space<vmem>>)
      %dma_wait3A_570 = arith.constant 0 : i32
      %dma_wait3A_571 = arith.constant 100 : i32
      %dma_wait3A_572 = arith.constant 0 : i32
      %dma_wait3A_573 = tpu.memref_slice %arg6[%dma_wait3A_571, %dma_wait3A_572] : memref<200x32xf32, #tpu.memory_space<vmem>> -> memref<100x32xf32, #tpu.memory_space<vmem>>
      %dma_wait3A_574 = arith.constant 0 : i32
      %dma_wait3A_575 = tpu.memref_slice %arg5[%dma_wait3A_570, %add3A_559, %dma_wait3A_574] : memref<2x128x100xi32, #tpu.memory_space<vmem>> -> memref<1x1x100xi32, #tpu.memory_space<vmem>>
      %dma_wait3A_576 = tpu.memref_squeeze %dma_wait3A_575 : memref<1x1x100xi32, #tpu.memory_space<vmem>> -> memref<100xi32, #tpu.memory_space<vmem>>
      %dma_wait3A_577 = arith.constant 0 : i32
      %dma_wait3A_578 = arith.constant 0 : i32
      %dma_wait3A_579 = tpu.memref_slice %arg3[%dma_wait3A_577, %dma_wait3A_578] : memref<1000000x32xf32, #tpu.memory_space<hbm>> -> memref<1000000x32xf32, #tpu.memory_space<hbm>>
      tpu.wait_indirect_dma semaphore(%arg9 : memref<!tpu.dma_semaphore, #tpu.memory_space<semaphore_mem>>) src(%dma_wait3A_579 : memref<1000000x32xf32, #tpu.memory_space<hbm>>) dst(%dma_wait3A_573 : memref<100x32xf32, #tpu.memory_space<vmem>>)
      %mul3A_580 = arith.constant 2 : i32
      %mul3A_581 = arith.muli %mul3A_580, %scan3A_520 : i32
      %broadcast_in_dim3A = arith.constant 0.000000e+00 : f32
      %broadcast_in_dim3A_582 = vector.broadcast %broadcast_in_dim3A : f32 to vector<16xf32>
      %broadcast_in_dim3A_583 = arith.constant 0.000000e+00 : f32
      %broadcast_in_dim3A_584 = vector.broadcast %broadcast_in_dim3A_583 : f32 to vector<16xf32>
      %scan3A_585 = arith.constant 0 : i32
      %scan3A_586 = arith.constant 25 : i32
      %scan3A_587 = arith.addi %scan3A_585, %scan3A_586 : i32
      %scan3A_588 = arith.constant 1 : i32
      %scan3A_589:2 = scf.for %scan3A_657 = %scan3A_585 to %scan3A_587 step %scan3A_588 iter_args(%scan3A_658 = %broadcast_in_dim3A_582, %scan3A_659 = %broadcast_in_dim3A_584) -> (vector<16xf32>, vector<16xf32>)  : i32 {
        %mul3A_660 = arith.constant 8 : i32
        %mul3A_661 = arith.muli %scan3A_657, %mul3A_660 : i32
        %add3A_662 = arith.constant 0 : i32
        %add3A_663 = arith.addi %mul3A_661, %add3A_662 : i32
        %get3A = arith.index_cast %add3A_663 : i32 to index
        %get3A_664 = arith.constant 0 : index
        %get3A_665 = tpu.vector_load %arg6[%get3A, %get3A_664] {strides = array<i32>} : memref<200x32xf32, #tpu.memory_space<vmem>>, vector<1x16xf32>,
        %get3A_666 = vector.shape_cast %get3A_665 : vector<1x16xf32> to vector<16xf32>
        %add3A_667 = arith.addf %scan3A_658, %get3A_666 : vector<16xf32>
        %get3A_668 = arith.index_cast %add3A_663 : i32 to index
        %get3A_669 = arith.constant 16 : index
        %get3A_670 = tpu.vector_load %arg6[%get3A_668, %get3A_669] {strides = array<i32>} : memref<200x32xf32, #tpu.memory_space<vmem>>, vector<1x16xf32>,
        %get3A_671 = vector.shape_cast %get3A_670 : vector<1x16xf32> to vector<16xf32>
        %add3A_672 = arith.addf %scan3A_659, %get3A_671 : vector<16xf32>
        %mul3A_673 = arith.constant 8 : i32
        %mul3A_674 = arith.muli %scan3A_657, %mul3A_673 : i32
        %add3A_675 = arith.constant 1 : i32
        %add3A_676 = arith.addi %mul3A_674, %add3A_675 : i32
        %get3A_677 = arith.index_cast %add3A_676 : i32 to index
        %get3A_678 = arith.constant 0 : index
        %get3A_679 = tpu.vector_load %arg6[%get3A_677, %get3A_678] {strides = array<i32>} : memref<200x32xf32, #tpu.memory_space<vmem>>, vector<1x16xf32>,
        %get3A_680 = vector.shape_cast %get3A_679 : vector<1x16xf32> to vector<16xf32>
        %add3A_681 = arith.addf %add3A_667, %get3A_680 : vector<16xf32>
        %get3A_682 = arith.index_cast %add3A_676 : i32 to index
        %get3A_683 = arith.constant 16 : index
        %get3A_684 = tpu.vector_load %arg6[%get3A_682, %get3A_683] {strides = array<i32>} : memref<200x32xf32, #tpu.memory_space<vmem>>, vector<1x16xf32>,
        %get3A_685 = vector.shape_cast %get3A_684 : vector<1x16xf32> to vector<16xf32>
        %add3A_686 = arith.addf %add3A_672, %get3A_685 : vector<16xf32>
        %mul3A_687 = arith.constant 8 : i32
        %mul3A_688 = arith.muli %scan3A_657, %mul3A_687 : i32
        %add3A_689 = arith.constant 2 : i32
        %add3A_690 = arith.addi %mul3A_688, %add3A_689 : i32
        %get3A_691 = arith.index_cast %add3A_690 : i32 to index
        %get3A_692 = arith.constant 0 : index
        %get3A_693 = tpu.vector_load %arg6[%get3A_691, %get3A_692] {strides = array<i32>} : memref<200x32xf32, #tpu.memory_space<vmem>>, vector<1x16xf32>,
        %get3A_694 = vector.shape_cast %get3A_693 : vector<1x16xf32> to vector<16xf32>
        %add3A_695 = arith.addf %add3A_681, %get3A_694 : vector<16xf32>
        %get3A_696 = arith.index_cast %add3A_690 : i32 to index
        %get3A_697 = arith.constant 16 : index
        %get3A_698 = tpu.vector_load %arg6[%get3A_696, %get3A_697] {strides = array<i32>} : memref<200x32xf32, #tpu.memory_space<vmem>>, vector<1x16xf32>,
        %get3A_699 = vector.shape_cast %get3A_698 : vector<1x16xf32> to vector<16xf32>
        %add3A_700 = arith.addf %add3A_686, %get3A_699 : vector<16xf32>
        %mul3A_701 = arith.constant 8 : i32
        %mul3A_702 = arith.muli %scan3A_657, %mul3A_701 : i32
        %add3A_703 = arith.constant 3 : i32
        %add3A_704 = arith.addi %mul3A_702, %add3A_703 : i32
        %get3A_705 = arith.index_cast %add3A_704 : i32 to index
        %get3A_706 = arith.constant 0 : index
        %get3A_707 = tpu.vector_load %arg6[%get3A_705, %get3A_706] {strides = array<i32>} : memref<200x32xf32, #tpu.memory_space<vmem>>, vector<1x16xf32>,
        %get3A_708 = vector.shape_cast %get3A_707 : vector<1x16xf32> to vector<16xf32>
        %add3A_709 = arith.addf %add3A_695, %get3A_708 : vector<16xf32>
        %get3A_710 = arith.index_cast %add3A_704 : i32 to index
        %get3A_711 = arith.constant 16 : index
        %get3A_712 = tpu.vector_load %arg6[%get3A_710, %get3A_711] {strides = array<i32>} : memref<200x32xf32, #tpu.memory_space<vmem>>, vector<1x16xf32>,
        %get3A_713 = vector.shape_cast %get3A_712 : vector<1x16xf32> to vector<16xf32>
        %add3A_714 = arith.addf %add3A_700, %get3A_713 : vector<16xf32>
        %mul3A_715 = arith.constant 8 : i32
        %mul3A_716 = arith.muli %scan3A_657, %mul3A_715 : i32
        %add3A_717 = arith.constant 4 : i32
        %add3A_718 = arith.addi %mul3A_716, %add3A_717 : i32
        %get3A_719 = arith.index_cast %add3A_718 : i32 to index
        %get3A_720 = arith.constant 0 : index
        %get3A_721 = tpu.vector_load %arg6[%get3A_719, %get3A_720] {strides = array<i32>} : memref<200x32xf32, #tpu.memory_space<vmem>>, vector<1x16xf32>,
        %get3A_722 = vector.shape_cast %get3A_721 : vector<1x16xf32> to vector<16xf32>
        %add3A_723 = arith.addf %add3A_709, %get3A_722 : vector<16xf32>
        %get3A_724 = arith.index_cast %add3A_718 : i32 to index
        %get3A_725 = arith.constant 16 : index
        %get3A_726 = tpu.vector_load %arg6[%get3A_724, %get3A_725] {strides = array<i32>} : memref<200x32xf32, #tpu.memory_space<vmem>>, vector<1x16xf32>,
        %get3A_727 = vector.shape_cast %get3A_726 : vector<1x16xf32> to vector<16xf32>
        %add3A_728 = arith.addf %add3A_714, %get3A_727 : vector<16xf32>
        %mul3A_729 = arith.constant 8 : i32
        %mul3A_730 = arith.muli %scan3A_657, %mul3A_729 : i32
        %add3A_731 = arith.constant 5 : i32
        %add3A_732 = arith.addi %mul3A_730, %add3A_731 : i32
        %get3A_733 = arith.index_cast %add3A_732 : i32 to index
        %get3A_734 = arith.constant 0 : index
        %get3A_735 = tpu.vector_load %arg6[%get3A_733, %get3A_734] {strides = array<i32>} : memref<200x32xf32, #tpu.memory_space<vmem>>, vector<1x16xf32>,
        %get3A_736 = vector.shape_cast %get3A_735 : vector<1x16xf32> to vector<16xf32>
        %add3A_737 = arith.addf %add3A_723, %get3A_736 : vector<16xf32>
        %get3A_738 = arith.index_cast %add3A_732 : i32 to index
        %get3A_739 = arith.constant 16 : index
        %get3A_740 = tpu.vector_load %arg6[%get3A_738, %get3A_739] {strides = array<i32>} : memref<200x32xf32, #tpu.memory_space<vmem>>, vector<1x16xf32>,
        %get3A_741 = vector.shape_cast %get3A_740 : vector<1x16xf32> to vector<16xf32>
        %add3A_742 = arith.addf %add3A_728, %get3A_741 : vector<16xf32>
        %mul3A_743 = arith.constant 8 : i32
        %mul3A_744 = arith.muli %scan3A_657, %mul3A_743 : i32
        %add3A_745 = arith.constant 6 : i32
        %add3A_746 = arith.addi %mul3A_744, %add3A_745 : i32
        %get3A_747 = arith.index_cast %add3A_746 : i32 to index
        %get3A_748 = arith.constant 0 : index
        %get3A_749 = tpu.vector_load %arg6[%get3A_747, %get3A_748] {strides = array<i32>} : memref<200x32xf32, #tpu.memory_space<vmem>>, vector<1x16xf32>,
        %get3A_750 = vector.shape_cast %get3A_749 : vector<1x16xf32> to vector<16xf32>
        %add3A_751 = arith.addf %add3A_737, %get3A_750 : vector<16xf32>
        %get3A_752 = arith.index_cast %add3A_746 : i32 to index
        %get3A_753 = arith.constant 16 : index
        %get3A_754 = tpu.vector_load %arg6[%get3A_752, %get3A_753] {strides = array<i32>} : memref<200x32xf32, #tpu.memory_space<vmem>>, vector<1x16xf32>,
        %get3A_755 = vector.shape_cast %get3A_754 : vector<1x16xf32> to vector<16xf32>
        %add3A_756 = arith.addf %add3A_742, %get3A_755 : vector<16xf32>
        %mul3A_757 = arith.constant 8 : i32
        %mul3A_758 = arith.muli %scan3A_657, %mul3A_757 : i32
        %add3A_759 = arith.constant 7 : i32
        %add3A_760 = arith.addi %mul3A_758, %add3A_759 : i32
        %get3A_761 = arith.index_cast %add3A_760 : i32 to index
        %get3A_762 = arith.constant 0 : index
        %get3A_763 = tpu.vector_load %arg6[%get3A_761, %get3A_762] {strides = array<i32>} : memref<200x32xf32, #tpu.memory_space<vmem>>, vector<1x16xf32>,
        %get3A_764 = vector.shape_cast %get3A_763 : vector<1x16xf32> to vector<16xf32>
        %add3A_765 = arith.addf %add3A_751, %get3A_764 : vector<16xf32>
        %get3A_766 = arith.index_cast %add3A_760 : i32 to index
        %get3A_767 = arith.constant 16 : index
        %get3A_768 = tpu.vector_load %arg6[%get3A_766, %get3A_767] {strides = array<i32>} : memref<200x32xf32, #tpu.memory_space<vmem>>, vector<1x16xf32>,
        %get3A_769 = vector.shape_cast %get3A_768 : vector<1x16xf32> to vector<16xf32>
        %add3A_770 = arith.addf %add3A_756, %get3A_769 : vector<16xf32>
        scf.yield %add3A_765, %add3A_770 : vector<16xf32>, vector<16xf32>
      }
      %scan3A_590 = arith.constant 25 : i32
      %swap3A = arith.index_cast %mul3A_581 : i32 to index
      %swap3A_591 = arith.constant 0 : index
      %swap3A_592 = tpu.vector_load %arg8[%swap3A, %swap3A_591] {strides = array<i32>} : memref<64x32xf32, #tpu.memory_space<vmem>>, vector<1x16xf32>,
      %swap3A_593 = vector.shape_cast %swap3A_592 : vector<1x16xf32> to vector<16xf32>
      %swap3A_594 = vector.shape_cast %scan3A_589#0 : vector<16xf32> to vector<1x16xf32>
      tpu.vector_store %arg8[%swap3A, %swap3A_591], %swap3A_594 {strides = array<i32>} : memref<64x32xf32, #tpu.memory_space<vmem>>, vector<1x16xf32>,
      %swap3A_595 = arith.index_cast %mul3A_581 : i32 to index
      %swap3A_596 = arith.constant 16 : index
      %swap3A_597 = tpu.vector_load %arg8[%swap3A_595, %swap3A_596] {strides = array<i32>} : memref<64x32xf32, #tpu.memory_space<vmem>>, vector<1x16xf32>,
      %swap3A_598 = vector.shape_cast %swap3A_597 : vector<1x16xf32> to vector<16xf32>
      %swap3A_599 = vector.shape_cast %scan3A_589#1 : vector<16xf32> to vector<1x16xf32>
      tpu.vector_store %arg8[%swap3A_595, %swap3A_596], %swap3A_599 {strides = array<i32>} : memref<64x32xf32, #tpu.memory_space<vmem>>, vector<1x16xf32>,
      %lt3A = arith.constant 31 : i32
      %lt3A_600 = arith.cmpi slt, %scan3A_520, %lt3A : i32
      %convert_element_type3A = arith.extui %lt3A_600 : i1 to i32
      %cond3A = arith.constant 0 : i32
      %cond3A_601 = arith.cmpi ne, %convert_element_type3A, %cond3A : i32
      scf.if %cond3A_601 {
        %mul3A_657 = arith.constant 2 : i32
        %mul3A_658 = arith.muli %mul3A_657, %scan3A_520 : i32
        %add3A_659 = arith.constant 2 : i32
        %add3A_660 = arith.addi %mul3A_658, %add3A_659 : i32
        %mul3A_661 = arith.constant 2 : i32
        %mul3A_662 = arith.muli %mul3A_661, %add3A_660 : i32
        %mul3A_663 = arith.constant 2 : i32
        %mul3A_664 = arith.muli %mul3A_663, %add3A_660 : i32
        %add3A_665 = arith.constant 1 : i32
        %add3A_666 = arith.addi %mul3A_664, %add3A_665 : i32
        %dma_start3A_667 = arith.constant 0 : i32
        %dma_start3A_668 = arith.constant 0 : i32
        %dma_start3A_669 = arith.constant 0 : i32
        %dma_start3A_670 = tpu.memref_slice %arg6[%dma_start3A_668, %dma_start3A_669] : memref<200x32xf32, #tpu.memory_space<vmem>> -> memref<100x32xf32, #tpu.memory_space<vmem>>
        %dma_start3A_671 = arith.constant 0 : i32
        %dma_start3A_672 = tpu.memref_slice %arg5[%dma_start3A_667, %mul3A_662, %dma_start3A_671] : memref<2x128x100xi32, #tpu.memory_space<vmem>> -> memref<1x1x100xi32, #tpu.memory_space<vmem>>
        %dma_start3A_673 = tpu.memref_squeeze %dma_start3A_672 : memref<1x1x100xi32, #tpu.memory_space<vmem>> -> memref<100xi32, #tpu.memory_space<vmem>>
        %dma_start3A_674 = arith.constant 0 : i32
        %dma_start3A_675 = arith.constant 0 : i32
        %dma_start3A_676 = tpu.memref_slice %arg3[%dma_start3A_674, %dma_start3A_675] : memref<1000000x32xf32, #tpu.memory_space<hbm>> -> memref<1000000x32xf32, #tpu.memory_space<hbm>>
        tpu.enqueue_indirect_dma source(%dma_start3A_676 : memref<1000000x32xf32, #tpu.memory_space<hbm>>) target(%dma_start3A_670 : memref<100x32xf32, #tpu.memory_space<vmem>>) offsets(%dma_start3A_673 : memref<100xi32, #tpu.memory_space<vmem>>) semaphore(%arg9 : memref<!tpu.dma_semaphore, #tpu.memory_space<semaphore_mem>>)
        %dma_start3A_677 = arith.constant 0 : i32
        %dma_start3A_678 = arith.constant 100 : i32
        %dma_start3A_679 = arith.constant 0 : i32
        %dma_start3A_680 = tpu.memref_slice %arg6[%dma_start3A_678, %dma_start3A_679] : memref<200x32xf32, #tpu.memory_space<vmem>> -> memref<100x32xf32, #tpu.memory_space<vmem>>
        %dma_start3A_681 = arith.constant 0 : i32
        %dma_start3A_682 = tpu.memref_slice %arg5[%dma_start3A_677, %add3A_666, %dma_start3A_681] : memref<2x128x100xi32, #tpu.memory_space<vmem>> -> memref<1x1x100xi32, #tpu.memory_space<vmem>>
        %dma_start3A_683 = tpu.memref_squeeze %dma_start3A_682 : memref<1x1x100xi32, #tpu.memory_space<vmem>> -> memref<100xi32, #tpu.memory_space<vmem>>
        %dma_start3A_684 = arith.constant 0 : i32
        %dma_start3A_685 = arith.constant 0 : i32
        %dma_start3A_686 = tpu.memref_slice %arg3[%dma_start3A_684, %dma_start3A_685] : memref<1000000x32xf32, #tpu.memory_space<hbm>> -> memref<1000000x32xf32, #tpu.memory_space<hbm>>
        tpu.enqueue_indirect_dma source(%dma_start3A_686 : memref<1000000x32xf32, #tpu.memory_space<hbm>>) target(%dma_start3A_680 : memref<100x32xf32, #tpu.memory_space<vmem>>) offsets(%dma_start3A_683 : memref<100xi32, #tpu.memory_space<vmem>>) semaphore(%arg9 : memref<!tpu.dma_semaphore, #tpu.memory_space<semaphore_mem>>)
      } else {
      }
      %mul3A_602 = arith.constant 2 : i32
      %mul3A_603 = arith.muli %mul3A_602, %scan3A_520 : i32
      %add3A_604 = arith.constant 1 : i32
      %add3A_605 = arith.addi %mul3A_603, %add3A_604 : i32
      %mul3A_606 = arith.constant 2 : i32
      %mul3A_607 = arith.muli %mul3A_606, %add3A_605 : i32
      %mul3A_608 = arith.constant 2 : i32
      %mul3A_609 = arith.muli %mul3A_608, %add3A_605 : i32
      %add3A_610 = arith.constant 1 : i32
      %add3A_611 = arith.addi %mul3A_609, %add3A_610 : i32
      %dma_wait3A_612 = arith.constant 0 : i32
      %dma_wait3A_613 = arith.constant 0 : i32
      %dma_wait3A_614 = arith.constant 0 : i32
      %dma_wait3A_615 = tpu.memref_slice %arg7[%dma_wait3A_613, %dma_wait3A_614] : memref<200x32xf32, #tpu.memory_space<vmem>> -> memref<100x32xf32, #tpu.memory_space<vmem>>
      %dma_wait3A_616 = arith.constant 0 : i32
      %dma_wait3A_617 = tpu.memref_slice %arg5[%dma_wait3A_612, %mul3A_607, %dma_wait3A_616] : memref<2x128x100xi32, #tpu.memory_space<vmem>> -> memref<1x1x100xi32, #tpu.memory_space<vmem>>
      %dma_wait3A_618 = tpu.memref_squeeze %dma_wait3A_617 : memref<1x1x100xi32, #tpu.memory_space<vmem>> -> memref<100xi32, #tpu.memory_space<vmem>>
      %dma_wait3A_619 = arith.constant 0 : i32
      %dma_wait3A_620 = arith.constant 0 : i32
      %dma_wait3A_621 = tpu.memref_slice %arg3[%dma_wait3A_619, %dma_wait3A_620] : memref<1000000x32xf32, #tpu.memory_space<hbm>> -> memref<1000000x32xf32, #tpu.memory_space<hbm>>
      tpu.wait_indirect_dma semaphore(%arg10 : memref<!tpu.dma_semaphore, #tpu.memory_space<semaphore_mem>>) src(%dma_wait3A_621 : memref<1000000x32xf32, #tpu.memory_space<hbm>>) dst(%dma_wait3A_615 : memref<100x32xf32, #tpu.memory_space<vmem>>)
      %dma_wait3A_622 = arith.constant 0 : i32
      %dma_wait3A_623 = arith.constant 100 : i32
      %dma_wait3A_624 = arith.constant 0 : i32
      %dma_wait3A_625 = tpu.memref_slice %arg7[%dma_wait3A_623, %dma_wait3A_624] : memref<200x32xf32, #tpu.memory_space<vmem>> -> memref<100x32xf32, #tpu.memory_space<vmem>>
      %dma_wait3A_626 = arith.constant 0 : i32
      %dma_wait3A_627 = tpu.memref_slice %arg5[%dma_wait3A_622, %add3A_611, %dma_wait3A_626] : memref<2x128x100xi32, #tpu.memory_space<vmem>> -> memref<1x1x100xi32, #tpu.memory_space<vmem>>
      %dma_wait3A_628 = tpu.memref_squeeze %dma_wait3A_627 : memref<1x1x100xi32, #tpu.memory_space<vmem>> -> memref<100xi32, #tpu.memory_space<vmem>>
      %dma_wait3A_629 = arith.constant 0 : i32
      %dma_wait3A_630 = arith.constant 0 : i32
      %dma_wait3A_631 = tpu.memref_slice %arg3[%dma_wait3A_629, %dma_wait3A_630] : memref<1000000x32xf32, #tpu.memory_space<hbm>> -> memref<1000000x32xf32, #tpu.memory_space<hbm>>
      tpu.wait_indirect_dma semaphore(%arg10 : memref<!tpu.dma_semaphore, #tpu.memory_space<semaphore_mem>>) src(%dma_wait3A_631 : memref<1000000x32xf32, #tpu.memory_space<hbm>>) dst(%dma_wait3A_625 : memref<100x32xf32, #tpu.memory_space<vmem>>)
      %mul3A_632 = arith.constant 2 : i32
      %mul3A_633 = arith.muli %mul3A_632, %scan3A_520 : i32
      %add3A_634 = arith.constant 1 : i32
      %add3A_635 = arith.addi %mul3A_633, %add3A_634 : i32
      %broadcast_in_dim3A_636 = arith.constant 0.000000e+00 : f32
      %broadcast_in_dim3A_637 = vector.broadcast %broadcast_in_dim3A_636 : f32 to vector<16xf32>
      %broadcast_in_dim3A_638 = arith.constant 0.000000e+00 : f32
      %broadcast_in_dim3A_639 = vector.broadcast %broadcast_in_dim3A_638 : f32 to vector<16xf32>
      %scan3A_640 = arith.constant 0 : i32
      %scan3A_641 = arith.constant 25 : i32
      %scan3A_642 = arith.addi %scan3A_640, %scan3A_641 : i32
      %scan3A_643 = arith.constant 1 : i32
      %scan3A_644:2 = scf.for %scan3A_657 = %scan3A_640 to %scan3A_642 step %scan3A_643 iter_args(%scan3A_658 = %broadcast_in_dim3A_637, %scan3A_659 = %broadcast_in_dim3A_639) -> (vector<16xf32>, vector<16xf32>)  : i32 {
        %mul3A_660 = arith.constant 8 : i32
        %mul3A_661 = arith.muli %scan3A_657, %mul3A_660 : i32
        %add3A_662 = arith.constant 0 : i32
        %add3A_663 = arith.addi %mul3A_661, %add3A_662 : i32
        %get3A = arith.index_cast %add3A_663 : i32 to index
        %get3A_664 = arith.constant 0 : index
        %get3A_665 = tpu.vector_load %arg7[%get3A, %get3A_664] {strides = array<i32>} : memref<200x32xf32, #tpu.memory_space<vmem>>, vector<1x16xf32>,
        %get3A_666 = vector.shape_cast %get3A_665 : vector<1x16xf32> to vector<16xf32>
        %add3A_667 = arith.addf %scan3A_658, %get3A_666 : vector<16xf32>
        %get3A_668 = arith.index_cast %add3A_663 : i32 to index
        %get3A_669 = arith.constant 16 : index
        %get3A_670 = tpu.vector_load %arg7[%get3A_668, %get3A_669] {strides = array<i32>} : memref<200x32xf32, #tpu.memory_space<vmem>>, vector<1x16xf32>,
        %get3A_671 = vector.shape_cast %get3A_670 : vector<1x16xf32> to vector<16xf32>
        %add3A_672 = arith.addf %scan3A_659, %get3A_671 : vector<16xf32>
        %mul3A_673 = arith.constant 8 : i32
        %mul3A_674 = arith.muli %scan3A_657, %mul3A_673 : i32
        %add3A_675 = arith.constant 1 : i32
        %add3A_676 = arith.addi %mul3A_674, %add3A_675 : i32
        %get3A_677 = arith.index_cast %add3A_676 : i32 to index
        %get3A_678 = arith.constant 0 : index
        %get3A_679 = tpu.vector_load %arg7[%get3A_677, %get3A_678] {strides = array<i32>} : memref<200x32xf32, #tpu.memory_space<vmem>>, vector<1x16xf32>,
        %get3A_680 = vector.shape_cast %get3A_679 : vector<1x16xf32> to vector<16xf32>
        %add3A_681 = arith.addf %add3A_667, %get3A_680 : vector<16xf32>
        %get3A_682 = arith.index_cast %add3A_676 : i32 to index
        %get3A_683 = arith.constant 16 : index
        %get3A_684 = tpu.vector_load %arg7[%get3A_682, %get3A_683] {strides = array<i32>} : memref<200x32xf32, #tpu.memory_space<vmem>>, vector<1x16xf32>,
        %get3A_685 = vector.shape_cast %get3A_684 : vector<1x16xf32> to vector<16xf32>
        %add3A_686 = arith.addf %add3A_672, %get3A_685 : vector<16xf32>
        %mul3A_687 = arith.constant 8 : i32
        %mul3A_688 = arith.muli %scan3A_657, %mul3A_687 : i32
        %add3A_689 = arith.constant 2 : i32
        %add3A_690 = arith.addi %mul3A_688, %add3A_689 : i32
        %get3A_691 = arith.index_cast %add3A_690 : i32 to index
        %get3A_692 = arith.constant 0 : index
        %get3A_693 = tpu.vector_load %arg7[%get3A_691, %get3A_692] {strides = array<i32>} : memref<200x32xf32, #tpu.memory_space<vmem>>, vector<1x16xf32>,
        %get3A_694 = vector.shape_cast %get3A_693 : vector<1x16xf32> to vector<16xf32>
        %add3A_695 = arith.addf %add3A_681, %get3A_694 : vector<16xf32>
        %get3A_696 = arith.index_cast %add3A_690 : i32 to index
        %get3A_697 = arith.constant 16 : index
        %get3A_698 = tpu.vector_load %arg7[%get3A_696, %get3A_697] {strides = array<i32>} : memref<200x32xf32, #tpu.memory_space<vmem>>, vector<1x16xf32>,
        %get3A_699 = vector.shape_cast %get3A_698 : vector<1x16xf32> to vector<16xf32>
        %add3A_700 = arith.addf %add3A_686, %get3A_699 : vector<16xf32>
        %mul3A_701 = arith.constant 8 : i32
        %mul3A_702 = arith.muli %scan3A_657, %mul3A_701 : i32
        %add3A_703 = arith.constant 3 : i32
        %add3A_704 = arith.addi %mul3A_702, %add3A_703 : i32
        %get3A_705 = arith.index_cast %add3A_704 : i32 to index
        %get3A_706 = arith.constant 0 : index
        %get3A_707 = tpu.vector_load %arg7[%get3A_705, %get3A_706] {strides = array<i32>} : memref<200x32xf32, #tpu.memory_space<vmem>>, vector<1x16xf32>,
        %get3A_708 = vector.shape_cast %get3A_707 : vector<1x16xf32> to vector<16xf32>
        %add3A_709 = arith.addf %add3A_695, %get3A_708 : vector<16xf32>
        %get3A_710 = arith.index_cast %add3A_704 : i32 to index
        %get3A_711 = arith.constant 16 : index
        %get3A_712 = tpu.vector_load %arg7[%get3A_710, %get3A_711] {strides = array<i32>} : memref<200x32xf32, #tpu.memory_space<vmem>>, vector<1x16xf32>,
        %get3A_713 = vector.shape_cast %get3A_712 : vector<1x16xf32> to vector<16xf32>
        %add3A_714 = arith.addf %add3A_700, %get3A_713 : vector<16xf32>
        %mul3A_715 = arith.constant 8 : i32
        %mul3A_716 = arith.muli %scan3A_657, %mul3A_715 : i32
        %add3A_717 = arith.constant 4 : i32
        %add3A_718 = arith.addi %mul3A_716, %add3A_717 : i32
        %get3A_719 = arith.index_cast %add3A_718 : i32 to index
        %get3A_720 = arith.constant 0 : index
        %get3A_721 = tpu.vector_load %arg7[%get3A_719, %get3A_720] {strides = array<i32>} : memref<200x32xf32, #tpu.memory_space<vmem>>, vector<1x16xf32>,
        %get3A_722 = vector.shape_cast %get3A_721 : vector<1x16xf32> to vector<16xf32>
        %add3A_723 = arith.addf %add3A_709, %get3A_722 : vector<16xf32>
        %get3A_724 = arith.index_cast %add3A_718 : i32 to index
        %get3A_725 = arith.constant 16 : index
        %get3A_726 = tpu.vector_load %arg7[%get3A_724, %get3A_725] {strides = array<i32>} : memref<200x32xf32, #tpu.memory_space<vmem>>, vector<1x16xf32>,
        %get3A_727 = vector.shape_cast %get3A_726 : vector<1x16xf32> to vector<16xf32>
        %add3A_728 = arith.addf %add3A_714, %get3A_727 : vector<16xf32>
        %mul3A_729 = arith.constant 8 : i32
        %mul3A_730 = arith.muli %scan3A_657, %mul3A_729 : i32
        %add3A_731 = arith.constant 5 : i32
        %add3A_732 = arith.addi %mul3A_730, %add3A_731 : i32
        %get3A_733 = arith.index_cast %add3A_732 : i32 to index
        %get3A_734 = arith.constant 0 : index
        %get3A_735 = tpu.vector_load %arg7[%get3A_733, %get3A_734] {strides = array<i32>} : memref<200x32xf32, #tpu.memory_space<vmem>>, vector<1x16xf32>,
        %get3A_736 = vector.shape_cast %get3A_735 : vector<1x16xf32> to vector<16xf32>
        %add3A_737 = arith.addf %add3A_723, %get3A_736 : vector<16xf32>
        %get3A_738 = arith.index_cast %add3A_732 : i32 to index
        %get3A_739 = arith.constant 16 : index
        %get3A_740 = tpu.vector_load %arg7[%get3A_738, %get3A_739] {strides = array<i32>} : memref<200x32xf32, #tpu.memory_space<vmem>>, vector<1x16xf32>,
        %get3A_741 = vector.shape_cast %get3A_740 : vector<1x16xf32> to vector<16xf32>
        %add3A_742 = arith.addf %add3A_728, %get3A_741 : vector<16xf32>
        %mul3A_743 = arith.constant 8 : i32
        %mul3A_744 = arith.muli %scan3A_657, %mul3A_743 : i32
        %add3A_745 = arith.constant 6 : i32
        %add3A_746 = arith.addi %mul3A_744, %add3A_745 : i32
        %get3A_747 = arith.index_cast %add3A_746 : i32 to index
        %get3A_748 = arith.constant 0 : index
        %get3A_749 = tpu.vector_load %arg7[%get3A_747, %get3A_748] {strides = array<i32>} : memref<200x32xf32, #tpu.memory_space<vmem>>, vector<1x16xf32>,
        %get3A_750 = vector.shape_cast %get3A_749 : vector<1x16xf32> to vector<16xf32>
        %add3A_751 = arith.addf %add3A_737, %get3A_750 : vector<16xf32>
        %get3A_752 = arith.index_cast %add3A_746 : i32 to index
        %get3A_753 = arith.constant 16 : index
        %get3A_754 = tpu.vector_load %arg7[%get3A_752, %get3A_753] {strides = array<i32>} : memref<200x32xf32, #tpu.memory_space<vmem>>, vector<1x16xf32>,
        %get3A_755 = vector.shape_cast %get3A_754 : vector<1x16xf32> to vector<16xf32>
        %add3A_756 = arith.addf %add3A_742, %get3A_755 : vector<16xf32>
        %mul3A_757 = arith.constant 8 : i32
        %mul3A_758 = arith.muli %scan3A_657, %mul3A_757 : i32
        %add3A_759 = arith.constant 7 : i32
        %add3A_760 = arith.addi %mul3A_758, %add3A_759 : i32
        %get3A_761 = arith.index_cast %add3A_760 : i32 to index
        %get3A_762 = arith.constant 0 : index
        %get3A_763 = tpu.vector_load %arg7[%get3A_761, %get3A_762] {strides = array<i32>} : memref<200x32xf32, #tpu.memory_space<vmem>>, vector<1x16xf32>,
        %get3A_764 = vector.shape_cast %get3A_763 : vector<1x16xf32> to vector<16xf32>
        %add3A_765 = arith.addf %add3A_751, %get3A_764 : vector<16xf32>
        %get3A_766 = arith.index_cast %add3A_760 : i32 to index
        %get3A_767 = arith.constant 16 : index
        %get3A_768 = tpu.vector_load %arg7[%get3A_766, %get3A_767] {strides = array<i32>} : memref<200x32xf32, #tpu.memory_space<vmem>>, vector<1x16xf32>,
        %get3A_769 = vector.shape_cast %get3A_768 : vector<1x16xf32> to vector<16xf32>
        %add3A_770 = arith.addf %add3A_756, %get3A_769 : vector<16xf32>
        scf.yield %add3A_765, %add3A_770 : vector<16xf32>, vector<16xf32>
      }
      %scan3A_645 = arith.constant 25 : i32
      %swap3A_646 = arith.index_cast %add3A_635 : i32 to index
      %swap3A_647 = arith.constant 0 : index
      %swap3A_648 = tpu.vector_load %arg8[%swap3A_646, %swap3A_647] {strides = array<i32>} : memref<64x32xf32, #tpu.memory_space<vmem>>, vector<1x16xf32>,
      %swap3A_649 = vector.shape_cast %swap3A_648 : vector<1x16xf32> to vector<16xf32>
      %swap3A_650 = vector.shape_cast %scan3A_644#0 : vector<16xf32> to vector<1x16xf32>
      tpu.vector_store %arg8[%swap3A_646, %swap3A_647], %swap3A_650 {strides = array<i32>} : memref<64x32xf32, #tpu.memory_space<vmem>>, vector<1x16xf32>,
      %swap3A_651 = arith.index_cast %add3A_635 : i32 to index
      %swap3A_652 = arith.constant 16 : index
      %swap3A_653 = tpu.vector_load %arg8[%swap3A_651, %swap3A_652] {strides = array<i32>} : memref<64x32xf32, #tpu.memory_space<vmem>>, vector<1x16xf32>,
      %swap3A_654 = vector.shape_cast %swap3A_653 : vector<1x16xf32> to vector<16xf32>
      %swap3A_655 = vector.shape_cast %scan3A_644#1 : vector<16xf32> to vector<1x16xf32>
      tpu.vector_store %arg8[%swap3A_651, %swap3A_652], %swap3A_655 {strides = array<i32>} : memref<64x32xf32, #tpu.memory_space<vmem>>, vector<1x16xf32>,
      %scan3A_656 = arith.constant 0 : i32
      scf.yield %scan3A_656 : i32
    }
    %scan3A_471 = arith.constant 32 : i32
    "tpu.region"() ({
      %run_scoped3A = tpu.sem_alloc : memref<!tpu.dma_semaphore, #tpu.memory_space<semaphore_mem>>
      %dma_start3A_520 = arith.constant 0 : i32
      %dma_start3A_521 = tpu.memref_slice %arg4[%add3A_464, %dma_start3A_520] : memref<16384x32xf32, #tpu.memory_space<hbm>> -> memref<64x32xf32, #tpu.memory_space<hbm>>
      %dma_start3A_522 = arith.constant 0 : i32
      %dma_start3A_523 = tpu.memref_slice %arg4[%add3A_464, %dma_start3A_522] : memref<16384x32xf32, #tpu.memory_space<hbm>> -> memref<64x32xf32, #tpu.memory_space<hbm>>
      tpu.enqueue_dma source(%arg8 : memref<64x32xf32, #tpu.memory_space<vmem>>) target(%dma_start3A_523 : memref<64x32xf32, #tpu.memory_space<hbm>>) target_semaphore(%run_scoped3A : memref<!tpu.dma_semaphore, #tpu.memory_space<semaphore_mem>>)
      %dma_wait3A_524 = arith.constant 0 : i32
      %dma_wait3A_525 = tpu.memref_slice %arg4[%add3A_464, %dma_wait3A_524] : memref<16384x32xf32, #tpu.memory_space<hbm>> -> memref<64x32xf32, #tpu.memory_space<hbm>>
      %dma_wait3A_526 = arith.constant 0 : i32
      %dma_wait3A_527 = tpu.memref_slice %arg4[%add3A_464, %dma_wait3A_526] : memref<16384x32xf32, #tpu.memory_space<hbm>> -> memref<64x32xf32, #tpu.memory_space<hbm>>
      tpu.wait_dma2 semaphore(%run_scoped3A : memref<!tpu.dma_semaphore, #tpu.memory_space<semaphore_mem>>) src(%arg8 : memref<64x32xf32, #tpu.memory_space<vmem>>) dst(%dma_wait3A_527 : memref<64x32xf32, #tpu.memory_space<hbm>>)
      tpu.yield
    }) : () -> ()
    %add3A_472 = arith.constant 448 : i32
    %add3A_473 = arith.addi %mul3A_2, %add3A_472 : i32
    %mul3A_474 = arith.constant 2 : i32
    %mul3A_475 = arith.muli %add3A_473, %mul3A_474 : i32
    %dma_wait3A_476 = arith.constant 1 : i32
    %dma_wait3A_477 = arith.constant 0 : i32
    %dma_wait3A_478 = arith.constant 0 : i32
    %dma_wait3A_479 = tpu.memref_slice %arg5[%dma_wait3A_476, %dma_wait3A_477, %dma_wait3A_478] : memref<2x128x100xi32, #tpu.memory_space<vmem>> -> memref<1x128x100xi32, #tpu.memory_space<vmem>>
    %dma_wait3A_480 = tpu.memref_squeeze %dma_wait3A_479 : memref<1x128x100xi32, #tpu.memory_space<vmem>> -> memref<128x100xi32, #tpu.memory_space<vmem>>
    %dma_wait3A_481 = arith.constant 0 : i32
    %dma_wait3A_482 = tpu.memref_slice %arg2[%mul3A_475, %dma_wait3A_481] : memref<32768x100xi32, #tpu.memory_space<hbm>> -> memref<128x100xi32, #tpu.memory_space<hbm>>
    %dma_wait3A_483 = arith.constant 0 : i32
    %dma_wait3A_484 = arith.constant 0 : i32
    %dma_wait3A_485 = tpu.memref_slice %arg5[%dma_wait3A_476, %dma_wait3A_483, %dma_wait3A_484] : memref<2x128x100xi32, #tpu.memory_space<vmem>> -> memref<1x128x100xi32, #tpu.memory_space<vmem>>
    %dma_wait3A_486 = tpu.memref_squeeze %dma_wait3A_485 : memref<1x128x100xi32, #tpu.memory_space<vmem>> -> memref<128x100xi32, #tpu.memory_space<vmem>>
    %dma_wait3A_487 = arith.constant 0 : i32
    %dma_wait3A_488 = tpu.memref_slice %arg2[%mul3A_475, %dma_wait3A_487] : memref<32768x100xi32, #tpu.memory_space<hbm>> -> memref<128x100xi32, #tpu.memory_space<hbm>>
    tpu.wait_dma2 semaphore(%arg11 : memref<!tpu.dma_semaphore, #tpu.memory_space<semaphore_mem>>) src(%dma_wait3A_488 : memref<128x100xi32, #tpu.memory_space<hbm>>) dst(%dma_wait3A_486 : memref<128x100xi32, #tpu.memory_space<vmem>>)
    %dma_start3A_489 = arith.constant 1 : i32
    %dma_start3A_490 = arith.constant 0 : i32
    %dma_start3A_491 = arith.constant 0 : i32
    %dma_start3A_492 = arith.constant 0 : i32
    %dma_start3A_493 = tpu.memref_slice %arg6[%dma_start3A_491, %dma_start3A_492] : memref<200x32xf32, #tpu.memory_space<vmem>> -> memref<100x32xf32, #tpu.memory_space<vmem>>
    %dma_start3A_494 = arith.constant 0 : i32
    %dma_start3A_495 = tpu.memref_slice %arg5[%dma_start3A_489, %dma_start3A_490, %dma_start3A_494] : memref<2x128x100xi32, #tpu.memory_space<vmem>> -> memref<1x1x100xi32, #tpu.memory_space<vmem>>
    %dma_start3A_496 = tpu.memref_squeeze %dma_start3A_495 : memref<1x1x100xi32, #tpu.memory_space<vmem>> -> memref<100xi32, #tpu.memory_space<vmem>>
    %dma_start3A_497 = arith.constant 0 : i32
    %dma_start3A_498 = arith.constant 0 : i32
    %dma_start3A_499 = tpu.memref_slice %arg3[%dma_start3A_497, %dma_start3A_498] : memref<1000000x32xf32, #tpu.memory_space<hbm>> -> memref<1000000x32xf32, #tpu.memory_space<hbm>>
    tpu.enqueue_indirect_dma source(%dma_start3A_499 : memref<1000000x32xf32, #tpu.memory_space<hbm>>) target(%dma_start3A_493 : memref<100x32xf32, #tpu.memory_space<vmem>>) offsets(%dma_start3A_496 : memref<100xi32, #tpu.memory_space<vmem>>) semaphore(%arg9 : memref<!tpu.dma_semaphore, #tpu.memory_space<semaphore_mem>>)
    %dma_start3A_500 = arith.constant 1 : i32
    %dma_start3A_501 = arith.constant 1 : i32
    %dma_start3A_502 = arith.constant 100 : i32
    %dma_start3A_503 = arith.constant 0 : i32
    %dma_start3A_504 = tpu.memref_slice %arg6[%dma_start3A_502, %dma_start3A_503] : memref<200x32xf32, #tpu.memory_space<vmem>> -> memref<100x32xf32, #tpu.memory_space<vmem>>
    %dma_start3A_505 = arith.constant 0 : i32
    %dma_start3A_506 = tpu.memref_slice %arg5[%dma_start3A_500, %dma_start3A_501, %dma_start3A_505] : memref<2x128x100xi32, #tpu.memory_space<vmem>> -> memref<1x1x100xi32, #tpu.memory_space<vmem>>
    %dma_start3A_507 = tpu.memref_squeeze %dma_start3A_506 : memref<1x1x100xi32, #tpu.memory_space<vmem>> -> memref<100xi32, #tpu.memory_space<vmem>>
    %dma_start3A_508 = arith.constant 0 : i32
    %dma_start3A_509 = arith.constant 0 : i32
    %dma_start3A_510 = tpu.memref_slice %arg3[%dma_start3A_508, %dma_start3A_509] : memref<1000000x32xf32, #tpu.memory_space<hbm>> -> memref<1000000x32xf32, #tpu.memory_space<hbm>>
    tpu.enqueue_indirect_dma source(%dma_start3A_510 : memref<1000000x32xf32, #tpu.memory_space<hbm>>) target(%dma_start3A_504 : memref<100x32xf32, #tpu.memory_space<vmem>>) offsets(%dma_start3A_507 : memref<100xi32, #tpu.memory_space<vmem>>) semaphore(%arg9 : memref<!tpu.dma_semaphore, #tpu.memory_space<semaphore_mem>>)
    %add3A_511 = arith.constant 448 : i32
    %add3A_512 = arith.addi %mul3A_2, %add3A_511 : i32
    %scan3A_513 = arith.constant 0 : i32
    %scan3A_514 = arith.constant 0 : i32
    %scan3A_515 = arith.constant 32 : i32
    %scan3A_516 = arith.addi %scan3A_514, %scan3A_515 : i32
    %scan3A_517 = arith.constant 1 : i32
    %scan3A_518 = scf.for %scan3A_520 = %scan3A_514 to %scan3A_516 step %scan3A_517 iter_args(%scan3A_521 = %scan3A_513) -> (i32)  : i32 {
      %mul3A_522 = arith.constant 2 : i32
      %mul3A_523 = arith.muli %mul3A_522, %scan3A_520 : i32
      %add3A_524 = arith.constant 1 : i32
      %add3A_525 = arith.addi %mul3A_523, %add3A_524 : i32
      %mul3A_526 = arith.constant 2 : i32
      %mul3A_527 = arith.muli %mul3A_526, %add3A_525 : i32
      %mul3A_528 = arith.constant 2 : i32
      %mul3A_529 = arith.muli %mul3A_528, %add3A_525 : i32
      %add3A_530 = arith.constant 1 : i32
      %add3A_531 = arith.addi %mul3A_529, %add3A_530 : i32
      %dma_start3A_532 = arith.constant 1 : i32
      %dma_start3A_533 = arith.constant 0 : i32
      %dma_start3A_534 = arith.constant 0 : i32
      %dma_start3A_535 = tpu.memref_slice %arg7[%dma_start3A_533, %dma_start3A_534] : memref<200x32xf32, #tpu.memory_space<vmem>> -> memref<100x32xf32, #tpu.memory_space<vmem>>
      %dma_start3A_536 = arith.constant 0 : i32
      %dma_start3A_537 = tpu.memref_slice %arg5[%dma_start3A_532, %mul3A_527, %dma_start3A_536] : memref<2x128x100xi32, #tpu.memory_space<vmem>> -> memref<1x1x100xi32, #tpu.memory_space<vmem>>
      %dma_start3A_538 = tpu.memref_squeeze %dma_start3A_537 : memref<1x1x100xi32, #tpu.memory_space<vmem>> -> memref<100xi32, #tpu.memory_space<vmem>>
      %dma_start3A_539 = arith.constant 0 : i32
      %dma_start3A_540 = arith.constant 0 : i32
      %dma_start3A_541 = tpu.memref_slice %arg3[%dma_start3A_539, %dma_start3A_540] : memref<1000000x32xf32, #tpu.memory_space<hbm>> -> memref<1000000x32xf32, #tpu.memory_space<hbm>>
      tpu.enqueue_indirect_dma source(%dma_start3A_541 : memref<1000000x32xf32, #tpu.memory_space<hbm>>) target(%dma_start3A_535 : memref<100x32xf32, #tpu.memory_space<vmem>>) offsets(%dma_start3A_538 : memref<100xi32, #tpu.memory_space<vmem>>) semaphore(%arg10 : memref<!tpu.dma_semaphore, #tpu.memory_space<semaphore_mem>>)
      %dma_start3A_542 = arith.constant 1 : i32
      %dma_start3A_543 = arith.constant 100 : i32
      %dma_start3A_544 = arith.constant 0 : i32
      %dma_start3A_545 = tpu.memref_slice %arg7[%dma_start3A_543, %dma_start3A_544] : memref<200x32xf32, #tpu.memory_space<vmem>> -> memref<100x32xf32, #tpu.memory_space<vmem>>
      %dma_start3A_546 = arith.constant 0 : i32
      %dma_start3A_547 = tpu.memref_slice %arg5[%dma_start3A_542, %add3A_531, %dma_start3A_546] : memref<2x128x100xi32, #tpu.memory_space<vmem>> -> memref<1x1x100xi32, #tpu.memory_space<vmem>>
      %dma_start3A_548 = tpu.memref_squeeze %dma_start3A_547 : memref<1x1x100xi32, #tpu.memory_space<vmem>> -> memref<100xi32, #tpu.memory_space<vmem>>
      %dma_start3A_549 = arith.constant 0 : i32
      %dma_start3A_550 = arith.constant 0 : i32
      %dma_start3A_551 = tpu.memref_slice %arg3[%dma_start3A_549, %dma_start3A_550] : memref<1000000x32xf32, #tpu.memory_space<hbm>> -> memref<1000000x32xf32, #tpu.memory_space<hbm>>
      tpu.enqueue_indirect_dma source(%dma_start3A_551 : memref<1000000x32xf32, #tpu.memory_space<hbm>>) target(%dma_start3A_545 : memref<100x32xf32, #tpu.memory_space<vmem>>) offsets(%dma_start3A_548 : memref<100xi32, #tpu.memory_space<vmem>>) semaphore(%arg10 : memref<!tpu.dma_semaphore, #tpu.memory_space<semaphore_mem>>)
      %mul3A_552 = arith.constant 2 : i32
      %mul3A_553 = arith.muli %mul3A_552, %scan3A_520 : i32
      %mul3A_554 = arith.constant 2 : i32
      %mul3A_555 = arith.muli %mul3A_554, %mul3A_553 : i32
      %mul3A_556 = arith.constant 2 : i32
      %mul3A_557 = arith.muli %mul3A_556, %mul3A_553 : i32
      %add3A_558 = arith.constant 1 : i32
      %add3A_559 = arith.addi %mul3A_557, %add3A_558 : i32
      %dma_wait3A_560 = arith.constant 1 : i32
      %dma_wait3A_561 = arith.constant 0 : i32
      %dma_wait3A_562 = arith.constant 0 : i32
      %dma_wait3A_563 = tpu.memref_slice %arg6[%dma_wait3A_561, %dma_wait3A_562] : memref<200x32xf32, #tpu.memory_space<vmem>> -> memref<100x32xf32, #tpu.memory_space<vmem>>
      %dma_wait3A_564 = arith.constant 0 : i32
      %dma_wait3A_565 = tpu.memref_slice %arg5[%dma_wait3A_560, %mul3A_555, %dma_wait3A_564] : memref<2x128x100xi32, #tpu.memory_space<vmem>> -> memref<1x1x100xi32, #tpu.memory_space<vmem>>
      %dma_wait3A_566 = tpu.memref_squeeze %dma_wait3A_565 : memref<1x1x100xi32, #tpu.memory_space<vmem>> -> memref<100xi32, #tpu.memory_space<vmem>>
      %dma_wait3A_567 = arith.constant 0 : i32
      %dma_wait3A_568 = arith.constant 0 : i32
      %dma_wait3A_569 = tpu.memref_slice %arg3[%dma_wait3A_567, %dma_wait3A_568] : memref<1000000x32xf32, #tpu.memory_space<hbm>> -> memref<1000000x32xf32, #tpu.memory_space<hbm>>
      tpu.wait_indirect_dma semaphore(%arg9 : memref<!tpu.dma_semaphore, #tpu.memory_space<semaphore_mem>>) src(%dma_wait3A_569 : memref<1000000x32xf32, #tpu.memory_space<hbm>>) dst(%dma_wait3A_563 : memref<100x32xf32, #tpu.memory_space<vmem>>)
      %dma_wait3A_570 = arith.constant 1 : i32
      %dma_wait3A_571 = arith.constant 100 : i32
      %dma_wait3A_572 = arith.constant 0 : i32
      %dma_wait3A_573 = tpu.memref_slice %arg6[%dma_wait3A_571, %dma_wait3A_572] : memref<200x32xf32, #tpu.memory_space<vmem>> -> memref<100x32xf32, #tpu.memory_space<vmem>>
      %dma_wait3A_574 = arith.constant 0 : i32
      %dma_wait3A_575 = tpu.memref_slice %arg5[%dma_wait3A_570, %add3A_559, %dma_wait3A_574] : memref<2x128x100xi32, #tpu.memory_space<vmem>> -> memref<1x1x100xi32, #tpu.memory_space<vmem>>
      %dma_wait3A_576 = tpu.memref_squeeze %dma_wait3A_575 : memref<1x1x100xi32, #tpu.memory_space<vmem>> -> memref<100xi32, #tpu.memory_space<vmem>>
      %dma_wait3A_577 = arith.constant 0 : i32
      %dma_wait3A_578 = arith.constant 0 : i32
      %dma_wait3A_579 = tpu.memref_slice %arg3[%dma_wait3A_577, %dma_wait3A_578] : memref<1000000x32xf32, #tpu.memory_space<hbm>> -> memref<1000000x32xf32, #tpu.memory_space<hbm>>
      tpu.wait_indirect_dma semaphore(%arg9 : memref<!tpu.dma_semaphore, #tpu.memory_space<semaphore_mem>>) src(%dma_wait3A_579 : memref<1000000x32xf32, #tpu.memory_space<hbm>>) dst(%dma_wait3A_573 : memref<100x32xf32, #tpu.memory_space<vmem>>)
      %mul3A_580 = arith.constant 2 : i32
      %mul3A_581 = arith.muli %mul3A_580, %scan3A_520 : i32
      %broadcast_in_dim3A = arith.constant 0.000000e+00 : f32
      %broadcast_in_dim3A_582 = vector.broadcast %broadcast_in_dim3A : f32 to vector<16xf32>
      %broadcast_in_dim3A_583 = arith.constant 0.000000e+00 : f32
      %broadcast_in_dim3A_584 = vector.broadcast %broadcast_in_dim3A_583 : f32 to vector<16xf32>
      %scan3A_585 = arith.constant 0 : i32
      %scan3A_586 = arith.constant 25 : i32
      %scan3A_587 = arith.addi %scan3A_585, %scan3A_586 : i32
      %scan3A_588 = arith.constant 1 : i32
      %scan3A_589:2 = scf.for %scan3A_657 = %scan3A_585 to %scan3A_587 step %scan3A_588 iter_args(%scan3A_658 = %broadcast_in_dim3A_582, %scan3A_659 = %broadcast_in_dim3A_584) -> (vector<16xf32>, vector<16xf32>)  : i32 {
        %mul3A_660 = arith.constant 8 : i32
        %mul3A_661 = arith.muli %scan3A_657, %mul3A_660 : i32
        %add3A_662 = arith.constant 0 : i32
        %add3A_663 = arith.addi %mul3A_661, %add3A_662 : i32
        %get3A = arith.index_cast %add3A_663 : i32 to index
        %get3A_664 = arith.constant 0 : index
        %get3A_665 = tpu.vector_load %arg6[%get3A, %get3A_664] {strides = array<i32>} : memref<200x32xf32, #tpu.memory_space<vmem>>, vector<1x16xf32>,
        %get3A_666 = vector.shape_cast %get3A_665 : vector<1x16xf32> to vector<16xf32>
        %add3A_667 = arith.addf %scan3A_658, %get3A_666 : vector<16xf32>
        %get3A_668 = arith.index_cast %add3A_663 : i32 to index
        %get3A_669 = arith.constant 16 : index
        %get3A_670 = tpu.vector_load %arg6[%get3A_668, %get3A_669] {strides = array<i32>} : memref<200x32xf32, #tpu.memory_space<vmem>>, vector<1x16xf32>,
        %get3A_671 = vector.shape_cast %get3A_670 : vector<1x16xf32> to vector<16xf32>
        %add3A_672 = arith.addf %scan3A_659, %get3A_671 : vector<16xf32>
        %mul3A_673 = arith.constant 8 : i32
        %mul3A_674 = arith.muli %scan3A_657, %mul3A_673 : i32
        %add3A_675 = arith.constant 1 : i32
        %add3A_676 = arith.addi %mul3A_674, %add3A_675 : i32
        %get3A_677 = arith.index_cast %add3A_676 : i32 to index
        %get3A_678 = arith.constant 0 : index
        %get3A_679 = tpu.vector_load %arg6[%get3A_677, %get3A_678] {strides = array<i32>} : memref<200x32xf32, #tpu.memory_space<vmem>>, vector<1x16xf32>,
        %get3A_680 = vector.shape_cast %get3A_679 : vector<1x16xf32> to vector<16xf32>
        %add3A_681 = arith.addf %add3A_667, %get3A_680 : vector<16xf32>
        %get3A_682 = arith.index_cast %add3A_676 : i32 to index
        %get3A_683 = arith.constant 16 : index
        %get3A_684 = tpu.vector_load %arg6[%get3A_682, %get3A_683] {strides = array<i32>} : memref<200x32xf32, #tpu.memory_space<vmem>>, vector<1x16xf32>,
        %get3A_685 = vector.shape_cast %get3A_684 : vector<1x16xf32> to vector<16xf32>
        %add3A_686 = arith.addf %add3A_672, %get3A_685 : vector<16xf32>
        %mul3A_687 = arith.constant 8 : i32
        %mul3A_688 = arith.muli %scan3A_657, %mul3A_687 : i32
        %add3A_689 = arith.constant 2 : i32
        %add3A_690 = arith.addi %mul3A_688, %add3A_689 : i32
        %get3A_691 = arith.index_cast %add3A_690 : i32 to index
        %get3A_692 = arith.constant 0 : index
        %get3A_693 = tpu.vector_load %arg6[%get3A_691, %get3A_692] {strides = array<i32>} : memref<200x32xf32, #tpu.memory_space<vmem>>, vector<1x16xf32>,
        %get3A_694 = vector.shape_cast %get3A_693 : vector<1x16xf32> to vector<16xf32>
        %add3A_695 = arith.addf %add3A_681, %get3A_694 : vector<16xf32>
        %get3A_696 = arith.index_cast %add3A_690 : i32 to index
        %get3A_697 = arith.constant 16 : index
        %get3A_698 = tpu.vector_load %arg6[%get3A_696, %get3A_697] {strides = array<i32>} : memref<200x32xf32, #tpu.memory_space<vmem>>, vector<1x16xf32>,
        %get3A_699 = vector.shape_cast %get3A_698 : vector<1x16xf32> to vector<16xf32>
        %add3A_700 = arith.addf %add3A_686, %get3A_699 : vector<16xf32>
        %mul3A_701 = arith.constant 8 : i32
        %mul3A_702 = arith.muli %scan3A_657, %mul3A_701 : i32
        %add3A_703 = arith.constant 3 : i32
        %add3A_704 = arith.addi %mul3A_702, %add3A_703 : i32
        %get3A_705 = arith.index_cast %add3A_704 : i32 to index
        %get3A_706 = arith.constant 0 : index
        %get3A_707 = tpu.vector_load %arg6[%get3A_705, %get3A_706] {strides = array<i32>} : memref<200x32xf32, #tpu.memory_space<vmem>>, vector<1x16xf32>,
        %get3A_708 = vector.shape_cast %get3A_707 : vector<1x16xf32> to vector<16xf32>
        %add3A_709 = arith.addf %add3A_695, %get3A_708 : vector<16xf32>
        %get3A_710 = arith.index_cast %add3A_704 : i32 to index
        %get3A_711 = arith.constant 16 : index
        %get3A_712 = tpu.vector_load %arg6[%get3A_710, %get3A_711] {strides = array<i32>} : memref<200x32xf32, #tpu.memory_space<vmem>>, vector<1x16xf32>,
        %get3A_713 = vector.shape_cast %get3A_712 : vector<1x16xf32> to vector<16xf32>
        %add3A_714 = arith.addf %add3A_700, %get3A_713 : vector<16xf32>
        %mul3A_715 = arith.constant 8 : i32
        %mul3A_716 = arith.muli %scan3A_657, %mul3A_715 : i32
        %add3A_717 = arith.constant 4 : i32
        %add3A_718 = arith.addi %mul3A_716, %add3A_717 : i32
        %get3A_719 = arith.index_cast %add3A_718 : i32 to index
        %get3A_720 = arith.constant 0 : index
        %get3A_721 = tpu.vector_load %arg6[%get3A_719, %get3A_720] {strides = array<i32>} : memref<200x32xf32, #tpu.memory_space<vmem>>, vector<1x16xf32>,
        %get3A_722 = vector.shape_cast %get3A_721 : vector<1x16xf32> to vector<16xf32>
        %add3A_723 = arith.addf %add3A_709, %get3A_722 : vector<16xf32>
        %get3A_724 = arith.index_cast %add3A_718 : i32 to index
        %get3A_725 = arith.constant 16 : index
        %get3A_726 = tpu.vector_load %arg6[%get3A_724, %get3A_725] {strides = array<i32>} : memref<200x32xf32, #tpu.memory_space<vmem>>, vector<1x16xf32>,
        %get3A_727 = vector.shape_cast %get3A_726 : vector<1x16xf32> to vector<16xf32>
        %add3A_728 = arith.addf %add3A_714, %get3A_727 : vector<16xf32>
        %mul3A_729 = arith.constant 8 : i32
        %mul3A_730 = arith.muli %scan3A_657, %mul3A_729 : i32
        %add3A_731 = arith.constant 5 : i32
        %add3A_732 = arith.addi %mul3A_730, %add3A_731 : i32
        %get3A_733 = arith.index_cast %add3A_732 : i32 to index
        %get3A_734 = arith.constant 0 : index
        %get3A_735 = tpu.vector_load %arg6[%get3A_733, %get3A_734] {strides = array<i32>} : memref<200x32xf32, #tpu.memory_space<vmem>>, vector<1x16xf32>,
        %get3A_736 = vector.shape_cast %get3A_735 : vector<1x16xf32> to vector<16xf32>
        %add3A_737 = arith.addf %add3A_723, %get3A_736 : vector<16xf32>
        %get3A_738 = arith.index_cast %add3A_732 : i32 to index
        %get3A_739 = arith.constant 16 : index
        %get3A_740 = tpu.vector_load %arg6[%get3A_738, %get3A_739] {strides = array<i32>} : memref<200x32xf32, #tpu.memory_space<vmem>>, vector<1x16xf32>,
        %get3A_741 = vector.shape_cast %get3A_740 : vector<1x16xf32> to vector<16xf32>
        %add3A_742 = arith.addf %add3A_728, %get3A_741 : vector<16xf32>
        %mul3A_743 = arith.constant 8 : i32
        %mul3A_744 = arith.muli %scan3A_657, %mul3A_743 : i32
        %add3A_745 = arith.constant 6 : i32
        %add3A_746 = arith.addi %mul3A_744, %add3A_745 : i32
        %get3A_747 = arith.index_cast %add3A_746 : i32 to index
        %get3A_748 = arith.constant 0 : index
        %get3A_749 = tpu.vector_load %arg6[%get3A_747, %get3A_748] {strides = array<i32>} : memref<200x32xf32, #tpu.memory_space<vmem>>, vector<1x16xf32>,
        %get3A_750 = vector.shape_cast %get3A_749 : vector<1x16xf32> to vector<16xf32>
        %add3A_751 = arith.addf %add3A_737, %get3A_750 : vector<16xf32>
        %get3A_752 = arith.index_cast %add3A_746 : i32 to index
        %get3A_753 = arith.constant 16 : index
        %get3A_754 = tpu.vector_load %arg6[%get3A_752, %get3A_753] {strides = array<i32>} : memref<200x32xf32, #tpu.memory_space<vmem>>, vector<1x16xf32>,
        %get3A_755 = vector.shape_cast %get3A_754 : vector<1x16xf32> to vector<16xf32>
        %add3A_756 = arith.addf %add3A_742, %get3A_755 : vector<16xf32>
        %mul3A_757 = arith.constant 8 : i32
        %mul3A_758 = arith.muli %scan3A_657, %mul3A_757 : i32
        %add3A_759 = arith.constant 7 : i32
        %add3A_760 = arith.addi %mul3A_758, %add3A_759 : i32
        %get3A_761 = arith.index_cast %add3A_760 : i32 to index
        %get3A_762 = arith.constant 0 : index
        %get3A_763 = tpu.vector_load %arg6[%get3A_761, %get3A_762] {strides = array<i32>} : memref<200x32xf32, #tpu.memory_space<vmem>>, vector<1x16xf32>,
        %get3A_764 = vector.shape_cast %get3A_763 : vector<1x16xf32> to vector<16xf32>
        %add3A_765 = arith.addf %add3A_751, %get3A_764 : vector<16xf32>
        %get3A_766 = arith.index_cast %add3A_760 : i32 to index
        %get3A_767 = arith.constant 16 : index
        %get3A_768 = tpu.vector_load %arg6[%get3A_766, %get3A_767] {strides = array<i32>} : memref<200x32xf32, #tpu.memory_space<vmem>>, vector<1x16xf32>,
        %get3A_769 = vector.shape_cast %get3A_768 : vector<1x16xf32> to vector<16xf32>
        %add3A_770 = arith.addf %add3A_756, %get3A_769 : vector<16xf32>
        scf.yield %add3A_765, %add3A_770 : vector<16xf32>, vector<16xf32>
      }
      %scan3A_590 = arith.constant 25 : i32
      %swap3A = arith.index_cast %mul3A_581 : i32 to index
      %swap3A_591 = arith.constant 0 : index
      %swap3A_592 = tpu.vector_load %arg8[%swap3A, %swap3A_591] {strides = array<i32>} : memref<64x32xf32, #tpu.memory_space<vmem>>, vector<1x16xf32>,
      %swap3A_593 = vector.shape_cast %swap3A_592 : vector<1x16xf32> to vector<16xf32>
      %swap3A_594 = vector.shape_cast %scan3A_589#0 : vector<16xf32> to vector<1x16xf32>
      tpu.vector_store %arg8[%swap3A, %swap3A_591], %swap3A_594 {strides = array<i32>} : memref<64x32xf32, #tpu.memory_space<vmem>>, vector<1x16xf32>,
      %swap3A_595 = arith.index_cast %mul3A_581 : i32 to index
      %swap3A_596 = arith.constant 16 : index
      %swap3A_597 = tpu.vector_load %arg8[%swap3A_595, %swap3A_596] {strides = array<i32>} : memref<64x32xf32, #tpu.memory_space<vmem>>, vector<1x16xf32>,
      %swap3A_598 = vector.shape_cast %swap3A_597 : vector<1x16xf32> to vector<16xf32>
      %swap3A_599 = vector.shape_cast %scan3A_589#1 : vector<16xf32> to vector<1x16xf32>
      tpu.vector_store %arg8[%swap3A_595, %swap3A_596], %swap3A_599 {strides = array<i32>} : memref<64x32xf32, #tpu.memory_space<vmem>>, vector<1x16xf32>,
      %lt3A = arith.constant 31 : i32
      %lt3A_600 = arith.cmpi slt, %scan3A_520, %lt3A : i32
      %convert_element_type3A = arith.extui %lt3A_600 : i1 to i32
      %cond3A = arith.constant 0 : i32
      %cond3A_601 = arith.cmpi ne, %convert_element_type3A, %cond3A : i32
      scf.if %cond3A_601 {
        %mul3A_657 = arith.constant 2 : i32
        %mul3A_658 = arith.muli %mul3A_657, %scan3A_520 : i32
        %add3A_659 = arith.constant 2 : i32
        %add3A_660 = arith.addi %mul3A_658, %add3A_659 : i32
        %mul3A_661 = arith.constant 2 : i32
        %mul3A_662 = arith.muli %mul3A_661, %add3A_660 : i32
        %mul3A_663 = arith.constant 2 : i32
        %mul3A_664 = arith.muli %mul3A_663, %add3A_660 : i32
        %add3A_665 = arith.constant 1 : i32
        %add3A_666 = arith.addi %mul3A_664, %add3A_665 : i32
        %dma_start3A_667 = arith.constant 1 : i32
        %dma_start3A_668 = arith.constant 0 : i32
        %dma_start3A_669 = arith.constant 0 : i32
        %dma_start3A_670 = tpu.memref_slice %arg6[%dma_start3A_668, %dma_start3A_669] : memref<200x32xf32, #tpu.memory_space<vmem>> -> memref<100x32xf32, #tpu.memory_space<vmem>>
        %dma_start3A_671 = arith.constant 0 : i32
        %dma_start3A_672 = tpu.memref_slice %arg5[%dma_start3A_667, %mul3A_662, %dma_start3A_671] : memref<2x128x100xi32, #tpu.memory_space<vmem>> -> memref<1x1x100xi32, #tpu.memory_space<vmem>>
        %dma_start3A_673 = tpu.memref_squeeze %dma_start3A_672 : memref<1x1x100xi32, #tpu.memory_space<vmem>> -> memref<100xi32, #tpu.memory_space<vmem>>
        %dma_start3A_674 = arith.constant 0 : i32
        %dma_start3A_675 = arith.constant 0 : i32
        %dma_start3A_676 = tpu.memref_slice %arg3[%dma_start3A_674, %dma_start3A_675] : memref<1000000x32xf32, #tpu.memory_space<hbm>> -> memref<1000000x32xf32, #tpu.memory_space<hbm>>
        tpu.enqueue_indirect_dma source(%dma_start3A_676 : memref<1000000x32xf32, #tpu.memory_space<hbm>>) target(%dma_start3A_670 : memref<100x32xf32, #tpu.memory_space<vmem>>) offsets(%dma_start3A_673 : memref<100xi32, #tpu.memory_space<vmem>>) semaphore(%arg9 : memref<!tpu.dma_semaphore, #tpu.memory_space<semaphore_mem>>)
        %dma_start3A_677 = arith.constant 1 : i32
        %dma_start3A_678 = arith.constant 100 : i32
        %dma_start3A_679 = arith.constant 0 : i32
        %dma_start3A_680 = tpu.memref_slice %arg6[%dma_start3A_678, %dma_start3A_679] : memref<200x32xf32, #tpu.memory_space<vmem>> -> memref<100x32xf32, #tpu.memory_space<vmem>>
        %dma_start3A_681 = arith.constant 0 : i32
        %dma_start3A_682 = tpu.memref_slice %arg5[%dma_start3A_677, %add3A_666, %dma_start3A_681] : memref<2x128x100xi32, #tpu.memory_space<vmem>> -> memref<1x1x100xi32, #tpu.memory_space<vmem>>
        %dma_start3A_683 = tpu.memref_squeeze %dma_start3A_682 : memref<1x1x100xi32, #tpu.memory_space<vmem>> -> memref<100xi32, #tpu.memory_space<vmem>>
        %dma_start3A_684 = arith.constant 0 : i32
        %dma_start3A_685 = arith.constant 0 : i32
        %dma_start3A_686 = tpu.memref_slice %arg3[%dma_start3A_684, %dma_start3A_685] : memref<1000000x32xf32, #tpu.memory_space<hbm>> -> memref<1000000x32xf32, #tpu.memory_space<hbm>>
        tpu.enqueue_indirect_dma source(%dma_start3A_686 : memref<1000000x32xf32, #tpu.memory_space<hbm>>) target(%dma_start3A_680 : memref<100x32xf32, #tpu.memory_space<vmem>>) offsets(%dma_start3A_683 : memref<100xi32, #tpu.memory_space<vmem>>) semaphore(%arg9 : memref<!tpu.dma_semaphore, #tpu.memory_space<semaphore_mem>>)
      } else {
      }
      %mul3A_602 = arith.constant 2 : i32
      %mul3A_603 = arith.muli %mul3A_602, %scan3A_520 : i32
      %add3A_604 = arith.constant 1 : i32
      %add3A_605 = arith.addi %mul3A_603, %add3A_604 : i32
      %mul3A_606 = arith.constant 2 : i32
      %mul3A_607 = arith.muli %mul3A_606, %add3A_605 : i32
      %mul3A_608 = arith.constant 2 : i32
      %mul3A_609 = arith.muli %mul3A_608, %add3A_605 : i32
      %add3A_610 = arith.constant 1 : i32
      %add3A_611 = arith.addi %mul3A_609, %add3A_610 : i32
      %dma_wait3A_612 = arith.constant 1 : i32
      %dma_wait3A_613 = arith.constant 0 : i32
      %dma_wait3A_614 = arith.constant 0 : i32
      %dma_wait3A_615 = tpu.memref_slice %arg7[%dma_wait3A_613, %dma_wait3A_614] : memref<200x32xf32, #tpu.memory_space<vmem>> -> memref<100x32xf32, #tpu.memory_space<vmem>>
      %dma_wait3A_616 = arith.constant 0 : i32
      %dma_wait3A_617 = tpu.memref_slice %arg5[%dma_wait3A_612, %mul3A_607, %dma_wait3A_616] : memref<2x128x100xi32, #tpu.memory_space<vmem>> -> memref<1x1x100xi32, #tpu.memory_space<vmem>>
      %dma_wait3A_618 = tpu.memref_squeeze %dma_wait3A_617 : memref<1x1x100xi32, #tpu.memory_space<vmem>> -> memref<100xi32, #tpu.memory_space<vmem>>
      %dma_wait3A_619 = arith.constant 0 : i32
      %dma_wait3A_620 = arith.constant 0 : i32
      %dma_wait3A_621 = tpu.memref_slice %arg3[%dma_wait3A_619, %dma_wait3A_620] : memref<1000000x32xf32, #tpu.memory_space<hbm>> -> memref<1000000x32xf32, #tpu.memory_space<hbm>>
      tpu.wait_indirect_dma semaphore(%arg10 : memref<!tpu.dma_semaphore, #tpu.memory_space<semaphore_mem>>) src(%dma_wait3A_621 : memref<1000000x32xf32, #tpu.memory_space<hbm>>) dst(%dma_wait3A_615 : memref<100x32xf32, #tpu.memory_space<vmem>>)
      %dma_wait3A_622 = arith.constant 1 : i32
      %dma_wait3A_623 = arith.constant 100 : i32
      %dma_wait3A_624 = arith.constant 0 : i32
      %dma_wait3A_625 = tpu.memref_slice %arg7[%dma_wait3A_623, %dma_wait3A_624] : memref<200x32xf32, #tpu.memory_space<vmem>> -> memref<100x32xf32, #tpu.memory_space<vmem>>
      %dma_wait3A_626 = arith.constant 0 : i32
      %dma_wait3A_627 = tpu.memref_slice %arg5[%dma_wait3A_622, %add3A_611, %dma_wait3A_626] : memref<2x128x100xi32, #tpu.memory_space<vmem>> -> memref<1x1x100xi32, #tpu.memory_space<vmem>>
      %dma_wait3A_628 = tpu.memref_squeeze %dma_wait3A_627 : memref<1x1x100xi32, #tpu.memory_space<vmem>> -> memref<100xi32, #tpu.memory_space<vmem>>
      %dma_wait3A_629 = arith.constant 0 : i32
      %dma_wait3A_630 = arith.constant 0 : i32
      %dma_wait3A_631 = tpu.memref_slice %arg3[%dma_wait3A_629, %dma_wait3A_630] : memref<1000000x32xf32, #tpu.memory_space<hbm>> -> memref<1000000x32xf32, #tpu.memory_space<hbm>>
      tpu.wait_indirect_dma semaphore(%arg10 : memref<!tpu.dma_semaphore, #tpu.memory_space<semaphore_mem>>) src(%dma_wait3A_631 : memref<1000000x32xf32, #tpu.memory_space<hbm>>) dst(%dma_wait3A_625 : memref<100x32xf32, #tpu.memory_space<vmem>>)
      %mul3A_632 = arith.constant 2 : i32
      %mul3A_633 = arith.muli %mul3A_632, %scan3A_520 : i32
      %add3A_634 = arith.constant 1 : i32
      %add3A_635 = arith.addi %mul3A_633, %add3A_634 : i32
      %broadcast_in_dim3A_636 = arith.constant 0.000000e+00 : f32
      %broadcast_in_dim3A_637 = vector.broadcast %broadcast_in_dim3A_636 : f32 to vector<16xf32>
      %broadcast_in_dim3A_638 = arith.constant 0.000000e+00 : f32
      %broadcast_in_dim3A_639 = vector.broadcast %broadcast_in_dim3A_638 : f32 to vector<16xf32>
      %scan3A_640 = arith.constant 0 : i32
      %scan3A_641 = arith.constant 25 : i32
      %scan3A_642 = arith.addi %scan3A_640, %scan3A_641 : i32
      %scan3A_643 = arith.constant 1 : i32
      %scan3A_644:2 = scf.for %scan3A_657 = %scan3A_640 to %scan3A_642 step %scan3A_643 iter_args(%scan3A_658 = %broadcast_in_dim3A_637, %scan3A_659 = %broadcast_in_dim3A_639) -> (vector<16xf32>, vector<16xf32>)  : i32 {
        %mul3A_660 = arith.constant 8 : i32
        %mul3A_661 = arith.muli %scan3A_657, %mul3A_660 : i32
        %add3A_662 = arith.constant 0 : i32
        %add3A_663 = arith.addi %mul3A_661, %add3A_662 : i32
        %get3A = arith.index_cast %add3A_663 : i32 to index
        %get3A_664 = arith.constant 0 : index
        %get3A_665 = tpu.vector_load %arg7[%get3A, %get3A_664] {strides = array<i32>} : memref<200x32xf32, #tpu.memory_space<vmem>>, vector<1x16xf32>,
        %get3A_666 = vector.shape_cast %get3A_665 : vector<1x16xf32> to vector<16xf32>
        %add3A_667 = arith.addf %scan3A_658, %get3A_666 : vector<16xf32>
        %get3A_668 = arith.index_cast %add3A_663 : i32 to index
        %get3A_669 = arith.constant 16 : index
        %get3A_670 = tpu.vector_load %arg7[%get3A_668, %get3A_669] {strides = array<i32>} : memref<200x32xf32, #tpu.memory_space<vmem>>, vector<1x16xf32>,
        %get3A_671 = vector.shape_cast %get3A_670 : vector<1x16xf32> to vector<16xf32>
        %add3A_672 = arith.addf %scan3A_659, %get3A_671 : vector<16xf32>
        %mul3A_673 = arith.constant 8 : i32
        %mul3A_674 = arith.muli %scan3A_657, %mul3A_673 : i32
        %add3A_675 = arith.constant 1 : i32
        %add3A_676 = arith.addi %mul3A_674, %add3A_675 : i32
        %get3A_677 = arith.index_cast %add3A_676 : i32 to index
        %get3A_678 = arith.constant 0 : index
        %get3A_679 = tpu.vector_load %arg7[%get3A_677, %get3A_678] {strides = array<i32>} : memref<200x32xf32, #tpu.memory_space<vmem>>, vector<1x16xf32>,
        %get3A_680 = vector.shape_cast %get3A_679 : vector<1x16xf32> to vector<16xf32>
        %add3A_681 = arith.addf %add3A_667, %get3A_680 : vector<16xf32>
        %get3A_682 = arith.index_cast %add3A_676 : i32 to index
        %get3A_683 = arith.constant 16 : index
        %get3A_684 = tpu.vector_load %arg7[%get3A_682, %get3A_683] {strides = array<i32>} : memref<200x32xf32, #tpu.memory_space<vmem>>, vector<1x16xf32>,
        %get3A_685 = vector.shape_cast %get3A_684 : vector<1x16xf32> to vector<16xf32>
        %add3A_686 = arith.addf %add3A_672, %get3A_685 : vector<16xf32>
        %mul3A_687 = arith.constant 8 : i32
        %mul3A_688 = arith.muli %scan3A_657, %mul3A_687 : i32
        %add3A_689 = arith.constant 2 : i32
        %add3A_690 = arith.addi %mul3A_688, %add3A_689 : i32
        %get3A_691 = arith.index_cast %add3A_690 : i32 to index
        %get3A_692 = arith.constant 0 : index
        %get3A_693 = tpu.vector_load %arg7[%get3A_691, %get3A_692] {strides = array<i32>} : memref<200x32xf32, #tpu.memory_space<vmem>>, vector<1x16xf32>,
        %get3A_694 = vector.shape_cast %get3A_693 : vector<1x16xf32> to vector<16xf32>
        %add3A_695 = arith.addf %add3A_681, %get3A_694 : vector<16xf32>
        %get3A_696 = arith.index_cast %add3A_690 : i32 to index
        %get3A_697 = arith.constant 16 : index
        %get3A_698 = tpu.vector_load %arg7[%get3A_696, %get3A_697] {strides = array<i32>} : memref<200x32xf32, #tpu.memory_space<vmem>>, vector<1x16xf32>,
        %get3A_699 = vector.shape_cast %get3A_698 : vector<1x16xf32> to vector<16xf32>
        %add3A_700 = arith.addf %add3A_686, %get3A_699 : vector<16xf32>
        %mul3A_701 = arith.constant 8 : i32
        %mul3A_702 = arith.muli %scan3A_657, %mul3A_701 : i32
        %add3A_703 = arith.constant 3 : i32
        %add3A_704 = arith.addi %mul3A_702, %add3A_703 : i32
        %get3A_705 = arith.index_cast %add3A_704 : i32 to index
        %get3A_706 = arith.constant 0 : index
        %get3A_707 = tpu.vector_load %arg7[%get3A_705, %get3A_706] {strides = array<i32>} : memref<200x32xf32, #tpu.memory_space<vmem>>, vector<1x16xf32>,
        %get3A_708 = vector.shape_cast %get3A_707 : vector<1x16xf32> to vector<16xf32>
        %add3A_709 = arith.addf %add3A_695, %get3A_708 : vector<16xf32>
        %get3A_710 = arith.index_cast %add3A_704 : i32 to index
        %get3A_711 = arith.constant 16 : index
        %get3A_712 = tpu.vector_load %arg7[%get3A_710, %get3A_711] {strides = array<i32>} : memref<200x32xf32, #tpu.memory_space<vmem>>, vector<1x16xf32>,
        %get3A_713 = vector.shape_cast %get3A_712 : vector<1x16xf32> to vector<16xf32>
        %add3A_714 = arith.addf %add3A_700, %get3A_713 : vector<16xf32>
        %mul3A_715 = arith.constant 8 : i32
        %mul3A_716 = arith.muli %scan3A_657, %mul3A_715 : i32
        %add3A_717 = arith.constant 4 : i32
        %add3A_718 = arith.addi %mul3A_716, %add3A_717 : i32
        %get3A_719 = arith.index_cast %add3A_718 : i32 to index
        %get3A_720 = arith.constant 0 : index
        %get3A_721 = tpu.vector_load %arg7[%get3A_719, %get3A_720] {strides = array<i32>} : memref<200x32xf32, #tpu.memory_space<vmem>>, vector<1x16xf32>,
        %get3A_722 = vector.shape_cast %get3A_721 : vector<1x16xf32> to vector<16xf32>
        %add3A_723 = arith.addf %add3A_709, %get3A_722 : vector<16xf32>
        %get3A_724 = arith.index_cast %add3A_718 : i32 to index
        %get3A_725 = arith.constant 16 : index
        %get3A_726 = tpu.vector_load %arg7[%get3A_724, %get3A_725] {strides = array<i32>} : memref<200x32xf32, #tpu.memory_space<vmem>>, vector<1x16xf32>,
        %get3A_727 = vector.shape_cast %get3A_726 : vector<1x16xf32> to vector<16xf32>
        %add3A_728 = arith.addf %add3A_714, %get3A_727 : vector<16xf32>
        %mul3A_729 = arith.constant 8 : i32
        %mul3A_730 = arith.muli %scan3A_657, %mul3A_729 : i32
        %add3A_731 = arith.constant 5 : i32
        %add3A_732 = arith.addi %mul3A_730, %add3A_731 : i32
        %get3A_733 = arith.index_cast %add3A_732 : i32 to index
        %get3A_734 = arith.constant 0 : index
        %get3A_735 = tpu.vector_load %arg7[%get3A_733, %get3A_734] {strides = array<i32>} : memref<200x32xf32, #tpu.memory_space<vmem>>, vector<1x16xf32>,
        %get3A_736 = vector.shape_cast %get3A_735 : vector<1x16xf32> to vector<16xf32>
        %add3A_737 = arith.addf %add3A_723, %get3A_736 : vector<16xf32>
        %get3A_738 = arith.index_cast %add3A_732 : i32 to index
        %get3A_739 = arith.constant 16 : index
        %get3A_740 = tpu.vector_load %arg7[%get3A_738, %get3A_739] {strides = array<i32>} : memref<200x32xf32, #tpu.memory_space<vmem>>, vector<1x16xf32>,
        %get3A_741 = vector.shape_cast %get3A_740 : vector<1x16xf32> to vector<16xf32>
        %add3A_742 = arith.addf %add3A_728, %get3A_741 : vector<16xf32>
        %mul3A_743 = arith.constant 8 : i32
        %mul3A_744 = arith.muli %scan3A_657, %mul3A_743 : i32
        %add3A_745 = arith.constant 6 : i32
        %add3A_746 = arith.addi %mul3A_744, %add3A_745 : i32
        %get3A_747 = arith.index_cast %add3A_746 : i32 to index
        %get3A_748 = arith.constant 0 : index
        %get3A_749 = tpu.vector_load %arg7[%get3A_747, %get3A_748] {strides = array<i32>} : memref<200x32xf32, #tpu.memory_space<vmem>>, vector<1x16xf32>,
        %get3A_750 = vector.shape_cast %get3A_749 : vector<1x16xf32> to vector<16xf32>
        %add3A_751 = arith.addf %add3A_737, %get3A_750 : vector<16xf32>
        %get3A_752 = arith.index_cast %add3A_746 : i32 to index
        %get3A_753 = arith.constant 16 : index
        %get3A_754 = tpu.vector_load %arg7[%get3A_752, %get3A_753] {strides = array<i32>} : memref<200x32xf32, #tpu.memory_space<vmem>>, vector<1x16xf32>,
        %get3A_755 = vector.shape_cast %get3A_754 : vector<1x16xf32> to vector<16xf32>
        %add3A_756 = arith.addf %add3A_742, %get3A_755 : vector<16xf32>
        %mul3A_757 = arith.constant 8 : i32
        %mul3A_758 = arith.muli %scan3A_657, %mul3A_757 : i32
        %add3A_759 = arith.constant 7 : i32
        %add3A_760 = arith.addi %mul3A_758, %add3A_759 : i32
        %get3A_761 = arith.index_cast %add3A_760 : i32 to index
        %get3A_762 = arith.constant 0 : index
        %get3A_763 = tpu.vector_load %arg7[%get3A_761, %get3A_762] {strides = array<i32>} : memref<200x32xf32, #tpu.memory_space<vmem>>, vector<1x16xf32>,
        %get3A_764 = vector.shape_cast %get3A_763 : vector<1x16xf32> to vector<16xf32>
        %add3A_765 = arith.addf %add3A_751, %get3A_764 : vector<16xf32>
        %get3A_766 = arith.index_cast %add3A_760 : i32 to index
        %get3A_767 = arith.constant 16 : index
        %get3A_768 = tpu.vector_load %arg7[%get3A_766, %get3A_767] {strides = array<i32>} : memref<200x32xf32, #tpu.memory_space<vmem>>, vector<1x16xf32>,
        %get3A_769 = vector.shape_cast %get3A_768 : vector<1x16xf32> to vector<16xf32>
        %add3A_770 = arith.addf %add3A_756, %get3A_769 : vector<16xf32>
        scf.yield %add3A_765, %add3A_770 : vector<16xf32>, vector<16xf32>
      }
      %scan3A_645 = arith.constant 25 : i32
      %swap3A_646 = arith.index_cast %add3A_635 : i32 to index
      %swap3A_647 = arith.constant 0 : index
      %swap3A_648 = tpu.vector_load %arg8[%swap3A_646, %swap3A_647] {strides = array<i32>} : memref<64x32xf32, #tpu.memory_space<vmem>>, vector<1x16xf32>,
      %swap3A_649 = vector.shape_cast %swap3A_648 : vector<1x16xf32> to vector<16xf32>
      %swap3A_650 = vector.shape_cast %scan3A_644#0 : vector<16xf32> to vector<1x16xf32>
      tpu.vector_store %arg8[%swap3A_646, %swap3A_647], %swap3A_650 {strides = array<i32>} : memref<64x32xf32, #tpu.memory_space<vmem>>, vector<1x16xf32>,
      %swap3A_651 = arith.index_cast %add3A_635 : i32 to index
      %swap3A_652 = arith.constant 16 : index
      %swap3A_653 = tpu.vector_load %arg8[%swap3A_651, %swap3A_652] {strides = array<i32>} : memref<64x32xf32, #tpu.memory_space<vmem>>, vector<1x16xf32>,
      %swap3A_654 = vector.shape_cast %swap3A_653 : vector<1x16xf32> to vector<16xf32>
      %swap3A_655 = vector.shape_cast %scan3A_644#1 : vector<16xf32> to vector<1x16xf32>
      tpu.vector_store %arg8[%swap3A_651, %swap3A_652], %swap3A_655 {strides = array<i32>} : memref<64x32xf32, #tpu.memory_space<vmem>>, vector<1x16xf32>,
      %scan3A_656 = arith.constant 0 : i32
      scf.yield %scan3A_656 : i32
    }
    %scan3A_519 = arith.constant 32 : i32
    "tpu.region"() ({
      %run_scoped3A = tpu.sem_alloc : memref<!tpu.dma_semaphore, #tpu.memory_space<semaphore_mem>>
      %dma_start3A_520 = arith.constant 0 : i32
      %dma_start3A_521 = tpu.memref_slice %arg4[%add3A_512, %dma_start3A_520] : memref<16384x32xf32, #tpu.memory_space<hbm>> -> memref<64x32xf32, #tpu.memory_space<hbm>>
      %dma_start3A_522 = arith.constant 0 : i32
      %dma_start3A_523 = tpu.memref_slice %arg4[%add3A_512, %dma_start3A_522] : memref<16384x32xf32, #tpu.memory_space<hbm>> -> memref<64x32xf32, #tpu.memory_space<hbm>>
      tpu.enqueue_dma source(%arg8 : memref<64x32xf32, #tpu.memory_space<vmem>>) target(%dma_start3A_523 : memref<64x32xf32, #tpu.memory_space<hbm>>) target_semaphore(%run_scoped3A : memref<!tpu.dma_semaphore, #tpu.memory_space<semaphore_mem>>)
      %dma_wait3A_524 = arith.constant 0 : i32
      %dma_wait3A_525 = tpu.memref_slice %arg4[%add3A_512, %dma_wait3A_524] : memref<16384x32xf32, #tpu.memory_space<hbm>> -> memref<64x32xf32, #tpu.memory_space<hbm>>
      %dma_wait3A_526 = arith.constant 0 : i32
      %dma_wait3A_527 = tpu.memref_slice %arg4[%add3A_512, %dma_wait3A_526] : memref<16384x32xf32, #tpu.memory_space<hbm>> -> memref<64x32xf32, #tpu.memory_space<hbm>>
      tpu.wait_dma2 semaphore(%run_scoped3A : memref<!tpu.dma_semaphore, #tpu.memory_space<semaphore_mem>>) src(%arg8 : memref<64x32xf32, #tpu.memory_space<vmem>>) dst(%dma_wait3A_527 : memref<64x32xf32, #tpu.memory_space<hbm>>)
      tpu.yield
    }) : () -> ()
    return
  }
}

module attributes {stable_mosaic.version = 14 : i64} {
  func.func @_fold_body(%arg0: i32, %arg1: memref<64x8192xf32, #tpu.memory_space<vmem>>, %arg2: memref<64x32xf32, #tpu.memory_space<vmem>>, %arg3: memref<8192x32xf32, #tpu.memory_space<vmem>>) attributes {dimension_semantics = [#tpu.dimension_semantics<arbitrary>], iteration_bounds = array<i64: 123>, scalar_prefetch = 0 : i64, scratch_operands = 0 : i64, tpu.core_type = #tpu.core_type<tc>, window_params = [{transform_indices = @transform_0, window_bounds = array<i64: 64, 8192>}, {pipeline_mode = #tpu.pipeline_mode<synchronous>, transform_indices = @transform_1, window_bounds = array<i64: 64, 32>}, {transform_indices = @transform_2, window_bounds = array<i64: 8192, 32>}]} {
    %get3A = arith.constant 0 : index
    %get3A_0 = arith.constant 0 : index
    %get3A_1 = vector.load %arg1[%get3A, %get3A_0] : memref<64x8192xf32, #tpu.memory_space<vmem>>, vector<64x8192xf32>
    %get3A_2 = arith.constant 0 : index
    %get3A_3 = arith.constant 0 : index
    %get3A_4 = vector.load %arg2[%get3A_2, %get3A_3] : memref<64x32xf32, #tpu.memory_space<vmem>>, vector<64x32xf32>
    %dot_general3A = arith.constant dense<0.000000e+00> : vector<8192x32xf32>
    %dot_general3A_5 = tpu.matmul %get3A_1, %get3A_4, %dot_general3A {dimension_numbers = #tpu.dot_dimension_numbers<[0], [0], [1], [1], [0, 1, 1, 1], [], []>, transpose_lhs_hint = false} : vector<64x8192xf32>, vector<64x32xf32>, vector<8192x32xf32> -> vector<8192x32xf32>
    %swap3A = arith.constant 0 : index
    %swap3A_6 = arith.constant 0 : index
    %swap3A_7 = vector.load %arg3[%swap3A, %swap3A_6] : memref<8192x32xf32, #tpu.memory_space<vmem>>, vector<8192x32xf32>
    tpu.vector_store %arg3[%swap3A, %swap3A_6], %dot_general3A_5 {strides = array<i32>} : memref<8192x32xf32, #tpu.memory_space<vmem>>, vector<8192x32xf32>,
    return
  }
  func.func @transform_0(%arg0: i32) -> (i32, i32) {
    %c0_i32 = arith.constant 0 : i32
    %c0_i32_0 = arith.constant 0 : i32
    return %c0_i32, %arg0 : i32, i32
  }
  func.func @transform_1(%arg0: i32) -> (i32, i32) {
    %c0_i32 = arith.constant 0 : i32
    %c0_i32_0 = arith.constant 0 : i32
    %c0_i32_1 = arith.constant 0 : i32
    return %c0_i32, %c0_i32_0 : i32, i32
  }
  func.func @transform_2(%arg0: i32) -> (i32, i32) {
    %c0_i32 = arith.constant 0 : i32
    %c0_i32_0 = arith.constant 0 : i32
    return %arg0, %c0_i32 : i32, i32
  }
}

module attributes {stable_mosaic.version = 14 : i64} {
  func.func @_tc_mlp_body(%arg0: i32, %arg1: memref<1024x32xf32, #tpu.memory_space<vmem>>, %arg2: memref<1x32xf32, #tpu.memory_space<vmem>>, %arg3: memref<32x1xf32, #tpu.memory_space<vmem>>, %arg4: memref<1x1xf32, #tpu.memory_space<vmem>>, %arg5: memref<1024x1xf32, #tpu.memory_space<vmem>>) attributes {dimension_semantics = [#tpu.dimension_semantics<arbitrary>], iteration_bounds = array<i64: 16>, scalar_prefetch = 0 : i64, scratch_operands = 0 : i64, tpu.core_type = #tpu.core_type<tc>, window_params = [{transform_indices = @transform_0, window_bounds = array<i64: 1024, 32>}, {pipeline_mode = #tpu.pipeline_mode<synchronous>, transform_indices = @transform_1, window_bounds = array<i64: 1, 32>}, {pipeline_mode = #tpu.pipeline_mode<synchronous>, transform_indices = @transform_2, window_bounds = array<i64: 32, 1>}, {pipeline_mode = #tpu.pipeline_mode<synchronous>, transform_indices = @transform_3, window_bounds = array<i64: 1, 1>}, {transform_indices = @transform_4, window_bounds = array<i64: 1024, 1>}]} {
    %get3A = arith.constant 0 : index
    %get3A_0 = arith.constant 0 : index
    %get3A_1 = vector.load %arg1[%get3A, %get3A_0] : memref<1024x32xf32, #tpu.memory_space<vmem>>, vector<1024x32xf32>
    %mul3A = arith.constant 5.000000e-03 : f32
    %mul3A_2 = vector.broadcast %mul3A : f32 to vector<1024x32xf32>
    %mul3A_3 = arith.mulf %get3A_1, %mul3A_2 : vector<1024x32xf32>
    %get3A_4 = arith.constant 0 : index
    %get3A_5 = arith.constant 0 : index
    %get3A_6 = vector.load %arg2[%get3A_4, %get3A_5] : memref<1x32xf32, #tpu.memory_space<vmem>>, vector<1x32xf32>
    %add3A = vector.broadcast %get3A_6 : vector<1x32xf32> to vector<1024x32xf32>
    %add3A_7 = arith.addf %mul3A_3, %add3A : vector<1024x32xf32>
    %max3A = arith.constant 0.000000e+00 : f32
    %max3A_8 = vector.broadcast %max3A : f32 to vector<1024x32xf32>
    %max3A_9 = arith.maximumf %add3A_7, %max3A_8 : vector<1024x32xf32>
    %get3A_10 = arith.constant 0 : index
    %get3A_11 = arith.constant 0 : index
    %get3A_12 = vector.load %arg3[%get3A_10, %get3A_11] : memref<32x1xf32, #tpu.memory_space<vmem>>, vector<32x1xf32>
    %dot_general3A = arith.constant dense<0.000000e+00> : vector<1024x1xf32>
    %dot_general3A_13 = tpu.matmul %max3A_9, %get3A_12, %dot_general3A {dimension_numbers = #tpu.dot_dimension_numbers<[1], [0], [0], [1], [0, 0, 1, 1], [], []>, transpose_lhs_hint = false} : vector<1024x32xf32>, vector<32x1xf32>, vector<1024x1xf32> -> vector<1024x1xf32>
    %get3A_14 = arith.constant 0 : index
    %get3A_15 = arith.constant 0 : index
    %get3A_16 = vector.load %arg4[%get3A_14, %get3A_15] : memref<1x1xf32, #tpu.memory_space<vmem>>, vector<1x1xf32>
    %add3A_17 = vector.broadcast %get3A_16 : vector<1x1xf32> to vector<1024x1xf32>
    %add3A_18 = arith.addf %dot_general3A_13, %add3A_17 : vector<1024x1xf32>
    %swap3A = arith.constant 0 : index
    %swap3A_19 = arith.constant 0 : index
    %swap3A_20 = vector.load %arg5[%swap3A, %swap3A_19] : memref<1024x1xf32, #tpu.memory_space<vmem>>, vector<1024x1xf32>
    tpu.vector_store %arg5[%swap3A, %swap3A_19], %add3A_18 {strides = array<i32>} : memref<1024x1xf32, #tpu.memory_space<vmem>>, vector<1024x1xf32>,
    return
  }
  func.func @transform_0(%arg0: i32) -> (i32, i32) {
    %c0_i32 = arith.constant 0 : i32
    %c0_i32_0 = arith.constant 0 : i32
    return %arg0, %c0_i32 : i32, i32
  }
  func.func @transform_1(%arg0: i32) -> (i32, i32) {
    %c0_i32 = arith.constant 0 : i32
    %c0_i32_0 = arith.constant 0 : i32
    %c0_i32_1 = arith.constant 0 : i32
    return %c0_i32, %c0_i32_0 : i32, i32
  }
  func.func @transform_2(%arg0: i32) -> (i32, i32) {
    %c0_i32 = arith.constant 0 : i32
    %c0_i32_0 = arith.constant 0 : i32
    %c0_i32_1 = arith.constant 0 : i32
    return %c0_i32, %c0_i32_0 : i32, i32
  }
  func.func @transform_3(%arg0: i32) -> (i32, i32) {
    %c0_i32 = arith.constant 0 : i32
    %c0_i32_0 = arith.constant 0 : i32
    %c0_i32_1 = arith.constant 0 : i32
    return %c0_i32, %c0_i32_0 : i32, i32
  }
  func.func @transform_4(%arg0: i32) -> (i32, i32) {
    %c0_i32 = arith.constant 0 : i32
    %c0_i32_0 = arith.constant 0 : i32
    return %arg0, %c0_i32 : i32, i32
  }
}

</mosaic_0001>

<sc_bundles>
// kernel: kernel.5.cloned.1.call-start
scs
__scs_entry_jumppad:
0x0: {  	(pc) =	sbr.rel $0x88, $3  }
0x1: {  	(tag) =	ssettag $0x0;
	lr =	simm.s32 $0x1  }
0x2: {  	[smem:$0x3F9B] =	sst lr;
	_ =	strace $0xD0000000  }
0x3: {  	_ = 	snop  }
0x4: {  	_ = 	snop  }
0x5: {  	_ = 	snop  }
0x6: {  	_ = 	snop  }
0x7: {  	_ = 	snop  }
__scs_overlays_trampoline_lowered:
0x8: {  	[smem:$0x3FAA] =	sst s0  }
0x9: {  	[smem:$0x3FAB] =	sst s1  }
0xa: {  	[smem:$0x3FAC] =	sst s2  }
0xb: {  	[smem:$0x3FAD] =	sst s3  }
0xc: {  	[smem:$0x3FAE] =	sst s4  }
0xd: {  	[smem:$0x3FAF] =	sst s5  }
0xe: {  	[smem:$0x3FB0] =	sst s6  }
0xf: {  	[smem:$0x3FB1] =	sst s7  }
0x10: {  	[smem:$0x3FB2] =	sst s8  }
0x11: {  	[smem:$0x3FB3] =	sst s9;
	s0 =	simm.s32 @!p0 $0x0  }
0x12: {  	s1 =	sld [smem:$0x3F99];
	s0 =	simm.s32 @p0 $0x1  }
0x13: {  	[smem:$0x3FB4] =	sst s0;
	s0 =	simm.s32 @!p1 $0x0  }
0x14: {  	s2 =	sld [smem:$0x3F98];
	s0 =	simm.s32 @p1 $0x1  }
0x15: {  	[smem:$0x3FB5] =	sst s0;
	s0 =	simm.s32 @!p2 $0x0  }
0x16: {  	s3 =	sld [smem:$0x3FDB];
	s0 =	simm.s32 @p2 $0x1  }
0x17: {  	s4 =	simm.s32 $0x1BF5;
	[smem:$0x3FB7] =	sst s0  }
0x18: {  	s0 =	sld [smem:$0x3F9A];
	_ =	swait.ge [sflag:s4], $0x0  }
0x19: {  	s7 =	sld [smem:$0x3F9B]  }
0x1a: {  	s8 =	sadd.s32 $0xFFFFE003, lr  }
0x1b: {  	s9 =	sadd.s32 $0xFFFFFEF7, lr;
	s5 =	simm.s32 $0xFFFFFFFF;
	p2 =	slt.u32 s8, $0xFFFFF086  }
0x1c: {  	p1 =	slt.u32 s9, $0xF7A;
	s5 =	simm.s32 @!p2 $0x0  }
0x1d: {  	s5 =	simm.s32 @p1 $0x1;
	p0 =	seq.s32 s7, s2  }
0x1e: {  	s7 =	smul.u32 @!p0 $0xF7A, s2;
	p2 =	seq.s32 @!p0 s5, $0x0  }
0x1f: {  	s9 =	smul.u32 $0xF7A, s1;
	s8 =	simm.s32 @!p0 $0x1BF5;
	p2 =	por !p2, p0  }
0x20: {  	[sflag:s8] =	ssyncset.s32 @!p0 $0xFFFFF086;
	s6 =	sadd.s32 @!p0 s3, s7;
	s7 =	simm.s32 @!p0 $0x108  }
0x21: {  	s3 =	sadd.s32 s3, s9;
	s6 =	sadd.s32 @!p0 $0x88, s6;
	s7 =	simm.s32 @p2 $0x1082  }
0x22: {  	[simem:s7], [sflag:s8] =	dma.local @!p0 [hbm:s6], $0xF7A  }
0x23: {  	s9 =	sor.u32 $0xD0000000, s2;
	s6 =	simm.s32 $0x108;
	_ =	swait.ge @!p0 [sflag:s8], $0x0  }
0x24: {  	s3 =	sadd.s32 $0x88, s3;
	s6 =	simm.s32 @!p1 $0x1082;
	[sflag:s4] =	ssyncset.s32 $0xFFFFF086  }
0x25: {  	[simem:s6], [sflag:s4] =	dma.local [hbm:s3], $0xF7A  }
0x26: {  	[smem:$0x3F9B] =	sst s1;
	(tag) =	ssettag s2;
	_ =	strace s9  }
0x27: {  	s1 =	sld [smem:$0x3FAB]  }
0x28: {  	s2 =	sld [smem:$0x3FAC]  }
0x29: {  	s4 =	sld [smem:$0x3FAE]  }
0x2a: {  	p0 =	seq.s32 s5, $0x0;
	s5 =	sld [smem:$0x3FAF]  }
0x2b: {  	s6 =	sld [smem:$0x3FB0]  }
0x2c: {  	s7 =	sld [smem:$0x3FB1]  }
0x2d: {  	s3 =	simm.s32 $0x108;
	s8 =	sld [smem:$0x3FB2]  }
0x2e: {  	s3 =	simm.s32 @!p0 $0x1082;
	s9 =	sld [smem:$0x3FB3]  }
0x2f: {  	lr =	sadd.s32 s0, s3;
	s0 =	sld [smem:$0x3FAA]  }
0x30: {  	s3 =	sld [smem:$0x3FAD]  }
0x31: {  	[smem:$0x3FB6] =	sst s10  }
0x32: {  	s10 =	sld [smem:$0x3FB4];
	_ =	sdelay $0x3  }
0x33: {  	p0 =	seq.s32 s10, $0x1;
	s10 =	sld [smem:$0x3FB6];
	_ =	sdelay $0x3  }
0x34: {  	[smem:$0x3FB6] =	sst s10  }
0x35: {  	s10 =	sld [smem:$0x3FB5];
	_ =	sdelay $0x3  }
0x36: {  	p1 =	seq.s32 s10, $0x1;
	s10 =	sld [smem:$0x3FB6];
	_ =	sdelay $0x3  }
0x37: {  	[smem:$0x3FB6] =	sst s10  }
0x38: {  	s10 =	sld [smem:$0x3FB7]  }
0x39: {  	_ = 	snop;
	(pc) =	sbr.ind lr, $3  }
0x3a: {  	_ = 	snop  }
0x3b: {  	_ = 	snop  }
0x3c: {  	p2 =	seq.s32 s10, $0x1;
	s10 =	sld [smem:$0x3FB6]  }
0x3d: {  	_ =	shalt  }
0x3e: {  	_ =	shalt  }
0x3f: {  	_ =	shalt  }
0x40: {  	_ =	shalt  }
0x41: {  	_ =	shalt  }
0x42: {  	_ =	shalt  }
0x43: {  	_ =	shalt  }
0x44: {  	_ =	shalt  }
0x45: {  	_ =	shalt  }
0x46: {  	_ =	shalt  }
0x47: {  	_ =	shalt  }
0x48: {  	_ =	shalt  }
0x49: {  	_ =	shalt  }
0x4a: {  	_ =	shalt  }
0x4b: {  	_ =	shalt  }
0x4c: {  	_ =	shalt  }
0x4d: {  	_ =	shalt  }
0x4e: {  	_ =	shalt  }
0x4f: {  	_ =	shalt  }
0x50: {  	_ =	shalt  }
0x51: {  	_ =	shalt  }
0x52: {  	_ =	shalt  }
0x53: {  	_ =	shalt  }
0x54: {  	_ =	shalt  }
0x55: {  	_ =	shalt  }
0x56: {  	_ =	shalt  }
0x57: {  	_ =	shalt  }
0x58: {  	_ =	shalt  }
0x59: {  	_ =	shalt  }
0x5a: {  	_ =	shalt  }
0x5b: {  	_ =	shalt  }
0x5c: {  	_ =	shalt  }
0x5d: {  	_ =	shalt  }
0x5e: {  	_ =	shalt  }
0x5f: {  	_ =	shalt  }
0x60: {  	_ =	shalt  }
0x61: {  	_ =	shalt  }
0x62: {  	_ =	shalt  }
0x63: {  	_ =	shalt  }
0x64: {  	_ =	shalt  }
0x65: {  	_ =	shalt  }
0x66: {  	_ =	shalt  }
0x67: {  	_ =	shalt  }
0x68: {  	_ =	shalt  }
0x69: {  	_ =	shalt  }
0x6a: {  	_ =	shalt  }
0x6b: {  	_ =	shalt  }
0x6c: {  	_ =	shalt  }
0x6d: {  	_ =	shalt  }
0x6e: {  	_ =	shalt  }
0x6f: {  	_ =	shalt  }
0x70: {  	_ =	shalt  }
0x71: {  	_ =	shalt  }
0x72: {  	_ =	shalt  }
0x73: {  	_ =	shalt  }
0x74: {  	_ =	shalt  }
0x75: {  	_ =	shalt  }
0x76: {  	_ =	shalt  }
0x77: {  	_ =	shalt  }
0x78: {  	_ =	shalt  }
0x79: {  	_ =	shalt  }
0x7a: {  	_ =	shalt  }
0x7b: {  	_ =	shalt  }
0x7c: {  	_ =	shalt  }
0x7d: {  	_ =	shalt  }
0x7e: {  	_ =	shalt  }
0x7f: {  	_ =	shalt  }
0x80: {  	_ =	shalt  }
0x81: {  	_ =	shalt  }
0x82: {  	_ =	shalt  }
0x83: {  	_ =	shalt  }
0x84: {  	_ =	shalt  }
0x85: {  	_ =	shalt  }
0x86: {  	_ =	shalt  }
0x87: {  	_ =	shalt  }
.Lfunc_end0:
.L_simem_size_0:
called_computation_lowered:
.L_overlay_start_0:
0x88: {  	s2 =	sld [smem:$0x3FD9]  }
0x89: {  	s3 =	sld [smem:$0x3FFE];
	_ =	sdelay $0x1  }
0x8a: {  	s1 =	srdreg.scid  }
0x8b: {  	s0 =	sand.u32 $0x1, s1  }
0x8c: {  	s16 =	sshll.u32 s0, $0xA;
	s2 =	sadd.s32 s3, s2  }
0x8d: {  	s2 =	sadd.s32 s2, s16  }
0x8e: {  	[smem:$0x3FC2] =	sst s2  }
0x8f: {  	_ = 	snop  }
0x90: {  	(tm) =	ssettm $0x1  }
0x91: {  	s17 =	sld [smem:$0x3FFB];
	_ =	sdelay $0x3  }
0x92: {  	_ =	strace s17  }
0x93: {  	s2 =	sld [smem:$0x3FFC];
	_ =	sdelay $0x3  }
0x94: {  	_ =	strace s2  }
0x95: {  	s2 =	sld [smem:$0x3FFD];
	_ =	sdelay $0x3  }
0x96: {  	_ =	strace s2  }
0x97: {  	_ =	strace $0x8FFFFFFF  }
0x98: {  	s18 =	sld [smem:$0x3FDB];
	_ =	sdelay $0x1  }
0x99: {  	s19 =	simm.s32 $_scs_section_size  }
0x9a: {  	s4 =	simm.s32 $_size__tile_overlayer_lowered;
	s5 =	simm.s32 $_tile_overlayer_lowered  }
0x9b: {  	s22 =	simm.s32 $0x1BFF;
	s21 =	sshll.u32 s5, $0x1;
	s2 =	sadd.s32 s19, s18  }
0x9c: {  	s6 =	simm.s32 $0x0;
	s20 =	sshll.u32 s4, $0x1;
	s4 =	sadd.s32 s21, s2  }
0x9d: {  	[timem:s6], [sflag:s22] =	dma.local [hbm:s4], s20  }
0x9e: {  	_ =	swait.ge [sflag:s22], s20  }
0x9f: {  	s3 =	ssub.s32 $0x0, s20;
	[sflag:s22] =	ssyncset.done $0x0  }
0xa0: {  	[sflag:s22] =	ssyncadd.s32 s3;
	_ =	sdelay $0x1  }
0xa1: {  	s23 =	simm.s32 $0x1B8B  }
0xa2: {  	_ =	swait.ge [sflag:s23], $0x1  }
0xa3: {  	[sflag:s23] =	ssyncset.done $0x0  }
0xa4: {  	s25 =	simm.s32 $0x1B8E;
	s24 =	sld [smem:$0x3FFE];
	[sflag:s23] =	ssyncadd.s32 $0xFFFFFFFF  }
0xa5: {  	s26 =	simm.s32 $execute0_lowered;
	[smem:$0x3FD2] =	sst s25  }
0xa6: {  	s4 =	sshll.u32 s26, $0x1;
	_ =	strace $0x80000046;
	[dreg:$0x1] =	wrdreg $0xFFFFFFFF  }
0xa7: {  	s28 =	simm.s32 $_size_execute0_lowered;
	s2 =	sadd.s32 s2, s4;
	[dreg:$0x0] =	wrdreg $0x0  }
0xa8: {  	s4 =	sshll.u32 s28, $0x1;
	[dreg:$0x2] =	wrdreg s2  }
0xa9: {  	[dreg:$0x3] =	wrdreg s4  }
0xaa: {  	[dreg:$0x4] =	wrdreg $0xC0  }
0xab: {  	_ =	task [dreg:s6], $0x5FFFF  }
0xac: {  	[dreg:$0x1] =	wrdreg $0xFFFFFFFF  }
0xad: {  	[dreg:$0x0] =	wrdreg $0x60  }
0xae: {  	[dreg:$0x2] =	wrdreg s24  }
0xaf: {  	[dreg:$0x3] =	wrdreg $0x9  }
0xb0: {  	_ =	task.clear_ibuf [dreg:s6], $0x4FFFF;
	_ =	strace $0x90000046  }
0xb1: {  	s29 =	simm.s32 $0x9;
	_ =	strace $0x80000048  }
0xb2: {  	_ =	swait.ge [sflag:s29], $0x1  }
0xb3: {  	[sflag:s29] =	ssyncadd.s32 $0xFFFFFFFF  }
0xb4: {  	_ =	strace $0x90000048  }
0xb5: {  	_ =	sfence  }
0xb6: {  	s30 =	sld [smem:$0x0];
	_ =	sdelay $0x2  }
0xb7: {  	s31 =	sshll.u32 s1, $0xD;
	s1 =	sshrl.u32 s1, $0x2  }
0xb8: {  	s3 =	sand.u32 $0x4000, s31;
	s1 =	sadd.s32 s1, s30  }
0xb9: {  	s0 =	sor.u32 s3, s0;
	s1 =	sshll.u32 s1, $0x11  }
0xba: {  	s0 =	sor.u32 s1, s0  }
0xbb: {  	s0 =	sadd.s32 $0x8F2B, s0  }
0xbc: {  	[sflag:s0] =	ssyncadd.remote.s32 $0x1  }
0xbd: {  	_ =	sfence.sel $0xFFFF  }
0xbe: {  	[dreg:$0x0] =	wrdreg $0xFFFFFFFF;
	(pc) =	sbr.abs _section_cstart, $3  }
0xbf: {  	[dreg:$0x1] =	wrdreg $0xFFFFFFFF  }
0xc0: {  	_ =	task.clear_ibuf [dreg:s6], $0x2FFFF;
	_ =	strace $0x9FFFFFFF  }
0xc1: {  	(tm) =	ssettm $0x7FFFFFFF  }
tec
execute0_lowered:
.L_overlay_start_1:
0x0: {  	(tag) =	ssettag $0x1  }
0x1: {  	s0 =	rddreg [dreg:$0x0]  }
0x2: {  	s1 =	srdreg.scid;
	s3 =	stileid.u32  }
0x3: {  	s2 =	simm.s32 $0x0;
	s28 =	simm.s32 $0x8100;
	s29 =	simm.s32 $0x8D80  }
0x4: {  	s30 =	simm.s32 $0x1;
	s31 =	simm.s32 $0x2;
	s1 =	sand.u32 $0x1, s1  }
0x5: {  	s3 =	sshll.u32 s3, $0x1;
	[smem:$0x7FF] =	sst s2;
	s8 =	sadd.s32 $0xA00, s0  }
0x6: {  	s4 =	sor.u32 s1, s3;
	_ =	strace $0x80000047;
	s1 =	ssub.s32 $0x2, s1  }
0x7: {  	s3 =	sadd.s32 $0xF42E00, s0;
	s0 =	sadd.s32 $0x68A00, s0;
	s5 =	sshll.u32 s4, $0x9  }
0x8: {  	s6 =	smul.u32 $0x3400, s4;
	s9 =	sshrl.u32 s1, $0x1;
	s4 =	sshll.u32 s4, $0xB  }
0x9: {  	s7 =	sor.u32 $0x40, s5;
	s1 =	ssub.s32 s1, s9;
	s14 =	sor.u32 $0x80, s5  }
0xa: {  	s12 =	sor.u32 $0xC0, s5;
	s4 =	sadd.s32 s0, s4;
	s10 =	smul.u32 $0x1A, s7  }
0xb: {  	s20 =	sor.u32 $0x140, s5;
	s23 =	sor.u32 $0x180, s5;
	s15 =	smul.u32 $0x1A, s14  }
0xc: {  	s6 =	sadd.s32 s8, s6;
	[dreg:$0x4] =	wrdreg s4;
	s16 =	smul.u32 $0x1A, s12  }
0xd: {  	s7 =	sshll.u32 s7, $0x2;
	s18 =	sshll.u32 s14, $0x2;
	s21 =	sshll.u32 s12, $0x2  }
0xe: {  	s22 =	smul.u32 $0x1A, s20;
	s26 =	sshll.u32 s23, $0x2;
	[dreg:$0x2] =	wrdreg s6  }
0xf: {  	s7 =	sadd.s32 s0, s7;
	s12 =	sadd.s32 s0, s21;
	s21 =	simm.s32 $0x3  }
0x10: {  	s13 =	sadd.s32 s8, s10;
	s9 =	sadd.s32 s8, s15;
	[dreg:$0x6] =	wrdreg s7  }
0x11: {  	s4 =	sadd.s32 s8, s16;
	s15 =	smul.u32 $0x1A, s23;
	[dreg:$0x3] =	wrdreg s13  }
0x12: {  	s23 =	simm.s32 $0x64;
	s13 =	sor.u32 $0x100, s5;
	[dreg:$0x5] =	wrdreg s9  }
0x13: {  	[dreg:$0x7] =	wrdreg s4;
	s4 =	sadd.s32 s0, s18;
	s5 =	sor.u32 $0x1C0, s5  }
0x14: {  	s18 =	sadd.s32 s0, s26;
	s26 =	simm.s32 $0x7480;
	s17 =	smul.u32 $0x1A, s13  }
0x15: {  	[dreg:$0x8] =	wrdreg s4;
	s24 =	sshll.u32 s13, $0x2;
	s13 =	sadd.s32 s8, s22  }
0x16: {  	s15 =	sadd.s32 s8, s15;
	s4 =	sshll.u32 s20, $0x2;
	s25 =	smul.u32 $0x1A, s5  }
0x17: {  	s5 =	sshll.u32 s5, $0x2;
	s20 =	smax.u32 s1, $0x1;
	s22 =	simm.s32 $0x3400  }
0x18: {  	s1 =	simm.s32 $0x4;
	s14 =	sadd.s32 s0, s24;
	s16 =	sadd.s32 s0, s4  }
0x19: {  	s24 =	simm.s32 $0x6800;
	s4 =	simm.s32 $0x3468;
	s19 =	sadd.s32 s8, s17  }
0x1a: {  	s17 =	sadd.s32 s8, s25;
	s25 =	simm.s32 $0x68;
	[dreg:$0x9] =	wrdreg s19  }
0x1b: {  	s19 =	sadd.s32 s0, s5;
	s0 =	simm.s32 $0x9A00;
	s5 =	simm.s32 $0x0  }
.LBB2_1:
0x1c: {  	s6 =	rddreg [dreg:$0x2]  }
0x1d: {  	[tilespmem:s2], [sflag:$0x3] =	stream.linear.gather [hbm4b:s6+s2], $0x3400, $0x38;
	[tilespmem:$0xA200] =	vst v63  }
0x1e: {  	_ =	swait.ge [sflag:s21], $0x3400  }
0x1f: {  	[sflag:s21] =	ssyncset.done $0x0  }
0x20: {  	s11 =	rddreg [dreg:$0x3];
	[sflag:s21] =	ssyncadd.s32 $0xFFFFCC00  }
0x21: {  	[tilespmem:s22], [sflag:$0x3] =	stream.linear.gather [hbm4b:s11+s2], $0x3400, $0x38;
	[tilespmem:$0xA200] =	vst v63  }
0x22: {  	_ = 	snop  }
0x23: {  	[tilespmem:s24], [sflag:$0x1] =	stream.indirect.gather [hbm4b:s3+s23], $0x20, s2, s23, $0xb8;
	[tilespmem:$0xA200] =	vst v63  }
0x24: {  	s6 =	simm.s32 $0x0  }
0x25: {  	[tilespmem:s26], [sflag:$0x1] =	stream.indirect.gather [hbm4b:s3+s23], $0x20, s25, s23, $0xb8;
	[tilespmem:$0xA200] =	vst v63  }
.LBB2_2:
0x26: {  	s7 =	sshllo.u32 s6, $0x1  }
0x27: {  	s8 =	smul.u32 $0x340, s7;
	_ =	sdelay $0x1  }
0x28: {  	s8 =	sshra.s32 s8, $0x2  }
0x29: {  	[tilespmem:s28], [sflag:$0x2] =	stream.indirect.gather [hbm4b:s3+s23], $0x20, s8, s23, $0xb8;
	[tilespmem:$0xA200] =	vst v63  }
0x2a: {  	s8 =	sadd.s32 $0x68, s8  }
0x2b: {  	[tilespmem:s29], [sflag:$0x2] =	stream.indirect.gather [hbm4b:s3+s23], $0x20, s8, s23, $0xb8;
	[tilespmem:$0xA200] =	vst v63  }
0x2c: {  	_ =	swait.ge [sflag:s30], $0xC80  }
0x2d: {  	[sflag:s30] =	ssyncset.done $0x0  }
0x2e: {  	[sflag:s30] =	ssyncadd.s32 $0xFFFFF380  }
0x2f: {  	_ =	swait.ge [sflag:s30], $0xC80  }
0x30: {  	[sflag:s30] =	ssyncset.done $0x0  }
0x31: {  	s9 =	simm.s32 $0x0;
	[sflag:s30] =	ssyncadd.s32 $0xFFFFF380  }
0x32: {  	v0 =	vld [tilespmem:s9+$0x6800]  }
0x33: {  	v1 =	vld [tilespmem:s9+$0x6810]  }
0x34: {  	v2 =	vld [tilespmem:s9+$0x6820]  }
0x35: {  	v3 =	vld [tilespmem:s9+$0x6830]  }
0x36: {  	v4 =	vld [tilespmem:s9+$0x6840]  }
0x37: {  	v5 =	vimm.f32 $0.0e+00;
	v6 =	vld [tilespmem:s9+$0x6850]  }
0x38: {  	v7 =	vld [tilespmem:s9+$0x6870];
	v0 =	vadd.f32 v0, v5;
	v1 =	vadd.f32 v1, v5  }
0x39: {  	v5 =	vld [tilespmem:s9+$0x6860]  }
0x3a: {  	v8 =	vld [tilespmem:s9+$0x6890];
	v0 =	vadd.f32 v2, v0;
	v1 =	vadd.f32 v3, v1  }
0x3b: {  	v3 =	vld [tilespmem:s9+$0x6880]  }
0x3c: {  	v9 =	vld [tilespmem:s9+$0x68B0];
	v0 =	vadd.f32 v4, v0;
	v1 =	vadd.f32 v6, v1  }
0x3d: {  	v6 =	vld [tilespmem:s9+$0x68A0]  }
0x3e: {  	v2 =	vld [tilespmem:s9+$0x68D0];
	v0 =	vadd.f32 v5, v0;
	v4 =	vadd.f32 v7, v1  }
0x3f: {  	v1 =	vld [tilespmem:s9+$0x68C0]  }
0x40: {  	v5 =	vadd.f32 v3, v0;
	v7 =	vadd.f32 v8, v4;
	v3 =	vld [tilespmem:s9+$0x68E0]  }
0x41: {  	s8 =	simm.s32 $0x100;
	v4 =	vld [tilespmem:s9+$0x68F0]  }
0x42: {  	v0 =	vld [tilespmem:s8+$0x6800];
	s9 =	simm.s32 $0x800;
	v6 =	vadd.f32 v6, v5;
	v5 =	vadd.f32 v9, v7  }
.LBB2_3:
0x43: {  	p0 =	sne.s32 s9, $0x6000;
	v7 =	vld [tilespmem:s8+$0x6810]  }
0x44: {  	v8 =	vld [tilespmem:s8+$0x6820];
	v1 =	vadd.f32 v1, v6;
	v2 =	vadd.f32 v2, v5  }
0x45: {  	v5 =	vld [tilespmem:s8+$0x6830]  }
0x46: {  	v6 =	vld [tilespmem:s8+$0x6840];
	v1 =	vadd.f32 v3, v1;
	v2 =	vadd.f32 v4, v2  }
0x47: {  	v3 =	vld [tilespmem:s8+$0x6850]  }
0x48: {  	v0 =	vadd.f32 v0, v1;
	v1 =	vadd.f32 v7, v2;
	v2 =	vld [tilespmem:s8+$0x6860]  }
0x49: {  	v4 =	vld [tilespmem:s8+$0x6870]  }
0x4a: {  	v0 =	vadd.f32 v8, v0;
	v1 =	vadd.f32 v5, v1;
	v5 =	vld [tilespmem:s8+$0x6880]  }
0x4b: {  	v7 =	vld [tilespmem:s8+$0x6890]  }
0x4c: {  	v0 =	vadd.f32 v6, v0;
	v1 =	vadd.f32 v3, v1;
	v6 =	vld [tilespmem:s8+$0x68A0]  }
0x4d: {  	v8 =	vld [tilespmem:s8+$0x68B0]  }
.Ltmp0:
0x4e: {  	v0 =	vadd.f32 v2, v0;
	v3 =	vadd.f32 v4, v1;
	v1 =	vld [tilespmem:s8+$0x68C0];
	(pc) =	sbr.rel @p0 .LBB2_3-.Ltmp0, $4  }
0x4f: {  	v2 =	vld [tilespmem:s8+$0x68D0]  }
0x50: {  	v5 =	vadd.f32 v5, v0;
	v7 =	vadd.f32 v7, v3;
	v3 =	vld [tilespmem:s8+$0x68E0]  }
0x51: {  	v4 =	vld [tilespmem:s8+$0x68F0];
	s8 =	sshra.s32 s9, $0x2  }
0x52: {  	s9 =	sadd.s32 $0x400, s9;
	v0 =	vld [tilespmem:s8+$0x6800];
	v6 =	vadd.f32 v6, v5;
	v5 =	vadd.f32 v8, v7  }
0x53: {  	_ = 	snop  }
0x54: {  	v7 =	vld [tilespmem:s8+$0x6810];
	v1 =	vadd.f32 v1, v6  }
0x55: {  	v6 =	vld [tilespmem:s8+$0x6820];
	v2 =	vadd.f32 v2, v5  }
0x56: {  	v5 =	vld [tilespmem:s8+$0x6830];
	v1 =	vadd.f32 v3, v1  }
0x57: {  	v3 =	vld [tilespmem:s8+$0x6840];
	v2 =	vadd.f32 v4, v2  }
0x58: {  	v4 =	vld [tilespmem:s8+$0x6850];
	v0 =	vadd.f32 v0, v1  }
0x59: {  	v1 =	vadd.f32 v7, v2;
	v2 =	vld [tilespmem:s8+$0x6860]  }
0x5a: {  	v7 =	vld [tilespmem:s8+$0x6870];
	v0 =	vadd.f32 v6, v0  }
0x5b: {  	v1 =	vadd.f32 v5, v1;
	v5 =	vld [tilespmem:s8+$0x6880]  }
0x5c: {  	v6 =	vld [tilespmem:s8+$0x6890];
	v0 =	vadd.f32 v3, v0  }
0x5d: {  	v1 =	vadd.f32 v4, v1;
	v3 =	vld [tilespmem:s8+$0x68A0]  }
0x5e: {  	v4 =	vld [tilespmem:s8+$0x68B0];
	v0 =	vadd.f32 v2, v0  }
0x5f: {  	v1 =	vadd.f32 v7, v1;
	v2 =	vld [tilespmem:s8+$0x68C0]  }
0x60: {  	v7 =	vld [tilespmem:s8+$0x68D0];
	v0 =	vadd.f32 v5, v0  }
0x61: {  	v1 =	vadd.f32 v6, v1;
	v5 =	vld [tilespmem:s8+$0x68E0]  }
0x62: {  	v6 =	vld [tilespmem:s8+$0x68F0];
	v0 =	vadd.f32 v3, v0  }
0x63: {  	v1 =	vadd.f32 v4, v1  }
0x64: {  	v0 =	vadd.f32 v2, v0  }
0x65: {  	p0 =	seq.s32 s6, $0x1F;
	v1 =	vadd.f32 v7, v1  }
0x66: {  	s10 =	sshll.u32 s6, $0x6;
	s9 =	smul.u32 @!p0 $0x680, s6;
	v0 =	vadd.f32 v5, v0  }
0x67: {  	s8 =	sand.u32 $0x3FFFFFC0, s10;
	v1 =	vadd.f32 v6, v1  }
0x68: {  	s9 =	sshra.s32 @!p0 s9, $0x2;
	[tilespmem:s8+$0x9A00] =	vst v0  }
0x69: {  	s11 =	simm.s32 @!p0 $0x6800;
	s10 =	simm.s32 @!p0 $0x64;
	[tilespmem:s8+$0x9A10] =	vst v1;
	s8 =	sadd.s32 @!p0 $0x1A0, s9  }
0x6a: {  	[tilespmem:s11], [sflag:$0x1] =	stream.indirect.gather @!p0 [hbm4b:s3+s10], $0x20, s8, s10, $0xb8;
	[tilespmem:$0xA200] =	vst v63  }
0x6b: {  	s8 =	sadd.s32 @!p0 $0x208, s9;
	s9 =	simm.s32 @!p0 $0x7480  }
0x6c: {  	[tilespmem:s9], [sflag:$0x1] =	stream.indirect.gather @!p0 [hbm4b:s3+s10], $0x20, s8, s10, $0xb8;
	[tilespmem:$0xA200] =	vst v63  }
0x6d: {  	_ =	swait.ge [sflag:s31], $0xC80  }
0x6e: {  	[sflag:s31] =	ssyncset.done $0x0  }
0x6f: {  	[sflag:s31] =	ssyncadd.s32 $0xFFFFF380  }
0x70: {  	_ =	swait.ge [sflag:s31], $0xC80  }
0x71: {  	[sflag:s31] =	ssyncset.done $0x0  }
0x72: {  	s11 =	simm.s32 $0x0;
	[sflag:s31] =	ssyncadd.s32 $0xFFFFF380  }
0x73: {  	v0 =	vld [tilespmem:s11+$0x8100]  }
0x74: {  	v1 =	vld [tilespmem:s11+$0x8110]  }
0x75: {  	v2 =	vld [tilespmem:s11+$0x8120]  }
0x76: {  	v3 =	vld [tilespmem:s11+$0x8130]  }
0x77: {  	v4 =	vld [tilespmem:s11+$0x8140]  }
0x78: {  	v5 =	vimm.f32 $0.0e+00;
	v6 =	vld [tilespmem:s11+$0x8150]  }
0x79: {  	v7 =	vld [tilespmem:s11+$0x8170];
	v0 =	vadd.f32 v0, v5;
	v1 =	vadd.f32 v1, v5  }
0x7a: {  	v5 =	vld [tilespmem:s11+$0x8160]  }
0x7b: {  	v8 =	vld [tilespmem:s11+$0x8190];
	v0 =	vadd.f32 v2, v0;
	v1 =	vadd.f32 v3, v1  }
0x7c: {  	v3 =	vld [tilespmem:s11+$0x8180]  }
0x7d: {  	v9 =	vld [tilespmem:s11+$0x81B0];
	v0 =	vadd.f32 v4, v0;
	v1 =	vadd.f32 v6, v1  }
0x7e: {  	v6 =	vld [tilespmem:s11+$0x81A0]  }
0x7f: {  	v2 =	vld [tilespmem:s11+$0x81D0];
	v0 =	vadd.f32 v5, v0;
	v4 =	vadd.f32 v7, v1  }
0x80: {  	v1 =	vld [tilespmem:s11+$0x81C0]  }
0x81: {  	v5 =	vadd.f32 v3, v0;
	v7 =	vadd.f32 v8, v4;
	v3 =	vld [tilespmem:s11+$0x81E0]  }
0x82: {  	s8 =	simm.s32 $0x100;
	v4 =	vld [tilespmem:s11+$0x81F0]  }
0x83: {  	s9 =	simm.s32 $0x800;
	v0 =	vld [tilespmem:s8+$0x8100];
	v6 =	vadd.f32 v6, v5;
	v5 =	vadd.f32 v9, v7  }
.LBB2_5:
0x84: {  	p0 =	sne.s32 s9, $0x6000;
	v7 =	vld [tilespmem:s8+$0x8110]  }
0x85: {  	v8 =	vld [tilespmem:s8+$0x8120];
	v1 =	vadd.f32 v1, v6;
	v2 =	vadd.f32 v2, v5  }
0x86: {  	v5 =	vld [tilespmem:s8+$0x8130]  }
0x87: {  	v6 =	vld [tilespmem:s8+$0x8140];
	v1 =	vadd.f32 v3, v1;
	v2 =	vadd.f32 v4, v2  }
0x88: {  	v3 =	vld [tilespmem:s8+$0x8150]  }
0x89: {  	v0 =	vadd.f32 v0, v1;
	v1 =	vadd.f32 v7, v2;
	v2 =	vld [tilespmem:s8+$0x8160]  }
0x8a: {  	v4 =	vld [tilespmem:s8+$0x8170]  }
0x8b: {  	v0 =	vadd.f32 v8, v0;
	v1 =	vadd.f32 v5, v1;
	v5 =	vld [tilespmem:s8+$0x8180]  }
0x8c: {  	v7 =	vld [tilespmem:s8+$0x8190]  }
0x8d: {  	v0 =	vadd.f32 v6, v0;
	v1 =	vadd.f32 v3, v1;
	v6 =	vld [tilespmem:s8+$0x81A0]  }
0x8e: {  	v8 =	vld [tilespmem:s8+$0x81B0]  }
.Ltmp1:
0x8f: {  	v0 =	vadd.f32 v2, v0;
	v3 =	vadd.f32 v4, v1;
	v1 =	vld [tilespmem:s8+$0x81C0];
	(pc) =	sbr.rel @p0 .LBB2_5-.Ltmp1, $4  }
0x90: {  	v2 =	vld [tilespmem:s8+$0x81D0]  }
0x91: {  	v5 =	vadd.f32 v5, v0;
	v7 =	vadd.f32 v7, v3;
	v3 =	vld [tilespmem:s8+$0x81E0]  }
0x92: {  	v4 =	vld [tilespmem:s8+$0x81F0];
	s8 =	sshra.s32 s9, $0x2  }
0x93: {  	s9 =	sadd.s32 $0x400, s9;
	v0 =	vld [tilespmem:s8+$0x8100];
	v6 =	vadd.f32 v6, v5;
	v5 =	vadd.f32 v8, v7  }
0x94: {  	_ = 	snop  }
0x95: {  	v7 =	vld [tilespmem:s8+$0x8110];
	v1 =	vadd.f32 v1, v6  }
0x96: {  	v49 =	vld [tilespmem:s8+$0x8120];
	v2 =	vadd.f32 v2, v5  }
0x97: {  	v50 =	vld [tilespmem:s8+$0x8130];
	v1 =	vadd.f32 v3, v1  }
0x98: {  	v51 =	vld [tilespmem:s8+$0x8140];
	v2 =	vadd.f32 v4, v2  }
0x99: {  	v52 =	vld [tilespmem:s8+$0x8150];
	v0 =	vadd.f32 v0, v1  }
0x9a: {  	v54 =	vld [tilespmem:s8+$0x8160];
	v53 =	vadd.f32 v7, v2  }
0x9b: {  	v55 =	vld [tilespmem:s8+$0x8170];
	v0 =	vadd.f32 v49, v0  }
0x9c: {  	v56 =	vld [tilespmem:s8+$0x8180];
	v1 =	vadd.f32 v50, v53  }
0x9d: {  	v57 =	vld [tilespmem:s8+$0x8190];
	v0 =	vadd.f32 v51, v0  }
0x9e: {  	v58 =	vld [tilespmem:s8+$0x81A0];
	v1 =	vadd.f32 v52, v1  }
0x9f: {  	v59 =	vld [tilespmem:s8+$0x81B0];
	v0 =	vadd.f32 v54, v0  }
0xa0: {  	v60 =	vld [tilespmem:s8+$0x81C0];
	v1 =	vadd.f32 v55, v1  }
0xa1: {  	v61 =	vld [tilespmem:s8+$0x81D0];
	v0 =	vadd.f32 v56, v0  }
0xa2: {  	v62 =	vld [tilespmem:s8+$0x81E0];
	v1 =	vadd.f32 v57, v1  }
0xa3: {  	v63 =	vld [tilespmem:s8+$0x81F0];
	v0 =	vadd.f32 v58, v0  }
0xa4: {  	s6 =	sadd.s32 $0x1, s6;
	v1 =	vadd.f32 v59, v1  }
0xa5: {  	p0 =	sne.s32 s6, $0x20;
	v0 =	vadd.f32 v60, v0  }
.Ltmp2:
0xa6: {  	v1 =	vadd.f32 v61, v1;
	(pc) =	sbr.rel @p0 .LBB2_2-.Ltmp2, $4  }
0xa7: {  	s7 =	sshll.u32 s7, $0x5;
	v0 =	vadd.f32 v62, v0  }
0xa8: {  	s7 =	sand.u32 $0x3FFFFFE0, s7;
	v1 =	vadd.f32 v63, v1  }
0xa9: {  	[tilespmem:s7+$0x9A00] =	vst v0  }
0xaa: {  	[tilespmem:s7+$0x9A10] =	vst v1  }
0xab: {  	s6 =	simm.s32 $0x0;
	s7 =	rddreg [dreg:$0x4]  }
0xac: {  	[hbm4b:s7+s6] =	stream.linear.scatter [tilespmem:s0], [sflag:$0x4], $0x800, $0x38;
	[tilespmem:$0xA200] =	vst v63  }
0xad: {  	_ =	swait.ge [sflag:s1], $0x800  }
0xae: {  	[sflag:s1] =	ssyncset.done $0x0  }
0xaf: {  	[sflag:s1] =	ssyncadd.s32 $0xFFFFF800  }
0xb0: {  	_ =	swait.ge [sflag:s21], $0x3400  }
0xb1: {  	[sflag:s21] =	ssyncset.done $0x0  }
0xb2: {  	s11 =	rddreg [dreg:$0x5];
	[sflag:s21] =	ssyncadd.s32 $0xFFFFCC00  }
0xb3: {  	[tilespmem:s6], [sflag:$0x3] =	stream.linear.gather [hbm4b:s11+s6], $0x3400, $0x38;
	[tilespmem:$0xA200] =	vst v63  }
0xb4: {  	_ = 	snop  }
0xb5: {  	[tilespmem:s24], [sflag:$0x1] =	stream.indirect.gather [hbm4b:s3+s23], $0x20, s22, s23, $0xb8;
	[tilespmem:$0xA200] =	vst v63  }
0xb6: {  	_ = 	snop  }
0xb7: {  	[tilespmem:s26], [sflag:$0x1] =	stream.indirect.gather [hbm4b:s3+s23], $0x20, s4, s23, $0xb8;
	[tilespmem:$0xA200] =	vst v63  }
.LBB2_8:
0xb8: {  	s7 =	sshllo.u32 s6, $0x1  }
0xb9: {  	s8 =	smul.u32 $0x340, s7;
	_ =	sdelay $0x1  }
0xba: {  	s8 =	sshra.s32 s8, $0x2  }
0xbb: {  	s9 =	sadd.s32 $0x3400, s8  }
0xbc: {  	[tilespmem:s28], [sflag:$0x2] =	stream.indirect.gather [hbm4b:s3+s23], $0x20, s9, s23, $0xb8;
	[tilespmem:$0xA200] =	vst v63  }
0xbd: {  	s8 =	sadd.s32 $0x3468, s8  }
0xbe: {  	[tilespmem:s29], [sflag:$0x2] =	stream.indirect.gather [hbm4b:s3+s23], $0x20, s8, s23, $0xb8;
	[tilespmem:$0xA200] =	vst v63  }
0xbf: {  	_ =	swait.ge [sflag:s30], $0xC80  }
0xc0: {  	[sflag:s30] =	ssyncset.done $0x0  }
0xc1: {  	[sflag:s30] =	ssyncadd.s32 $0xFFFFF380  }
0xc2: {  	_ =	swait.ge [sflag:s30], $0xC80  }
0xc3: {  	[sflag:s30] =	ssyncset.done $0x0  }
0xc4: {  	s11 =	simm.s32 $0x0;
	[sflag:s30] =	ssyncadd.s32 $0xFFFFF380  }
0xc5: {  	v0 =	vld [tilespmem:s11+$0x6800]  }
0xc6: {  	v1 =	vld [tilespmem:s11+$0x6810]  }
0xc7: {  	v2 =	vld [tilespmem:s11+$0x6820]  }
0xc8: {  	v3 =	vld [tilespmem:s11+$0x6830]  }
0xc9: {  	v4 =	vld [tilespmem:s11+$0x6840]  }
0xca: {  	v5 =	vimm.f32 $0.0e+00;
	v6 =	vld [tilespmem:s11+$0x6850]  }
0xcb: {  	v7 =	vld [tilespmem:s11+$0x6870];
	v0 =	vadd.f32 v0, v5;
	v1 =	vadd.f32 v1, v5  }
0xcc: {  	v5 =	vld [tilespmem:s11+$0x6860]  }
0xcd: {  	v8 =	vld [tilespmem:s11+$0x6890];
	v0 =	vadd.f32 v2, v0;
	v1 =	vadd.f32 v3, v1  }
0xce: {  	v3 =	vld [tilespmem:s11+$0x6880]  }
0xcf: {  	v9 =	vld [tilespmem:s11+$0x68B0];
	v0 =	vadd.f32 v4, v0;
	v1 =	vadd.f32 v6, v1  }
0xd0: {  	v6 =	vld [tilespmem:s11+$0x68A0]  }
0xd1: {  	v2 =	vld [tilespmem:s11+$0x68D0];
	v0 =	vadd.f32 v5, v0;
	v4 =	vadd.f32 v7, v1  }
0xd2: {  	v1 =	vld [tilespmem:s11+$0x68C0]  }
0xd3: {  	v5 =	vadd.f32 v3, v0;
	v7 =	vadd.f32 v8, v4;
	v3 =	vld [tilespmem:s11+$0x68E0]  }
0xd4: {  	s8 =	simm.s32 $0x100;
	v4 =	vld [tilespmem:s11+$0x68F0]  }
0xd5: {  	s9 =	simm.s32 $0x800;
	v0 =	vld [tilespmem:s8+$0x6800];
	v6 =	vadd.f32 v6, v5;
	v5 =	vadd.f32 v9, v7  }
.LBB2_9:
0xd6: {  	p0 =	sne.s32 s9, $0x6000;
	v7 =	vld [tilespmem:s8+$0x6810]  }
0xd7: {  	v8 =	vld [tilespmem:s8+$0x6820];
	v1 =	vadd.f32 v1, v6;
	v2 =	vadd.f32 v2, v5  }
0xd8: {  	v5 =	vld [tilespmem:s8+$0x6830]  }
0xd9: {  	v6 =	vld [tilespmem:s8+$0x6840];
	v1 =	vadd.f32 v3, v1;
	v2 =	vadd.f32 v4, v2  }
0xda: {  	v3 =	vld [tilespmem:s8+$0x6850]  }
0xdb: {  	v0 =	vadd.f32 v0, v1;
	v1 =	vadd.f32 v7, v2;
	v2 =	vld [tilespmem:s8+$0x6860]  }
0xdc: {  	v4 =	vld [tilespmem:s8+$0x6870]  }
0xdd: {  	v0 =	vadd.f32 v8, v0;
	v1 =	vadd.f32 v5, v1;
	v5 =	vld [tilespmem:s8+$0x6880]  }
0xde: {  	v7 =	vld [tilespmem:s8+$0x6890]  }
0xdf: {  	v0 =	vadd.f32 v6, v0;
	v1 =	vadd.f32 v3, v1;
	v6 =	vld [tilespmem:s8+$0x68A0]  }
0xe0: {  	v8 =	vld [tilespmem:s8+$0x68B0]  }
.Ltmp3:
0xe1: {  	v0 =	vadd.f32 v2, v0;
	v3 =	vadd.f32 v4, v1;
	v1 =	vld [tilespmem:s8+$0x68C0];
	(pc) =	sbr.rel @p0 .LBB2_9-.Ltmp3, $4  }
0xe2: {  	v2 =	vld [tilespmem:s8+$0x68D0]  }
0xe3: {  	v5 =	vadd.f32 v5, v0;
	v7 =	vadd.f32 v7, v3;
	v3 =	vld [tilespmem:s8+$0x68E0]  }
0xe4: {  	v4 =	vld [tilespmem:s8+$0x68F0];
	s8 =	sshra.s32 s9, $0x2  }
0xe5: {  	s9 =	sadd.s32 $0x400, s9;
	v0 =	vld [tilespmem:s8+$0x6800];
	v6 =	vadd.f32 v6, v5;
	v5 =	vadd.f32 v8, v7  }
0xe6: {  	_ = 	snop  }
0xe7: {  	v7 =	vld [tilespmem:s8+$0x6810];
	v1 =	vadd.f32 v1, v6  }
0xe8: {  	v6 =	vld [tilespmem:s8+$0x6820];
	v2 =	vadd.f32 v2, v5  }
0xe9: {  	v5 =	vld [tilespmem:s8+$0x6830];
	v1 =	vadd.f32 v3, v1  }
0xea: {  	v3 =	vld [tilespmem:s8+$0x6840];
	v2 =	vadd.f32 v4, v2  }
0xeb: {  	v4 =	vld [tilespmem:s8+$0x6850];
	v0 =	vadd.f32 v0, v1  }
0xec: {  	v1 =	vadd.f32 v7, v2;
	v2 =	vld [tilespmem:s8+$0x6860]  }
0xed: {  	v7 =	vld [tilespmem:s8+$0x6870];
	v0 =	vadd.f32 v6, v0  }
0xee: {  	v1 =	vadd.f32 v5, v1;
	v5 =	vld [tilespmem:s8+$0x6880]  }
0xef: {  	v6 =	vld [tilespmem:s8+$0x6890];
	v0 =	vadd.f32 v3, v0  }
0xf0: {  	v1 =	vadd.f32 v4, v1;
	v3 =	vld [tilespmem:s8+$0x68A0]  }
0xf1: {  	v4 =	vld [tilespmem:s8+$0x68B0];
	v0 =	vadd.f32 v2, v0  }
0xf2: {  	v1 =	vadd.f32 v7, v1;
	v2 =	vld [tilespmem:s8+$0x68C0]  }
0xf3: {  	v7 =	vld [tilespmem:s8+$0x68D0];
	v0 =	vadd.f32 v5, v0  }
0xf4: {  	v1 =	vadd.f32 v6, v1;
	v5 =	vld [tilespmem:s8+$0x68E0]  }
0xf5: {  	v6 =	vld [tilespmem:s8+$0x68F0];
	v0 =	vadd.f32 v3, v0  }
0xf6: {  	v1 =	vadd.f32 v4, v1  }
0xf7: {  	v0 =	vadd.f32 v2, v0  }
0xf8: {  	p0 =	seq.s32 s6, $0x1F;
	v1 =	vadd.f32 v7, v1  }
0xf9: {  	s10 =	sshll.u32 s6, $0x6;
	s9 =	smul.u32 @!p0 $0x680, s6;
	v0 =	vadd.f32 v5, v0  }
0xfa: {  	s8 =	sand.u32 $0x3FFFFFC0, s10;
	v1 =	vadd.f32 v6, v1  }
0xfb: {  	s9 =	sshra.s32 @!p0 s9, $0x2;
	[tilespmem:s8+$0x9A00] =	vst v0  }
0xfc: {  	s11 =	simm.s32 @!p0 $0x6800;
	s10 =	simm.s32 @!p0 $0x64;
	[tilespmem:s8+$0x9A10] =	vst v1;
	s8 =	sadd.s32 @!p0 $0x35A0, s9  }
0xfd: {  	[tilespmem:s11], [sflag:$0x1] =	stream.indirect.gather @!p0 [hbm4b:s3+s10], $0x20, s8, s10, $0xb8;
	[tilespmem:$0xA200] =	vst v63  }
0xfe: {  	s8 =	sadd.s32 @!p0 $0x3608, s9;
	s9 =	simm.s32 @!p0 $0x7480  }
0xff: {  	[tilespmem:s9], [sflag:$0x1] =	stream.indirect.gather @!p0 [hbm4b:s3+s10], $0x20, s8, s10, $0xb8;
	[tilespmem:$0xA200] =	vst v63  }
0x100: {  	_ =	swait.ge [sflag:s31], $0xC80  }
0x101: {  	[sflag:s31] =	ssyncset.done $0x0  }
0x102: {  	[sflag:s31] =	ssyncadd.s32 $0xFFFFF380  }
0x103: {  	_ =	swait.ge [sflag:s31], $0xC80  }
0x104: {  	[sflag:s31] =	ssyncset.done $0x0  }
0x105: {  	s11 =	simm.s32 $0x0;
	[sflag:s31] =	ssyncadd.s32 $0xFFFFF380  }
0x106: {  	v0 =	vld [tilespmem:s11+$0x8100]  }
0x107: {  	v1 =	vld [tilespmem:s11+$0x8110]  }
0x108: {  	v2 =	vld [tilespmem:s11+$0x8120]  }
0x109: {  	v3 =	vld [tilespmem:s11+$0x8130]  }
0x10a: {  	v4 =	vld [tilespmem:s11+$0x8140]  }
0x10b: {  	v5 =	vimm.f32 $0.0e+00;
	v6 =	vld [tilespmem:s11+$0x8150]  }
0x10c: {  	v7 =	vld [tilespmem:s11+$0x8170];
	v0 =	vadd.f32 v0, v5;
	v1 =	vadd.f32 v1, v5  }
0x10d: {  	v5 =	vld [tilespmem:s11+$0x8160]  }
0x10e: {  	v8 =	vld [tilespmem:s11+$0x8190];
	v0 =	vadd.f32 v2, v0;
	v1 =	vadd.f32 v3, v1  }
0x10f: {  	v3 =	vld [tilespmem:s11+$0x8180]  }
0x110: {  	v9 =	vld [tilespmem:s11+$0x81B0];
	v0 =	vadd.f32 v4, v0;
	v1 =	vadd.f32 v6, v1  }
0x111: {  	v6 =	vld [tilespmem:s11+$0x81A0]  }
0x112: {  	v2 =	vld [tilespmem:s11+$0x81D0];
	v0 =	vadd.f32 v5, v0;
	v4 =	vadd.f32 v7, v1  }
0x113: {  	v1 =	vld [tilespmem:s11+$0x81C0]  }
0x114: {  	v5 =	vadd.f32 v3, v0;
	v7 =	vadd.f32 v8, v4;
	v3 =	vld [tilespmem:s11+$0x81E0]  }
0x115: {  	s8 =	simm.s32 $0x100;
	v4 =	vld [tilespmem:s11+$0x81F0]  }
0x116: {  	s9 =	simm.s32 $0x800;
	v0 =	vld [tilespmem:s8+$0x8100];
	v6 =	vadd.f32 v6, v5;
	v5 =	vadd.f32 v9, v7  }
.LBB2_11:
0x117: {  	p0 =	sne.s32 s9, $0x6000;
	v7 =	vld [tilespmem:s8+$0x8110]  }
0x118: {  	v8 =	vld [tilespmem:s8+$0x8120];
	v1 =	vadd.f32 v1, v6;
	v2 =	vadd.f32 v2, v5  }
0x119: {  	v5 =	vld [tilespmem:s8+$0x8130]  }
0x11a: {  	v6 =	vld [tilespmem:s8+$0x8140];
	v1 =	vadd.f32 v3, v1;
	v2 =	vadd.f32 v4, v2  }
0x11b: {  	v3 =	vld [tilespmem:s8+$0x8150]  }
0x11c: {  	v0 =	vadd.f32 v0, v1;
	v1 =	vadd.f32 v7, v2;
	v2 =	vld [tilespmem:s8+$0x8160]  }
0x11d: {  	v4 =	vld [tilespmem:s8+$0x8170]  }
0x11e: {  	v0 =	vadd.f32 v8, v0;
	v1 =	vadd.f32 v5, v1;
	v5 =	vld [tilespmem:s8+$0x8180]  }
0x11f: {  	v7 =	vld [tilespmem:s8+$0x8190]  }
0x120: {  	v0 =	vadd.f32 v6, v0;
	v1 =	vadd.f32 v3, v1;
	v6 =	vld [tilespmem:s8+$0x81A0]  }
0x121: {  	v8 =	vld [tilespmem:s8+$0x81B0]  }
.Ltmp4:
0x122: {  	v0 =	vadd.f32 v2, v0;
	v3 =	vadd.f32 v4, v1;
	v1 =	vld [tilespmem:s8+$0x81C0];
	(pc) =	sbr.rel @p0 .LBB2_11-.Ltmp4, $4  }
0x123: {  	v2 =	vld [tilespmem:s8+$0x81D0]  }
0x124: {  	v5 =	vadd.f32 v5, v0;
	v7 =	vadd.f32 v7, v3;
	v3 =	vld [tilespmem:s8+$0x81E0]  }
0x125: {  	v4 =	vld [tilespmem:s8+$0x81F0];
	s8 =	sshra.s32 s9, $0x2  }
0x126: {  	s9 =	sadd.s32 $0x400, s9;
	v0 =	vld [tilespmem:s8+$0x8100];
	v6 =	vadd.f32 v6, v5;
	v5 =	vadd.f32 v8, v7  }
0x127: {  	_ = 	snop  }
0x128: {  	v7 =	vld [tilespmem:s8+$0x8110];
	v1 =	vadd.f32 v1, v6  }
0x129: {  	v49 =	vld [tilespmem:s8+$0x8120];
	v2 =	vadd.f32 v2, v5  }
0x12a: {  	v50 =	vld [tilespmem:s8+$0x8130];
	v1 =	vadd.f32 v3, v1  }
0x12b: {  	v51 =	vld [tilespmem:s8+$0x8140];
	v2 =	vadd.f32 v4, v2  }
0x12c: {  	v52 =	vld [tilespmem:s8+$0x8150];
	v0 =	vadd.f32 v0, v1  }
0x12d: {  	v54 =	vld [tilespmem:s8+$0x8160];
	v53 =	vadd.f32 v7, v2  }
0x12e: {  	v55 =	vld [tilespmem:s8+$0x8170];
	v0 =	vadd.f32 v49, v0  }
0x12f: {  	v56 =	vld [tilespmem:s8+$0x8180];
	v1 =	vadd.f32 v50, v53  }
0x130: {  	v57 =	vld [tilespmem:s8+$0x8190];
	v0 =	vadd.f32 v51, v0  }
0x131: {  	v58 =	vld [tilespmem:s8+$0x81A0];
	v1 =	vadd.f32 v52, v1  }
0x132: {  	v59 =	vld [tilespmem:s8+$0x81B0];
	v0 =	vadd.f32 v54, v0  }
0x133: {  	v60 =	vld [tilespmem:s8+$0x81C0];
	v1 =	vadd.f32 v55, v1  }
0x134: {  	v61 =	vld [tilespmem:s8+$0x81D0];
	v0 =	vadd.f32 v56, v0  }
0x135: {  	v62 =	vld [tilespmem:s8+$0x81E0];
	v1 =	vadd.f32 v57, v1  }
0x136: {  	v63 =	vld [tilespmem:s8+$0x81F0];
	v0 =	vadd.f32 v58, v0  }
0x137: {  	s6 =	sadd.s32 $0x1, s6;
	v1 =	vadd.f32 v59, v1  }
0x138: {  	p0 =	sne.s32 s6, $0x20;
	v0 =	vadd.f32 v60, v0  }
.Ltmp5:
0x139: {  	v1 =	vadd.f32 v61, v1;
	(pc) =	sbr.rel @p0 .LBB2_8-.Ltmp5, $4  }
0x13a: {  	s7 =	sshll.u32 s7, $0x5;
	v0 =	vadd.f32 v62, v0  }
0x13b: {  	s7 =	sand.u32 $0x3FFFFFE0, s7;
	v1 =	vadd.f32 v63, v1  }
0x13c: {  	[tilespmem:s7+$0x9A00] =	vst v0  }
0x13d: {  	[tilespmem:s7+$0x9A10] =	vst v1  }
0x13e: {  	s6 =	simm.s32 $0x0;
	s7 =	rddreg [dreg:$0x6]  }
0x13f: {  	[hbm4b:s7+s6] =	stream.linear.scatter [tilespmem:s0], [sflag:$0x4], $0x800, $0x38;
	[tilespmem:$0xA200] =	vst v63  }
0x140: {  	_ =	swait.ge [sflag:s1], $0x800  }
0x141: {  	[sflag:s1] =	ssyncset.done $0x0  }
0x142: {  	[sflag:s1] =	ssyncadd.s32 $0xFFFFF800  }
0x143: {  	_ =	swait.ge [sflag:s21], $0x3400  }
0x144: {  	[sflag:s21] =	ssyncset.done $0x0  }
0x145: {  	s11 =	rddreg [dreg:$0x7];
	[sflag:s21] =	ssyncadd.s32 $0xFFFFCC00  }
0x146: {  	[tilespmem:s22], [sflag:$0x3] =	stream.linear.gather [hbm4b:s11+s6], $0x3400, $0x38;
	[tilespmem:$0xA200] =	vst v63  }
0x147: {  	_ = 	snop  }
0x148: {  	[tilespmem:s24], [sflag:$0x1] =	stream.indirect.gather [hbm4b:s3+s23], $0x20, s6, s23, $0xb8;
	[tilespmem:$0xA200] =	vst v63  }
0x149: {  	_ = 	snop  }
0x14a: {  	[tilespmem:s26], [sflag:$0x1] =	stream.indirect.gather [hbm4b:s3+s23], $0x20, s25, s23, $0xb8;
	[tilespmem:$0xA200] =	vst v63  }
.LBB2_14:
0x14b: {  	s7 =	sshllo.u32 s6, $0x1  }
0x14c: {  	s8 =	smul.u32 $0x340, s7;
	_ =	sdelay $0x1  }
0x14d: {  	s8 =	sshra.s32 s8, $0x2  }
0x14e: {  	[tilespmem:s28], [sflag:$0x2] =	stream.indirect.gather [hbm4b:s3+s23], $0x20, s8, s23, $0xb8;
	[tilespmem:$0xA200] =	vst v63  }
0x14f: {  	s8 =	sadd.s32 $0x68, s8  }
0x150: {  	[tilespmem:s29], [sflag:$0x2] =	stream.indirect.gather [hbm4b:s3+s23], $0x20, s8, s23, $0xb8;
	[tilespmem:$0xA200] =	vst v63  }
0x151: {  	_ =	swait.ge [sflag:s30], $0xC80  }
0x152: {  	[sflag:s30] =	ssyncset.done $0x0  }
0x153: {  	[sflag:s30] =	ssyncadd.s32 $0xFFFFF380  }
0x154: {  	_ =	swait.ge [sflag:s30], $0xC80  }
0x155: {  	[sflag:s30] =	ssyncset.done $0x0  }
0x156: {  	s9 =	simm.s32 $0x0;
	[sflag:s30] =	ssyncadd.s32 $0xFFFFF380  }
0x157: {  	v0 =	vld [tilespmem:s9+$0x6800]  }
0x158: {  	v1 =	vld [tilespmem:s9+$0x6810]  }
0x159: {  	v2 =	vld [tilespmem:s9+$0x6820]  }
0x15a: {  	v3 =	vld [tilespmem:s9+$0x6830]  }
0x15b: {  	v4 =	vld [tilespmem:s9+$0x6840]  }
0x15c: {  	v5 =	vimm.f32 $0.0e+00;
	v6 =	vld [tilespmem:s9+$0x6850]  }
0x15d: {  	v7 =	vld [tilespmem:s9+$0x6870];
	v0 =	vadd.f32 v0, v5;
	v1 =	vadd.f32 v1, v5  }
0x15e: {  	v5 =	vld [tilespmem:s9+$0x6860]  }
0x15f: {  	v8 =	vld [tilespmem:s9+$0x6890];
	v0 =	vadd.f32 v2, v0;
	v1 =	vadd.f32 v3, v1  }
0x160: {  	v3 =	vld [tilespmem:s9+$0x6880]  }
0x161: {  	v9 =	vld [tilespmem:s9+$0x68B0];
	v0 =	vadd.f32 v4, v0;
	v1 =	vadd.f32 v6, v1  }
0x162: {  	v6 =	vld [tilespmem:s9+$0x68A0]  }
0x163: {  	v2 =	vld [tilespmem:s9+$0x68D0];
	v0 =	vadd.f32 v5, v0;
	v4 =	vadd.f32 v7, v1  }
0x164: {  	v1 =	vld [tilespmem:s9+$0x68C0]  }
0x165: {  	v5 =	vadd.f32 v3, v0;
	v7 =	vadd.f32 v8, v4;
	v3 =	vld [tilespmem:s9+$0x68E0]  }
0x166: {  	s8 =	simm.s32 $0x100;
	v4 =	vld [tilespmem:s9+$0x68F0]  }
0x167: {  	v0 =	vld [tilespmem:s8+$0x6800];
	s9 =	simm.s32 $0x800;
	v6 =	vadd.f32 v6, v5;
	v5 =	vadd.f32 v9, v7  }
.LBB2_15:
0x168: {  	p0 =	sne.s32 s9, $0x6000;
	v7 =	vld [tilespmem:s8+$0x6810]  }
0x169: {  	v8 =	vld [tilespmem:s8+$0x6820];
	v1 =	vadd.f32 v1, v6;
	v2 =	vadd.f32 v2, v5  }
0x16a: {  	v5 =	vld [tilespmem:s8+$0x6830]  }
0x16b: {  	v6 =	vld [tilespmem:s8+$0x6840];
	v1 =	vadd.f32 v3, v1;
	v2 =	vadd.f32 v4, v2  }
0x16c: {  	v3 =	vld [tilespmem:s8+$0x6850]  }
0x16d: {  	v0 =	vadd.f32 v0, v1;
	v1 =	vadd.f32 v7, v2;
	v2 =	vld [tilespmem:s8+$0x6860]  }
0x16e: {  	v4 =	vld [tilespmem:s8+$0x6870]  }
0x16f: {  	v0 =	vadd.f32 v8, v0;
	v1 =	vadd.f32 v5, v1;
	v5 =	vld [tilespmem:s8+$0x6880]  }
0x170: {  	v7 =	vld [tilespmem:s8+$0x6890]  }
0x171: {  	v0 =	vadd.f32 v6, v0;
	v1 =	vadd.f32 v3, v1;
	v6 =	vld [tilespmem:s8+$0x68A0]  }
0x172: {  	v8 =	vld [tilespmem:s8+$0x68B0]  }
.Ltmp6:
0x173: {  	v0 =	vadd.f32 v2, v0;
	v3 =	vadd.f32 v4, v1;
	v1 =	vld [tilespmem:s8+$0x68C0];
	(pc) =	sbr.rel @p0 .LBB2_15-.Ltmp6, $4  }
0x174: {  	v2 =	vld [tilespmem:s8+$0x68D0]  }
0x175: {  	v5 =	vadd.f32 v5, v0;
	v7 =	vadd.f32 v7, v3;
	v3 =	vld [tilespmem:s8+$0x68E0]  }
0x176: {  	v4 =	vld [tilespmem:s8+$0x68F0];
	s8 =	sshra.s32 s9, $0x2  }
0x177: {  	s9 =	sadd.s32 $0x400, s9;
	v0 =	vld [tilespmem:s8+$0x6800];
	v6 =	vadd.f32 v6, v5;
	v5 =	vadd.f32 v8, v7  }
0x178: {  	_ = 	snop  }
0x179: {  	v7 =	vld [tilespmem:s8+$0x6810];
	v1 =	vadd.f32 v1, v6  }
0x17a: {  	v6 =	vld [tilespmem:s8+$0x6820];
	v2 =	vadd.f32 v2, v5  }
0x17b: {  	v5 =	vld [tilespmem:s8+$0x6830];
	v1 =	vadd.f32 v3, v1  }
0x17c: {  	v3 =	vld [tilespmem:s8+$0x6840];
	v2 =	vadd.f32 v4, v2  }
0x17d: {  	v4 =	vld [tilespmem:s8+$0x6850];
	v0 =	vadd.f32 v0, v1  }
0x17e: {  	v1 =	vadd.f32 v7, v2;
	v2 =	vld [tilespmem:s8+$0x6860]  }
0x17f: {  	v7 =	vld [tilespmem:s8+$0x6870];
	v0 =	vadd.f32 v6, v0  }
0x180: {  	v1 =	vadd.f32 v5, v1;
	v5 =	vld [tilespmem:s8+$0x6880]  }
0x181: {  	v6 =	vld [tilespmem:s8+$0x6890];
	v0 =	vadd.f32 v3, v0  }
0x182: {  	v1 =	vadd.f32 v4, v1;
	v3 =	vld [tilespmem:s8+$0x68A0]  }
0x183: {  	v4 =	vld [tilespmem:s8+$0x68B0];
	v0 =	vadd.f32 v2, v0  }
0x184: {  	v1 =	vadd.f32 v7, v1;
	v2 =	vld [tilespmem:s8+$0x68C0]  }
0x185: {  	v7 =	vld [tilespmem:s8+$0x68D0];
	v0 =	vadd.f32 v5, v0  }
0x186: {  	v1 =	vadd.f32 v6, v1;
	v5 =	vld [tilespmem:s8+$0x68E0]  }
0x187: {  	v6 =	vld [tilespmem:s8+$0x68F0];
	v0 =	vadd.f32 v3, v0  }
0x188: {  	v1 =	vadd.f32 v4, v1  }
0x189: {  	v0 =	vadd.f32 v2, v0  }
0x18a: {  	p0 =	seq.s32 s6, $0x1F;
	v1 =	vadd.f32 v7, v1  }
0x18b: {  	s10 =	sshll.u32 s6, $0x6;
	s9 =	smul.u32 @!p0 $0x680, s6;
	v0 =	vadd.f32 v5, v0  }
0x18c: {  	s8 =	sand.u32 $0x3FFFFFC0, s10;
	v1 =	vadd.f32 v6, v1  }
0x18d: {  	s9 =	sshra.s32 @!p0 s9, $0x2;
	[tilespmem:s8+$0x9A00] =	vst v0  }
0x18e: {  	s11 =	simm.s32 @!p0 $0x6800;
	s10 =	simm.s32 @!p0 $0x64;
	[tilespmem:s8+$0x9A10] =	vst v1;
	s8 =	sadd.s32 @!p0 $0x1A0, s9  }
0x18f: {  	[tilespmem:s11], [sflag:$0x1] =	stream.indirect.gather @!p0 [hbm4b:s3+s10], $0x20, s8, s10, $0xb8;
	[tilespmem:$0xA200] =	vst v63  }
0x190: {  	s8 =	sadd.s32 @!p0 $0x208, s9;
	s9 =	simm.s32 @!p0 $0x7480  }
0x191: {  	[tilespmem:s9], [sflag:$0x1] =	stream.indirect.gather @!p0 [hbm4b:s3+s10], $0x20, s8, s10, $0xb8;
	[tilespmem:$0xA200] =	vst v63  }
0x192: {  	_ =	swait.ge [sflag:s31], $0xC80  }
0x193: {  	[sflag:s31] =	ssyncset.done $0x0  }
0x194: {  	[sflag:s31] =	ssyncadd.s32 $0xFFFFF380  }
0x195: {  	_ =	swait.ge [sflag:s31], $0xC80  }
0x196: {  	[sflag:s31] =	ssyncset.done $0x0  }
0x197: {  	s11 =	simm.s32 $0x0;
	[sflag:s31] =	ssyncadd.s32 $0xFFFFF380  }
0x198: {  	v0 =	vld [tilespmem:s11+$0x8100]  }
0x199: {  	v1 =	vld [tilespmem:s11+$0x8110]  }
0x19a: {  	v2 =	vld [tilespmem:s11+$0x8120]  }
0x19b: {  	v3 =	vld [tilespmem:s11+$0x8130]  }
0x19c: {  	v4 =	vld [tilespmem:s11+$0x8140]  }
0x19d: {  	v5 =	vimm.f32 $0.0e+00;
	v6 =	vld [tilespmem:s11+$0x8150]  }
0x19e: {  	v7 =	vld [tilespmem:s11+$0x8170];
	v0 =	vadd.f32 v0, v5;
	v1 =	vadd.f32 v1, v5  }
0x19f: {  	v5 =	vld [tilespmem:s11+$0x8160]  }
0x1a0: {  	v8 =	vld [tilespmem:s11+$0x8190];
	v0 =	vadd.f32 v2, v0;
	v1 =	vadd.f32 v3, v1  }
0x1a1: {  	v3 =	vld [tilespmem:s11+$0x8180]  }
0x1a2: {  	v9 =	vld [tilespmem:s11+$0x81B0];
	v0 =	vadd.f32 v4, v0;
	v1 =	vadd.f32 v6, v1  }
0x1a3: {  	v6 =	vld [tilespmem:s11+$0x81A0]  }
0x1a4: {  	v2 =	vld [tilespmem:s11+$0x81D0];
	v0 =	vadd.f32 v5, v0;
	v4 =	vadd.f32 v7, v1  }
0x1a5: {  	v1 =	vld [tilespmem:s11+$0x81C0]  }
0x1a6: {  	v5 =	vadd.f32 v3, v0;
	v7 =	vadd.f32 v8, v4;
	v3 =	vld [tilespmem:s11+$0x81E0]  }
0x1a7: {  	s8 =	simm.s32 $0x100;
	v4 =	vld [tilespmem:s11+$0x81F0]  }
0x1a8: {  	s9 =	simm.s32 $0x800;
	v0 =	vld [tilespmem:s8+$0x8100];
	v6 =	vadd.f32 v6, v5;
	v5 =	vadd.f32 v9, v7  }
.LBB2_17:
0x1a9: {  	p0 =	sne.s32 s9, $0x6000;
	v7 =	vld [tilespmem:s8+$0x8110]  }
0x1aa: {  	v8 =	vld [tilespmem:s8+$0x8120];
	v1 =	vadd.f32 v1, v6;
	v2 =	vadd.f32 v2, v5  }
0x1ab: {  	v5 =	vld [tilespmem:s8+$0x8130]  }
0x1ac: {  	v6 =	vld [tilespmem:s8+$0x8140];
	v1 =	vadd.f32 v3, v1;
	v2 =	vadd.f32 v4, v2  }
0x1ad: {  	v3 =	vld [tilespmem:s8+$0x8150]  }
0x1ae: {  	v0 =	vadd.f32 v0, v1;
	v1 =	vadd.f32 v7, v2;
	v2 =	vld [tilespmem:s8+$0x8160]  }
0x1af: {  	v4 =	vld [tilespmem:s8+$0x8170]  }
0x1b0: {  	v0 =	vadd.f32 v8, v0;
	v1 =	vadd.f32 v5, v1;
	v5 =	vld [tilespmem:s8+$0x8180]  }
0x1b1: {  	v7 =	vld [tilespmem:s8+$0x8190]  }
0x1b2: {  	v0 =	vadd.f32 v6, v0;
	v1 =	vadd.f32 v3, v1;
	v6 =	vld [tilespmem:s8+$0x81A0]  }
0x1b3: {  	v8 =	vld [tilespmem:s8+$0x81B0]  }
.Ltmp7:
0x1b4: {  	v0 =	vadd.f32 v2, v0;
	v3 =	vadd.f32 v4, v1;
	v1 =	vld [tilespmem:s8+$0x81C0];
	(pc) =	sbr.rel @p0 .LBB2_17-.Ltmp7, $4  }
0x1b5: {  	v2 =	vld [tilespmem:s8+$0x81D0]  }
0x1b6: {  	v5 =	vadd.f32 v5, v0;
	v7 =	vadd.f32 v7, v3;
	v3 =	vld [tilespmem:s8+$0x81E0]  }
0x1b7: {  	v4 =	vld [tilespmem:s8+$0x81F0];
	s8 =	sshra.s32 s9, $0x2  }
0x1b8: {  	s9 =	sadd.s32 $0x400, s9;
	v0 =	vld [tilespmem:s8+$0x8100];
	v6 =	vadd.f32 v6, v5;
	v5 =	vadd.f32 v8, v7  }
0x1b9: {  	_ = 	snop  }
0x1ba: {  	v7 =	vld [tilespmem:s8+$0x8110];
	v1 =	vadd.f32 v1, v6  }
0x1bb: {  	v49 =	vld [tilespmem:s8+$0x8120];
	v2 =	vadd.f32 v2, v5  }
0x1bc: {  	v50 =	vld [tilespmem:s8+$0x8130];
	v1 =	vadd.f32 v3, v1  }
0x1bd: {  	v51 =	vld [tilespmem:s8+$0x8140];
	v2 =	vadd.f32 v4, v2  }
0x1be: {  	v52 =	vld [tilespmem:s8+$0x8150];
	v0 =	vadd.f32 v0, v1  }
0x1bf: {  	v54 =	vld [tilespmem:s8+$0x8160];
	v53 =	vadd.f32 v7, v2  }
0x1c0: {  	v55 =	vld [tilespmem:s8+$0x8170];
	v0 =	vadd.f32 v49, v0  }
0x1c1: {  	v56 =	vld [tilespmem:s8+$0x8180];
	v1 =	vadd.f32 v50, v53  }
0x1c2: {  	v57 =	vld [tilespmem:s8+$0x8190];
	v0 =	vadd.f32 v51, v0  }
0x1c3: {  	v58 =	vld [tilespmem:s8+$0x81A0];
	v1 =	vadd.f32 v52, v1  }
0x1c4: {  	v59 =	vld [tilespmem:s8+$0x81B0];
	v0 =	vadd.f32 v54, v0  }
0x1c5: {  	v60 =	vld [tilespmem:s8+$0x81C0];
	v1 =	vadd.f32 v55, v1  }
0x1c6: {  	v61 =	vld [tilespmem:s8+$0x81D0];
	v0 =	vadd.f32 v56, v0  }
0x1c7: {  	v62 =	vld [tilespmem:s8+$0x81E0];
	v1 =	vadd.f32 v57, v1  }
0x1c8: {  	v63 =	vld [tilespmem:s8+$0x81F0];
	v0 =	vadd.f32 v58, v0  }
0x1c9: {  	s6 =	sadd.s32 $0x1, s6;
	v1 =	vadd.f32 v59, v1  }
0x1ca: {  	p0 =	sne.s32 s6, $0x20;
	v0 =	vadd.f32 v60, v0  }
.Ltmp8:
0x1cb: {  	v1 =	vadd.f32 v61, v1;
	(pc) =	sbr.rel @p0 .LBB2_14-.Ltmp8, $4  }
0x1cc: {  	s7 =	sshll.u32 s7, $0x5;
	v0 =	vadd.f32 v62, v0  }
0x1cd: {  	s7 =	sand.u32 $0x3FFFFFE0, s7;
	v1 =	vadd.f32 v63, v1  }
0x1ce: {  	[tilespmem:s7+$0x9A00] =	vst v0  }
0x1cf: {  	[tilespmem:s7+$0x9A10] =	vst v1  }
0x1d0: {  	s6 =	simm.s32 $0x0;
	s7 =	rddreg [dreg:$0x8]  }
0x1d1: {  	[hbm4b:s7+s6] =	stream.linear.scatter [tilespmem:s0], [sflag:$0x4], $0x800, $0x38;
	[tilespmem:$0xA200] =	vst v63  }
0x1d2: {  	_ =	swait.ge [sflag:s1], $0x800  }
0x1d3: {  	[sflag:s1] =	ssyncset.done $0x0  }
0x1d4: {  	[sflag:s1] =	ssyncadd.s32 $0xFFFFF800  }
0x1d5: {  	_ =	swait.ge [sflag:s21], $0x3400  }
0x1d6: {  	[sflag:s21] =	ssyncset.done $0x0  }
0x1d7: {  	s11 =	rddreg [dreg:$0x9];
	[sflag:s21] =	ssyncadd.s32 $0xFFFFCC00  }
0x1d8: {  	[tilespmem:s6], [sflag:$0x3] =	stream.linear.gather [hbm4b:s11+s6], $0x3400, $0x38;
	[tilespmem:$0xA200] =	vst v63  }
0x1d9: {  	_ = 	snop  }
0x1da: {  	[tilespmem:s24], [sflag:$0x1] =	stream.indirect.gather [hbm4b:s3+s23], $0x20, s22, s23, $0xb8;
	[tilespmem:$0xA200] =	vst v63  }
0x1db: {  	_ = 	snop  }
0x1dc: {  	[tilespmem:s26], [sflag:$0x1] =	stream.indirect.gather [hbm4b:s3+s23], $0x20, s4, s23, $0xb8;
	[tilespmem:$0xA200] =	vst v63  }
.LBB2_20:
0x1dd: {  	s7 =	sshllo.u32 s6, $0x1  }
0x1de: {  	s8 =	smul.u32 $0x340, s7;
	_ =	sdelay $0x1  }
0x1df: {  	s8 =	sshra.s32 s8, $0x2  }
0x1e0: {  	s9 =	sadd.s32 $0x3400, s8  }
0x1e1: {  	[tilespmem:s28], [sflag:$0x2] =	stream.indirect.gather [hbm4b:s3+s23], $0x20, s9, s23, $0xb8;
	[tilespmem:$0xA200] =	vst v63  }
0x1e2: {  	s8 =	sadd.s32 $0x3468, s8  }
0x1e3: {  	[tilespmem:s29], [sflag:$0x2] =	stream.indirect.gather [hbm4b:s3+s23], $0x20, s8, s23, $0xb8;
	[tilespmem:$0xA200] =	vst v63  }
0x1e4: {  	_ =	swait.ge [sflag:s30], $0xC80  }
0x1e5: {  	[sflag:s30] =	ssyncset.done $0x0  }
0x1e6: {  	[sflag:s30] =	ssyncadd.s32 $0xFFFFF380  }
0x1e7: {  	_ =	swait.ge [sflag:s30], $0xC80  }
0x1e8: {  	[sflag:s30] =	ssyncset.done $0x0  }
0x1e9: {  	s11 =	simm.s32 $0x0;
	[sflag:s30] =	ssyncadd.s32 $0xFFFFF380  }
0x1ea: {  	v0 =	vld [tilespmem:s11+$0x6800]  }
0x1eb: {  	v1 =	vld [tilespmem:s11+$0x6810]  }
0x1ec: {  	v2 =	vld [tilespmem:s11+$0x6820]  }
0x1ed: {  	v3 =	vld [tilespmem:s11+$0x6830]  }
0x1ee: {  	v4 =	vld [tilespmem:s11+$0x6840]  }
0x1ef: {  	v5 =	vimm.f32 $0.0e+00;
	v6 =	vld [tilespmem:s11+$0x6850]  }
0x1f0: {  	v7 =	vld [tilespmem:s11+$0x6870];
	v0 =	vadd.f32 v0, v5;
	v1 =	vadd.f32 v1, v5  }
0x1f1: {  	v5 =	vld [tilespmem:s11+$0x6860]  }
0x1f2: {  	v8 =	vld [tilespmem:s11+$0x6890];
	v0 =	vadd.f32 v2, v0;
	v1 =	vadd.f32 v3, v1  }
0x1f3: {  	v3 =	vld [tilespmem:s11+$0x6880]  }
0x1f4: {  	v9 =	vld [tilespmem:s11+$0x68B0];
	v0 =	vadd.f32 v4, v0;
	v1 =	vadd.f32 v6, v1  }
0x1f5: {  	v6 =	vld [tilespmem:s11+$0x68A0]  }
0x1f6: {  	v2 =	vld [tilespmem:s11+$0x68D0];
	v0 =	vadd.f32 v5, v0;
	v4 =	vadd.f32 v7, v1  }
0x1f7: {  	v1 =	vld [tilespmem:s11+$0x68C0]  }
0x1f8: {  	v5 =	vadd.f32 v3, v0;
	v7 =	vadd.f32 v8, v4;
	v3 =	vld [tilespmem:s11+$0x68E0]  }
0x1f9: {  	s8 =	simm.s32 $0x100;
	v4 =	vld [tilespmem:s11+$0x68F0]  }
0x1fa: {  	s9 =	simm.s32 $0x800;
	v0 =	vld [tilespmem:s8+$0x6800];
	v6 =	vadd.f32 v6, v5;
	v5 =	vadd.f32 v9, v7  }
.LBB2_21:
0x1fb: {  	p0 =	sne.s32 s9, $0x6000;
	v7 =	vld [tilespmem:s8+$0x6810]  }
0x1fc: {  	v8 =	vld [tilespmem:s8+$0x6820];
	v1 =	vadd.f32 v1, v6;
	v2 =	vadd.f32 v2, v5  }
0x1fd: {  	v5 =	vld [tilespmem:s8+$0x6830]  }
0x1fe: {  	v6 =	vld [tilespmem:s8+$0x6840];
	v1 =	vadd.f32 v3, v1;
	v2 =	vadd.f32 v4, v2  }
0x1ff: {  	v3 =	vld [tilespmem:s8+$0x6850]  }
0x200: {  	v0 =	vadd.f32 v0, v1;
	v1 =	vadd.f32 v7, v2;
	v2 =	vld [tilespmem:s8+$0x6860]  }
0x201: {  	v4 =	vld [tilespmem:s8+$0x6870]  }
0x202: {  	v0 =	vadd.f32 v8, v0;
	v1 =	vadd.f32 v5, v1;
	v5 =	vld [tilespmem:s8+$0x6880]  }
0x203: {  	v7 =	vld [tilespmem:s8+$0x6890]  }
0x204: {  	v0 =	vadd.f32 v6, v0;
	v1 =	vadd.f32 v3, v1;
	v6 =	vld [tilespmem:s8+$0x68A0]  }
0x205: {  	v8 =	vld [tilespmem:s8+$0x68B0]  }
.Ltmp9:
0x206: {  	v0 =	vadd.f32 v2, v0;
	v3 =	vadd.f32 v4, v1;
	v1 =	vld [tilespmem:s8+$0x68C0];
	(pc) =	sbr.rel @p0 .LBB2_21-.Ltmp9, $4  }
0x207: {  	v2 =	vld [tilespmem:s8+$0x68D0]  }
0x208: {  	v5 =	vadd.f32 v5, v0;
	v7 =	vadd.f32 v7, v3;
	v3 =	vld [tilespmem:s8+$0x68E0]  }
0x209: {  	v4 =	vld [tilespmem:s8+$0x68F0];
	s8 =	sshra.s32 s9, $0x2  }
0x20a: {  	s9 =	sadd.s32 $0x400, s9;
	v0 =	vld [tilespmem:s8+$0x6800];
	v6 =	vadd.f32 v6, v5;
	v5 =	vadd.f32 v8, v7  }
0x20b: {  	_ = 	snop  }
0x20c: {  	v7 =	vld [tilespmem:s8+$0x6810];
	v1 =	vadd.f32 v1, v6  }
0x20d: {  	v6 =	vld [tilespmem:s8+$0x6820];
	v2 =	vadd.f32 v2, v5  }
0x20e: {  	v5 =	vld [tilespmem:s8+$0x6830];
	v1 =	vadd.f32 v3, v1  }
0x20f: {  	v3 =	vld [tilespmem:s8+$0x6840];
	v2 =	vadd.f32 v4, v2  }
0x210: {  	v4 =	vld [tilespmem:s8+$0x6850];
	v0 =	vadd.f32 v0, v1  }
0x211: {  	v1 =	vadd.f32 v7, v2;
	v2 =	vld [tilespmem:s8+$0x6860]  }
0x212: {  	v7 =	vld [tilespmem:s8+$0x6870];
	v0 =	vadd.f32 v6, v0  }
0x213: {  	v1 =	vadd.f32 v5, v1;
	v5 =	vld [tilespmem:s8+$0x6880]  }
0x214: {  	v6 =	vld [tilespmem:s8+$0x6890];
	v0 =	vadd.f32 v3, v0  }
0x215: {  	v1 =	vadd.f32 v4, v1;
	v3 =	vld [tilespmem:s8+$0x68A0]  }
0x216: {  	v4 =	vld [tilespmem:s8+$0x68B0];
	v0 =	vadd.f32 v2, v0  }
0x217: {  	v1 =	vadd.f32 v7, v1;
	v2 =	vld [tilespmem:s8+$0x68C0]  }
0x218: {  	v7 =	vld [tilespmem:s8+$0x68D0];
	v0 =	vadd.f32 v5, v0  }
0x219: {  	v1 =	vadd.f32 v6, v1;
	v5 =	vld [tilespmem:s8+$0x68E0]  }
0x21a: {  	v6 =	vld [tilespmem:s8+$0x68F0];
	v0 =	vadd.f32 v3, v0  }
0x21b: {  	v1 =	vadd.f32 v4, v1  }
0x21c: {  	v0 =	vadd.f32 v2, v0  }
0x21d: {  	p0 =	seq.s32 s6, $0x1F;
	v1 =	vadd.f32 v7, v1  }
0x21e: {  	s10 =	sshll.u32 s6, $0x6;
	s9 =	smul.u32 @!p0 $0x680, s6;
	v0 =	vadd.f32 v5, v0  }
0x21f: {  	s8 =	sand.u32 $0x3FFFFFC0, s10;
	v1 =	vadd.f32 v6, v1  }
0x220: {  	s9 =	sshra.s32 @!p0 s9, $0x2;
	[tilespmem:s8+$0x9A00] =	vst v0  }
0x221: {  	s11 =	simm.s32 @!p0 $0x6800;
	s10 =	simm.s32 @!p0 $0x64;
	[tilespmem:s8+$0x9A10] =	vst v1;
	s8 =	sadd.s32 @!p0 $0x35A0, s9  }
0x222: {  	[tilespmem:s11], [sflag:$0x1] =	stream.indirect.gather @!p0 [hbm4b:s3+s10], $0x20, s8, s10, $0xb8;
	[tilespmem:$0xA200] =	vst v63  }
0x223: {  	s8 =	sadd.s32 @!p0 $0x3608, s9;
	s9 =	simm.s32 @!p0 $0x7480  }
0x224: {  	[tilespmem:s9], [sflag:$0x1] =	stream.indirect.gather @!p0 [hbm4b:s3+s10], $0x20, s8, s10, $0xb8;
	[tilespmem:$0xA200] =	vst v63  }
0x225: {  	_ =	swait.ge [sflag:s31], $0xC80  }
0x226: {  	[sflag:s31] =	ssyncset.done $0x0  }
0x227: {  	[sflag:s31] =	ssyncadd.s32 $0xFFFFF380  }
0x228: {  	_ =	swait.ge [sflag:s31], $0xC80  }
0x229: {  	[sflag:s31] =	ssyncset.done $0x0  }
0x22a: {  	s11 =	simm.s32 $0x0;
	[sflag:s31] =	ssyncadd.s32 $0xFFFFF380  }
0x22b: {  	v0 =	vld [tilespmem:s11+$0x8100]  }
0x22c: {  	v1 =	vld [tilespmem:s11+$0x8110]  }
0x22d: {  	v2 =	vld [tilespmem:s11+$0x8120]  }
0x22e: {  	v3 =	vld [tilespmem:s11+$0x8130]  }
0x22f: {  	v4 =	vld [tilespmem:s11+$0x8140]  }
0x230: {  	v5 =	vimm.f32 $0.0e+00;
	v6 =	vld [tilespmem:s11+$0x8150]  }
0x231: {  	v7 =	vld [tilespmem:s11+$0x8170];
	v0 =	vadd.f32 v0, v5;
	v1 =	vadd.f32 v1, v5  }
0x232: {  	v5 =	vld [tilespmem:s11+$0x8160]  }
0x233: {  	v8 =	vld [tilespmem:s11+$0x8190];
	v0 =	vadd.f32 v2, v0;
	v1 =	vadd.f32 v3, v1  }
0x234: {  	v3 =	vld [tilespmem:s11+$0x8180]  }
0x235: {  	v9 =	vld [tilespmem:s11+$0x81B0];
	v0 =	vadd.f32 v4, v0;
	v1 =	vadd.f32 v6, v1  }
0x236: {  	v6 =	vld [tilespmem:s11+$0x81A0]  }
0x237: {  	v2 =	vld [tilespmem:s11+$0x81D0];
	v0 =	vadd.f32 v5, v0;
	v4 =	vadd.f32 v7, v1  }
0x238: {  	v1 =	vld [tilespmem:s11+$0x81C0]  }
0x239: {  	v5 =	vadd.f32 v3, v0;
	v7 =	vadd.f32 v8, v4;
	v3 =	vld [tilespmem:s11+$0x81E0]  }
0x23a: {  	s8 =	simm.s32 $0x100;
	v4 =	vld [tilespmem:s11+$0x81F0]  }
0x23b: {  	s9 =	simm.s32 $0x800;
	v0 =	vld [tilespmem:s8+$0x8100];
	v6 =	vadd.f32 v6, v5;
	v5 =	vadd.f32 v9, v7  }
.LBB2_23:
0x23c: {  	p0 =	sne.s32 s9, $0x6000;
	v7 =	vld [tilespmem:s8+$0x8110]  }
0x23d: {  	v8 =	vld [tilespmem:s8+$0x8120];
	v1 =	vadd.f32 v1, v6;
	v2 =	vadd.f32 v2, v5  }
0x23e: {  	v5 =	vld [tilespmem:s8+$0x8130]  }
0x23f: {  	v6 =	vld [tilespmem:s8+$0x8140];
	v1 =	vadd.f32 v3, v1;
	v2 =	vadd.f32 v4, v2  }
0x240: {  	v3 =	vld [tilespmem:s8+$0x8150]  }
0x241: {  	v0 =	vadd.f32 v0, v1;
	v1 =	vadd.f32 v7, v2;
	v2 =	vld [tilespmem:s8+$0x8160]  }
0x242: {  	v4 =	vld [tilespmem:s8+$0x8170]  }
0x243: {  	v0 =	vadd.f32 v8, v0;
	v1 =	vadd.f32 v5, v1;
	v5 =	vld [tilespmem:s8+$0x8180]  }
0x244: {  	v7 =	vld [tilespmem:s8+$0x8190]  }
0x245: {  	v0 =	vadd.f32 v6, v0;
	v1 =	vadd.f32 v3, v1;
	v6 =	vld [tilespmem:s8+$0x81A0]  }
0x246: {  	v8 =	vld [tilespmem:s8+$0x81B0]  }
.Ltmp10:
0x247: {  	v0 =	vadd.f32 v2, v0;
	v3 =	vadd.f32 v4, v1;
	v1 =	vld [tilespmem:s8+$0x81C0];
	(pc) =	sbr.rel @p0 .LBB2_23-.Ltmp10, $4  }
0x248: {  	v2 =	vld [tilespmem:s8+$0x81D0]  }
0x249: {  	v5 =	vadd.f32 v5, v0;
	v7 =	vadd.f32 v7, v3;
	v3 =	vld [tilespmem:s8+$0x81E0]  }
0x24a: {  	v4 =	vld [tilespmem:s8+$0x81F0];
	s8 =	sshra.s32 s9, $0x2  }
0x24b: {  	s9 =	sadd.s32 $0x400, s9;
	v0 =	vld [tilespmem:s8+$0x8100];
	v6 =	vadd.f32 v6, v5;
	v5 =	vadd.f32 v8, v7  }
0x24c: {  	_ = 	snop  }
0x24d: {  	v7 =	vld [tilespmem:s8+$0x8110];
	v1 =	vadd.f32 v1, v6  }
0x24e: {  	v49 =	vld [tilespmem:s8+$0x8120];
	v2 =	vadd.f32 v2, v5  }
0x24f: {  	v50 =	vld [tilespmem:s8+$0x8130];
	v1 =	vadd.f32 v3, v1  }
0x250: {  	v51 =	vld [tilespmem:s8+$0x8140];
	v2 =	vadd.f32 v4, v2  }
0x251: {  	v52 =	vld [tilespmem:s8+$0x8150];
	v0 =	vadd.f32 v0, v1  }
0x252: {  	v54 =	vld [tilespmem:s8+$0x8160];
	v53 =	vadd.f32 v7, v2  }
0x253: {  	v55 =	vld [tilespmem:s8+$0x8170];
	v0 =	vadd.f32 v49, v0  }
0x254: {  	v56 =	vld [tilespmem:s8+$0x8180];
	v1 =	vadd.f32 v50, v53  }
0x255: {  	v57 =	vld [tilespmem:s8+$0x8190];
	v0 =	vadd.f32 v51, v0  }
0x256: {  	v58 =	vld [tilespmem:s8+$0x81A0];
	v1 =	vadd.f32 v52, v1  }
0x257: {  	v59 =	vld [tilespmem:s8+$0x81B0];
	v0 =	vadd.f32 v54, v0  }
0x258: {  	v60 =	vld [tilespmem:s8+$0x81C0];
	v1 =	vadd.f32 v55, v1  }
0x259: {  	v61 =	vld [tilespmem:s8+$0x81D0];
	v0 =	vadd.f32 v56, v0  }
0x25a: {  	v62 =	vld [tilespmem:s8+$0x81E0];
	v1 =	vadd.f32 v57, v1  }
0x25b: {  	v63 =	vld [tilespmem:s8+$0x81F0];
	v0 =	vadd.f32 v58, v0  }
0x25c: {  	s6 =	sadd.s32 $0x1, s6;
	v1 =	vadd.f32 v59, v1  }
0x25d: {  	p0 =	sne.s32 s6, $0x20;
	v0 =	vadd.f32 v60, v0  }
.Ltmp11:
0x25e: {  	v1 =	vadd.f32 v61, v1;
	(pc) =	sbr.rel @p0 .LBB2_20-.Ltmp11, $4  }
0x25f: {  	s7 =	sshll.u32 s7, $0x5;
	v0 =	vadd.f32 v62, v0  }
0x260: {  	s7 =	sand.u32 $0x3FFFFFE0, s7;
	v1 =	vadd.f32 v63, v1  }
0x261: {  	[tilespmem:s7+$0x9A00] =	vst v0  }
0x262: {  	[tilespmem:s7+$0x9A10] =	vst v1  }
0x263: {  	s6 =	simm.s32 $0x0  }
0x264: {  	[hbm4b:s12+s6] =	stream.linear.scatter [tilespmem:s0], [sflag:$0x4], $0x800, $0x38;
	[tilespmem:$0xA200] =	vst v63  }
0x265: {  	_ =	swait.ge [sflag:s1], $0x800  }
0x266: {  	[sflag:s1] =	ssyncset.done $0x0  }
0x267: {  	[sflag:s1] =	ssyncadd.s32 $0xFFFFF800  }
0x268: {  	_ =	swait.ge [sflag:s21], $0x3400  }
0x269: {  	[sflag:s21] =	ssyncset.done $0x0  }
0x26a: {  	[sflag:s21] =	ssyncadd.s32 $0xFFFFCC00  }
0x26b: {  	[tilespmem:s22], [sflag:$0x3] =	stream.linear.gather [hbm4b:s13+s6], $0x3400, $0x38;
	[tilespmem:$0xA200] =	vst v63  }
0x26c: {  	_ = 	snop  }
0x26d: {  	[tilespmem:s24], [sflag:$0x1] =	stream.indirect.gather [hbm4b:s3+s23], $0x20, s6, s23, $0xb8;
	[tilespmem:$0xA200] =	vst v63  }
0x26e: {  	_ = 	snop  }
0x26f: {  	[tilespmem:s26], [sflag:$0x1] =	stream.indirect.gather [hbm4b:s3+s23], $0x20, s25, s23, $0xb8;
	[tilespmem:$0xA200] =	vst v63  }
.LBB2_26:
0x270: {  	s7 =	sshllo.u32 s6, $0x1  }
0x271: {  	s8 =	smul.u32 $0x340, s7;
	_ =	sdelay $0x1  }
0x272: {  	s8 =	sshra.s32 s8, $0x2  }
0x273: {  	[tilespmem:s28], [sflag:$0x2] =	stream.indirect.gather [hbm4b:s3+s23], $0x20, s8, s23, $0xb8;
	[tilespmem:$0xA200] =	vst v63  }
0x274: {  	s8 =	sadd.s32 $0x68, s8  }
0x275: {  	[tilespmem:s29], [sflag:$0x2] =	stream.indirect.gather [hbm4b:s3+s23], $0x20, s8, s23, $0xb8;
	[tilespmem:$0xA200] =	vst v63  }
0x276: {  	_ =	swait.ge [sflag:s30], $0xC80  }
0x277: {  	[sflag:s30] =	ssyncset.done $0x0  }
0x278: {  	[sflag:s30] =	ssyncadd.s32 $0xFFFFF380  }
0x279: {  	_ =	swait.ge [sflag:s30], $0xC80  }
0x27a: {  	[sflag:s30] =	ssyncset.done $0x0  }
0x27b: {  	s9 =	simm.s32 $0x0;
	[sflag:s30] =	ssyncadd.s32 $0xFFFFF380  }
0x27c: {  	v0 =	vld [tilespmem:s9+$0x6800]  }
0x27d: {  	v1 =	vld [tilespmem:s9+$0x6810]  }
0x27e: {  	v2 =	vld [tilespmem:s9+$0x6820]  }
0x27f: {  	v3 =	vld [tilespmem:s9+$0x6830]  }
0x280: {  	v4 =	vld [tilespmem:s9+$0x6840]  }
0x281: {  	v5 =	vimm.f32 $0.0e+00;
	v6 =	vld [tilespmem:s9+$0x6850]  }
0x282: {  	v7 =	vld [tilespmem:s9+$0x6870];
	v0 =	vadd.f32 v0, v5;
	v1 =	vadd.f32 v1, v5  }
0x283: {  	v5 =	vld [tilespmem:s9+$0x6860]  }
0x284: {  	v8 =	vld [tilespmem:s9+$0x6890];
	v0 =	vadd.f32 v2, v0;
	v1 =	vadd.f32 v3, v1  }
0x285: {  	v3 =	vld [tilespmem:s9+$0x6880]  }
0x286: {  	v9 =	vld [tilespmem:s9+$0x68B0];
	v0 =	vadd.f32 v4, v0;
	v1 =	vadd.f32 v6, v1  }
0x287: {  	v6 =	vld [tilespmem:s9+$0x68A0]  }
0x288: {  	v2 =	vld [tilespmem:s9+$0x68D0];
	v0 =	vadd.f32 v5, v0;
	v4 =	vadd.f32 v7, v1  }
0x289: {  	v1 =	vld [tilespmem:s9+$0x68C0]  }
0x28a: {  	v5 =	vadd.f32 v3, v0;
	v7 =	vadd.f32 v8, v4;
	v3 =	vld [tilespmem:s9+$0x68E0]  }
0x28b: {  	s8 =	simm.s32 $0x100;
	v4 =	vld [tilespmem:s9+$0x68F0]  }
0x28c: {  	v0 =	vld [tilespmem:s8+$0x6800];
	s9 =	simm.s32 $0x800;
	v6 =	vadd.f32 v6, v5;
	v5 =	vadd.f32 v9, v7  }
.LBB2_27:
0x28d: {  	p0 =	sne.s32 s9, $0x6000;
	v7 =	vld [tilespmem:s8+$0x6810]  }
0x28e: {  	v8 =	vld [tilespmem:s8+$0x6820];
	v1 =	vadd.f32 v1, v6;
	v2 =	vadd.f32 v2, v5  }
0x28f: {  	v5 =	vld [tilespmem:s8+$0x6830]  }
0x290: {  	v6 =	vld [tilespmem:s8+$0x6840];
	v1 =	vadd.f32 v3, v1;
	v2 =	vadd.f32 v4, v2  }
0x291: {  	v3 =	vld [tilespmem:s8+$0x6850]  }
0x292: {  	v0 =	vadd.f32 v0, v1;
	v1 =	vadd.f32 v7, v2;
	v2 =	vld [tilespmem:s8+$0x6860]  }
0x293: {  	v4 =	vld [tilespmem:s8+$0x6870]  }
0x294: {  	v0 =	vadd.f32 v8, v0;
	v1 =	vadd.f32 v5, v1;
	v5 =	vld [tilespmem:s8+$0x6880]  }
0x295: {  	v7 =	vld [tilespmem:s8+$0x6890]  }
0x296: {  	v0 =	vadd.f32 v6, v0;
	v1 =	vadd.f32 v3, v1;
	v6 =	vld [tilespmem:s8+$0x68A0]  }
0x297: {  	v8 =	vld [tilespmem:s8+$0x68B0]  }
.Ltmp12:
0x298: {  	v0 =	vadd.f32 v2, v0;
	v3 =	vadd.f32 v4, v1;
	v1 =	vld [tilespmem:s8+$0x68C0];
	(pc) =	sbr.rel @p0 .LBB2_27-.Ltmp12, $4  }
0x299: {  	v2 =	vld [tilespmem:s8+$0x68D0]  }
0x29a: {  	v5 =	vadd.f32 v5, v0;
	v7 =	vadd.f32 v7, v3;
	v3 =	vld [tilespmem:s8+$0x68E0]  }
0x29b: {  	v4 =	vld [tilespmem:s8+$0x68F0];
	s8 =	sshra.s32 s9, $0x2  }
0x29c: {  	s9 =	sadd.s32 $0x400, s9;
	v0 =	vld [tilespmem:s8+$0x6800];
	v6 =	vadd.f32 v6, v5;
	v5 =	vadd.f32 v8, v7  }
0x29d: {  	_ = 	snop  }
0x29e: {  	v7 =	vld [tilespmem:s8+$0x6810];
	v1 =	vadd.f32 v1, v6  }
0x29f: {  	v6 =	vld [tilespmem:s8+$0x6820];
	v2 =	vadd.f32 v2, v5  }
0x2a0: {  	v5 =	vld [tilespmem:s8+$0x6830];
	v1 =	vadd.f32 v3, v1  }
0x2a1: {  	v3 =	vld [tilespmem:s8+$0x6840];
	v2 =	vadd.f32 v4, v2  }
0x2a2: {  	v4 =	vld [tilespmem:s8+$0x6850];
	v0 =	vadd.f32 v0, v1  }
0x2a3: {  	v1 =	vadd.f32 v7, v2;
	v2 =	vld [tilespmem:s8+$0x6860]  }
0x2a4: {  	v7 =	vld [tilespmem:s8+$0x6870];
	v0 =	vadd.f32 v6, v0  }
0x2a5: {  	v1 =	vadd.f32 v5, v1;
	v5 =	vld [tilespmem:s8+$0x6880]  }
0x2a6: {  	v6 =	vld [tilespmem:s8+$0x6890];
	v0 =	vadd.f32 v3, v0  }
0x2a7: {  	v1 =	vadd.f32 v4, v1;
	v3 =	vld [tilespmem:s8+$0x68A0]  }
0x2a8: {  	v4 =	vld [tilespmem:s8+$0x68B0];
	v0 =	vadd.f32 v2, v0  }
0x2a9: {  	v1 =	vadd.f32 v7, v1;
	v2 =	vld [tilespmem:s8+$0x68C0]  }
0x2aa: {  	v7 =	vld [tilespmem:s8+$0x68D0];
	v0 =	vadd.f32 v5, v0  }
0x2ab: {  	v1 =	vadd.f32 v6, v1;
	v5 =	vld [tilespmem:s8+$0x68E0]  }
0x2ac: {  	v6 =	vld [tilespmem:s8+$0x68F0];
	v0 =	vadd.f32 v3, v0  }
0x2ad: {  	v1 =	vadd.f32 v4, v1  }
0x2ae: {  	v0 =	vadd.f32 v2, v0  }
0x2af: {  	p0 =	seq.s32 s6, $0x1F;
	v1 =	vadd.f32 v7, v1  }
0x2b0: {  	s10 =	sshll.u32 s6, $0x6;
	s9 =	smul.u32 @!p0 $0x680, s6;
	v0 =	vadd.f32 v5, v0  }
0x2b1: {  	s8 =	sand.u32 $0x3FFFFFC0, s10;
	v1 =	vadd.f32 v6, v1  }
0x2b2: {  	s9 =	sshra.s32 @!p0 s9, $0x2;
	[tilespmem:s8+$0x9A00] =	vst v0  }
0x2b3: {  	s11 =	simm.s32 @!p0 $0x6800;
	s10 =	simm.s32 @!p0 $0x64;
	[tilespmem:s8+$0x9A10] =	vst v1;
	s8 =	sadd.s32 @!p0 $0x1A0, s9  }
0x2b4: {  	[tilespmem:s11], [sflag:$0x1] =	stream.indirect.gather @!p0 [hbm4b:s3+s10], $0x20, s8, s10, $0xb8;
	[tilespmem:$0xA200] =	vst v63  }
0x2b5: {  	s8 =	sadd.s32 @!p0 $0x208, s9;
	s9 =	simm.s32 @!p0 $0x7480  }
0x2b6: {  	[tilespmem:s9], [sflag:$0x1] =	stream.indirect.gather @!p0 [hbm4b:s3+s10], $0x20, s8, s10, $0xb8;
	[tilespmem:$0xA200] =	vst v63  }
0x2b7: {  	_ =	swait.ge [sflag:s31], $0xC80  }
0x2b8: {  	[sflag:s31] =	ssyncset.done $0x0  }
0x2b9: {  	[sflag:s31] =	ssyncadd.s32 $0xFFFFF380  }
0x2ba: {  	_ =	swait.ge [sflag:s31], $0xC80  }
0x2bb: {  	[sflag:s31] =	ssyncset.done $0x0  }
0x2bc: {  	s11 =	simm.s32 $0x0;
	[sflag:s31] =	ssyncadd.s32 $0xFFFFF380  }
0x2bd: {  	v0 =	vld [tilespmem:s11+$0x8100]  }
0x2be: {  	v1 =	vld [tilespmem:s11+$0x8110]  }
0x2bf: {  	v2 =	vld [tilespmem:s11+$0x8120]  }
0x2c0: {  	v3 =	vld [tilespmem:s11+$0x8130]  }
0x2c1: {  	v4 =	vld [tilespmem:s11+$0x8140]  }
0x2c2: {  	v5 =	vimm.f32 $0.0e+00;
	v6 =	vld [tilespmem:s11+$0x8150]  }
0x2c3: {  	v7 =	vld [tilespmem:s11+$0x8170];
	v0 =	vadd.f32 v0, v5;
	v1 =	vadd.f32 v1, v5  }
0x2c4: {  	v5 =	vld [tilespmem:s11+$0x8160]  }
0x2c5: {  	v8 =	vld [tilespmem:s11+$0x8190];
	v0 =	vadd.f32 v2, v0;
	v1 =	vadd.f32 v3, v1  }
0x2c6: {  	v3 =	vld [tilespmem:s11+$0x8180]  }
0x2c7: {  	v9 =	vld [tilespmem:s11+$0x81B0];
	v0 =	vadd.f32 v4, v0;
	v1 =	vadd.f32 v6, v1  }
0x2c8: {  	v6 =	vld [tilespmem:s11+$0x81A0]  }
0x2c9: {  	v2 =	vld [tilespmem:s11+$0x81D0];
	v0 =	vadd.f32 v5, v0;
	v4 =	vadd.f32 v7, v1  }
0x2ca: {  	v1 =	vld [tilespmem:s11+$0x81C0]  }
0x2cb: {  	v5 =	vadd.f32 v3, v0;
	v7 =	vadd.f32 v8, v4;
	v3 =	vld [tilespmem:s11+$0x81E0]  }
0x2cc: {  	s8 =	simm.s32 $0x100;
	v4 =	vld [tilespmem:s11+$0x81F0]  }
0x2cd: {  	s9 =	simm.s32 $0x800;
	v0 =	vld [tilespmem:s8+$0x8100];
	v6 =	vadd.f32 v6, v5;
	v5 =	vadd.f32 v9, v7  }
.LBB2_29:
0x2ce: {  	p0 =	sne.s32 s9, $0x6000;
	v7 =	vld [tilespmem:s8+$0x8110]  }
0x2cf: {  	v8 =	vld [tilespmem:s8+$0x8120];
	v1 =	vadd.f32 v1, v6;
	v2 =	vadd.f32 v2, v5  }
0x2d0: {  	v5 =	vld [tilespmem:s8+$0x8130]  }
0x2d1: {  	v6 =	vld [tilespmem:s8+$0x8140];
	v1 =	vadd.f32 v3, v1;
	v2 =	vadd.f32 v4, v2  }
0x2d2: {  	v3 =	vld [tilespmem:s8+$0x8150]  }
0x2d3: {  	v0 =	vadd.f32 v0, v1;
	v1 =	vadd.f32 v7, v2;
	v2 =	vld [tilespmem:s8+$0x8160]  }
0x2d4: {  	v4 =	vld [tilespmem:s8+$0x8170]  }
0x2d5: {  	v0 =	vadd.f32 v8, v0;
	v1 =	vadd.f32 v5, v1;
	v5 =	vld [tilespmem:s8+$0x8180]  }
0x2d6: {  	v7 =	vld [tilespmem:s8+$0x8190]  }
0x2d7: {  	v0 =	vadd.f32 v6, v0;
	v1 =	vadd.f32 v3, v1;
	v6 =	vld [tilespmem:s8+$0x81A0]  }
0x2d8: {  	v8 =	vld [tilespmem:s8+$0x81B0]  }
.Ltmp13:
0x2d9: {  	v0 =	vadd.f32 v2, v0;
	v3 =	vadd.f32 v4, v1;
	v1 =	vld [tilespmem:s8+$0x81C0];
	(pc) =	sbr.rel @p0 .LBB2_29-.Ltmp13, $4  }
0x2da: {  	v2 =	vld [tilespmem:s8+$0x81D0]  }
0x2db: {  	v5 =	vadd.f32 v5, v0;
	v7 =	vadd.f32 v7, v3;
	v3 =	vld [tilespmem:s8+$0x81E0]  }
0x2dc: {  	v4 =	vld [tilespmem:s8+$0x81F0];
	s8 =	sshra.s32 s9, $0x2  }
0x2dd: {  	s9 =	sadd.s32 $0x400, s9;
	v0 =	vld [tilespmem:s8+$0x8100];
	v6 =	vadd.f32 v6, v5;
	v5 =	vadd.f32 v8, v7  }
0x2de: {  	_ = 	snop  }
0x2df: {  	v7 =	vld [tilespmem:s8+$0x8110];
	v1 =	vadd.f32 v1, v6  }
0x2e0: {  	v49 =	vld [tilespmem:s8+$0x8120];
	v2 =	vadd.f32 v2, v5  }
0x2e1: {  	v50 =	vld [tilespmem:s8+$0x8130];
	v1 =	vadd.f32 v3, v1  }
0x2e2: {  	v51 =	vld [tilespmem:s8+$0x8140];
	v2 =	vadd.f32 v4, v2  }
0x2e3: {  	v52 =	vld [tilespmem:s8+$0x8150];
	v0 =	vadd.f32 v0, v1  }
0x2e4: {  	v54 =	vld [tilespmem:s8+$0x8160];
	v53 =	vadd.f32 v7, v2  }
0x2e5: {  	v55 =	vld [tilespmem:s8+$0x8170];
	v0 =	vadd.f32 v49, v0  }
0x2e6: {  	v56 =	vld [tilespmem:s8+$0x8180];
	v1 =	vadd.f32 v50, v53  }
0x2e7: {  	v57 =	vld [tilespmem:s8+$0x8190];
	v0 =	vadd.f32 v51, v0  }
0x2e8: {  	v58 =	vld [tilespmem:s8+$0x81A0];
	v1 =	vadd.f32 v52, v1  }
0x2e9: {  	v59 =	vld [tilespmem:s8+$0x81B0];
	v0 =	vadd.f32 v54, v0  }
0x2ea: {  	v60 =	vld [tilespmem:s8+$0x81C0];
	v1 =	vadd.f32 v55, v1  }
0x2eb: {  	v61 =	vld [tilespmem:s8+$0x81D0];
	v0 =	vadd.f32 v56, v0  }
0x2ec: {  	v62 =	vld [tilespmem:s8+$0x81E0];
	v1 =	vadd.f32 v57, v1  }
0x2ed: {  	v63 =	vld [tilespmem:s8+$0x81F0];
	v0 =	vadd.f32 v58, v0  }
0x2ee: {  	s6 =	sadd.s32 $0x1, s6;
	v1 =	vadd.f32 v59, v1  }
0x2ef: {  	p0 =	sne.s32 s6, $0x20;
	v0 =	vadd.f32 v60, v0  }
.Ltmp14:
0x2f0: {  	v1 =	vadd.f32 v61, v1;
	(pc) =	sbr.rel @p0 .LBB2_26-.Ltmp14, $4  }
0x2f1: {  	s7 =	sshll.u32 s7, $0x5;
	v0 =	vadd.f32 v62, v0  }
0x2f2: {  	s7 =	sand.u32 $0x3FFFFFE0, s7;
	v1 =	vadd.f32 v63, v1  }
0x2f3: {  	[tilespmem:s7+$0x9A00] =	vst v0  }
0x2f4: {  	[tilespmem:s7+$0x9A10] =	vst v1  }
0x2f5: {  	s6 =	simm.s32 $0x0  }
0x2f6: {  	[hbm4b:s14+s6] =	stream.linear.scatter [tilespmem:s0], [sflag:$0x4], $0x800, $0x38;
	[tilespmem:$0xA200] =	vst v63  }
0x2f7: {  	_ =	swait.ge [sflag:s1], $0x800  }
0x2f8: {  	[sflag:s1] =	ssyncset.done $0x0  }
0x2f9: {  	[sflag:s1] =	ssyncadd.s32 $0xFFFFF800  }
0x2fa: {  	_ =	swait.ge [sflag:s21], $0x3400  }
0x2fb: {  	[sflag:s21] =	ssyncset.done $0x0  }
0x2fc: {  	[sflag:s21] =	ssyncadd.s32 $0xFFFFCC00  }
0x2fd: {  	[tilespmem:s6], [sflag:$0x3] =	stream.linear.gather [hbm4b:s15+s6], $0x3400, $0x38;
	[tilespmem:$0xA200] =	vst v63  }
0x2fe: {  	_ = 	snop  }
0x2ff: {  	[tilespmem:s24], [sflag:$0x1] =	stream.indirect.gather [hbm4b:s3+s23], $0x20, s22, s23, $0xb8;
	[tilespmem:$0xA200] =	vst v63  }
0x300: {  	_ = 	snop  }
0x301: {  	[tilespmem:s26], [sflag:$0x1] =	stream.indirect.gather [hbm4b:s3+s23], $0x20, s4, s23, $0xb8;
	[tilespmem:$0xA200] =	vst v63  }
.LBB2_32:
0x302: {  	s7 =	sshllo.u32 s6, $0x1  }
0x303: {  	s8 =	smul.u32 $0x340, s7;
	_ =	sdelay $0x1  }
0x304: {  	s8 =	sshra.s32 s8, $0x2  }
0x305: {  	s9 =	sadd.s32 $0x3400, s8  }
0x306: {  	[tilespmem:s28], [sflag:$0x2] =	stream.indirect.gather [hbm4b:s3+s23], $0x20, s9, s23, $0xb8;
	[tilespmem:$0xA200] =	vst v63  }
0x307: {  	s8 =	sadd.s32 $0x3468, s8  }
0x308: {  	[tilespmem:s29], [sflag:$0x2] =	stream.indirect.gather [hbm4b:s3+s23], $0x20, s8, s23, $0xb8;
	[tilespmem:$0xA200] =	vst v63  }
0x309: {  	_ =	swait.ge [sflag:s30], $0xC80  }
0x30a: {  	[sflag:s30] =	ssyncset.done $0x0  }
0x30b: {  	[sflag:s30] =	ssyncadd.s32 $0xFFFFF380  }
0x30c: {  	_ =	swait.ge [sflag:s30], $0xC80  }
0x30d: {  	[sflag:s30] =	ssyncset.done $0x0  }
0x30e: {  	s11 =	simm.s32 $0x0;
	[sflag:s30] =	ssyncadd.s32 $0xFFFFF380  }
0x30f: {  	v0 =	vld [tilespmem:s11+$0x6800]  }
0x310: {  	v1 =	vld [tilespmem:s11+$0x6810]  }
0x311: {  	v2 =	vld [tilespmem:s11+$0x6820]  }
0x312: {  	v3 =	vld [tilespmem:s11+$0x6830]  }
0x313: {  	v4 =	vld [tilespmem:s11+$0x6840]  }
0x314: {  	v5 =	vimm.f32 $0.0e+00;
	v6 =	vld [tilespmem:s11+$0x6850]  }
0x315: {  	v7 =	vld [tilespmem:s11+$0x6870];
	v0 =	vadd.f32 v0, v5;
	v1 =	vadd.f32 v1, v5  }
0x316: {  	v5 =	vld [tilespmem:s11+$0x6860]  }
0x317: {  	v8 =	vld [tilespmem:s11+$0x6890];
	v0 =	vadd.f32 v2, v0;
	v1 =	vadd.f32 v3, v1  }
0x318: {  	v3 =	vld [tilespmem:s11+$0x6880]  }
0x319: {  	v9 =	vld [tilespmem:s11+$0x68B0];
	v0 =	vadd.f32 v4, v0;
	v1 =	vadd.f32 v6, v1  }
0x31a: {  	v6 =	vld [tilespmem:s11+$0x68A0]  }
0x31b: {  	v2 =	vld [tilespmem:s11+$0x68D0];
	v0 =	vadd.f32 v5, v0;
	v4 =	vadd.f32 v7, v1  }
0x31c: {  	v1 =	vld [tilespmem:s11+$0x68C0]  }
0x31d: {  	v5 =	vadd.f32 v3, v0;
	v7 =	vadd.f32 v8, v4;
	v3 =	vld [tilespmem:s11+$0x68E0]  }
0x31e: {  	s8 =	simm.s32 $0x100;
	v4 =	vld [tilespmem:s11+$0x68F0]  }
0x31f: {  	s9 =	simm.s32 $0x800;
	v0 =	vld [tilespmem:s8+$0x6800];
	v6 =	vadd.f32 v6, v5;
	v5 =	vadd.f32 v9, v7  }
.LBB2_33:
0x320: {  	p0 =	sne.s32 s9, $0x6000;
	v7 =	vld [tilespmem:s8+$0x6810]  }
0x321: {  	v8 =	vld [tilespmem:s8+$0x6820];
	v1 =	vadd.f32 v1, v6;
	v2 =	vadd.f32 v2, v5  }
0x322: {  	v5 =	vld [tilespmem:s8+$0x6830]  }
0x323: {  	v6 =	vld [tilespmem:s8+$0x6840];
	v1 =	vadd.f32 v3, v1;
	v2 =	vadd.f32 v4, v2  }
0x324: {  	v3 =	vld [tilespmem:s8+$0x6850]  }
0x325: {  	v0 =	vadd.f32 v0, v1;
	v1 =	vadd.f32 v7, v2;
	v2 =	vld [tilespmem:s8+$0x6860]  }
0x326: {  	v4 =	vld [tilespmem:s8+$0x6870]  }
0x327: {  	v0 =	vadd.f32 v8, v0;
	v1 =	vadd.f32 v5, v1;
	v5 =	vld [tilespmem:s8+$0x6880]  }
0x328: {  	v7 =	vld [tilespmem:s8+$0x6890]  }
0x329: {  	v0 =	vadd.f32 v6, v0;
	v1 =	vadd.f32 v3, v1;
	v6 =	vld [tilespmem:s8+$0x68A0]  }
0x32a: {  	v8 =	vld [tilespmem:s8+$0x68B0]  }
.Ltmp15:
0x32b: {  	v0 =	vadd.f32 v2, v0;
	v3 =	vadd.f32 v4, v1;
	v1 =	vld [tilespmem:s8+$0x68C0];
	(pc) =	sbr.rel @p0 .LBB2_33-.Ltmp15, $4  }
0x32c: {  	v2 =	vld [tilespmem:s8+$0x68D0]  }
0x32d: {  	v5 =	vadd.f32 v5, v0;
	v7 =	vadd.f32 v7, v3;
	v3 =	vld [tilespmem:s8+$0x68E0]  }
0x32e: {  	v4 =	vld [tilespmem:s8+$0x68F0];
	s8 =	sshra.s32 s9, $0x2  }
0x32f: {  	s9 =	sadd.s32 $0x400, s9;
	v0 =	vld [tilespmem:s8+$0x6800];
	v6 =	vadd.f32 v6, v5;
	v5 =	vadd.f32 v8, v7  }
0x330: {  	_ = 	snop  }
0x331: {  	v7 =	vld [tilespmem:s8+$0x6810];
	v1 =	vadd.f32 v1, v6  }
0x332: {  	v6 =	vld [tilespmem:s8+$0x6820];
	v2 =	vadd.f32 v2, v5  }
0x333: {  	v5 =	vld [tilespmem:s8+$0x6830];
	v1 =	vadd.f32 v3, v1  }
0x334: {  	v3 =	vld [tilespmem:s8+$0x6840];
	v2 =	vadd.f32 v4, v2  }
0x335: {  	v4 =	vld [tilespmem:s8+$0x6850];
	v0 =	vadd.f32 v0, v1  }
0x336: {  	v1 =	vadd.f32 v7, v2;
	v2 =	vld [tilespmem:s8+$0x6860]  }
0x337: {  	v7 =	vld [tilespmem:s8+$0x6870];
	v0 =	vadd.f32 v6, v0  }
0x338: {  	v1 =	vadd.f32 v5, v1;
	v5 =	vld [tilespmem:s8+$0x6880]  }
0x339: {  	v6 =	vld [tilespmem:s8+$0x6890];
	v0 =	vadd.f32 v3, v0  }
0x33a: {  	v1 =	vadd.f32 v4, v1;
	v3 =	vld [tilespmem:s8+$0x68A0]  }
0x33b: {  	v4 =	vld [tilespmem:s8+$0x68B0];
	v0 =	vadd.f32 v2, v0  }
0x33c: {  	v1 =	vadd.f32 v7, v1;
	v2 =	vld [tilespmem:s8+$0x68C0]  }
0x33d: {  	v7 =	vld [tilespmem:s8+$0x68D0];
	v0 =	vadd.f32 v5, v0  }
0x33e: {  	v1 =	vadd.f32 v6, v1;
	v5 =	vld [tilespmem:s8+$0x68E0]  }
0x33f: {  	v6 =	vld [tilespmem:s8+$0x68F0];
	v0 =	vadd.f32 v3, v0  }
0x340: {  	v1 =	vadd.f32 v4, v1  }
0x341: {  	v0 =	vadd.f32 v2, v0  }
0x342: {  	p0 =	seq.s32 s6, $0x1F;
	v1 =	vadd.f32 v7, v1  }
0x343: {  	s10 =	sshll.u32 s6, $0x6;
	s9 =	smul.u32 @!p0 $0x680, s6;
	v0 =	vadd.f32 v5, v0  }
0x344: {  	s8 =	sand.u32 $0x3FFFFFC0, s10;
	v1 =	vadd.f32 v6, v1  }
0x345: {  	s9 =	sshra.s32 @!p0 s9, $0x2;
	[tilespmem:s8+$0x9A00] =	vst v0  }
0x346: {  	s11 =	simm.s32 @!p0 $0x6800;
	s10 =	simm.s32 @!p0 $0x64;
	[tilespmem:s8+$0x9A10] =	vst v1;
	s8 =	sadd.s32 @!p0 $0x35A0, s9  }
0x347: {  	[tilespmem:s11], [sflag:$0x1] =	stream.indirect.gather @!p0 [hbm4b:s3+s10], $0x20, s8, s10, $0xb8;
	[tilespmem:$0xA200] =	vst v63  }
0x348: {  	s8 =	sadd.s32 @!p0 $0x3608, s9;
	s9 =	simm.s32 @!p0 $0x7480  }
0x349: {  	[tilespmem:s9], [sflag:$0x1] =	stream.indirect.gather @!p0 [hbm4b:s3+s10], $0x20, s8, s10, $0xb8;
	[tilespmem:$0xA200] =	vst v63  }
0x34a: {  	_ =	swait.ge [sflag:s31], $0xC80  }
0x34b: {  	[sflag:s31] =	ssyncset.done $0x0  }
0x34c: {  	[sflag:s31] =	ssyncadd.s32 $0xFFFFF380  }
0x34d: {  	_ =	swait.ge [sflag:s31], $0xC80  }
0x34e: {  	[sflag:s31] =	ssyncset.done $0x0  }
0x34f: {  	s11 =	simm.s32 $0x0;
	[sflag:s31] =	ssyncadd.s32 $0xFFFFF380  }
0x350: {  	v0 =	vld [tilespmem:s11+$0x8100]  }
0x351: {  	v1 =	vld [tilespmem:s11+$0x8110]  }
0x352: {  	v2 =	vld [tilespmem:s11+$0x8120]  }
0x353: {  	v3 =	vld [tilespmem:s11+$0x8130]  }
0x354: {  	v4 =	vld [tilespmem:s11+$0x8140]  }
0x355: {  	v5 =	vimm.f32 $0.0e+00;
	v6 =	vld [tilespmem:s11+$0x8150]  }
0x356: {  	v7 =	vld [tilespmem:s11+$0x8170];
	v0 =	vadd.f32 v0, v5;
	v1 =	vadd.f32 v1, v5  }
0x357: {  	v5 =	vld [tilespmem:s11+$0x8160]  }
0x358: {  	v8 =	vld [tilespmem:s11+$0x8190];
	v0 =	vadd.f32 v2, v0;
	v1 =	vadd.f32 v3, v1  }
0x359: {  	v3 =	vld [tilespmem:s11+$0x8180]  }
0x35a: {  	v9 =	vld [tilespmem:s11+$0x81B0];
	v0 =	vadd.f32 v4, v0;
	v1 =	vadd.f32 v6, v1  }
0x35b: {  	v6 =	vld [tilespmem:s11+$0x81A0]  }
0x35c: {  	v2 =	vld [tilespmem:s11+$0x81D0];
	v0 =	vadd.f32 v5, v0;
	v4 =	vadd.f32 v7, v1  }
0x35d: {  	v1 =	vld [tilespmem:s11+$0x81C0]  }
0x35e: {  	v5 =	vadd.f32 v3, v0;
	v7 =	vadd.f32 v8, v4;
	v3 =	vld [tilespmem:s11+$0x81E0]  }
0x35f: {  	s8 =	simm.s32 $0x100;
	v4 =	vld [tilespmem:s11+$0x81F0]  }
0x360: {  	s9 =	simm.s32 $0x800;
	v0 =	vld [tilespmem:s8+$0x8100];
	v6 =	vadd.f32 v6, v5;
	v5 =	vadd.f32 v9, v7  }
.LBB2_35:
0x361: {  	p0 =	sne.s32 s9, $0x6000;
	v7 =	vld [tilespmem:s8+$0x8110]  }
0x362: {  	v8 =	vld [tilespmem:s8+$0x8120];
	v1 =	vadd.f32 v1, v6;
	v2 =	vadd.f32 v2, v5  }
0x363: {  	v5 =	vld [tilespmem:s8+$0x8130]  }
0x364: {  	v6 =	vld [tilespmem:s8+$0x8140];
	v1 =	vadd.f32 v3, v1;
	v2 =	vadd.f32 v4, v2  }
0x365: {  	v3 =	vld [tilespmem:s8+$0x8150]  }
0x366: {  	v0 =	vadd.f32 v0, v1;
	v1 =	vadd.f32 v7, v2;
	v2 =	vld [tilespmem:s8+$0x8160]  }
0x367: {  	v4 =	vld [tilespmem:s8+$0x8170]  }
0x368: {  	v0 =	vadd.f32 v8, v0;
	v1 =	vadd.f32 v5, v1;
	v5 =	vld [tilespmem:s8+$0x8180]  }
0x369: {  	v7 =	vld [tilespmem:s8+$0x8190]  }
0x36a: {  	v0 =	vadd.f32 v6, v0;
	v1 =	vadd.f32 v3, v1;
	v6 =	vld [tilespmem:s8+$0x81A0]  }
0x36b: {  	v8 =	vld [tilespmem:s8+$0x81B0]  }
.Ltmp16:
0x36c: {  	v0 =	vadd.f32 v2, v0;
	v3 =	vadd.f32 v4, v1;
	v1 =	vld [tilespmem:s8+$0x81C0];
	(pc) =	sbr.rel @p0 .LBB2_35-.Ltmp16, $4  }
0x36d: {  	v2 =	vld [tilespmem:s8+$0x81D0]  }
0x36e: {  	v5 =	vadd.f32 v5, v0;
	v7 =	vadd.f32 v7, v3;
	v3 =	vld [tilespmem:s8+$0x81E0]  }
0x36f: {  	v4 =	vld [tilespmem:s8+$0x81F0];
	s8 =	sshra.s32 s9, $0x2  }
0x370: {  	s9 =	sadd.s32 $0x400, s9;
	v0 =	vld [tilespmem:s8+$0x8100];
	v6 =	vadd.f32 v6, v5;
	v5 =	vadd.f32 v8, v7  }
0x371: {  	_ = 	snop  }
0x372: {  	v7 =	vld [tilespmem:s8+$0x8110];
	v1 =	vadd.f32 v1, v6  }
0x373: {  	v49 =	vld [tilespmem:s8+$0x8120];
	v2 =	vadd.f32 v2, v5  }
0x374: {  	v50 =	vld [tilespmem:s8+$0x8130];
	v1 =	vadd.f32 v3, v1  }
0x375: {  	v51 =	vld [tilespmem:s8+$0x8140];
	v2 =	vadd.f32 v4, v2  }
0x376: {  	v52 =	vld [tilespmem:s8+$0x8150];
	v0 =	vadd.f32 v0, v1  }
0x377: {  	v54 =	vld [tilespmem:s8+$0x8160];
	v53 =	vadd.f32 v7, v2  }
0x378: {  	v55 =	vld [tilespmem:s8+$0x8170];
	v0 =	vadd.f32 v49, v0  }
0x379: {  	v56 =	vld [tilespmem:s8+$0x8180];
	v1 =	vadd.f32 v50, v53  }
0x37a: {  	v57 =	vld [tilespmem:s8+$0x8190];
	v0 =	vadd.f32 v51, v0  }
0x37b: {  	v58 =	vld [tilespmem:s8+$0x81A0];
	v1 =	vadd.f32 v52, v1  }
0x37c: {  	v59 =	vld [tilespmem:s8+$0x81B0];
	v0 =	vadd.f32 v54, v0  }
0x37d: {  	v60 =	vld [tilespmem:s8+$0x81C0];
	v1 =	vadd.f32 v55, v1  }
0x37e: {  	v61 =	vld [tilespmem:s8+$0x81D0];
	v0 =	vadd.f32 v56, v0  }
0x37f: {  	v62 =	vld [tilespmem:s8+$0x81E0];
	v1 =	vadd.f32 v57, v1  }
0x380: {  	v63 =	vld [tilespmem:s8+$0x81F0];
	v0 =	vadd.f32 v58, v0  }
0x381: {  	s6 =	sadd.s32 $0x1, s6;
	v1 =	vadd.f32 v59, v1  }
0x382: {  	p0 =	sne.s32 s6, $0x20;
	v0 =	vadd.f32 v60, v0  }
.Ltmp17:
0x383: {  	v1 =	vadd.f32 v61, v1;
	(pc) =	sbr.rel @p0 .LBB2_32-.Ltmp17, $4  }
0x384: {  	s7 =	sshll.u32 s7, $0x5;
	v0 =	vadd.f32 v62, v0  }
0x385: {  	s7 =	sand.u32 $0x3FFFFFE0, s7;
	v1 =	vadd.f32 v63, v1  }
0x386: {  	[tilespmem:s7+$0x9A00] =	vst v0  }
0x387: {  	[tilespmem:s7+$0x9A10] =	vst v1  }
0x388: {  	s6 =	simm.s32 $0x0  }
0x389: {  	[hbm4b:s16+s6] =	stream.linear.scatter [tilespmem:s0], [sflag:$0x4], $0x800, $0x38;
	[tilespmem:$0xA200] =	vst v63  }
0x38a: {  	_ =	swait.ge [sflag:s1], $0x800  }
0x38b: {  	[sflag:s1] =	ssyncset.done $0x0  }
0x38c: {  	[sflag:s1] =	ssyncadd.s32 $0xFFFFF800  }
0x38d: {  	_ =	swait.ge [sflag:s21], $0x3400  }
0x38e: {  	[sflag:s21] =	ssyncset.done $0x0  }
0x38f: {  	[sflag:s21] =	ssyncadd.s32 $0xFFFFCC00  }
0x390: {  	[tilespmem:s22], [sflag:$0x3] =	stream.linear.gather [hbm4b:s17+s6], $0x3400, $0x38;
	[tilespmem:$0xA200] =	vst v63  }
0x391: {  	_ = 	snop  }
0x392: {  	[tilespmem:s24], [sflag:$0x1] =	stream.indirect.gather [hbm4b:s3+s23], $0x20, s6, s23, $0xb8;
	[tilespmem:$0xA200] =	vst v63  }
0x393: {  	_ = 	snop  }
0x394: {  	[tilespmem:s26], [sflag:$0x1] =	stream.indirect.gather [hbm4b:s3+s23], $0x20, s25, s23, $0xb8;
	[tilespmem:$0xA200] =	vst v63  }
.LBB2_38:
0x395: {  	s7 =	sshllo.u32 s6, $0x1  }
0x396: {  	s8 =	smul.u32 $0x340, s7;
	_ =	sdelay $0x1  }
0x397: {  	s8 =	sshra.s32 s8, $0x2  }
0x398: {  	[tilespmem:s28], [sflag:$0x2] =	stream.indirect.gather [hbm4b:s3+s23], $0x20, s8, s23, $0xb8;
	[tilespmem:$0xA200] =	vst v63  }
0x399: {  	s8 =	sadd.s32 $0x68, s8  }
0x39a: {  	[tilespmem:s29], [sflag:$0x2] =	stream.indirect.gather [hbm4b:s3+s23], $0x20, s8, s23, $0xb8;
	[tilespmem:$0xA200] =	vst v63  }
0x39b: {  	_ =	swait.ge [sflag:s30], $0xC80  }
0x39c: {  	[sflag:s30] =	ssyncset.done $0x0  }
0x39d: {  	[sflag:s30] =	ssyncadd.s32 $0xFFFFF380  }
0x39e: {  	_ =	swait.ge [sflag:s30], $0xC80  }
0x39f: {  	[sflag:s30] =	ssyncset.done $0x0  }
0x3a0: {  	s9 =	simm.s32 $0x0;
	[sflag:s30] =	ssyncadd.s32 $0xFFFFF380  }
0x3a1: {  	v0 =	vld [tilespmem:s9+$0x6800]  }
0x3a2: {  	v1 =	vld [tilespmem:s9+$0x6810]  }
0x3a3: {  	v2 =	vld [tilespmem:s9+$0x6820]  }
0x3a4: {  	v3 =	vld [tilespmem:s9+$0x6830]  }
0x3a5: {  	v4 =	vld [tilespmem:s9+$0x6840]  }
0x3a6: {  	v5 =	vimm.f32 $0.0e+00;
	v6 =	vld [tilespmem:s9+$0x6850]  }
0x3a7: {  	v7 =	vld [tilespmem:s9+$0x6870];
	v0 =	vadd.f32 v0, v5;
	v1 =	vadd.f32 v1, v5  }
0x3a8: {  	v5 =	vld [tilespmem:s9+$0x6860]  }
0x3a9: {  	v8 =	vld [tilespmem:s9+$0x6890];
	v0 =	vadd.f32 v2, v0;
	v1 =	vadd.f32 v3, v1  }
0x3aa: {  	v3 =	vld [tilespmem:s9+$0x6880]  }
0x3ab: {  	v9 =	vld [tilespmem:s9+$0x68B0];
	v0 =	vadd.f32 v4, v0;
	v1 =	vadd.f32 v6, v1  }
0x3ac: {  	v6 =	vld [tilespmem:s9+$0x68A0]  }
0x3ad: {  	v2 =	vld [tilespmem:s9+$0x68D0];
	v0 =	vadd.f32 v5, v0;
	v4 =	vadd.f32 v7, v1  }
0x3ae: {  	v1 =	vld [tilespmem:s9+$0x68C0]  }
0x3af: {  	v5 =	vadd.f32 v3, v0;
	v7 =	vadd.f32 v8, v4;
	v3 =	vld [tilespmem:s9+$0x68E0]  }
0x3b0: {  	s8 =	simm.s32 $0x100;
	v4 =	vld [tilespmem:s9+$0x68F0]  }
0x3b1: {  	v0 =	vld [tilespmem:s8+$0x6800];
	s9 =	simm.s32 $0x800;
	v6 =	vadd.f32 v6, v5;
	v5 =	vadd.f32 v9, v7  }
.LBB2_39:
0x3b2: {  	p0 =	sne.s32 s9, $0x6000;
	v7 =	vld [tilespmem:s8+$0x6810]  }
0x3b3: {  	v8 =	vld [tilespmem:s8+$0x6820];
	v1 =	vadd.f32 v1, v6;
	v2 =	vadd.f32 v2, v5  }
0x3b4: {  	v5 =	vld [tilespmem:s8+$0x6830]  }
0x3b5: {  	v6 =	vld [tilespmem:s8+$0x6840];
	v1 =	vadd.f32 v3, v1;
	v2 =	vadd.f32 v4, v2  }
0x3b6: {  	v3 =	vld [tilespmem:s8+$0x6850]  }
0x3b7: {  	v0 =	vadd.f32 v0, v1;
	v1 =	vadd.f32 v7, v2;
	v2 =	vld [tilespmem:s8+$0x6860]  }
0x3b8: {  	v4 =	vld [tilespmem:s8+$0x6870]  }
0x3b9: {  	v0 =	vadd.f32 v8, v0;
	v1 =	vadd.f32 v5, v1;
	v5 =	vld [tilespmem:s8+$0x6880]  }
0x3ba: {  	v7 =	vld [tilespmem:s8+$0x6890]  }
0x3bb: {  	v0 =	vadd.f32 v6, v0;
	v1 =	vadd.f32 v3, v1;
	v6 =	vld [tilespmem:s8+$0x68A0]  }
0x3bc: {  	v8 =	vld [tilespmem:s8+$0x68B0]  }
.Ltmp18:
0x3bd: {  	v0 =	vadd.f32 v2, v0;
	v3 =	vadd.f32 v4, v1;
	v1 =	vld [tilespmem:s8+$0x68C0];
	(pc) =	sbr.rel @p0 .LBB2_39-.Ltmp18, $4  }
0x3be: {  	v2 =	vld [tilespmem:s8+$0x68D0]  }
0x3bf: {  	v5 =	vadd.f32 v5, v0;
	v7 =	vadd.f32 v7, v3;
	v3 =	vld [tilespmem:s8+$0x68E0]  }
0x3c0: {  	v4 =	vld [tilespmem:s8+$0x68F0];
	s8 =	sshra.s32 s9, $0x2  }
0x3c1: {  	s9 =	sadd.s32 $0x400, s9;
	v0 =	vld [tilespmem:s8+$0x6800];
	v6 =	vadd.f32 v6, v5;
	v5 =	vadd.f32 v8, v7  }
0x3c2: {  	_ = 	snop  }
0x3c3: {  	v7 =	vld [tilespmem:s8+$0x6810];
	v1 =	vadd.f32 v1, v6  }
0x3c4: {  	v6 =	vld [tilespmem:s8+$0x6820];
	v2 =	vadd.f32 v2, v5  }
0x3c5: {  	v5 =	vld [tilespmem:s8+$0x6830];
	v1 =	vadd.f32 v3, v1  }
0x3c6: {  	v3 =	vld [tilespmem:s8+$0x6840];
	v2 =	vadd.f32 v4, v2  }
0x3c7: {  	v4 =	vld [tilespmem:s8+$0x6850];
	v0 =	vadd.f32 v0, v1  }
0x3c8: {  	v1 =	vadd.f32 v7, v2;
	v2 =	vld [tilespmem:s8+$0x6860]  }
0x3c9: {  	v7 =	vld [tilespmem:s8+$0x6870];
	v0 =	vadd.f32 v6, v0  }
0x3ca: {  	v1 =	vadd.f32 v5, v1;
	v5 =	vld [tilespmem:s8+$0x6880]  }
0x3cb: {  	v6 =	vld [tilespmem:s8+$0x6890];
	v0 =	vadd.f32 v3, v0  }
0x3cc: {  	v1 =	vadd.f32 v4, v1;
	v3 =	vld [tilespmem:s8+$0x68A0]  }
0x3cd: {  	v4 =	vld [tilespmem:s8+$0x68B0];
	v0 =	vadd.f32 v2, v0  }
0x3ce: {  	v1 =	vadd.f32 v7, v1;
	v2 =	vld [tilespmem:s8+$0x68C0]  }
0x3cf: {  	v7 =	vld [tilespmem:s8+$0x68D0];
	v0 =	vadd.f32 v5, v0  }
0x3d0: {  	v1 =	vadd.f32 v6, v1;
	v5 =	vld [tilespmem:s8+$0x68E0]  }
0x3d1: {  	v6 =	vld [tilespmem:s8+$0x68F0];
	v0 =	vadd.f32 v3, v0  }
0x3d2: {  	v1 =	vadd.f32 v4, v1  }
0x3d3: {  	v0 =	vadd.f32 v2, v0  }
0x3d4: {  	p0 =	seq.s32 s6, $0x1F;
	v1 =	vadd.f32 v7, v1  }
0x3d5: {  	s10 =	sshll.u32 s6, $0x6;
	s9 =	smul.u32 @!p0 $0x680, s6;
	v0 =	vadd.f32 v5, v0  }
0x3d6: {  	s8 =	sand.u32 $0x3FFFFFC0, s10;
	v1 =	vadd.f32 v6, v1  }
0x3d7: {  	s9 =	sshra.s32 @!p0 s9, $0x2;
	[tilespmem:s8+$0x9A00] =	vst v0  }
0x3d8: {  	s11 =	simm.s32 @!p0 $0x6800;
	s10 =	simm.s32 @!p0 $0x64;
	[tilespmem:s8+$0x9A10] =	vst v1;
	s8 =	sadd.s32 @!p0 $0x1A0, s9  }
0x3d9: {  	[tilespmem:s11], [sflag:$0x1] =	stream.indirect.gather @!p0 [hbm4b:s3+s10], $0x20, s8, s10, $0xb8;
	[tilespmem:$0xA200] =	vst v63  }
0x3da: {  	s8 =	sadd.s32 @!p0 $0x208, s9;
	s9 =	simm.s32 @!p0 $0x7480  }
0x3db: {  	[tilespmem:s9], [sflag:$0x1] =	stream.indirect.gather @!p0 [hbm4b:s3+s10], $0x20, s8, s10, $0xb8;
	[tilespmem:$0xA200] =	vst v63  }
0x3dc: {  	_ =	swait.ge [sflag:s31], $0xC80  }
0x3dd: {  	[sflag:s31] =	ssyncset.done $0x0  }
0x3de: {  	[sflag:s31] =	ssyncadd.s32 $0xFFFFF380  }
0x3df: {  	_ =	swait.ge [sflag:s31], $0xC80  }
0x3e0: {  	[sflag:s31] =	ssyncset.done $0x0  }
0x3e1: {  	s11 =	simm.s32 $0x0;
	[sflag:s31] =	ssyncadd.s32 $0xFFFFF380  }
0x3e2: {  	v0 =	vld [tilespmem:s11+$0x8100]  }
0x3e3: {  	v1 =	vld [tilespmem:s11+$0x8110]  }
0x3e4: {  	v2 =	vld [tilespmem:s11+$0x8120]  }
0x3e5: {  	v3 =	vld [tilespmem:s11+$0x8130]  }
0x3e6: {  	v4 =	vld [tilespmem:s11+$0x8140]  }
0x3e7: {  	v5 =	vimm.f32 $0.0e+00;
	v6 =	vld [tilespmem:s11+$0x8150]  }
0x3e8: {  	v7 =	vld [tilespmem:s11+$0x8170];
	v0 =	vadd.f32 v0, v5;
	v1 =	vadd.f32 v1, v5  }
0x3e9: {  	v5 =	vld [tilespmem:s11+$0x8160]  }
0x3ea: {  	v8 =	vld [tilespmem:s11+$0x8190];
	v0 =	vadd.f32 v2, v0;
	v1 =	vadd.f32 v3, v1  }
0x3eb: {  	v3 =	vld [tilespmem:s11+$0x8180]  }
0x3ec: {  	v9 =	vld [tilespmem:s11+$0x81B0];
	v0 =	vadd.f32 v4, v0;
	v1 =	vadd.f32 v6, v1  }
0x3ed: {  	v6 =	vld [tilespmem:s11+$0x81A0]  }
0x3ee: {  	v2 =	vld [tilespmem:s11+$0x81D0];
	v0 =	vadd.f32 v5, v0;
	v4 =	vadd.f32 v7, v1  }
0x3ef: {  	v1 =	vld [tilespmem:s11+$0x81C0]  }
0x3f0: {  	v5 =	vadd.f32 v3, v0;
	v7 =	vadd.f32 v8, v4;
	v3 =	vld [tilespmem:s11+$0x81E0]  }
0x3f1: {  	s8 =	simm.s32 $0x100;
	v4 =	vld [tilespmem:s11+$0x81F0]  }
0x3f2: {  	s9 =	simm.s32 $0x800;
	v0 =	vld [tilespmem:s8+$0x8100];
	v6 =	vadd.f32 v6, v5;
	v5 =	vadd.f32 v9, v7  }
.LBB2_41:
0x3f3: {  	p0 =	sne.s32 s9, $0x6000;
	v7 =	vld [tilespmem:s8+$0x8110]  }
0x3f4: {  	v8 =	vld [tilespmem:s8+$0x8120];
	v1 =	vadd.f32 v1, v6;
	v2 =	vadd.f32 v2, v5  }
0x3f5: {  	v5 =	vld [tilespmem:s8+$0x8130]  }
0x3f6: {  	v6 =	vld [tilespmem:s8+$0x8140];
	v1 =	vadd.f32 v3, v1;
	v2 =	vadd.f32 v4, v2  }
0x3f7: {  	v3 =	vld [tilespmem:s8+$0x8150]  }
0x3f8: {  	v0 =	vadd.f32 v0, v1;
	v1 =	vadd.f32 v7, v2;
	v2 =	vld [tilespmem:s8+$0x8160]  }
0x3f9: {  	v4 =	vld [tilespmem:s8+$0x8170]  }
0x3fa: {  	v0 =	vadd.f32 v8, v0;
	v1 =	vadd.f32 v5, v1;
	v5 =	vld [tilespmem:s8+$0x8180]  }
0x3fb: {  	v7 =	vld [tilespmem:s8+$0x8190]  }
0x3fc: {  	v0 =	vadd.f32 v6, v0;
	v1 =	vadd.f32 v3, v1;
	v6 =	vld [tilespmem:s8+$0x81A0]  }
0x3fd: {  	v8 =	vld [tilespmem:s8+$0x81B0]  }
.Ltmp19:
0x3fe: {  	v0 =	vadd.f32 v2, v0;
	v3 =	vadd.f32 v4, v1;
	v1 =	vld [tilespmem:s8+$0x81C0];
	(pc) =	sbr.rel @p0 .LBB2_41-.Ltmp19, $4  }
0x3ff: {  	v2 =	vld [tilespmem:s8+$0x81D0]  }
0x400: {  	v5 =	vadd.f32 v5, v0;
	v7 =	vadd.f32 v7, v3;
	v3 =	vld [tilespmem:s8+$0x81E0]  }
0x401: {  	v4 =	vld [tilespmem:s8+$0x81F0];
	s8 =	sshra.s32 s9, $0x2  }
0x402: {  	s9 =	sadd.s32 $0x400, s9;
	v0 =	vld [tilespmem:s8+$0x8100];
	v6 =	vadd.f32 v6, v5;
	v5 =	vadd.f32 v8, v7  }
0x403: {  	_ = 	snop  }
0x404: {  	v7 =	vld [tilespmem:s8+$0x8110];
	v1 =	vadd.f32 v1, v6  }
0x405: {  	v49 =	vld [tilespmem:s8+$0x8120];
	v2 =	vadd.f32 v2, v5  }
0x406: {  	v50 =	vld [tilespmem:s8+$0x8130];
	v1 =	vadd.f32 v3, v1  }
0x407: {  	v51 =	vld [tilespmem:s8+$0x8140];
	v2 =	vadd.f32 v4, v2  }
0x408: {  	v52 =	vld [tilespmem:s8+$0x8150];
	v0 =	vadd.f32 v0, v1  }
0x409: {  	v54 =	vld [tilespmem:s8+$0x8160];
	v53 =	vadd.f32 v7, v2  }
0x40a: {  	v55 =	vld [tilespmem:s8+$0x8170];
	v0 =	vadd.f32 v49, v0  }
0x40b: {  	v56 =	vld [tilespmem:s8+$0x8180];
	v1 =	vadd.f32 v50, v53  }
0x40c: {  	v57 =	vld [tilespmem:s8+$0x8190];
	v0 =	vadd.f32 v51, v0  }
0x40d: {  	v58 =	vld [tilespmem:s8+$0x81A0];
	v1 =	vadd.f32 v52, v1  }
0x40e: {  	v59 =	vld [tilespmem:s8+$0x81B0];
	v0 =	vadd.f32 v54, v0  }
0x40f: {  	v60 =	vld [tilespmem:s8+$0x81C0];
	v1 =	vadd.f32 v55, v1  }
0x410: {  	v61 =	vld [tilespmem:s8+$0x81D0];
	v0 =	vadd.f32 v56, v0  }
0x411: {  	v62 =	vld [tilespmem:s8+$0x81E0];
	v1 =	vadd.f32 v57, v1  }
0x412: {  	v63 =	vld [tilespmem:s8+$0x81F0];
	v0 =	vadd.f32 v58, v0  }
0x413: {  	s6 =	sadd.s32 $0x1, s6;
	v1 =	vadd.f32 v59, v1  }
0x414: {  	p0 =	sne.s32 s6, $0x20;
	v0 =	vadd.f32 v60, v0  }
.Ltmp20:
0x415: {  	v1 =	vadd.f32 v61, v1;
	(pc) =	sbr.rel @p0 .LBB2_38-.Ltmp20, $4  }
0x416: {  	s7 =	sshll.u32 s7, $0x5;
	v0 =	vadd.f32 v62, v0  }
0x417: {  	s7 =	sand.u32 $0x3FFFFFE0, s7;
	v1 =	vadd.f32 v63, v1  }
0x418: {  	[tilespmem:s7+$0x9A00] =	vst v0  }
0x419: {  	[tilespmem:s7+$0x9A10] =	vst v1  }
0x41a: {  	s6 =	simm.s32 $0x0  }
0x41b: {  	[hbm4b:s18+s6] =	stream.linear.scatter [tilespmem:s0], [sflag:$0x4], $0x800, $0x38;
	[tilespmem:$0xA200] =	vst v63  }
0x41c: {  	_ =	swait.ge [sflag:s1], $0x800  }
0x41d: {  	[sflag:s1] =	ssyncset.done $0x0  }
0x41e: {  	[sflag:s1] =	ssyncadd.s32 $0xFFFFF800  }
0x41f: {  	_ =	swait.ge [sflag:s21], $0x3400  }
0x420: {  	[sflag:s21] =	ssyncset.done $0x0  }
0x421: {  	[sflag:s21] =	ssyncadd.s32 $0xFFFFCC00  }
0x422: {  	[tilespmem:s24], [sflag:$0x1] =	stream.indirect.gather [hbm4b:s3+s23], $0x20, s22, s23, $0xb8;
	[tilespmem:$0xA200] =	vst v63  }
0x423: {  	_ = 	snop  }
0x424: {  	[tilespmem:s26], [sflag:$0x1] =	stream.indirect.gather [hbm4b:s3+s23], $0x20, s4, s23, $0xb8;
	[tilespmem:$0xA200] =	vst v63  }
.LBB2_44:
0x425: {  	s7 =	sshllo.u32 s6, $0x1  }
0x426: {  	s8 =	smul.u32 $0x340, s7;
	_ =	sdelay $0x1  }
0x427: {  	s8 =	sshra.s32 s8, $0x2  }
0x428: {  	s9 =	sadd.s32 $0x3400, s8  }
0x429: {  	[tilespmem:s28], [sflag:$0x2] =	stream.indirect.gather [hbm4b:s3+s23], $0x20, s9, s23, $0xb8;
	[tilespmem:$0xA200] =	vst v63  }
0x42a: {  	s8 =	sadd.s32 $0x3468, s8  }
0x42b: {  	[tilespmem:s29], [sflag:$0x2] =	stream.indirect.gather [hbm4b:s3+s23], $0x20, s8, s23, $0xb8;
	[tilespmem:$0xA200] =	vst v63  }
0x42c: {  	_ =	swait.ge [sflag:s30], $0xC80  }
0x42d: {  	[sflag:s30] =	ssyncset.done $0x0  }
0x42e: {  	[sflag:s30] =	ssyncadd.s32 $0xFFFFF380  }
0x42f: {  	_ =	swait.ge [sflag:s30], $0xC80  }
0x430: {  	[sflag:s30] =	ssyncset.done $0x0  }
0x431: {  	s11 =	simm.s32 $0x0;
	[sflag:s30] =	ssyncadd.s32 $0xFFFFF380  }
0x432: {  	v0 =	vld [tilespmem:s11+$0x6800]  }
0x433: {  	v1 =	vld [tilespmem:s11+$0x6810]  }
0x434: {  	v2 =	vld [tilespmem:s11+$0x6820]  }
0x435: {  	v3 =	vld [tilespmem:s11+$0x6830]  }
0x436: {  	v4 =	vld [tilespmem:s11+$0x6840]  }
0x437: {  	v5 =	vimm.f32 $0.0e+00;
	v6 =	vld [tilespmem:s11+$0x6850]  }
0x438: {  	v7 =	vld [tilespmem:s11+$0x6870];
	v0 =	vadd.f32 v0, v5;
	v1 =	vadd.f32 v1, v5  }
0x439: {  	v5 =	vld [tilespmem:s11+$0x6860]  }
0x43a: {  	v8 =	vld [tilespmem:s11+$0x6890];
	v0 =	vadd.f32 v2, v0;
	v1 =	vadd.f32 v3, v1  }
0x43b: {  	v3 =	vld [tilespmem:s11+$0x6880]  }
0x43c: {  	v9 =	vld [tilespmem:s11+$0x68B0];
	v0 =	vadd.f32 v4, v0;
	v1 =	vadd.f32 v6, v1  }
0x43d: {  	v6 =	vld [tilespmem:s11+$0x68A0]  }
0x43e: {  	v2 =	vld [tilespmem:s11+$0x68D0];
	v0 =	vadd.f32 v5, v0;
	v4 =	vadd.f32 v7, v1  }
0x43f: {  	v1 =	vld [tilespmem:s11+$0x68C0]  }
0x440: {  	v5 =	vadd.f32 v3, v0;
	v7 =	vadd.f32 v8, v4;
	v3 =	vld [tilespmem:s11+$0x68E0]  }
0x441: {  	s8 =	simm.s32 $0x100;
	v4 =	vld [tilespmem:s11+$0x68F0]  }
0x442: {  	s9 =	simm.s32 $0x800;
	v0 =	vld [tilespmem:s8+$0x6800];
	v6 =	vadd.f32 v6, v5;
	v5 =	vadd.f32 v9, v7  }
.LBB2_45:
0x443: {  	p0 =	sne.s32 s9, $0x6000;
	v7 =	vld [tilespmem:s8+$0x6810]  }
0x444: {  	v8 =	vld [tilespmem:s8+$0x6820];
	v1 =	vadd.f32 v1, v6;
	v2 =	vadd.f32 v2, v5  }
0x445: {  	v5 =	vld [tilespmem:s8+$0x6830]  }
0x446: {  	v6 =	vld [tilespmem:s8+$0x6840];
	v1 =	vadd.f32 v3, v1;
	v2 =	vadd.f32 v4, v2  }
0x447: {  	v3 =	vld [tilespmem:s8+$0x6850]  }
0x448: {  	v0 =	vadd.f32 v0, v1;
	v1 =	vadd.f32 v7, v2;
	v2 =	vld [tilespmem:s8+$0x6860]  }
0x449: {  	v4 =	vld [tilespmem:s8+$0x6870]  }
0x44a: {  	v0 =	vadd.f32 v8, v0;
	v1 =	vadd.f32 v5, v1;
	v5 =	vld [tilespmem:s8+$0x6880]  }
0x44b: {  	v7 =	vld [tilespmem:s8+$0x6890]  }
0x44c: {  	v0 =	vadd.f32 v6, v0;
	v1 =	vadd.f32 v3, v1;
	v6 =	vld [tilespmem:s8+$0x68A0]  }
0x44d: {  	v8 =	vld [tilespmem:s8+$0x68B0]  }
.Ltmp21:
0x44e: {  	v0 =	vadd.f32 v2, v0;
	v3 =	vadd.f32 v4, v1;
	v1 =	vld [tilespmem:s8+$0x68C0];
	(pc) =	sbr.rel @p0 .LBB2_45-.Ltmp21, $4  }
0x44f: {  	v2 =	vld [tilespmem:s8+$0x68D0]  }
0x450: {  	v5 =	vadd.f32 v5, v0;
	v7 =	vadd.f32 v7, v3;
	v3 =	vld [tilespmem:s8+$0x68E0]  }
0x451: {  	v4 =	vld [tilespmem:s8+$0x68F0];
	s8 =	sshra.s32 s9, $0x2  }
0x452: {  	s9 =	sadd.s32 $0x400, s9;
	v0 =	vld [tilespmem:s8+$0x6800];
	v6 =	vadd.f32 v6, v5;
	v5 =	vadd.f32 v8, v7  }
0x453: {  	_ = 	snop  }
0x454: {  	v7 =	vld [tilespmem:s8+$0x6810];
	v1 =	vadd.f32 v1, v6  }
0x455: {  	v6 =	vld [tilespmem:s8+$0x6820];
	v2 =	vadd.f32 v2, v5  }
0x456: {  	v5 =	vld [tilespmem:s8+$0x6830];
	v1 =	vadd.f32 v3, v1  }
0x457: {  	v3 =	vld [tilespmem:s8+$0x6840];
	v2 =	vadd.f32 v4, v2  }
0x458: {  	v4 =	vld [tilespmem:s8+$0x6850];
	v0 =	vadd.f32 v0, v1  }
0x459: {  	v1 =	vadd.f32 v7, v2;
	v2 =	vld [tilespmem:s8+$0x6860]  }
0x45a: {  	v7 =	vld [tilespmem:s8+$0x6870];
	v0 =	vadd.f32 v6, v0  }
0x45b: {  	v1 =	vadd.f32 v5, v1;
	v5 =	vld [tilespmem:s8+$0x6880]  }
0x45c: {  	v6 =	vld [tilespmem:s8+$0x6890];
	v0 =	vadd.f32 v3, v0  }
0x45d: {  	v1 =	vadd.f32 v4, v1;
	v3 =	vld [tilespmem:s8+$0x68A0]  }
0x45e: {  	v4 =	vld [tilespmem:s8+$0x68B0];
	v0 =	vadd.f32 v2, v0  }
0x45f: {  	v1 =	vadd.f32 v7, v1;
	v2 =	vld [tilespmem:s8+$0x68C0]  }
0x460: {  	v7 =	vld [tilespmem:s8+$0x68D0];
	v0 =	vadd.f32 v5, v0  }
0x461: {  	v1 =	vadd.f32 v6, v1;
	v5 =	vld [tilespmem:s8+$0x68E0]  }
0x462: {  	v6 =	vld [tilespmem:s8+$0x68F0];
	v0 =	vadd.f32 v3, v0  }
0x463: {  	v1 =	vadd.f32 v4, v1  }
0x464: {  	v0 =	vadd.f32 v2, v0  }
0x465: {  	p0 =	seq.s32 s6, $0x1F;
	v1 =	vadd.f32 v7, v1  }
0x466: {  	s10 =	sshll.u32 s6, $0x6;
	s9 =	smul.u32 @!p0 $0x680, s6;
	v0 =	vadd.f32 v5, v0  }
0x467: {  	s8 =	sand.u32 $0x3FFFFFC0, s10;
	v1 =	vadd.f32 v6, v1  }
0x468: {  	s9 =	sshra.s32 @!p0 s9, $0x2;
	[tilespmem:s8+$0x9A00] =	vst v0  }
0x469: {  	s11 =	simm.s32 @!p0 $0x6800;
	s10 =	simm.s32 @!p0 $0x64;
	[tilespmem:s8+$0x9A10] =	vst v1;
	s8 =	sadd.s32 @!p0 $0x35A0, s9  }
0x46a: {  	[tilespmem:s11], [sflag:$0x1] =	stream.indirect.gather @!p0 [hbm4b:s3+s10], $0x20, s8, s10, $0xb8;
	[tilespmem:$0xA200] =	vst v63  }
0x46b: {  	s8 =	sadd.s32 @!p0 $0x3608, s9;
	s9 =	simm.s32 @!p0 $0x7480  }
0x46c: {  	[tilespmem:s9], [sflag:$0x1] =	stream.indirect.gather @!p0 [hbm4b:s3+s10], $0x20, s8, s10, $0xb8;
	[tilespmem:$0xA200] =	vst v63  }
0x46d: {  	_ =	swait.ge [sflag:s31], $0xC80  }
0x46e: {  	[sflag:s31] =	ssyncset.done $0x0  }
0x46f: {  	[sflag:s31] =	ssyncadd.s32 $0xFFFFF380  }
0x470: {  	_ =	swait.ge [sflag:s31], $0xC80  }
0x471: {  	[sflag:s31] =	ssyncset.done $0x0  }
0x472: {  	s11 =	simm.s32 $0x0;
	[sflag:s31] =	ssyncadd.s32 $0xFFFFF380  }
0x473: {  	v0 =	vld [tilespmem:s11+$0x8100]  }
0x474: {  	v1 =	vld [tilespmem:s11+$0x8110]  }
0x475: {  	v2 =	vld [tilespmem:s11+$0x8120]  }
0x476: {  	v3 =	vld [tilespmem:s11+$0x8130]  }
0x477: {  	v4 =	vld [tilespmem:s11+$0x8140]  }
0x478: {  	v5 =	vimm.f32 $0.0e+00;
	v6 =	vld [tilespmem:s11+$0x8150]  }
0x479: {  	v7 =	vld [tilespmem:s11+$0x8170];
	v0 =	vadd.f32 v0, v5;
	v1 =	vadd.f32 v1, v5  }
0x47a: {  	v5 =	vld [tilespmem:s11+$0x8160]  }
0x47b: {  	v8 =	vld [tilespmem:s11+$0x8190];
	v0 =	vadd.f32 v2, v0;
	v1 =	vadd.f32 v3, v1  }
0x47c: {  	v3 =	vld [tilespmem:s11+$0x8180]  }
0x47d: {  	v9 =	vld [tilespmem:s11+$0x81B0];
	v0 =	vadd.f32 v4, v0;
	v1 =	vadd.f32 v6, v1  }
0x47e: {  	v6 =	vld [tilespmem:s11+$0x81A0]  }
0x47f: {  	v2 =	vld [tilespmem:s11+$0x81D0];
	v0 =	vadd.f32 v5, v0;
	v4 =	vadd.f32 v7, v1  }
0x480: {  	v1 =	vld [tilespmem:s11+$0x81C0]  }
0x481: {  	v5 =	vadd.f32 v3, v0;
	v7 =	vadd.f32 v8, v4;
	v3 =	vld [tilespmem:s11+$0x81E0]  }
0x482: {  	s8 =	simm.s32 $0x100;
	v4 =	vld [tilespmem:s11+$0x81F0]  }
0x483: {  	s9 =	simm.s32 $0x800;
	v0 =	vld [tilespmem:s8+$0x8100];
	v6 =	vadd.f32 v6, v5;
	v5 =	vadd.f32 v9, v7  }
.LBB2_47:
0x484: {  	p0 =	sne.s32 s9, $0x6000;
	v7 =	vld [tilespmem:s8+$0x8110]  }
0x485: {  	v8 =	vld [tilespmem:s8+$0x8120];
	v1 =	vadd.f32 v1, v6;
	v2 =	vadd.f32 v2, v5  }
0x486: {  	v5 =	vld [tilespmem:s8+$0x8130]  }
0x487: {  	v6 =	vld [tilespmem:s8+$0x8140];
	v1 =	vadd.f32 v3, v1;
	v2 =	vadd.f32 v4, v2  }
0x488: {  	v3 =	vld [tilespmem:s8+$0x8150]  }
0x489: {  	v0 =	vadd.f32 v0, v1;
	v1 =	vadd.f32 v7, v2;
	v2 =	vld [tilespmem:s8+$0x8160]  }
0x48a: {  	v4 =	vld [tilespmem:s8+$0x8170]  }
0x48b: {  	v0 =	vadd.f32 v8, v0;
	v1 =	vadd.f32 v5, v1;
	v5 =	vld [tilespmem:s8+$0x8180]  }
0x48c: {  	v7 =	vld [tilespmem:s8+$0x8190]  }
0x48d: {  	v0 =	vadd.f32 v6, v0;
	v1 =	vadd.f32 v3, v1;
	v6 =	vld [tilespmem:s8+$0x81A0]  }
0x48e: {  	v8 =	vld [tilespmem:s8+$0x81B0]  }
.Ltmp22:
0x48f: {  	v0 =	vadd.f32 v2, v0;
	v3 =	vadd.f32 v4, v1;
	v1 =	vld [tilespmem:s8+$0x81C0];
	(pc) =	sbr.rel @p0 .LBB2_47-.Ltmp22, $4  }
0x490: {  	v2 =	vld [tilespmem:s8+$0x81D0]  }
0x491: {  	v5 =	vadd.f32 v5, v0;
	v7 =	vadd.f32 v7, v3;
	v3 =	vld [tilespmem:s8+$0x81E0]  }
0x492: {  	v4 =	vld [tilespmem:s8+$0x81F0];
	s8 =	sshra.s32 s9, $0x2  }
0x493: {  	s9 =	sadd.s32 $0x400, s9;
	v0 =	vld [tilespmem:s8+$0x8100];
	v6 =	vadd.f32 v6, v5;
	v5 =	vadd.f32 v8, v7  }
0x494: {  	_ = 	snop  }
0x495: {  	v7 =	vld [tilespmem:s8+$0x8110];
	v1 =	vadd.f32 v1, v6  }
0x496: {  	v49 =	vld [tilespmem:s8+$0x8120];
	v2 =	vadd.f32 v2, v5  }
0x497: {  	v50 =	vld [tilespmem:s8+$0x8130];
	v1 =	vadd.f32 v3, v1  }
0x498: {  	v51 =	vld [tilespmem:s8+$0x8140];
	v2 =	vadd.f32 v4, v2  }
0x499: {  	v52 =	vld [tilespmem:s8+$0x8150];
	v0 =	vadd.f32 v0, v1  }
0x49a: {  	v54 =	vld [tilespmem:s8+$0x8160];
	v53 =	vadd.f32 v7, v2  }
0x49b: {  	v55 =	vld [tilespmem:s8+$0x8170];
	v0 =	vadd.f32 v49, v0  }
0x49c: {  	v56 =	vld [tilespmem:s8+$0x8180];
	v1 =	vadd.f32 v50, v53  }
0x49d: {  	v57 =	vld [tilespmem:s8+$0x8190];
	v0 =	vadd.f32 v51, v0  }
0x49e: {  	v58 =	vld [tilespmem:s8+$0x81A0];
	v1 =	vadd.f32 v52, v1  }
0x49f: {  	v59 =	vld [tilespmem:s8+$0x81B0];
	v0 =	vadd.f32 v54, v0  }
0x4a0: {  	v60 =	vld [tilespmem:s8+$0x81C0];
	v1 =	vadd.f32 v55, v1  }
0x4a1: {  	v61 =	vld [tilespmem:s8+$0x81D0];
	v0 =	vadd.f32 v56, v0  }
0x4a2: {  	v62 =	vld [tilespmem:s8+$0x81E0];
	v1 =	vadd.f32 v57, v1  }
0x4a3: {  	v63 =	vld [tilespmem:s8+$0x81F0];
	v0 =	vadd.f32 v58, v0  }
0x4a4: {  	s6 =	sadd.s32 $0x1, s6;
	v1 =	vadd.f32 v59, v1  }
0x4a5: {  	p0 =	sne.s32 s6, $0x20;
	v0 =	vadd.f32 v60, v0  }
.Ltmp23:
0x4a6: {  	v1 =	vadd.f32 v61, v1;
	(pc) =	sbr.rel @p0 .LBB2_44-.Ltmp23, $4  }
0x4a7: {  	s7 =	sshll.u32 s7, $0x5;
	v0 =	vadd.f32 v62, v0  }
0x4a8: {  	s7 =	sand.u32 $0x3FFFFFE0, s7;
	v1 =	vadd.f32 v63, v1  }
0x4a9: {  	[tilespmem:s7+$0x9A00] =	vst v0  }
0x4aa: {  	[tilespmem:s7+$0x9A10] =	vst v1  }
0x4ab: {  	s5 =	sadd.s32 $0x1, s5  }
0x4ac: {  	p0 =	sne.s32 s5, s20  }
.Ltmp24:
0x4ad: {  	_ = 	snop;
	(pc) =	sbr.rel @p0 .LBB2_1-.Ltmp24, $4  }
0x4ae: {  	[hbm4b:s19+s2] =	stream.linear.scatter [tilespmem:s0], [sflag:$0x4], $0x800, $0x38;
	[tilespmem:$0xA200] =	vst v63  }
0x4af: {  	_ =	swait.ge [sflag:s1], $0x800  }
0x4b0: {  	[sflag:s1] =	ssyncset.done $0x0  }
0x4b1: {  	[sflag:s1] =	ssyncadd.s32 $0xFFFFF800  }
0x4b2: {  	_ =	sfence.sel $0x180000  }
0x4b3: {  	[bflag:$0x0] =	sbarrier.arrive $0xFFFF  }
0x4b4: {  	_ =	strace $0x90000047  }
0x4b5: {  	s0 =	stileid.u32;
	[bflag:$0x2] =	sbarrier.arrive $0xFFFF  }
0x4b6: {  	p0 =	sne.s32 s0, $0x0;
	s0 =	rddreg [dreg:$0x1]  }
0x4b7: {  	s0 =	sadd.s32 @!p0 $0x100000, s0  }
0x4b8: {  	[sflag:s0] =	ssyncadd.tile.s32 @!p0 $0x1;
	_ =	shalt  }
.Lfunc_end2:
_tile_overlayer_lowered:
.L_overlay_start_2:
0x4b9: {  	(tag) =	ssettag $0x2  }
0x4ba: {  	s0 =	rddreg [dreg:$0x0];
	s2 =	stileid.u32  }
0x4bb: {  	s1 =	rddreg [dreg:$0x1];
	p0 =	sne.s32 s2, $0x0  }
0x4bc: {  	s3 =	rddreg [dreg:$0x2];
	[bflag:$0x3] =	sbarrier.arrive $0xFFFF;
	s2 =	simm.s32 @!p0 $0x1C04  }
0x4bd: {  	[timem:s3], [sflag:s2] =	dma.local @!p0 [hbm:s0], s1  }
0x4be: {  	s0 =	simm.s32 @!p0 $0x4  }
0x4bf: {  	_ =	swait.ge @!p0 [sflag:s0], s1  }
0x4c0: {  	s1 =	ssub.s32 @!p0 $0x0, s1;
	[sflag:s0] =	ssyncset.done @!p0 $0x0  }
0x4c1: {  	[sflag:s0] =	ssyncadd.s32 @!p0 s1  }
0x4c2: {  	[bflag:$0x3] =	sbarrier.arrive $0xFFFF  }
0x4c3: {  	_ =	shalt  }

</sc_bundles>
